<compile_context>
chip_gen: v7x
topology: tpu7x:2x2x1
jax: 0.10.2.dev20260603
libtpu: 0.0.44.dev20260713+nightly
codegen_flags: <defaults>
</compile_context>

<pallas_src>
import functools

import jax
import jax.numpy as jnp
from jax import lax
from jax.experimental import pallas as pl
from jax.experimental.pallas import tpu as pltpu
from jax.experimental.pallas import tpu_sc as plsc

N = 10000
E = 320000
D = 128
H = 256
G = 64

NC = 2
NS = 16
NW = NC * NS
KCH = 128
NCHUNK = 80
EPT = NCHUNK * KCH
E_PAD = NW * EPT
N_ACC = 10112
RPT = N_ACC // NS
BN = 400
NB = N // BN
BE = 4096
NBE = E_PAD // BE

_f32 = jnp.float32


@functools.partial(
    pl.kernel,
    out_type=jax.ShapeDtypeStruct((NC, N_ACC, D), _f32),
    mesh=plsc.VectorSubcoreMesh(core_axis_name="c", subcore_axis_name="s"),
    scratch_types=[
        pltpu.VMEM((2, KCH), jnp.int32),
        pltpu.VMEM((2, KCH), jnp.int32),
        pltpu.VMEM((KCH, D), _f32),
        pltpu.VMEM((KCH, D), _f32),
        pltpu.VMEM((KCH, D), _f32),
        pltpu.VMEM_SHARED((N_ACC, D), _f32),
        pltpu.SemaphoreType.DMA,
        pltpu.SemaphoreType.DMA,
        pltpu.SemaphoreType.DMA,
        pltpu.SemaphoreType.DMA,
    ],
)
def _sc_msgseg(h_hbm, em_hbm, src_hbm, dst_hbm, z_hbm, out_hbm,
               sring, dring, hb0, hb1, eb, acc_sh, semh0, semh1, semi, seme):
    c = lax.axis_index("c")
    s = lax.axis_index("s")
    w = c * NS + s
    r0 = s * RPT
    pltpu.sync_copy(z_hbm.at[pl.ds(r0, RPT)], acc_sh.at[pl.ds(r0, RPT)])
    pltpu.sync_copy(src_hbm.at[w, 0], sring.at[0])
    pltpu.sync_copy(dst_hbm.at[w, 0], dring.at[0])
    pltpu.sync_copy(src_hbm.at[w, 1], sring.at[1])
    pltpu.sync_copy(dst_hbm.at[w, 1], dring.at[1])
    plsc.subcore_barrier()

    e0 = w * EPT
    pltpu.async_copy(h_hbm.at[sring.at[0]], hb0, semh0)
    pltpu.async_copy(em_hbm.at[pl.ds(e0, KCH)], eb, seme)

    hbufs = (hb0, hb1)
    semhs = (semh0, semh1)

    def step(j, p):
        buf, nbuf = hbufs[p], hbufs[1 - p]
        sem, nsem = semhs[p], semhs[1 - p]
        pltpu.make_async_copy(em_hbm.at[pl.ds(e0 + j * KCH, KCH)], eb,
                              seme).wait()
        pltpu.make_async_copy(h_hbm.at[sring.at[p]], buf, sem).wait()

        @pl.when(j + 1 < NCHUNK)
        def _():
            @pl.when(j >= 1)
            def _():
                pltpu.make_async_copy(src_hbm.at[w, 0], sring.at[1 - p],
                                      semi).wait()
                pltpu.make_async_copy(dst_hbm.at[w, 0], dring.at[1 - p],
                                      semi).wait()
            pltpu.async_copy(h_hbm.at[sring.at[1 - p]], nbuf, nsem)

        def addrow(r, _):
            for cg in range(D // 16):
                sl = pl.ds(cg * 16, 16)
                eb[r, sl] = buf[r, sl] + eb[r, sl]
            return 0

        lax.fori_loop(0, KCH, addrow, 0)
        pltpu.sync_copy(eb, acc_sh.at[dring.at[p]], add=True)

        @pl.when(j + 2 < NCHUNK)
        def _():
            pltpu.async_copy(src_hbm.at[w, j + 2], sring.at[p], semi)
            pltpu.async_copy(dst_hbm.at[w, j + 2], dring.at[p], semi)

        @pl.when(j + 1 < NCHUNK)
        def _():
            pltpu.async_copy(em_hbm.at[pl.ds(e0 + (j + 1) * KCH, KCH)], eb,
                             seme)

    def body(jj, _):
        step(jj * 2, 0)
        step(jj * 2 + 1, 1)
        return 0

    lax.fori_loop(0, NCHUNK // 2, body, 0)
    plsc.subcore_barrier()
    pltpu.sync_copy(acc_sh.at[pl.ds(r0, RPT)], out_hbm.at[c, pl.ds(r0, RPT)])


def _emat_body(ea_ref, w0_ref, b0_ref, w1_ref, b1_ref, w2_ref, b2_ref,
               o0_ref, o1_ref, o2_ref):
    ea = ea_ref[...]
    o0_ref[...] = jnp.dot(ea, w0_ref[...], preferred_element_type=_f32) + b0_ref[...]
    o1_ref[...] = jnp.dot(ea, w1_ref[...], preferred_element_type=_f32) + b1_ref[...]
    o2_ref[...] = jnp.dot(ea, w2_ref[...], preferred_element_type=_f32) + b2_ref[...]


def _emat(ea_s, We, be):
    wspec = pl.BlockSpec((16, D), lambda i: (0, 0))
    bspec = pl.BlockSpec((1, D), lambda i: (0, 0))
    ospec = pl.BlockSpec((BE, D), lambda i: (i, 0))
    oshape = jax.ShapeDtypeStruct((E_PAD, D), _f32)
    return pl.pallas_call(
        _emat_body,
        grid=(NBE,),
        in_specs=[pl.BlockSpec((BE, 16), lambda i: (i, 0)),
                  wspec, bspec, wspec, bspec, wspec, bspec],
        out_specs=[ospec, ospec, ospec],
        out_shape=[oshape, oshape, oshape],
    )(ea_s, We[0], be[0].reshape(1, D), We[1], be[1].reshape(1, D),
      We[2], be[2].reshape(1, D))


def _embed_body(x_ref, w_ref, b_ref, o_ref):
    o_ref[...] = jnp.maximum(
        jnp.dot(x_ref[...], w_ref[...], preferred_element_type=_f32)
        + b_ref[...], 0.0)


def _embed(x, w, b):
    return pl.pallas_call(
        _embed_body,
        grid=(NB,),
        in_specs=[
            pl.BlockSpec((BN, D), lambda i: (i, 0)),
            pl.BlockSpec((D, D), lambda i: (0, 0)),
            pl.BlockSpec((1, D), lambda i: (0, 0)),
        ],
        out_specs=pl.BlockSpec((BN, D), lambda i: (i, 0)),
        out_shape=jax.ShapeDtypeStruct((N, D), _f32),
    )(x, w, b)


def _layer1_body(h_ref, a0_ref, a1_ref, w1_ref, b1_ref, w2_ref, b2_ref,
                 z_ref, sum_ref, sq_ref):
    i = pl.program_id(0)
    z = (h_ref[...] + jnp.reshape(a0_ref[...], (BN, D))
         + jnp.reshape(a1_ref[...], (BN, D)))
    z1 = jnp.maximum(jnp.dot(z, w1_ref[...], preferred_element_type=_f32)
                     + b1_ref[...], 0.0)
    zp = jnp.dot(z1, w2_ref[...], preferred_element_type=_f32) + b2_ref[...]
    z_ref[...] = zp
    ps = jnp.sum(zp, axis=0, keepdims=True)
    pq = jnp.sum(zp * zp, axis=0, keepdims=True)

    @pl.when(i == 0)
    def _():
        sum_ref[...] = ps
        sq_ref[...] = pq

    @pl.when(i > 0)
    def _():
        sum_ref[...] += ps
        sq_ref[...] += pq


def _layer1(h, acc, w1, b1, w2, b2):
    return pl.pallas_call(
        _layer1_body,
        grid=(NB,),
        in_specs=[
            pl.BlockSpec((BN, D), lambda i: (i, 0)),
            pl.BlockSpec((1, BN, D), lambda i: (0, i, 0)),
            pl.BlockSpec((1, BN, D), lambda i: (1, i, 0)),
            pl.BlockSpec((D, H), lambda i: (0, 0)),
            pl.BlockSpec((1, H), lambda i: (0, 0)),
            pl.BlockSpec((H, D), lambda i: (0, 0)),
            pl.BlockSpec((1, D), lambda i: (0, 0)),
        ],
        out_specs=[
            pl.BlockSpec((BN, D), lambda i: (i, 0)),
            pl.BlockSpec((1, D), lambda i: (0, 0)),
            pl.BlockSpec((1, D), lambda i: (0, 0)),
        ],
        out_shape=[
            jax.ShapeDtypeStruct((N, D), _f32),
            jax.ShapeDtypeStruct((1, D), _f32),
            jax.ShapeDtypeStruct((1, D), _f32),
        ],
    )(h, acc, acc, w1, b1, w2, b2)


def _layer2_body(z_ref, sum_ref, sq_ref, g_ref, b_ref, o_ref, *, do_relu):
    mu = sum_ref[...] / N
    var = sq_ref[...] / N - mu * mu
    o = (z_ref[...] - mu) * lax.rsqrt(var + 1e-5) * g_ref[...] + b_ref[...]
    if do_relu:
        o = jnp.maximum(o, 0.0)
    o_ref[...] = o


def _layer2(z, s, q, gamma, beta, do_relu):
    return pl.pallas_call(
        functools.partial(_layer2_body, do_relu=do_relu),
        grid=(NB,),
        in_specs=[
            pl.BlockSpec((BN, D), lambda i: (i, 0)),
            pl.BlockSpec((1, D), lambda i: (0, 0)),
            pl.BlockSpec((1, D), lambda i: (0, 0)),
            pl.BlockSpec((1, D), lambda i: (0, 0)),
            pl.BlockSpec((1, D), lambda i: (0, 0)),
        ],
        out_specs=pl.BlockSpec((BN, D), lambda i: (i, 0)),
        out_shape=jax.ShapeDtypeStruct((N, D), _f32),
    )(z, s, q, gamma, beta)


def _pool_body(h_ref, b_ref, w1_ref, c1_ref, w2_ref, c2_ref,
               w3_ref, c3_ref, w4_ref, c4_ref, o_ref, s_acc, c_acc):
    i = pl.program_id(0)
    bids = jnp.reshape(b_ref[...], (1, BN))
    gi = lax.broadcasted_iota(jnp.int32, (G, BN), 0)
    oh = (gi == bids).astype(_f32)
    ps = jnp.dot(oh, h_ref[...], preferred_element_type=_f32,
                 precision=lax.Precision.HIGHEST)
    pc = jnp.dot(oh, jnp.ones((BN, D), _f32), preferred_element_type=_f32,
                 precision=lax.Precision.HIGHEST)

    @pl.when(i == 0)
    def _():
        s_acc[...] = ps
        c_acc[...] = pc

    @pl.when(i > 0)
    def _():
        s_acc[...] += ps
        c_acc[...] += pc

    @pl.when(i == NB - 1)
    def _():
        g = s_acc[...] / jnp.maximum(c_acc[...], 1.0)
        o = jnp.maximum(jnp.dot(g, w1_ref[...], preferred_element_type=_f32)
                        + c1_ref[...], 0.0)
        o = jnp.maximum(jnp.dot(o, w2_ref[...], preferred_element_type=_f32)
                        + c2_ref[...], 0.0)
        o = jnp.maximum(jnp.dot(o, w3_ref[...], preferred_element_type=_f32)
                        + c3_ref[...], 0.0)
        o_ref[...] = (jnp.dot(o, w4_ref[...], preferred_element_type=_f32)
                      + c4_ref[...])


def _pool_head(h, batch3, w1, c1, w2, c2, w3, c3, w4, c4):
    wspec = pl.BlockSpec((D, D), lambda i: (0, 0))
    bspec = pl.BlockSpec((1, D), lambda i: (0, 0))
    return pl.pallas_call(
        _pool_body,
        grid=(NB,),
        in_specs=[
            pl.BlockSpec((BN, D), lambda i: (i, 0)),
            pl.BlockSpec((1, 1, BN), lambda i: (i, 0, 0)),
            wspec, bspec, wspec, bspec, wspec, bspec, wspec, bspec,
        ],
        out_specs=pl.BlockSpec((G, D), lambda i: (0, 0)),
        out_shape=jax.ShapeDtypeStruct((G, D), _f32),
        scratch_shapes=[pltpu.VMEM((G, D), _f32), pltpu.VMEM((G, D), _f32)],
    )(h, batch3, w1, c1, w2, c2, w3, c3, w4, c4)


def kernel(x, edge_index, edge_attr, batch, W_emb, b_emb, We, be,
           Wm1, bm1, Wm2, bm2, gamma, beta,
           Wo1, bo1, Wo2, bo2, Wo3, bo3, Wo4, bo4):
    npad = E_PAD - E
    src_s = edge_index[0]
    dst_s = edge_index[1]
    ea_s = edge_attr
    src_p = jnp.concatenate(
        [src_s, jnp.zeros((npad,), jnp.int32)]).reshape(NW, NCHUNK, KCH)
    dst_p = jnp.concatenate(
        [dst_s, jnp.full((npad,), N, jnp.int32)]).reshape(NW, NCHUNK, KCH)
    ea_p = jnp.concatenate([ea_s, jnp.zeros((npad, 16), _f32)], axis=0)
    z128 = jnp.zeros((N_ACC, D), _f32)

    h = _embed(x, W_emb, jnp.reshape(b_emb, (1, D)))
    em = _emat(ea_p, We, be)

    for l in range(3):
        acc = _sc_msgseg(h, em[l], src_p, dst_p, z128)
        z, s, q = _layer1(h, acc, Wm1[l], jnp.reshape(bm1[l], (1, H)),
                          Wm2[l], jnp.reshape(bm2[l], (1, D)))
        h = _layer2(z, s, q, jnp.reshape(gamma[l], (1, D)),
                    jnp.reshape(beta[l], (1, D)), do_relu=(l < 2))

    w2p = jnp.zeros((D, D), _f32).at[:, :64].set(Wo2)
    c2p = jnp.zeros((1, D), _f32).at[0, :64].set(bo2)
    w3p = jnp.zeros((D, D), _f32).at[:64, :32].set(Wo3)
    c3p = jnp.zeros((1, D), _f32).at[0, :32].set(bo3)
    w4p = jnp.zeros((D, D), _f32).at[:32, :1].set(Wo4)
    c4p = jnp.zeros((1, D), _f32).at[0, :1].set(bo4)
    out = _pool_head(h, batch.reshape(NB, 1, BN), Wo1,
                     jnp.reshape(bo1, (1, D)), w2p, c2p, w3p, c3p, w4p, c4p)
    return out[:, :1]

# --- scband reference (transcript-rebuilt; emitter-appended) ---
"""Pipeline reference for scband-gnn-1-74242804678665 (READ-ONLY COPY).

The authoritative reference and input builder live on the scoring server;
editing this copy changes nothing except your own understanding.
"""

import jax, jax.numpy as jnp
import numpy as np

N = 10000
E = 320000
D_FEAT = 128
EMB = 128
D_EDGE = 16
L = 3
G = 64
T = 1


def setup_inputs(seed: int = 0):
    key = jax.random.key(seed)
    ks = jax.random.split(key, 16)
    sc = 0.05
    p = {}
    p["x"] = jax.random.normal(ks[0], (N, D_FEAT), dtype=jnp.float32)
    p["edge_index"] = jax.random.randint(ks[1], (2, E), 0, N, dtype=jnp.int32)
    p["edge_attr"] = jax.random.normal(ks[2], (E, D_EDGE), dtype=jnp.float32)
    p["batch"] = jnp.sort(jax.random.randint(ks[3], (N,), 0, G, dtype=jnp.int32))
    p["W_emb"] = jax.random.normal(ks[4], (D_FEAT, EMB), dtype=jnp.float32) * sc
    p["b_emb"] = jnp.zeros((EMB,), dtype=jnp.float32)
    p["We"] = jax.random.normal(ks[5], (L, D_EDGE, EMB), dtype=jnp.float32) * sc
    p["be"] = jnp.zeros((L, EMB), dtype=jnp.float32)
    p["Wm1"] = jax.random.normal(ks[6], (L, EMB, 2 * EMB), dtype=jnp.float32) * sc
    p["bm1"] = jnp.zeros((L, 2 * EMB), dtype=jnp.float32)
    p["Wm2"] = jax.random.normal(ks[7], (L, 2 * EMB, EMB), dtype=jnp.float32) * sc
    p["bm2"] = jnp.zeros((L, EMB), dtype=jnp.float32)
    p["gamma"] = jnp.ones((L, EMB), dtype=jnp.float32)
    p["beta"] = jnp.zeros((L, EMB), dtype=jnp.float32)
    p["Wo1"] = jax.random.normal(ks[8], (EMB, EMB), dtype=jnp.float32) * sc
    p["bo1"] = jnp.zeros((EMB,), dtype=jnp.float32)
    p["Wo2"] = jax.random.normal(ks[9], (EMB, EMB // 2), dtype=jnp.float32) * sc
    p["bo2"] = jnp.zeros((EMB // 2,), dtype=jnp.float32)
    p["Wo3"] = jax.random.normal(ks[10], (EMB // 2, EMB // 4), dtype=jnp.float32) * sc
    p["bo3"] = jnp.zeros((EMB // 4,), dtype=jnp.float32)
    p["Wo4"] = jax.random.normal(ks[11], (EMB // 4, T), dtype=jnp.float32) * sc
    p["bo4"] = jnp.zeros((T,), dtype=jnp.float32)
    return p


def _forward(x, edge_attr, W_emb, b_emb, We, be, Wm1, bm1, Wm2, bm2, gamma, beta, Wo1, bo1, Wo2, bo2, Wo3, bo3, Wo4, bo4, edge_index, batch):
    src = edge_index[0]
    dst = edge_index[1]
    # x_embedding1: Linear + ReLU
    h = jax.nn.relu(x @ W_emb + b_emb)
    for l in range(L):
        # GINConv: message = h[src] + edge_proj(edge_attr); sum-aggregate to dst; MLP((1+eps)*h + agg), eps=0
        e = edge_attr @ We[l] + be[l]
        msg = h[src] + e
        agg = jax.ops.segment_sum(msg, dst, num_segments=N)
        z = h + agg
        z = jax.nn.relu(z @ Wm1[l] + bm1[l]) @ Wm2[l] + bm2[l]
        # BatchNorm1d (training-mode batch statistics)
        mu = jnp.mean(z, axis=0)
        var = jnp.var(z, axis=0)
        z = (z - mu) / jnp.sqrt(var + 1e-5) * gamma[l] + beta[l]
        if l < L - 1:
            z = jax.nn.relu(z)
        h = z  # JK == 'last', drop_ratio == 0
    # global_mean_pool over graphs
    s = jax.ops.segment_sum(h, batch, num_segments=G)
    cnt = jax.ops.segment_sum(jnp.ones((N, 1), dtype=h.dtype), batch, num_segments=G)
    g = s / jnp.maximum(cnt, 1.0)
    # output MLP head
    o = jax.nn.relu(g @ Wo1 + bo1)
    o = jax.nn.relu(o @ Wo2 + bo2)
    o = jax.nn.relu(o @ Wo3 + bo3)
    return o @ Wo4 + bo4


def reference(x, edge_index, edge_attr, batch, W_emb, b_emb, We, be, Wm1, bm1, Wm2, bm2, gamma, beta, Wo1, bo1, Wo2, bo2, Wo3, bo3, Wo4, bo4):
    return _forward(x, edge_attr, W_emb, b_emb, We, be, Wm1, bm1, Wm2, bm2, gamma, beta, Wo1, bo1, Wo2, bo2, Wo3, bo3, Wo4, bo4, edge_index, batch)

if __name__ == "__main__":
    import jax
    _d = setup_inputs()
    print(jax.jit(kernel)(*tuple(_d.values())))

</pallas_src>

<mosaic_0001>
#map = affine_map<(d0, d1) -> (0, 0)>
#map1 = affine_map<(d0, d1) -> (0, 0, 0)>
module attributes {stable_mosaic.version = 14 : i64} {
  func.func @_sc_msgseg(%arg0: i32, %arg1: i32, %arg2: memref<10000x128xf32, #tpu.memory_space<hbm>>, %arg3: memref<327680x128xf32, #tpu.memory_space<hbm>>, %arg4: memref<32x80x128xi32, #tpu.memory_space<hbm>>, %arg5: memref<32x80x128xi32, #tpu.memory_space<hbm>>, %arg6: memref<10112x128xf32, #tpu.memory_space<hbm>>, %arg7: memref<2x10112x128xf32, #tpu.memory_space<hbm>>, %arg8: memref<2x128xi32, #tpu.memory_space<vmem>>, %arg9: memref<2x128xi32, #tpu.memory_space<vmem>>, %arg10: memref<128x128xf32, #tpu.memory_space<vmem>>, %arg11: memref<128x128xf32, #tpu.memory_space<vmem>>, %arg12: memref<128x128xf32, #tpu.memory_space<vmem>>, %arg13: memref<10112x128xf32, #tpu.memory_space<vmem_shared>>, %arg14: memref<!tpu.dma_semaphore, #tpu.memory_space<semaphore_mem>>, %arg15: memref<!tpu.dma_semaphore, #tpu.memory_space<semaphore_mem>>, %arg16: memref<!tpu.dma_semaphore, #tpu.memory_space<semaphore_mem>>, %arg17: memref<!tpu.dma_semaphore, #tpu.memory_space<semaphore_mem>>) attributes {dimension_semantics = [#tpu.dimension_semantics<core_parallel>, #tpu.dimension_semantics<subcore_parallel>], iteration_bounds = array<i64: 2, 16>, scalar_prefetch = 0 : i64, scratch_operands = 10 : i64, tpu.core_type = #tpu.core_type<sc_vector_subcore>, window_params = [{transform_indices = #map}, {transform_indices = #map}, {transform_indices = #map1}, {transform_indices = #map1}, {transform_indices = #map}, {transform_indices = #map1}]} {
    %mul3A = arith.constant 16 : i32
    %mul3A_0 = arith.muli %arg0, %mul3A : i32
    %add3A = arith.addi %mul3A_0, %arg1 : i32
    %mul3A_1 = arith.constant 632 : i32
    %mul3A_2 = arith.muli %arg1, %mul3A_1 : i32
    "tpu.region"() ({
      %run_scoped3A_29 = tpu.sem_alloc : memref<!tpu.dma_semaphore, #tpu.memory_space<semaphore_mem>>
      %dma_start3A_30 = arith.constant 0 : i32
      %dma_start3A_31 = tpu.memref_slice %arg13[%mul3A_2, %dma_start3A_30] : memref<10112x128xf32, #tpu.memory_space<vmem_shared>> -> memref<632x128xf32, #tpu.memory_space<vmem_shared>>
      %dma_start3A_32 = arith.constant 0 : i32
      %dma_start3A_33 = tpu.memref_slice %arg6[%mul3A_2, %dma_start3A_32] : memref<10112x128xf32, #tpu.memory_space<hbm>> -> memref<632x128xf32, #tpu.memory_space<hbm>>
      tpu.enqueue_dma source(%dma_start3A_33 : memref<632x128xf32, #tpu.memory_space<hbm>>) target(%dma_start3A_31 : memref<632x128xf32, #tpu.memory_space<vmem_shared>>) target_semaphore(%run_scoped3A_29 : memref<!tpu.dma_semaphore, #tpu.memory_space<semaphore_mem>>)
      %dma_wait3A = arith.constant 0 : i32
      %dma_wait3A_34 = tpu.memref_slice %arg13[%mul3A_2, %dma_wait3A] : memref<10112x128xf32, #tpu.memory_space<vmem_shared>> -> memref<632x128xf32, #tpu.memory_space<vmem_shared>>
      %dma_wait3A_35 = arith.constant 0 : i32
      %dma_wait3A_36 = tpu.memref_slice %arg6[%mul3A_2, %dma_wait3A_35] : memref<10112x128xf32, #tpu.memory_space<hbm>> -> memref<632x128xf32, #tpu.memory_space<hbm>>
      tpu.wait_dma2 semaphore(%run_scoped3A_29 : memref<!tpu.dma_semaphore, #tpu.memory_space<semaphore_mem>>) src(%dma_wait3A_36 : memref<632x128xf32, #tpu.memory_space<hbm>>) dst(%dma_wait3A_34 : memref<632x128xf32, #tpu.memory_space<vmem_shared>>)
      tpu.yield
    }) : () -> ()
    %run_scoped3A = arith.constant 0 : i32
    %run_scoped3A_3 = arith.constant 0 : i32
    "tpu.region"() ({
      %run_scoped3A_29 = tpu.sem_alloc : memref<!tpu.dma_semaphore, #tpu.memory_space<semaphore_mem>>
      %dma_start3A_30 = arith.constant 0 : i32
      %dma_start3A_31 = tpu.memref_slice %arg8[%run_scoped3A_3, %dma_start3A_30] : memref<2x128xi32, #tpu.memory_space<vmem>> -> memref<1x128xi32, #tpu.memory_space<vmem>>
      %dma_start3A_32 = tpu.memref_squeeze %dma_start3A_31 : memref<1x128xi32, #tpu.memory_space<vmem>> -> memref<128xi32, #tpu.memory_space<vmem>>
      %dma_start3A_33 = arith.constant 0 : i32
      %dma_start3A_34 = tpu.memref_slice %arg4[%add3A, %run_scoped3A, %dma_start3A_33] : memref<32x80x128xi32, #tpu.memory_space<hbm>> -> memref<1x1x128xi32, #tpu.memory_space<hbm>>
      %dma_start3A_35 = tpu.memref_squeeze %dma_start3A_34 : memref<1x1x128xi32, #tpu.memory_space<hbm>> -> memref<128xi32, #tpu.memory_space<hbm>>
      %dma_start3A_36 = arith.constant 0 : i32
      %dma_start3A_37 = tpu.memref_slice %arg8[%run_scoped3A_3, %dma_start3A_36] : memref<2x128xi32, #tpu.memory_space<vmem>> -> memref<1x128xi32, #tpu.memory_space<vmem>>
      %dma_start3A_38 = tpu.memref_squeeze %dma_start3A_37 : memref<1x128xi32, #tpu.memory_space<vmem>> -> memref<128xi32, #tpu.memory_space<vmem>>
      %dma_start3A_39 = arith.constant 0 : i32
      %dma_start3A_40 = tpu.memref_slice %arg4[%add3A, %run_scoped3A, %dma_start3A_39] : memref<32x80x128xi32, #tpu.memory_space<hbm>> -> memref<1x1x128xi32, #tpu.memory_space<hbm>>
      %dma_start3A_41 = tpu.memref_squeeze %dma_start3A_40 : memref<1x1x128xi32, #tpu.memory_space<hbm>> -> memref<128xi32, #tpu.memory_space<hbm>>
      tpu.enqueue_dma source(%dma_start3A_41 : memref<128xi32, #tpu.memory_space<hbm>>) target(%dma_start3A_38 : memref<128xi32, #tpu.memory_space<vmem>>) target_semaphore(%run_scoped3A_29 : memref<!tpu.dma_semaphore, #tpu.memory_space<semaphore_mem>>)
      %dma_wait3A = arith.constant 0 : i32
      %dma_wait3A_42 = tpu.memref_slice %arg8[%run_scoped3A_3, %dma_wait3A] : memref<2x128xi32, #tpu.memory_space<vmem>> -> memref<1x128xi32, #tpu.memory_space<vmem>>
      %dma_wait3A_43 = tpu.memref_squeeze %dma_wait3A_42 : memref<1x128xi32, #tpu.memory_space<vmem>> -> memref<128xi32, #tpu.memory_space<vmem>>
      %dma_wait3A_44 = arith.constant 0 : i32
      %dma_wait3A_45 = tpu.memref_slice %arg4[%add3A, %run_scoped3A, %dma_wait3A_44] : memref<32x80x128xi32, #tpu.memory_space<hbm>> -> memref<1x1x128xi32, #tpu.memory_space<hbm>>
      %dma_wait3A_46 = tpu.memref_squeeze %dma_wait3A_45 : memref<1x1x128xi32, #tpu.memory_space<hbm>> -> memref<128xi32, #tpu.memory_space<hbm>>
      %dma_wait3A_47 = arith.constant 0 : i32
      %dma_wait3A_48 = tpu.memref_slice %arg8[%run_scoped3A_3, %dma_wait3A_47] : memref<2x128xi32, #tpu.memory_space<vmem>> -> memref<1x128xi32, #tpu.memory_space<vmem>>
      %dma_wait3A_49 = tpu.memref_squeeze %dma_wait3A_48 : memref<1x128xi32, #tpu.memory_space<vmem>> -> memref<128xi32, #tpu.memory_space<vmem>>
      %dma_wait3A_50 = arith.constant 0 : i32
      %dma_wait3A_51 = tpu.memref_slice %arg4[%add3A, %run_scoped3A, %dma_wait3A_50] : memref<32x80x128xi32, #tpu.memory_space<hbm>> -> memref<1x1x128xi32, #tpu.memory_space<hbm>>
      %dma_wait3A_52 = tpu.memref_squeeze %dma_wait3A_51 : memref<1x1x128xi32, #tpu.memory_space<hbm>> -> memref<128xi32, #tpu.memory_space<hbm>>
      tpu.wait_dma2 semaphore(%run_scoped3A_29 : memref<!tpu.dma_semaphore, #tpu.memory_space<semaphore_mem>>) src(%dma_wait3A_52 : memref<128xi32, #tpu.memory_space<hbm>>) dst(%dma_wait3A_49 : memref<128xi32, #tpu.memory_space<vmem>>)
      tpu.yield
    }) : () -> ()
    %run_scoped3A_4 = arith.constant 0 : i32
    %run_scoped3A_5 = arith.constant 0 : i32
    "tpu.region"() ({
      %run_scoped3A_29 = tpu.sem_alloc : memref<!tpu.dma_semaphore, #tpu.memory_space<semaphore_mem>>
      %dma_start3A_30 = arith.constant 0 : i32
      %dma_start3A_31 = tpu.memref_slice %arg9[%run_scoped3A_5, %dma_start3A_30] : memref<2x128xi32, #tpu.memory_space<vmem>> -> memref<1x128xi32, #tpu.memory_space<vmem>>
      %dma_start3A_32 = tpu.memref_squeeze %dma_start3A_31 : memref<1x128xi32, #tpu.memory_space<vmem>> -> memref<128xi32, #tpu.memory_space<vmem>>
      %dma_start3A_33 = arith.constant 0 : i32
      %dma_start3A_34 = tpu.memref_slice %arg5[%add3A, %run_scoped3A_4, %dma_start3A_33] : memref<32x80x128xi32, #tpu.memory_space<hbm>> -> memref<1x1x128xi32, #tpu.memory_space<hbm>>
      %dma_start3A_35 = tpu.memref_squeeze %dma_start3A_34 : memref<1x1x128xi32, #tpu.memory_space<hbm>> -> memref<128xi32, #tpu.memory_space<hbm>>
      %dma_start3A_36 = arith.constant 0 : i32
      %dma_start3A_37 = tpu.memref_slice %arg9[%run_scoped3A_5, %dma_start3A_36] : memref<2x128xi32, #tpu.memory_space<vmem>> -> memref<1x128xi32, #tpu.memory_space<vmem>>
      %dma_start3A_38 = tpu.memref_squeeze %dma_start3A_37 : memref<1x128xi32, #tpu.memory_space<vmem>> -> memref<128xi32, #tpu.memory_space<vmem>>
      %dma_start3A_39 = arith.constant 0 : i32
      %dma_start3A_40 = tpu.memref_slice %arg5[%add3A, %run_scoped3A_4, %dma_start3A_39] : memref<32x80x128xi32, #tpu.memory_space<hbm>> -> memref<1x1x128xi32, #tpu.memory_space<hbm>>
      %dma_start3A_41 = tpu.memref_squeeze %dma_start3A_40 : memref<1x1x128xi32, #tpu.memory_space<hbm>> -> memref<128xi32, #tpu.memory_space<hbm>>
      tpu.enqueue_dma source(%dma_start3A_41 : memref<128xi32, #tpu.memory_space<hbm>>) target(%dma_start3A_38 : memref<128xi32, #tpu.memory_space<vmem>>) target_semaphore(%run_scoped3A_29 : memref<!tpu.dma_semaphore, #tpu.memory_space<semaphore_mem>>)
      %dma_wait3A = arith.constant 0 : i32
      %dma_wait3A_42 = tpu.memref_slice %arg9[%run_scoped3A_5, %dma_wait3A] : memref<2x128xi32, #tpu.memory_space<vmem>> -> memref<1x128xi32, #tpu.memory_space<vmem>>
      %dma_wait3A_43 = tpu.memref_squeeze %dma_wait3A_42 : memref<1x128xi32, #tpu.memory_space<vmem>> -> memref<128xi32, #tpu.memory_space<vmem>>
      %dma_wait3A_44 = arith.constant 0 : i32
      %dma_wait3A_45 = tpu.memref_slice %arg5[%add3A, %run_scoped3A_4, %dma_wait3A_44] : memref<32x80x128xi32, #tpu.memory_space<hbm>> -> memref<1x1x128xi32, #tpu.memory_space<hbm>>
      %dma_wait3A_46 = tpu.memref_squeeze %dma_wait3A_45 : memref<1x1x128xi32, #tpu.memory_space<hbm>> -> memref<128xi32, #tpu.memory_space<hbm>>
      %dma_wait3A_47 = arith.constant 0 : i32
      %dma_wait3A_48 = tpu.memref_slice %arg9[%run_scoped3A_5, %dma_wait3A_47] : memref<2x128xi32, #tpu.memory_space<vmem>> -> memref<1x128xi32, #tpu.memory_space<vmem>>
      %dma_wait3A_49 = tpu.memref_squeeze %dma_wait3A_48 : memref<1x128xi32, #tpu.memory_space<vmem>> -> memref<128xi32, #tpu.memory_space<vmem>>
      %dma_wait3A_50 = arith.constant 0 : i32
      %dma_wait3A_51 = tpu.memref_slice %arg5[%add3A, %run_scoped3A_4, %dma_wait3A_50] : memref<32x80x128xi32, #tpu.memory_space<hbm>> -> memref<1x1x128xi32, #tpu.memory_space<hbm>>
      %dma_wait3A_52 = tpu.memref_squeeze %dma_wait3A_51 : memref<1x1x128xi32, #tpu.memory_space<hbm>> -> memref<128xi32, #tpu.memory_space<hbm>>
      tpu.wait_dma2 semaphore(%run_scoped3A_29 : memref<!tpu.dma_semaphore, #tpu.memory_space<semaphore_mem>>) src(%dma_wait3A_52 : memref<128xi32, #tpu.memory_space<hbm>>) dst(%dma_wait3A_49 : memref<128xi32, #tpu.memory_space<vmem>>)
      tpu.yield
    }) : () -> ()
    %run_scoped3A_6 = arith.constant 1 : i32
    %run_scoped3A_7 = arith.constant 1 : i32
    "tpu.region"() ({
      %run_scoped3A_29 = tpu.sem_alloc : memref<!tpu.dma_semaphore, #tpu.memory_space<semaphore_mem>>
      %dma_start3A_30 = arith.constant 0 : i32
      %dma_start3A_31 = tpu.memref_slice %arg8[%run_scoped3A_7, %dma_start3A_30] : memref<2x128xi32, #tpu.memory_space<vmem>> -> memref<1x128xi32, #tpu.memory_space<vmem>>
      %dma_start3A_32 = tpu.memref_squeeze %dma_start3A_31 : memref<1x128xi32, #tpu.memory_space<vmem>> -> memref<128xi32, #tpu.memory_space<vmem>>
      %dma_start3A_33 = arith.constant 0 : i32
      %dma_start3A_34 = tpu.memref_slice %arg4[%add3A, %run_scoped3A_6, %dma_start3A_33] : memref<32x80x128xi32, #tpu.memory_space<hbm>> -> memref<1x1x128xi32, #tpu.memory_space<hbm>>
      %dma_start3A_35 = tpu.memref_squeeze %dma_start3A_34 : memref<1x1x128xi32, #tpu.memory_space<hbm>> -> memref<128xi32, #tpu.memory_space<hbm>>
      %dma_start3A_36 = arith.constant 0 : i32
      %dma_start3A_37 = tpu.memref_slice %arg8[%run_scoped3A_7, %dma_start3A_36] : memref<2x128xi32, #tpu.memory_space<vmem>> -> memref<1x128xi32, #tpu.memory_space<vmem>>
      %dma_start3A_38 = tpu.memref_squeeze %dma_start3A_37 : memref<1x128xi32, #tpu.memory_space<vmem>> -> memref<128xi32, #tpu.memory_space<vmem>>
      %dma_start3A_39 = arith.constant 0 : i32
      %dma_start3A_40 = tpu.memref_slice %arg4[%add3A, %run_scoped3A_6, %dma_start3A_39] : memref<32x80x128xi32, #tpu.memory_space<hbm>> -> memref<1x1x128xi32, #tpu.memory_space<hbm>>
      %dma_start3A_41 = tpu.memref_squeeze %dma_start3A_40 : memref<1x1x128xi32, #tpu.memory_space<hbm>> -> memref<128xi32, #tpu.memory_space<hbm>>
      tpu.enqueue_dma source(%dma_start3A_41 : memref<128xi32, #tpu.memory_space<hbm>>) target(%dma_start3A_38 : memref<128xi32, #tpu.memory_space<vmem>>) target_semaphore(%run_scoped3A_29 : memref<!tpu.dma_semaphore, #tpu.memory_space<semaphore_mem>>)
      %dma_wait3A = arith.constant 0 : i32
      %dma_wait3A_42 = tpu.memref_slice %arg8[%run_scoped3A_7, %dma_wait3A] : memref<2x128xi32, #tpu.memory_space<vmem>> -> memref<1x128xi32, #tpu.memory_space<vmem>>
      %dma_wait3A_43 = tpu.memref_squeeze %dma_wait3A_42 : memref<1x128xi32, #tpu.memory_space<vmem>> -> memref<128xi32, #tpu.memory_space<vmem>>
      %dma_wait3A_44 = arith.constant 0 : i32
      %dma_wait3A_45 = tpu.memref_slice %arg4[%add3A, %run_scoped3A_6, %dma_wait3A_44] : memref<32x80x128xi32, #tpu.memory_space<hbm>> -> memref<1x1x128xi32, #tpu.memory_space<hbm>>
      %dma_wait3A_46 = tpu.memref_squeeze %dma_wait3A_45 : memref<1x1x128xi32, #tpu.memory_space<hbm>> -> memref<128xi32, #tpu.memory_space<hbm>>
      %dma_wait3A_47 = arith.constant 0 : i32
      %dma_wait3A_48 = tpu.memref_slice %arg8[%run_scoped3A_7, %dma_wait3A_47] : memref<2x128xi32, #tpu.memory_space<vmem>> -> memref<1x128xi32, #tpu.memory_space<vmem>>
      %dma_wait3A_49 = tpu.memref_squeeze %dma_wait3A_48 : memref<1x128xi32, #tpu.memory_space<vmem>> -> memref<128xi32, #tpu.memory_space<vmem>>
      %dma_wait3A_50 = arith.constant 0 : i32
      %dma_wait3A_51 = tpu.memref_slice %arg4[%add3A, %run_scoped3A_6, %dma_wait3A_50] : memref<32x80x128xi32, #tpu.memory_space<hbm>> -> memref<1x1x128xi32, #tpu.memory_space<hbm>>
      %dma_wait3A_52 = tpu.memref_squeeze %dma_wait3A_51 : memref<1x1x128xi32, #tpu.memory_space<hbm>> -> memref<128xi32, #tpu.memory_space<hbm>>
      tpu.wait_dma2 semaphore(%run_scoped3A_29 : memref<!tpu.dma_semaphore, #tpu.memory_space<semaphore_mem>>) src(%dma_wait3A_52 : memref<128xi32, #tpu.memory_space<hbm>>) dst(%dma_wait3A_49 : memref<128xi32, #tpu.memory_space<vmem>>)
      tpu.yield
    }) : () -> ()
    %run_scoped3A_8 = arith.constant 1 : i32
    %run_scoped3A_9 = arith.constant 1 : i32
    "tpu.region"() ({
      %run_scoped3A_29 = tpu.sem_alloc : memref<!tpu.dma_semaphore, #tpu.memory_space<semaphore_mem>>
      %dma_start3A_30 = arith.constant 0 : i32
      %dma_start3A_31 = tpu.memref_slice %arg9[%run_scoped3A_9, %dma_start3A_30] : memref<2x128xi32, #tpu.memory_space<vmem>> -> memref<1x128xi32, #tpu.memory_space<vmem>>
      %dma_start3A_32 = tpu.memref_squeeze %dma_start3A_31 : memref<1x128xi32, #tpu.memory_space<vmem>> -> memref<128xi32, #tpu.memory_space<vmem>>
      %dma_start3A_33 = arith.constant 0 : i32
      %dma_start3A_34 = tpu.memref_slice %arg5[%add3A, %run_scoped3A_8, %dma_start3A_33] : memref<32x80x128xi32, #tpu.memory_space<hbm>> -> memref<1x1x128xi32, #tpu.memory_space<hbm>>
      %dma_start3A_35 = tpu.memref_squeeze %dma_start3A_34 : memref<1x1x128xi32, #tpu.memory_space<hbm>> -> memref<128xi32, #tpu.memory_space<hbm>>
      %dma_start3A_36 = arith.constant 0 : i32
      %dma_start3A_37 = tpu.memref_slice %arg9[%run_scoped3A_9, %dma_start3A_36] : memref<2x128xi32, #tpu.memory_space<vmem>> -> memref<1x128xi32, #tpu.memory_space<vmem>>
      %dma_start3A_38 = tpu.memref_squeeze %dma_start3A_37 : memref<1x128xi32, #tpu.memory_space<vmem>> -> memref<128xi32, #tpu.memory_space<vmem>>
      %dma_start3A_39 = arith.constant 0 : i32
      %dma_start3A_40 = tpu.memref_slice %arg5[%add3A, %run_scoped3A_8, %dma_start3A_39] : memref<32x80x128xi32, #tpu.memory_space<hbm>> -> memref<1x1x128xi32, #tpu.memory_space<hbm>>
      %dma_start3A_41 = tpu.memref_squeeze %dma_start3A_40 : memref<1x1x128xi32, #tpu.memory_space<hbm>> -> memref<128xi32, #tpu.memory_space<hbm>>
      tpu.enqueue_dma source(%dma_start3A_41 : memref<128xi32, #tpu.memory_space<hbm>>) target(%dma_start3A_38 : memref<128xi32, #tpu.memory_space<vmem>>) target_semaphore(%run_scoped3A_29 : memref<!tpu.dma_semaphore, #tpu.memory_space<semaphore_mem>>)
      %dma_wait3A = arith.constant 0 : i32
      %dma_wait3A_42 = tpu.memref_slice %arg9[%run_scoped3A_9, %dma_wait3A] : memref<2x128xi32, #tpu.memory_space<vmem>> -> memref<1x128xi32, #tpu.memory_space<vmem>>
      %dma_wait3A_43 = tpu.memref_squeeze %dma_wait3A_42 : memref<1x128xi32, #tpu.memory_space<vmem>> -> memref<128xi32, #tpu.memory_space<vmem>>
      %dma_wait3A_44 = arith.constant 0 : i32
      %dma_wait3A_45 = tpu.memref_slice %arg5[%add3A, %run_scoped3A_8, %dma_wait3A_44] : memref<32x80x128xi32, #tpu.memory_space<hbm>> -> memref<1x1x128xi32, #tpu.memory_space<hbm>>
      %dma_wait3A_46 = tpu.memref_squeeze %dma_wait3A_45 : memref<1x1x128xi32, #tpu.memory_space<hbm>> -> memref<128xi32, #tpu.memory_space<hbm>>
      %dma_wait3A_47 = arith.constant 0 : i32
      %dma_wait3A_48 = tpu.memref_slice %arg9[%run_scoped3A_9, %dma_wait3A_47] : memref<2x128xi32, #tpu.memory_space<vmem>> -> memref<1x128xi32, #tpu.memory_space<vmem>>
      %dma_wait3A_49 = tpu.memref_squeeze %dma_wait3A_48 : memref<1x128xi32, #tpu.memory_space<vmem>> -> memref<128xi32, #tpu.memory_space<vmem>>
      %dma_wait3A_50 = arith.constant 0 : i32
      %dma_wait3A_51 = tpu.memref_slice %arg5[%add3A, %run_scoped3A_8, %dma_wait3A_50] : memref<32x80x128xi32, #tpu.memory_space<hbm>> -> memref<1x1x128xi32, #tpu.memory_space<hbm>>
      %dma_wait3A_52 = tpu.memref_squeeze %dma_wait3A_51 : memref<1x1x128xi32, #tpu.memory_space<hbm>> -> memref<128xi32, #tpu.memory_space<hbm>>
      tpu.wait_dma2 semaphore(%run_scoped3A_29 : memref<!tpu.dma_semaphore, #tpu.memory_space<semaphore_mem>>) src(%dma_wait3A_52 : memref<128xi32, #tpu.memory_space<hbm>>) dst(%dma_wait3A_49 : memref<128xi32, #tpu.memory_space<vmem>>)
      tpu.yield
    }) : () -> ()
    %barrier3A = arith.constant 0 : index
    tpu.barrier barrier_id(%barrier3A)
    %mul3A_10 = arith.constant 10240 : i32
    %mul3A_11 = arith.muli %add3A, %mul3A_10 : i32
    %dma_start3A = arith.constant 0 : i32
    %dma_start3A_12 = arith.constant 0 : i32
    %dma_start3A_13 = tpu.memref_slice %arg8[%dma_start3A, %dma_start3A_12] : memref<2x128xi32, #tpu.memory_space<vmem>> -> memref<1x128xi32, #tpu.memory_space<vmem>>
    %dma_start3A_14 = tpu.memref_squeeze %dma_start3A_13 : memref<1x128xi32, #tpu.memory_space<vmem>> -> memref<128xi32, #tpu.memory_space<vmem>>
    %dma_start3A_15 = arith.constant 0 : i32
    %dma_start3A_16 = arith.constant 0 : i32
    %dma_start3A_17 = tpu.memref_slice %arg2[%dma_start3A_15, %dma_start3A_16] : memref<10000x128xf32, #tpu.memory_space<hbm>> -> memref<10000x128xf32, #tpu.memory_space<hbm>>
    tpu.enqueue_indirect_dma source(%dma_start3A_17 : memref<10000x128xf32, #tpu.memory_space<hbm>>) target(%arg10 : memref<128x128xf32, #tpu.memory_space<vmem>>) offsets(%dma_start3A_14 : memref<128xi32, #tpu.memory_space<vmem>>) semaphore(%arg14 : memref<!tpu.dma_semaphore, #tpu.memory_space<semaphore_mem>>)
    %dma_start3A_18 = arith.constant 0 : i32
    %dma_start3A_19 = tpu.memref_slice %arg3[%mul3A_11, %dma_start3A_18] : memref<327680x128xf32, #tpu.memory_space<hbm>> -> memref<128x128xf32, #tpu.memory_space<hbm>>
    %dma_start3A_20 = arith.constant 0 : i32
    %dma_start3A_21 = tpu.memref_slice %arg3[%mul3A_11, %dma_start3A_20] : memref<327680x128xf32, #tpu.memory_space<hbm>> -> memref<128x128xf32, #tpu.memory_space<hbm>>
    tpu.enqueue_dma source(%dma_start3A_21 : memref<128x128xf32, #tpu.memory_space<hbm>>) target(%arg12 : memref<128x128xf32, #tpu.memory_space<vmem>>) target_semaphore(%arg17 : memref<!tpu.dma_semaphore, #tpu.memory_space<semaphore_mem>>)
    %scan3A = arith.constant 0 : i32
    %scan3A_22 = arith.constant 0 : i32
    %scan3A_23 = arith.constant 40 : i32
    %scan3A_24 = arith.addi %scan3A_22, %scan3A_23 : i32
    %scan3A_25 = arith.constant 1 : i32
    %scan3A_26 = scf.for %scan3A_29 = %scan3A_22 to %scan3A_24 step %scan3A_25 iter_args(%scan3A_30 = %scan3A) -> (i32)  : i32 {
      %mul3A_31 = arith.constant 2 : i32
      %mul3A_32 = arith.muli %scan3A_29, %mul3A_31 : i32
      %mul3A_33 = arith.constant 128 : i32
      %mul3A_34 = arith.muli %mul3A_32, %mul3A_33 : i32
      %add3A_35 = arith.addi %mul3A_11, %mul3A_34 : i32
      %dma_wait3A = arith.constant 0 : i32
      %dma_wait3A_36 = tpu.memref_slice %arg3[%add3A_35, %dma_wait3A] : memref<327680x128xf32, #tpu.memory_space<hbm>> -> memref<128x128xf32, #tpu.memory_space<hbm>>
      %dma_wait3A_37 = arith.constant 0 : i32
      %dma_wait3A_38 = tpu.memref_slice %arg3[%add3A_35, %dma_wait3A_37] : memref<327680x128xf32, #tpu.memory_space<hbm>> -> memref<128x128xf32, #tpu.memory_space<hbm>>
      tpu.wait_dma2 semaphore(%arg17 : memref<!tpu.dma_semaphore, #tpu.memory_space<semaphore_mem>>) src(%dma_wait3A_38 : memref<128x128xf32, #tpu.memory_space<hbm>>) dst(%arg12 : memref<128x128xf32, #tpu.memory_space<vmem>>)
      %dma_wait3A_39 = arith.constant 0 : i32
      %dma_wait3A_40 = arith.constant 0 : i32
      %dma_wait3A_41 = tpu.memref_slice %arg8[%dma_wait3A_39, %dma_wait3A_40] : memref<2x128xi32, #tpu.memory_space<vmem>> -> memref<1x128xi32, #tpu.memory_space<vmem>>
      %dma_wait3A_42 = tpu.memref_squeeze %dma_wait3A_41 : memref<1x128xi32, #tpu.memory_space<vmem>> -> memref<128xi32, #tpu.memory_space<vmem>>
      %dma_wait3A_43 = arith.constant 0 : i32
      %dma_wait3A_44 = arith.constant 0 : i32
      %dma_wait3A_45 = tpu.memref_slice %arg2[%dma_wait3A_43, %dma_wait3A_44] : memref<10000x128xf32, #tpu.memory_space<hbm>> -> memref<10000x128xf32, #tpu.memory_space<hbm>>
      tpu.wait_indirect_dma semaphore(%arg14 : memref<!tpu.dma_semaphore, #tpu.memory_space<semaphore_mem>>) src(%dma_wait3A_45 : memref<10000x128xf32, #tpu.memory_space<hbm>>) dst(%arg10 : memref<128x128xf32, #tpu.memory_space<vmem>>)
      %add3A_46 = arith.constant 1 : i32
      %add3A_47 = arith.addi %mul3A_32, %add3A_46 : i32
      %lt3A = arith.constant 80 : i32
      %lt3A_48 = arith.cmpi slt, %add3A_47, %lt3A : i32
      %convert_element_type3A = arith.extui %lt3A_48 : i1 to i32
      %cond3A = arith.constant 0 : i32
      %cond3A_49 = arith.cmpi ne, %convert_element_type3A, %cond3A : i32
      scf.if %cond3A_49 {
        %ge3A = arith.constant 1 : i32
        %ge3A_120 = arith.cmpi sge, %mul3A_32, %ge3A : i32
        %convert_element_type3A_121 = arith.extui %ge3A_120 : i1 to i32
        %cond3A_122 = arith.constant 0 : i32
        %cond3A_123 = arith.cmpi ne, %convert_element_type3A_121, %cond3A_122 : i32
        scf.if %cond3A_123 {
          %dma_wait3A_131 = arith.constant 0 : i32
          %dma_wait3A_132 = arith.constant 1 : i32
          %dma_wait3A_133 = arith.constant 0 : i32
          %dma_wait3A_134 = tpu.memref_slice %arg8[%dma_wait3A_132, %dma_wait3A_133] : memref<2x128xi32, #tpu.memory_space<vmem>> -> memref<1x128xi32, #tpu.memory_space<vmem>>
          %dma_wait3A_135 = tpu.memref_squeeze %dma_wait3A_134 : memref<1x128xi32, #tpu.memory_space<vmem>> -> memref<128xi32, #tpu.memory_space<vmem>>
          %dma_wait3A_136 = arith.constant 0 : i32
          %dma_wait3A_137 = tpu.memref_slice %arg4[%add3A, %dma_wait3A_131, %dma_wait3A_136] : memref<32x80x128xi32, #tpu.memory_space<hbm>> -> memref<1x1x128xi32, #tpu.memory_space<hbm>>
          %dma_wait3A_138 = tpu.memref_squeeze %dma_wait3A_137 : memref<1x1x128xi32, #tpu.memory_space<hbm>> -> memref<128xi32, #tpu.memory_space<hbm>>
          %dma_wait3A_139 = arith.constant 0 : i32
          %dma_wait3A_140 = tpu.memref_slice %arg8[%dma_wait3A_132, %dma_wait3A_139] : memref<2x128xi32, #tpu.memory_space<vmem>> -> memref<1x128xi32, #tpu.memory_space<vmem>>
          %dma_wait3A_141 = tpu.memref_squeeze %dma_wait3A_140 : memref<1x128xi32, #tpu.memory_space<vmem>> -> memref<128xi32, #tpu.memory_space<vmem>>
          %dma_wait3A_142 = arith.constant 0 : i32
          %dma_wait3A_143 = tpu.memref_slice %arg4[%add3A, %dma_wait3A_131, %dma_wait3A_142] : memref<32x80x128xi32, #tpu.memory_space<hbm>> -> memref<1x1x128xi32, #tpu.memory_space<hbm>>
          %dma_wait3A_144 = tpu.memref_squeeze %dma_wait3A_143 : memref<1x1x128xi32, #tpu.memory_space<hbm>> -> memref<128xi32, #tpu.memory_space<hbm>>
          tpu.wait_dma2 semaphore(%arg16 : memref<!tpu.dma_semaphore, #tpu.memory_space<semaphore_mem>>) src(%dma_wait3A_144 : memref<128xi32, #tpu.memory_space<hbm>>) dst(%dma_wait3A_141 : memref<128xi32, #tpu.memory_space<vmem>>)
          %dma_wait3A_145 = arith.constant 0 : i32
          %dma_wait3A_146 = arith.constant 1 : i32
          %dma_wait3A_147 = arith.constant 0 : i32
          %dma_wait3A_148 = tpu.memref_slice %arg9[%dma_wait3A_146, %dma_wait3A_147] : memref<2x128xi32, #tpu.memory_space<vmem>> -> memref<1x128xi32, #tpu.memory_space<vmem>>
          %dma_wait3A_149 = tpu.memref_squeeze %dma_wait3A_148 : memref<1x128xi32, #tpu.memory_space<vmem>> -> memref<128xi32, #tpu.memory_space<vmem>>
          %dma_wait3A_150 = arith.constant 0 : i32
          %dma_wait3A_151 = tpu.memref_slice %arg5[%add3A, %dma_wait3A_145, %dma_wait3A_150] : memref<32x80x128xi32, #tpu.memory_space<hbm>> -> memref<1x1x128xi32, #tpu.memory_space<hbm>>
          %dma_wait3A_152 = tpu.memref_squeeze %dma_wait3A_151 : memref<1x1x128xi32, #tpu.memory_space<hbm>> -> memref<128xi32, #tpu.memory_space<hbm>>
          %dma_wait3A_153 = arith.constant 0 : i32
          %dma_wait3A_154 = tpu.memref_slice %arg9[%dma_wait3A_146, %dma_wait3A_153] : memref<2x128xi32, #tpu.memory_space<vmem>> -> memref<1x128xi32, #tpu.memory_space<vmem>>
          %dma_wait3A_155 = tpu.memref_squeeze %dma_wait3A_154 : memref<1x128xi32, #tpu.memory_space<vmem>> -> memref<128xi32, #tpu.memory_space<vmem>>
          %dma_wait3A_156 = arith.constant 0 : i32
          %dma_wait3A_157 = tpu.memref_slice %arg5[%add3A, %dma_wait3A_145, %dma_wait3A_156] : memref<32x80x128xi32, #tpu.memory_space<hbm>> -> memref<1x1x128xi32, #tpu.memory_space<hbm>>
          %dma_wait3A_158 = tpu.memref_squeeze %dma_wait3A_157 : memref<1x1x128xi32, #tpu.memory_space<hbm>> -> memref<128xi32, #tpu.memory_space<hbm>>
          tpu.wait_dma2 semaphore(%arg16 : memref<!tpu.dma_semaphore, #tpu.memory_space<semaphore_mem>>) src(%dma_wait3A_158 : memref<128xi32, #tpu.memory_space<hbm>>) dst(%dma_wait3A_155 : memref<128xi32, #tpu.memory_space<vmem>>)
        } else {
        }
        %dma_start3A_124 = arith.constant 1 : i32
        %dma_start3A_125 = arith.constant 0 : i32
        %dma_start3A_126 = tpu.memref_slice %arg8[%dma_start3A_124, %dma_start3A_125] : memref<2x128xi32, #tpu.memory_space<vmem>> -> memref<1x128xi32, #tpu.memory_space<vmem>>
        %dma_start3A_127 = tpu.memref_squeeze %dma_start3A_126 : memref<1x128xi32, #tpu.memory_space<vmem>> -> memref<128xi32, #tpu.memory_space<vmem>>
        %dma_start3A_128 = arith.constant 0 : i32
        %dma_start3A_129 = arith.constant 0 : i32
        %dma_start3A_130 = tpu.memref_slice %arg2[%dma_start3A_128, %dma_start3A_129] : memref<10000x128xf32, #tpu.memory_space<hbm>> -> memref<10000x128xf32, #tpu.memory_space<hbm>>
        tpu.enqueue_indirect_dma source(%dma_start3A_130 : memref<10000x128xf32, #tpu.memory_space<hbm>>) target(%arg11 : memref<128x128xf32, #tpu.memory_space<vmem>>) offsets(%dma_start3A_127 : memref<128xi32, #tpu.memory_space<vmem>>) semaphore(%arg15 : memref<!tpu.dma_semaphore, #tpu.memory_space<semaphore_mem>>)
      } else {
      }
      %scan3A_50 = arith.constant 0 : i32
      %scan3A_51 = arith.constant 0 : i32
      %scan3A_52 = arith.constant 128 : i32
      %scan3A_53 = arith.addi %scan3A_51, %scan3A_52 : i32
      %scan3A_54 = arith.constant 1 : i32
      %scan3A_55 = scf.for %scan3A_120 = %scan3A_51 to %scan3A_53 step %scan3A_54 iter_args(%scan3A_121 = %scan3A_50) -> (i32)  : i32 {
        %get3A = arith.index_cast %scan3A_120 : i32 to index
        %get3A_122 = arith.constant 0 : index
        %get3A_123 = tpu.vector_load %arg10[%get3A, %get3A_122] {strides = array<i32>} : memref<128x128xf32, #tpu.memory_space<vmem>>, vector<1x16xf32>,
        %get3A_124 = vector.shape_cast %get3A_123 : vector<1x16xf32> to vector<16xf32>
        %get3A_125 = arith.index_cast %scan3A_120 : i32 to index
        %get3A_126 = arith.constant 0 : index
        %get3A_127 = tpu.vector_load %arg12[%get3A_125, %get3A_126] {strides = array<i32>} : memref<128x128xf32, #tpu.memory_space<vmem>>, vector<1x16xf32>,
        %get3A_128 = vector.shape_cast %get3A_127 : vector<1x16xf32> to vector<16xf32>
        %add3A_129 = arith.addf %get3A_124, %get3A_128 : vector<16xf32>
        %swap3A = arith.index_cast %scan3A_120 : i32 to index
        %swap3A_130 = arith.constant 0 : index
        %swap3A_131 = tpu.vector_load %arg12[%swap3A, %swap3A_130] {strides = array<i32>} : memref<128x128xf32, #tpu.memory_space<vmem>>, vector<1x16xf32>,
        %swap3A_132 = vector.shape_cast %swap3A_131 : vector<1x16xf32> to vector<16xf32>
        %swap3A_133 = vector.shape_cast %add3A_129 : vector<16xf32> to vector<1x16xf32>
        tpu.vector_store %arg12[%swap3A, %swap3A_130], %swap3A_133 {strides = array<i32>} : memref<128x128xf32, #tpu.memory_space<vmem>>, vector<1x16xf32>,
        %get3A_134 = arith.index_cast %scan3A_120 : i32 to index
        %get3A_135 = arith.constant 16 : index
        %get3A_136 = tpu.vector_load %arg10[%get3A_134, %get3A_135] {strides = array<i32>} : memref<128x128xf32, #tpu.memory_space<vmem>>, vector<1x16xf32>,
        %get3A_137 = vector.shape_cast %get3A_136 : vector<1x16xf32> to vector<16xf32>
        %get3A_138 = arith.index_cast %scan3A_120 : i32 to index
        %get3A_139 = arith.constant 16 : index
        %get3A_140 = tpu.vector_load %arg12[%get3A_138, %get3A_139] {strides = array<i32>} : memref<128x128xf32, #tpu.memory_space<vmem>>, vector<1x16xf32>,
        %get3A_141 = vector.shape_cast %get3A_140 : vector<1x16xf32> to vector<16xf32>
        %add3A_142 = arith.addf %get3A_137, %get3A_141 : vector<16xf32>
        %swap3A_143 = arith.index_cast %scan3A_120 : i32 to index
        %swap3A_144 = arith.constant 16 : index
        %swap3A_145 = tpu.vector_load %arg12[%swap3A_143, %swap3A_144] {strides = array<i32>} : memref<128x128xf32, #tpu.memory_space<vmem>>, vector<1x16xf32>,
        %swap3A_146 = vector.shape_cast %swap3A_145 : vector<1x16xf32> to vector<16xf32>
        %swap3A_147 = vector.shape_cast %add3A_142 : vector<16xf32> to vector<1x16xf32>
        tpu.vector_store %arg12[%swap3A_143, %swap3A_144], %swap3A_147 {strides = array<i32>} : memref<128x128xf32, #tpu.memory_space<vmem>>, vector<1x16xf32>,
        %get3A_148 = arith.index_cast %scan3A_120 : i32 to index
        %get3A_149 = arith.constant 32 : index
        %get3A_150 = tpu.vector_load %arg10[%get3A_148, %get3A_149] {strides = array<i32>} : memref<128x128xf32, #tpu.memory_space<vmem>>, vector<1x16xf32>,
        %get3A_151 = vector.shape_cast %get3A_150 : vector<1x16xf32> to vector<16xf32>
        %get3A_152 = arith.index_cast %scan3A_120 : i32 to index
        %get3A_153 = arith.constant 32 : index
        %get3A_154 = tpu.vector_load %arg12[%get3A_152, %get3A_153] {strides = array<i32>} : memref<128x128xf32, #tpu.memory_space<vmem>>, vector<1x16xf32>,
        %get3A_155 = vector.shape_cast %get3A_154 : vector<1x16xf32> to vector<16xf32>
        %add3A_156 = arith.addf %get3A_151, %get3A_155 : vector<16xf32>
        %swap3A_157 = arith.index_cast %scan3A_120 : i32 to index
        %swap3A_158 = arith.constant 32 : index
        %swap3A_159 = tpu.vector_load %arg12[%swap3A_157, %swap3A_158] {strides = array<i32>} : memref<128x128xf32, #tpu.memory_space<vmem>>, vector<1x16xf32>,
        %swap3A_160 = vector.shape_cast %swap3A_159 : vector<1x16xf32> to vector<16xf32>
        %swap3A_161 = vector.shape_cast %add3A_156 : vector<16xf32> to vector<1x16xf32>
        tpu.vector_store %arg12[%swap3A_157, %swap3A_158], %swap3A_161 {strides = array<i32>} : memref<128x128xf32, #tpu.memory_space<vmem>>, vector<1x16xf32>,
        %get3A_162 = arith.index_cast %scan3A_120 : i32 to index
        %get3A_163 = arith.constant 48 : index
        %get3A_164 = tpu.vector_load %arg10[%get3A_162, %get3A_163] {strides = array<i32>} : memref<128x128xf32, #tpu.memory_space<vmem>>, vector<1x16xf32>,
        %get3A_165 = vector.shape_cast %get3A_164 : vector<1x16xf32> to vector<16xf32>
        %get3A_166 = arith.index_cast %scan3A_120 : i32 to index
        %get3A_167 = arith.constant 48 : index
        %get3A_168 = tpu.vector_load %arg12[%get3A_166, %get3A_167] {strides = array<i32>} : memref<128x128xf32, #tpu.memory_space<vmem>>, vector<1x16xf32>,
        %get3A_169 = vector.shape_cast %get3A_168 : vector<1x16xf32> to vector<16xf32>
        %add3A_170 = arith.addf %get3A_165, %get3A_169 : vector<16xf32>
        %swap3A_171 = arith.index_cast %scan3A_120 : i32 to index
        %swap3A_172 = arith.constant 48 : index
        %swap3A_173 = tpu.vector_load %arg12[%swap3A_171, %swap3A_172] {strides = array<i32>} : memref<128x128xf32, #tpu.memory_space<vmem>>, vector<1x16xf32>,
        %swap3A_174 = vector.shape_cast %swap3A_173 : vector<1x16xf32> to vector<16xf32>
        %swap3A_175 = vector.shape_cast %add3A_170 : vector<16xf32> to vector<1x16xf32>
        tpu.vector_store %arg12[%swap3A_171, %swap3A_172], %swap3A_175 {strides = array<i32>} : memref<128x128xf32, #tpu.memory_space<vmem>>, vector<1x16xf32>,
        %get3A_176 = arith.index_cast %scan3A_120 : i32 to index
        %get3A_177 = arith.constant 64 : index
        %get3A_178 = tpu.vector_load %arg10[%get3A_176, %get3A_177] {strides = array<i32>} : memref<128x128xf32, #tpu.memory_space<vmem>>, vector<1x16xf32>,
        %get3A_179 = vector.shape_cast %get3A_178 : vector<1x16xf32> to vector<16xf32>
        %get3A_180 = arith.index_cast %scan3A_120 : i32 to index
        %get3A_181 = arith.constant 64 : index
        %get3A_182 = tpu.vector_load %arg12[%get3A_180, %get3A_181] {strides = array<i32>} : memref<128x128xf32, #tpu.memory_space<vmem>>, vector<1x16xf32>,
        %get3A_183 = vector.shape_cast %get3A_182 : vector<1x16xf32> to vector<16xf32>
        %add3A_184 = arith.addf %get3A_179, %get3A_183 : vector<16xf32>
        %swap3A_185 = arith.index_cast %scan3A_120 : i32 to index
        %swap3A_186 = arith.constant 64 : index
        %swap3A_187 = tpu.vector_load %arg12[%swap3A_185, %swap3A_186] {strides = array<i32>} : memref<128x128xf32, #tpu.memory_space<vmem>>, vector<1x16xf32>,
        %swap3A_188 = vector.shape_cast %swap3A_187 : vector<1x16xf32> to vector<16xf32>
        %swap3A_189 = vector.shape_cast %add3A_184 : vector<16xf32> to vector<1x16xf32>
        tpu.vector_store %arg12[%swap3A_185, %swap3A_186], %swap3A_189 {strides = array<i32>} : memref<128x128xf32, #tpu.memory_space<vmem>>, vector<1x16xf32>,
        %get3A_190 = arith.index_cast %scan3A_120 : i32 to index
        %get3A_191 = arith.constant 80 : index
        %get3A_192 = tpu.vector_load %arg10[%get3A_190, %get3A_191] {strides = array<i32>} : memref<128x128xf32, #tpu.memory_space<vmem>>, vector<1x16xf32>,
        %get3A_193 = vector.shape_cast %get3A_192 : vector<1x16xf32> to vector<16xf32>
        %get3A_194 = arith.index_cast %scan3A_120 : i32 to index
        %get3A_195 = arith.constant 80 : index
        %get3A_196 = tpu.vector_load %arg12[%get3A_194, %get3A_195] {strides = array<i32>} : memref<128x128xf32, #tpu.memory_space<vmem>>, vector<1x16xf32>,
        %get3A_197 = vector.shape_cast %get3A_196 : vector<1x16xf32> to vector<16xf32>
        %add3A_198 = arith.addf %get3A_193, %get3A_197 : vector<16xf32>
        %swap3A_199 = arith.index_cast %scan3A_120 : i32 to index
        %swap3A_200 = arith.constant 80 : index
        %swap3A_201 = tpu.vector_load %arg12[%swap3A_199, %swap3A_200] {strides = array<i32>} : memref<128x128xf32, #tpu.memory_space<vmem>>, vector<1x16xf32>,
        %swap3A_202 = vector.shape_cast %swap3A_201 : vector<1x16xf32> to vector<16xf32>
        %swap3A_203 = vector.shape_cast %add3A_198 : vector<16xf32> to vector<1x16xf32>
        tpu.vector_store %arg12[%swap3A_199, %swap3A_200], %swap3A_203 {strides = array<i32>} : memref<128x128xf32, #tpu.memory_space<vmem>>, vector<1x16xf32>,
        %get3A_204 = arith.index_cast %scan3A_120 : i32 to index
        %get3A_205 = arith.constant 96 : index
        %get3A_206 = tpu.vector_load %arg10[%get3A_204, %get3A_205] {strides = array<i32>} : memref<128x128xf32, #tpu.memory_space<vmem>>, vector<1x16xf32>,
        %get3A_207 = vector.shape_cast %get3A_206 : vector<1x16xf32> to vector<16xf32>
        %get3A_208 = arith.index_cast %scan3A_120 : i32 to index
        %get3A_209 = arith.constant 96 : index
        %get3A_210 = tpu.vector_load %arg12[%get3A_208, %get3A_209] {strides = array<i32>} : memref<128x128xf32, #tpu.memory_space<vmem>>, vector<1x16xf32>,
        %get3A_211 = vector.shape_cast %get3A_210 : vector<1x16xf32> to vector<16xf32>
        %add3A_212 = arith.addf %get3A_207, %get3A_211 : vector<16xf32>
        %swap3A_213 = arith.index_cast %scan3A_120 : i32 to index
        %swap3A_214 = arith.constant 96 : index
        %swap3A_215 = tpu.vector_load %arg12[%swap3A_213, %swap3A_214] {strides = array<i32>} : memref<128x128xf32, #tpu.memory_space<vmem>>, vector<1x16xf32>,
        %swap3A_216 = vector.shape_cast %swap3A_215 : vector<1x16xf32> to vector<16xf32>
        %swap3A_217 = vector.shape_cast %add3A_212 : vector<16xf32> to vector<1x16xf32>
        tpu.vector_store %arg12[%swap3A_213, %swap3A_214], %swap3A_217 {strides = array<i32>} : memref<128x128xf32, #tpu.memory_space<vmem>>, vector<1x16xf32>,
        %get3A_218 = arith.index_cast %scan3A_120 : i32 to index
        %get3A_219 = arith.constant 112 : index
        %get3A_220 = tpu.vector_load %arg10[%get3A_218, %get3A_219] {strides = array<i32>} : memref<128x128xf32, #tpu.memory_space<vmem>>, vector<1x16xf32>,
        %get3A_221 = vector.shape_cast %get3A_220 : vector<1x16xf32> to vector<16xf32>
        %get3A_222 = arith.index_cast %scan3A_120 : i32 to index
        %get3A_223 = arith.constant 112 : index
        %get3A_224 = tpu.vector_load %arg12[%get3A_222, %get3A_223] {strides = array<i32>} : memref<128x128xf32, #tpu.memory_space<vmem>>, vector<1x16xf32>,
        %get3A_225 = vector.shape_cast %get3A_224 : vector<1x16xf32> to vector<16xf32>
        %add3A_226 = arith.addf %get3A_221, %get3A_225 : vector<16xf32>
        %swap3A_227 = arith.index_cast %scan3A_120 : i32 to index
        %swap3A_228 = arith.constant 112 : index
        %swap3A_229 = tpu.vector_load %arg12[%swap3A_227, %swap3A_228] {strides = array<i32>} : memref<128x128xf32, #tpu.memory_space<vmem>>, vector<1x16xf32>,
        %swap3A_230 = vector.shape_cast %swap3A_229 : vector<1x16xf32> to vector<16xf32>
        %swap3A_231 = vector.shape_cast %add3A_226 : vector<16xf32> to vector<1x16xf32>
        tpu.vector_store %arg12[%swap3A_227, %swap3A_228], %swap3A_231 {strides = array<i32>} : memref<128x128xf32, #tpu.memory_space<vmem>>, vector<1x16xf32>,
        %scan3A_232 = arith.constant 0 : i32
        scf.yield %scan3A_232 : i32
      }
      %scan3A_56 = arith.constant 128 : i32
      %run_scoped3A_57 = arith.constant 0 : i32
      "tpu.region"() ({
        %run_scoped3A_120 = tpu.sem_alloc : memref<!tpu.dma_semaphore, #tpu.memory_space<semaphore_mem>>
        %dma_start3A_121 = arith.constant 0 : i32
        %dma_start3A_122 = tpu.memref_slice %arg9[%run_scoped3A_57, %dma_start3A_121] : memref<2x128xi32, #tpu.memory_space<vmem>> -> memref<1x128xi32, #tpu.memory_space<vmem>>
        %dma_start3A_123 = tpu.memref_squeeze %dma_start3A_122 : memref<1x128xi32, #tpu.memory_space<vmem>> -> memref<128xi32, #tpu.memory_space<vmem>>
        %dma_start3A_124 = arith.constant 0 : i32
        %dma_start3A_125 = arith.constant 0 : i32
        %dma_start3A_126 = tpu.memref_slice %arg13[%dma_start3A_124, %dma_start3A_125] : memref<10112x128xf32, #tpu.memory_space<vmem_shared>> -> memref<10112x128xf32, #tpu.memory_space<vmem_shared>>
        tpu.enqueue_indirect_dma source(%arg12 : memref<128x128xf32, #tpu.memory_space<vmem>>) target(%dma_start3A_126 : memref<10112x128xf32, #tpu.memory_space<vmem_shared>>) offsets(%dma_start3A_123 : memref<128xi32, #tpu.memory_space<vmem>>) semaphore(%run_scoped3A_120 : memref<!tpu.dma_semaphore, #tpu.memory_space<semaphore_mem>>) {add = true}
        %dma_wait3A_127 = arith.constant 0 : i32
        %dma_wait3A_128 = tpu.memref_slice %arg9[%run_scoped3A_57, %dma_wait3A_127] : memref<2x128xi32, #tpu.memory_space<vmem>> -> memref<1x128xi32, #tpu.memory_space<vmem>>
        %dma_wait3A_129 = tpu.memref_squeeze %dma_wait3A_128 : memref<1x128xi32, #tpu.memory_space<vmem>> -> memref<128xi32, #tpu.memory_space<vmem>>
        %dma_wait3A_130 = arith.constant 0 : i32
        %dma_wait3A_131 = arith.constant 0 : i32
        %dma_wait3A_132 = tpu.memref_slice %arg13[%dma_wait3A_130, %dma_wait3A_131] : memref<10112x128xf32, #tpu.memory_space<vmem_shared>> -> memref<10112x128xf32, #tpu.memory_space<vmem_shared>>
        tpu.wait_indirect_dma semaphore(%run_scoped3A_120 : memref<!tpu.dma_semaphore, #tpu.memory_space<semaphore_mem>>) src(%arg12 : memref<128x128xf32, #tpu.memory_space<vmem>>) dst(%dma_wait3A_132 : memref<10112x128xf32, #tpu.memory_space<vmem_shared>>)
        tpu.yield
      }) : () -> ()
      %add3A_58 = arith.constant 2 : i32
      %add3A_59 = arith.addi %mul3A_32, %add3A_58 : i32
      %lt3A_60 = arith.constant 80 : i32
      %lt3A_61 = arith.cmpi slt, %add3A_59, %lt3A_60 : i32
      %convert_element_type3A_62 = arith.extui %lt3A_61 : i1 to i32
      %cond3A_63 = arith.constant 0 : i32
      %cond3A_64 = arith.cmpi ne, %convert_element_type3A_62, %cond3A_63 : i32
      scf.if %cond3A_64 {
        %add3A_120 = arith.constant 2 : i32
        %add3A_121 = arith.addi %mul3A_32, %add3A_120 : i32
        %dma_start3A_122 = arith.constant 0 : i32
        %dma_start3A_123 = arith.constant 0 : i32
        %dma_start3A_124 = tpu.memref_slice %arg8[%dma_start3A_122, %dma_start3A_123] : memref<2x128xi32, #tpu.memory_space<vmem>> -> memref<1x128xi32, #tpu.memory_space<vmem>>
        %dma_start3A_125 = tpu.memref_squeeze %dma_start3A_124 : memref<1x128xi32, #tpu.memory_space<vmem>> -> memref<128xi32, #tpu.memory_space<vmem>>
        %dma_start3A_126 = arith.constant 0 : i32
        %dma_start3A_127 = tpu.memref_slice %arg4[%add3A, %add3A_121, %dma_start3A_126] : memref<32x80x128xi32, #tpu.memory_space<hbm>> -> memref<1x1x128xi32, #tpu.memory_space<hbm>>
        %dma_start3A_128 = tpu.memref_squeeze %dma_start3A_127 : memref<1x1x128xi32, #tpu.memory_space<hbm>> -> memref<128xi32, #tpu.memory_space<hbm>>
        %dma_start3A_129 = arith.constant 0 : i32
        %dma_start3A_130 = tpu.memref_slice %arg8[%dma_start3A_122, %dma_start3A_129] : memref<2x128xi32, #tpu.memory_space<vmem>> -> memref<1x128xi32, #tpu.memory_space<vmem>>
        %dma_start3A_131 = tpu.memref_squeeze %dma_start3A_130 : memref<1x128xi32, #tpu.memory_space<vmem>> -> memref<128xi32, #tpu.memory_space<vmem>>
        %dma_start3A_132 = arith.constant 0 : i32
        %dma_start3A_133 = tpu.memref_slice %arg4[%add3A, %add3A_121, %dma_start3A_132] : memref<32x80x128xi32, #tpu.memory_space<hbm>> -> memref<1x1x128xi32, #tpu.memory_space<hbm>>
        %dma_start3A_134 = tpu.memref_squeeze %dma_start3A_133 : memref<1x1x128xi32, #tpu.memory_space<hbm>> -> memref<128xi32, #tpu.memory_space<hbm>>
        tpu.enqueue_dma source(%dma_start3A_134 : memref<128xi32, #tpu.memory_space<hbm>>) target(%dma_start3A_131 : memref<128xi32, #tpu.memory_space<vmem>>) target_semaphore(%arg16 : memref<!tpu.dma_semaphore, #tpu.memory_space<semaphore_mem>>)
        %add3A_135 = arith.constant 2 : i32
        %add3A_136 = arith.addi %mul3A_32, %add3A_135 : i32
        %dma_start3A_137 = arith.constant 0 : i32
        %dma_start3A_138 = arith.constant 0 : i32
        %dma_start3A_139 = tpu.memref_slice %arg9[%dma_start3A_137, %dma_start3A_138] : memref<2x128xi32, #tpu.memory_space<vmem>> -> memref<1x128xi32, #tpu.memory_space<vmem>>
        %dma_start3A_140 = tpu.memref_squeeze %dma_start3A_139 : memref<1x128xi32, #tpu.memory_space<vmem>> -> memref<128xi32, #tpu.memory_space<vmem>>
        %dma_start3A_141 = arith.constant 0 : i32
        %dma_start3A_142 = tpu.memref_slice %arg5[%add3A, %add3A_136, %dma_start3A_141] : memref<32x80x128xi32, #tpu.memory_space<hbm>> -> memref<1x1x128xi32, #tpu.memory_space<hbm>>
        %dma_start3A_143 = tpu.memref_squeeze %dma_start3A_142 : memref<1x1x128xi32, #tpu.memory_space<hbm>> -> memref<128xi32, #tpu.memory_space<hbm>>
        %dma_start3A_144 = arith.constant 0 : i32
        %dma_start3A_145 = tpu.memref_slice %arg9[%dma_start3A_137, %dma_start3A_144] : memref<2x128xi32, #tpu.memory_space<vmem>> -> memref<1x128xi32, #tpu.memory_space<vmem>>
        %dma_start3A_146 = tpu.memref_squeeze %dma_start3A_145 : memref<1x128xi32, #tpu.memory_space<vmem>> -> memref<128xi32, #tpu.memory_space<vmem>>
        %dma_start3A_147 = arith.constant 0 : i32
        %dma_start3A_148 = tpu.memref_slice %arg5[%add3A, %add3A_136, %dma_start3A_147] : memref<32x80x128xi32, #tpu.memory_space<hbm>> -> memref<1x1x128xi32, #tpu.memory_space<hbm>>
        %dma_start3A_149 = tpu.memref_squeeze %dma_start3A_148 : memref<1x1x128xi32, #tpu.memory_space<hbm>> -> memref<128xi32, #tpu.memory_space<hbm>>
        tpu.enqueue_dma source(%dma_start3A_149 : memref<128xi32, #tpu.memory_space<hbm>>) target(%dma_start3A_146 : memref<128xi32, #tpu.memory_space<vmem>>) target_semaphore(%arg16 : memref<!tpu.dma_semaphore, #tpu.memory_space<semaphore_mem>>)
      } else {
      }
      %add3A_65 = arith.constant 1 : i32
      %add3A_66 = arith.addi %mul3A_32, %add3A_65 : i32
      %lt3A_67 = arith.constant 80 : i32
      %lt3A_68 = arith.cmpi slt, %add3A_66, %lt3A_67 : i32
      %convert_element_type3A_69 = arith.extui %lt3A_68 : i1 to i32
      %cond3A_70 = arith.constant 0 : i32
      %cond3A_71 = arith.cmpi ne, %convert_element_type3A_69, %cond3A_70 : i32
      scf.if %cond3A_71 {
        %add3A_120 = arith.constant 1 : i32
        %add3A_121 = arith.addi %mul3A_32, %add3A_120 : i32
        %mul3A_122 = arith.constant 128 : i32
        %mul3A_123 = arith.muli %add3A_121, %mul3A_122 : i32
        %add3A_124 = arith.addi %mul3A_11, %mul3A_123 : i32
        %dma_start3A_125 = arith.constant 0 : i32
        %dma_start3A_126 = tpu.memref_slice %arg3[%add3A_124, %dma_start3A_125] : memref<327680x128xf32, #tpu.memory_space<hbm>> -> memref<128x128xf32, #tpu.memory_space<hbm>>
        %dma_start3A_127 = arith.constant 0 : i32
        %dma_start3A_128 = tpu.memref_slice %arg3[%add3A_124, %dma_start3A_127] : memref<327680x128xf32, #tpu.memory_space<hbm>> -> memref<128x128xf32, #tpu.memory_space<hbm>>
        tpu.enqueue_dma source(%dma_start3A_128 : memref<128x128xf32, #tpu.memory_space<hbm>>) target(%arg12 : memref<128x128xf32, #tpu.memory_space<vmem>>) target_semaphore(%arg17 : memref<!tpu.dma_semaphore, #tpu.memory_space<semaphore_mem>>)
      } else {
      }
      %mul3A_72 = arith.constant 2 : i32
      %mul3A_73 = arith.muli %scan3A_29, %mul3A_72 : i32
      %add3A_74 = arith.constant 1 : i32
      %add3A_75 = arith.addi %mul3A_73, %add3A_74 : i32
      %mul3A_76 = arith.constant 128 : i32
      %mul3A_77 = arith.muli %add3A_75, %mul3A_76 : i32
      %add3A_78 = arith.addi %mul3A_11, %mul3A_77 : i32
      %dma_wait3A_79 = arith.constant 0 : i32
      %dma_wait3A_80 = tpu.memref_slice %arg3[%add3A_78, %dma_wait3A_79] : memref<327680x128xf32, #tpu.memory_space<hbm>> -> memref<128x128xf32, #tpu.memory_space<hbm>>
      %dma_wait3A_81 = arith.constant 0 : i32
      %dma_wait3A_82 = tpu.memref_slice %arg3[%add3A_78, %dma_wait3A_81] : memref<327680x128xf32, #tpu.memory_space<hbm>> -> memref<128x128xf32, #tpu.memory_space<hbm>>
      tpu.wait_dma2 semaphore(%arg17 : memref<!tpu.dma_semaphore, #tpu.memory_space<semaphore_mem>>) src(%dma_wait3A_82 : memref<128x128xf32, #tpu.memory_space<hbm>>) dst(%arg12 : memref<128x128xf32, #tpu.memory_space<vmem>>)
      %dma_wait3A_83 = arith.constant 1 : i32
      %dma_wait3A_84 = arith.constant 0 : i32
      %dma_wait3A_85 = tpu.memref_slice %arg8[%dma_wait3A_83, %dma_wait3A_84] : memref<2x128xi32, #tpu.memory_space<vmem>> -> memref<1x128xi32, #tpu.memory_space<vmem>>
      %dma_wait3A_86 = tpu.memref_squeeze %dma_wait3A_85 : memref<1x128xi32, #tpu.memory_space<vmem>> -> memref<128xi32, #tpu.memory_space<vmem>>
      %dma_wait3A_87 = arith.constant 0 : i32
      %dma_wait3A_88 = arith.constant 0 : i32
      %dma_wait3A_89 = tpu.memref_slice %arg2[%dma_wait3A_87, %dma_wait3A_88] : memref<10000x128xf32, #tpu.memory_space<hbm>> -> memref<10000x128xf32, #tpu.memory_space<hbm>>
      tpu.wait_indirect_dma semaphore(%arg15 : memref<!tpu.dma_semaphore, #tpu.memory_space<semaphore_mem>>) src(%dma_wait3A_89 : memref<10000x128xf32, #tpu.memory_space<hbm>>) dst(%arg11 : memref<128x128xf32, #tpu.memory_space<vmem>>)
      %add3A_90 = arith.constant 1 : i32
      %add3A_91 = arith.addi %add3A_75, %add3A_90 : i32
      %lt3A_92 = arith.constant 80 : i32
      %lt3A_93 = arith.cmpi slt, %add3A_91, %lt3A_92 : i32
      %convert_element_type3A_94 = arith.extui %lt3A_93 : i1 to i32
      %cond3A_95 = arith.constant 0 : i32
      %cond3A_96 = arith.cmpi ne, %convert_element_type3A_94, %cond3A_95 : i32
      scf.if %cond3A_96 {
        %ge3A = arith.constant 1 : i32
        %ge3A_120 = arith.cmpi sge, %add3A_75, %ge3A : i32
        %convert_element_type3A_121 = arith.extui %ge3A_120 : i1 to i32
        %cond3A_122 = arith.constant 0 : i32
        %cond3A_123 = arith.cmpi ne, %convert_element_type3A_121, %cond3A_122 : i32
        scf.if %cond3A_123 {
          %dma_wait3A_131 = arith.constant 0 : i32
          %dma_wait3A_132 = arith.constant 0 : i32
          %dma_wait3A_133 = arith.constant 0 : i32
          %dma_wait3A_134 = tpu.memref_slice %arg8[%dma_wait3A_132, %dma_wait3A_133] : memref<2x128xi32, #tpu.memory_space<vmem>> -> memref<1x128xi32, #tpu.memory_space<vmem>>
          %dma_wait3A_135 = tpu.memref_squeeze %dma_wait3A_134 : memref<1x128xi32, #tpu.memory_space<vmem>> -> memref<128xi32, #tpu.memory_space<vmem>>
          %dma_wait3A_136 = arith.constant 0 : i32
          %dma_wait3A_137 = tpu.memref_slice %arg4[%add3A, %dma_wait3A_131, %dma_wait3A_136] : memref<32x80x128xi32, #tpu.memory_space<hbm>> -> memref<1x1x128xi32, #tpu.memory_space<hbm>>
          %dma_wait3A_138 = tpu.memref_squeeze %dma_wait3A_137 : memref<1x1x128xi32, #tpu.memory_space<hbm>> -> memref<128xi32, #tpu.memory_space<hbm>>
          %dma_wait3A_139 = arith.constant 0 : i32
          %dma_wait3A_140 = tpu.memref_slice %arg8[%dma_wait3A_132, %dma_wait3A_139] : memref<2x128xi32, #tpu.memory_space<vmem>> -> memref<1x128xi32, #tpu.memory_space<vmem>>
          %dma_wait3A_141 = tpu.memref_squeeze %dma_wait3A_140 : memref<1x128xi32, #tpu.memory_space<vmem>> -> memref<128xi32, #tpu.memory_space<vmem>>
          %dma_wait3A_142 = arith.constant 0 : i32
          %dma_wait3A_143 = tpu.memref_slice %arg4[%add3A, %dma_wait3A_131, %dma_wait3A_142] : memref<32x80x128xi32, #tpu.memory_space<hbm>> -> memref<1x1x128xi32, #tpu.memory_space<hbm>>
          %dma_wait3A_144 = tpu.memref_squeeze %dma_wait3A_143 : memref<1x1x128xi32, #tpu.memory_space<hbm>> -> memref<128xi32, #tpu.memory_space<hbm>>
          tpu.wait_dma2 semaphore(%arg16 : memref<!tpu.dma_semaphore, #tpu.memory_space<semaphore_mem>>) src(%dma_wait3A_144 : memref<128xi32, #tpu.memory_space<hbm>>) dst(%dma_wait3A_141 : memref<128xi32, #tpu.memory_space<vmem>>)
          %dma_wait3A_145 = arith.constant 0 : i32
          %dma_wait3A_146 = arith.constant 0 : i32
          %dma_wait3A_147 = arith.constant 0 : i32
          %dma_wait3A_148 = tpu.memref_slice %arg9[%dma_wait3A_146, %dma_wait3A_147] : memref<2x128xi32, #tpu.memory_space<vmem>> -> memref<1x128xi32, #tpu.memory_space<vmem>>
          %dma_wait3A_149 = tpu.memref_squeeze %dma_wait3A_148 : memref<1x128xi32, #tpu.memory_space<vmem>> -> memref<128xi32, #tpu.memory_space<vmem>>
          %dma_wait3A_150 = arith.constant 0 : i32
          %dma_wait3A_151 = tpu.memref_slice %arg5[%add3A, %dma_wait3A_145, %dma_wait3A_150] : memref<32x80x128xi32, #tpu.memory_space<hbm>> -> memref<1x1x128xi32, #tpu.memory_space<hbm>>
          %dma_wait3A_152 = tpu.memref_squeeze %dma_wait3A_151 : memref<1x1x128xi32, #tpu.memory_space<hbm>> -> memref<128xi32, #tpu.memory_space<hbm>>
          %dma_wait3A_153 = arith.constant 0 : i32
          %dma_wait3A_154 = tpu.memref_slice %arg9[%dma_wait3A_146, %dma_wait3A_153] : memref<2x128xi32, #tpu.memory_space<vmem>> -> memref<1x128xi32, #tpu.memory_space<vmem>>
          %dma_wait3A_155 = tpu.memref_squeeze %dma_wait3A_154 : memref<1x128xi32, #tpu.memory_space<vmem>> -> memref<128xi32, #tpu.memory_space<vmem>>
          %dma_wait3A_156 = arith.constant 0 : i32
          %dma_wait3A_157 = tpu.memref_slice %arg5[%add3A, %dma_wait3A_145, %dma_wait3A_156] : memref<32x80x128xi32, #tpu.memory_space<hbm>> -> memref<1x1x128xi32, #tpu.memory_space<hbm>>
          %dma_wait3A_158 = tpu.memref_squeeze %dma_wait3A_157 : memref<1x1x128xi32, #tpu.memory_space<hbm>> -> memref<128xi32, #tpu.memory_space<hbm>>
          tpu.wait_dma2 semaphore(%arg16 : memref<!tpu.dma_semaphore, #tpu.memory_space<semaphore_mem>>) src(%dma_wait3A_158 : memref<128xi32, #tpu.memory_space<hbm>>) dst(%dma_wait3A_155 : memref<128xi32, #tpu.memory_space<vmem>>)
        } else {
        }
        %dma_start3A_124 = arith.constant 0 : i32
        %dma_start3A_125 = arith.constant 0 : i32
        %dma_start3A_126 = tpu.memref_slice %arg8[%dma_start3A_124, %dma_start3A_125] : memref<2x128xi32, #tpu.memory_space<vmem>> -> memref<1x128xi32, #tpu.memory_space<vmem>>
        %dma_start3A_127 = tpu.memref_squeeze %dma_start3A_126 : memref<1x128xi32, #tpu.memory_space<vmem>> -> memref<128xi32, #tpu.memory_space<vmem>>
        %dma_start3A_128 = arith.constant 0 : i32
        %dma_start3A_129 = arith.constant 0 : i32
        %dma_start3A_130 = tpu.memref_slice %arg2[%dma_start3A_128, %dma_start3A_129] : memref<10000x128xf32, #tpu.memory_space<hbm>> -> memref<10000x128xf32, #tpu.memory_space<hbm>>
        tpu.enqueue_indirect_dma source(%dma_start3A_130 : memref<10000x128xf32, #tpu.memory_space<hbm>>) target(%arg10 : memref<128x128xf32, #tpu.memory_space<vmem>>) offsets(%dma_start3A_127 : memref<128xi32, #tpu.memory_space<vmem>>) semaphore(%arg14 : memref<!tpu.dma_semaphore, #tpu.memory_space<semaphore_mem>>)
      } else {
      }
      %scan3A_97 = arith.constant 0 : i32
      %scan3A_98 = arith.constant 0 : i32
      %scan3A_99 = arith.constant 128 : i32
      %scan3A_100 = arith.addi %scan3A_98, %scan3A_99 : i32
      %scan3A_101 = arith.constant 1 : i32
      %scan3A_102 = scf.for %scan3A_120 = %scan3A_98 to %scan3A_100 step %scan3A_101 iter_args(%scan3A_121 = %scan3A_97) -> (i32)  : i32 {
        %get3A = arith.index_cast %scan3A_120 : i32 to index
        %get3A_122 = arith.constant 0 : index
        %get3A_123 = tpu.vector_load %arg11[%get3A, %get3A_122] {strides = array<i32>} : memref<128x128xf32, #tpu.memory_space<vmem>>, vector<1x16xf32>,
        %get3A_124 = vector.shape_cast %get3A_123 : vector<1x16xf32> to vector<16xf32>
        %get3A_125 = arith.index_cast %scan3A_120 : i32 to index
        %get3A_126 = arith.constant 0 : index
        %get3A_127 = tpu.vector_load %arg12[%get3A_125, %get3A_126] {strides = array<i32>} : memref<128x128xf32, #tpu.memory_space<vmem>>, vector<1x16xf32>,
        %get3A_128 = vector.shape_cast %get3A_127 : vector<1x16xf32> to vector<16xf32>
        %add3A_129 = arith.addf %get3A_124, %get3A_128 : vector<16xf32>
        %swap3A = arith.index_cast %scan3A_120 : i32 to index
        %swap3A_130 = arith.constant 0 : index
        %swap3A_131 = tpu.vector_load %arg12[%swap3A, %swap3A_130] {strides = array<i32>} : memref<128x128xf32, #tpu.memory_space<vmem>>, vector<1x16xf32>,
        %swap3A_132 = vector.shape_cast %swap3A_131 : vector<1x16xf32> to vector<16xf32>
        %swap3A_133 = vector.shape_cast %add3A_129 : vector<16xf32> to vector<1x16xf32>
        tpu.vector_store %arg12[%swap3A, %swap3A_130], %swap3A_133 {strides = array<i32>} : memref<128x128xf32, #tpu.memory_space<vmem>>, vector<1x16xf32>,
        %get3A_134 = arith.index_cast %scan3A_120 : i32 to index
        %get3A_135 = arith.constant 16 : index
        %get3A_136 = tpu.vector_load %arg11[%get3A_134, %get3A_135] {strides = array<i32>} : memref<128x128xf32, #tpu.memory_space<vmem>>, vector<1x16xf32>,
        %get3A_137 = vector.shape_cast %get3A_136 : vector<1x16xf32> to vector<16xf32>
        %get3A_138 = arith.index_cast %scan3A_120 : i32 to index
        %get3A_139 = arith.constant 16 : index
        %get3A_140 = tpu.vector_load %arg12[%get3A_138, %get3A_139] {strides = array<i32>} : memref<128x128xf32, #tpu.memory_space<vmem>>, vector<1x16xf32>,
        %get3A_141 = vector.shape_cast %get3A_140 : vector<1x16xf32> to vector<16xf32>
        %add3A_142 = arith.addf %get3A_137, %get3A_141 : vector<16xf32>
        %swap3A_143 = arith.index_cast %scan3A_120 : i32 to index
        %swap3A_144 = arith.constant 16 : index
        %swap3A_145 = tpu.vector_load %arg12[%swap3A_143, %swap3A_144] {strides = array<i32>} : memref<128x128xf32, #tpu.memory_space<vmem>>, vector<1x16xf32>,
        %swap3A_146 = vector.shape_cast %swap3A_145 : vector<1x16xf32> to vector<16xf32>
        %swap3A_147 = vector.shape_cast %add3A_142 : vector<16xf32> to vector<1x16xf32>
        tpu.vector_store %arg12[%swap3A_143, %swap3A_144], %swap3A_147 {strides = array<i32>} : memref<128x128xf32, #tpu.memory_space<vmem>>, vector<1x16xf32>,
        %get3A_148 = arith.index_cast %scan3A_120 : i32 to index
        %get3A_149 = arith.constant 32 : index
        %get3A_150 = tpu.vector_load %arg11[%get3A_148, %get3A_149] {strides = array<i32>} : memref<128x128xf32, #tpu.memory_space<vmem>>, vector<1x16xf32>,
        %get3A_151 = vector.shape_cast %get3A_150 : vector<1x16xf32> to vector<16xf32>
        %get3A_152 = arith.index_cast %scan3A_120 : i32 to index
        %get3A_153 = arith.constant 32 : index
        %get3A_154 = tpu.vector_load %arg12[%get3A_152, %get3A_153] {strides = array<i32>} : memref<128x128xf32, #tpu.memory_space<vmem>>, vector<1x16xf32>,
        %get3A_155 = vector.shape_cast %get3A_154 : vector<1x16xf32> to vector<16xf32>
        %add3A_156 = arith.addf %get3A_151, %get3A_155 : vector<16xf32>
        %swap3A_157 = arith.index_cast %scan3A_120 : i32 to index
        %swap3A_158 = arith.constant 32 : index
        %swap3A_159 = tpu.vector_load %arg12[%swap3A_157, %swap3A_158] {strides = array<i32>} : memref<128x128xf32, #tpu.memory_space<vmem>>, vector<1x16xf32>,
        %swap3A_160 = vector.shape_cast %swap3A_159 : vector<1x16xf32> to vector<16xf32>
        %swap3A_161 = vector.shape_cast %add3A_156 : vector<16xf32> to vector<1x16xf32>
        tpu.vector_store %arg12[%swap3A_157, %swap3A_158], %swap3A_161 {strides = array<i32>} : memref<128x128xf32, #tpu.memory_space<vmem>>, vector<1x16xf32>,
        %get3A_162 = arith.index_cast %scan3A_120 : i32 to index
        %get3A_163 = arith.constant 48 : index
        %get3A_164 = tpu.vector_load %arg11[%get3A_162, %get3A_163] {strides = array<i32>} : memref<128x128xf32, #tpu.memory_space<vmem>>, vector<1x16xf32>,
        %get3A_165 = vector.shape_cast %get3A_164 : vector<1x16xf32> to vector<16xf32>
        %get3A_166 = arith.index_cast %scan3A_120 : i32 to index
        %get3A_167 = arith.constant 48 : index
        %get3A_168 = tpu.vector_load %arg12[%get3A_166, %get3A_167] {strides = array<i32>} : memref<128x128xf32, #tpu.memory_space<vmem>>, vector<1x16xf32>,
        %get3A_169 = vector.shape_cast %get3A_168 : vector<1x16xf32> to vector<16xf32>
        %add3A_170 = arith.addf %get3A_165, %get3A_169 : vector<16xf32>
        %swap3A_171 = arith.index_cast %scan3A_120 : i32 to index
        %swap3A_172 = arith.constant 48 : index
        %swap3A_173 = tpu.vector_load %arg12[%swap3A_171, %swap3A_172] {strides = array<i32>} : memref<128x128xf32, #tpu.memory_space<vmem>>, vector<1x16xf32>,
        %swap3A_174 = vector.shape_cast %swap3A_173 : vector<1x16xf32> to vector<16xf32>
        %swap3A_175 = vector.shape_cast %add3A_170 : vector<16xf32> to vector<1x16xf32>
        tpu.vector_store %arg12[%swap3A_171, %swap3A_172], %swap3A_175 {strides = array<i32>} : memref<128x128xf32, #tpu.memory_space<vmem>>, vector<1x16xf32>,
        %get3A_176 = arith.index_cast %scan3A_120 : i32 to index
        %get3A_177 = arith.constant 64 : index
        %get3A_178 = tpu.vector_load %arg11[%get3A_176, %get3A_177] {strides = array<i32>} : memref<128x128xf32, #tpu.memory_space<vmem>>, vector<1x16xf32>,
        %get3A_179 = vector.shape_cast %get3A_178 : vector<1x16xf32> to vector<16xf32>
        %get3A_180 = arith.index_cast %scan3A_120 : i32 to index
        %get3A_181 = arith.constant 64 : index
        %get3A_182 = tpu.vector_load %arg12[%get3A_180, %get3A_181] {strides = array<i32>} : memref<128x128xf32, #tpu.memory_space<vmem>>, vector<1x16xf32>,
        %get3A_183 = vector.shape_cast %get3A_182 : vector<1x16xf32> to vector<16xf32>
        %add3A_184 = arith.addf %get3A_179, %get3A_183 : vector<16xf32>
        %swap3A_185 = arith.index_cast %scan3A_120 : i32 to index
        %swap3A_186 = arith.constant 64 : index
        %swap3A_187 = tpu.vector_load %arg12[%swap3A_185, %swap3A_186] {strides = array<i32>} : memref<128x128xf32, #tpu.memory_space<vmem>>, vector<1x16xf32>,
        %swap3A_188 = vector.shape_cast %swap3A_187 : vector<1x16xf32> to vector<16xf32>
        %swap3A_189 = vector.shape_cast %add3A_184 : vector<16xf32> to vector<1x16xf32>
        tpu.vector_store %arg12[%swap3A_185, %swap3A_186], %swap3A_189 {strides = array<i32>} : memref<128x128xf32, #tpu.memory_space<vmem>>, vector<1x16xf32>,
        %get3A_190 = arith.index_cast %scan3A_120 : i32 to index
        %get3A_191 = arith.constant 80 : index
        %get3A_192 = tpu.vector_load %arg11[%get3A_190, %get3A_191] {strides = array<i32>} : memref<128x128xf32, #tpu.memory_space<vmem>>, vector<1x16xf32>,
        %get3A_193 = vector.shape_cast %get3A_192 : vector<1x16xf32> to vector<16xf32>
        %get3A_194 = arith.index_cast %scan3A_120 : i32 to index
        %get3A_195 = arith.constant 80 : index
        %get3A_196 = tpu.vector_load %arg12[%get3A_194, %get3A_195] {strides = array<i32>} : memref<128x128xf32, #tpu.memory_space<vmem>>, vector<1x16xf32>,
        %get3A_197 = vector.shape_cast %get3A_196 : vector<1x16xf32> to vector<16xf32>
        %add3A_198 = arith.addf %get3A_193, %get3A_197 : vector<16xf32>
        %swap3A_199 = arith.index_cast %scan3A_120 : i32 to index
        %swap3A_200 = arith.constant 80 : index
        %swap3A_201 = tpu.vector_load %arg12[%swap3A_199, %swap3A_200] {strides = array<i32>} : memref<128x128xf32, #tpu.memory_space<vmem>>, vector<1x16xf32>,
        %swap3A_202 = vector.shape_cast %swap3A_201 : vector<1x16xf32> to vector<16xf32>
        %swap3A_203 = vector.shape_cast %add3A_198 : vector<16xf32> to vector<1x16xf32>
        tpu.vector_store %arg12[%swap3A_199, %swap3A_200], %swap3A_203 {strides = array<i32>} : memref<128x128xf32, #tpu.memory_space<vmem>>, vector<1x16xf32>,
        %get3A_204 = arith.index_cast %scan3A_120 : i32 to index
        %get3A_205 = arith.constant 96 : index
        %get3A_206 = tpu.vector_load %arg11[%get3A_204, %get3A_205] {strides = array<i32>} : memref<128x128xf32, #tpu.memory_space<vmem>>, vector<1x16xf32>,
        %get3A_207 = vector.shape_cast %get3A_206 : vector<1x16xf32> to vector<16xf32>
        %get3A_208 = arith.index_cast %scan3A_120 : i32 to index
        %get3A_209 = arith.constant 96 : index
        %get3A_210 = tpu.vector_load %arg12[%get3A_208, %get3A_209] {strides = array<i32>} : memref<128x128xf32, #tpu.memory_space<vmem>>, vector<1x16xf32>,
        %get3A_211 = vector.shape_cast %get3A_210 : vector<1x16xf32> to vector<16xf32>
        %add3A_212 = arith.addf %get3A_207, %get3A_211 : vector<16xf32>
        %swap3A_213 = arith.index_cast %scan3A_120 : i32 to index
        %swap3A_214 = arith.constant 96 : index
        %swap3A_215 = tpu.vector_load %arg12[%swap3A_213, %swap3A_214] {strides = array<i32>} : memref<128x128xf32, #tpu.memory_space<vmem>>, vector<1x16xf32>,
        %swap3A_216 = vector.shape_cast %swap3A_215 : vector<1x16xf32> to vector<16xf32>
        %swap3A_217 = vector.shape_cast %add3A_212 : vector<16xf32> to vector<1x16xf32>
        tpu.vector_store %arg12[%swap3A_213, %swap3A_214], %swap3A_217 {strides = array<i32>} : memref<128x128xf32, #tpu.memory_space<vmem>>, vector<1x16xf32>,
        %get3A_218 = arith.index_cast %scan3A_120 : i32 to index
        %get3A_219 = arith.constant 112 : index
        %get3A_220 = tpu.vector_load %arg11[%get3A_218, %get3A_219] {strides = array<i32>} : memref<128x128xf32, #tpu.memory_space<vmem>>, vector<1x16xf32>,
        %get3A_221 = vector.shape_cast %get3A_220 : vector<1x16xf32> to vector<16xf32>
        %get3A_222 = arith.index_cast %scan3A_120 : i32 to index
        %get3A_223 = arith.constant 112 : index
        %get3A_224 = tpu.vector_load %arg12[%get3A_222, %get3A_223] {strides = array<i32>} : memref<128x128xf32, #tpu.memory_space<vmem>>, vector<1x16xf32>,
        %get3A_225 = vector.shape_cast %get3A_224 : vector<1x16xf32> to vector<16xf32>
        %add3A_226 = arith.addf %get3A_221, %get3A_225 : vector<16xf32>
        %swap3A_227 = arith.index_cast %scan3A_120 : i32 to index
        %swap3A_228 = arith.constant 112 : index
        %swap3A_229 = tpu.vector_load %arg12[%swap3A_227, %swap3A_228] {strides = array<i32>} : memref<128x128xf32, #tpu.memory_space<vmem>>, vector<1x16xf32>,
        %swap3A_230 = vector.shape_cast %swap3A_229 : vector<1x16xf32> to vector<16xf32>
        %swap3A_231 = vector.shape_cast %add3A_226 : vector<16xf32> to vector<1x16xf32>
        tpu.vector_store %arg12[%swap3A_227, %swap3A_228], %swap3A_231 {strides = array<i32>} : memref<128x128xf32, #tpu.memory_space<vmem>>, vector<1x16xf32>,
        %scan3A_232 = arith.constant 0 : i32
        scf.yield %scan3A_232 : i32
      }
      %scan3A_103 = arith.constant 128 : i32
      %run_scoped3A_104 = arith.constant 1 : i32
      "tpu.region"() ({
        %run_scoped3A_120 = tpu.sem_alloc : memref<!tpu.dma_semaphore, #tpu.memory_space<semaphore_mem>>
        %dma_start3A_121 = arith.constant 0 : i32
        %dma_start3A_122 = tpu.memref_slice %arg9[%run_scoped3A_104, %dma_start3A_121] : memref<2x128xi32, #tpu.memory_space<vmem>> -> memref<1x128xi32, #tpu.memory_space<vmem>>
        %dma_start3A_123 = tpu.memref_squeeze %dma_start3A_122 : memref<1x128xi32, #tpu.memory_space<vmem>> -> memref<128xi32, #tpu.memory_space<vmem>>
        %dma_start3A_124 = arith.constant 0 : i32
        %dma_start3A_125 = arith.constant 0 : i32
        %dma_start3A_126 = tpu.memref_slice %arg13[%dma_start3A_124, %dma_start3A_125] : memref<10112x128xf32, #tpu.memory_space<vmem_shared>> -> memref<10112x128xf32, #tpu.memory_space<vmem_shared>>
        tpu.enqueue_indirect_dma source(%arg12 : memref<128x128xf32, #tpu.memory_space<vmem>>) target(%dma_start3A_126 : memref<10112x128xf32, #tpu.memory_space<vmem_shared>>) offsets(%dma_start3A_123 : memref<128xi32, #tpu.memory_space<vmem>>) semaphore(%run_scoped3A_120 : memref<!tpu.dma_semaphore, #tpu.memory_space<semaphore_mem>>) {add = true}
        %dma_wait3A_127 = arith.constant 0 : i32
        %dma_wait3A_128 = tpu.memref_slice %arg9[%run_scoped3A_104, %dma_wait3A_127] : memref<2x128xi32, #tpu.memory_space<vmem>> -> memref<1x128xi32, #tpu.memory_space<vmem>>
        %dma_wait3A_129 = tpu.memref_squeeze %dma_wait3A_128 : memref<1x128xi32, #tpu.memory_space<vmem>> -> memref<128xi32, #tpu.memory_space<vmem>>
        %dma_wait3A_130 = arith.constant 0 : i32
        %dma_wait3A_131 = arith.constant 0 : i32
        %dma_wait3A_132 = tpu.memref_slice %arg13[%dma_wait3A_130, %dma_wait3A_131] : memref<10112x128xf32, #tpu.memory_space<vmem_shared>> -> memref<10112x128xf32, #tpu.memory_space<vmem_shared>>
        tpu.wait_indirect_dma semaphore(%run_scoped3A_120 : memref<!tpu.dma_semaphore, #tpu.memory_space<semaphore_mem>>) src(%arg12 : memref<128x128xf32, #tpu.memory_space<vmem>>) dst(%dma_wait3A_132 : memref<10112x128xf32, #tpu.memory_space<vmem_shared>>)
        tpu.yield
      }) : () -> ()
      %add3A_105 = arith.constant 2 : i32
      %add3A_106 = arith.addi %add3A_75, %add3A_105 : i32
      %lt3A_107 = arith.constant 80 : i32
      %lt3A_108 = arith.cmpi slt, %add3A_106, %lt3A_107 : i32
      %convert_element_type3A_109 = arith.extui %lt3A_108 : i1 to i32
      %cond3A_110 = arith.constant 0 : i32
      %cond3A_111 = arith.cmpi ne, %convert_element_type3A_109, %cond3A_110 : i32
      scf.if %cond3A_111 {
        %add3A_120 = arith.constant 2 : i32
        %add3A_121 = arith.addi %add3A_75, %add3A_120 : i32
        %dma_start3A_122 = arith.constant 1 : i32
        %dma_start3A_123 = arith.constant 0 : i32
        %dma_start3A_124 = tpu.memref_slice %arg8[%dma_start3A_122, %dma_start3A_123] : memref<2x128xi32, #tpu.memory_space<vmem>> -> memref<1x128xi32, #tpu.memory_space<vmem>>
        %dma_start3A_125 = tpu.memref_squeeze %dma_start3A_124 : memref<1x128xi32, #tpu.memory_space<vmem>> -> memref<128xi32, #tpu.memory_space<vmem>>
        %dma_start3A_126 = arith.constant 0 : i32
        %dma_start3A_127 = tpu.memref_slice %arg4[%add3A, %add3A_121, %dma_start3A_126] : memref<32x80x128xi32, #tpu.memory_space<hbm>> -> memref<1x1x128xi32, #tpu.memory_space<hbm>>
        %dma_start3A_128 = tpu.memref_squeeze %dma_start3A_127 : memref<1x1x128xi32, #tpu.memory_space<hbm>> -> memref<128xi32, #tpu.memory_space<hbm>>
        %dma_start3A_129 = arith.constant 0 : i32
        %dma_start3A_130 = tpu.memref_slice %arg8[%dma_start3A_122, %dma_start3A_129] : memref<2x128xi32, #tpu.memory_space<vmem>> -> memref<1x128xi32, #tpu.memory_space<vmem>>
        %dma_start3A_131 = tpu.memref_squeeze %dma_start3A_130 : memref<1x128xi32, #tpu.memory_space<vmem>> -> memref<128xi32, #tpu.memory_space<vmem>>
        %dma_start3A_132 = arith.constant 0 : i32
        %dma_start3A_133 = tpu.memref_slice %arg4[%add3A, %add3A_121, %dma_start3A_132] : memref<32x80x128xi32, #tpu.memory_space<hbm>> -> memref<1x1x128xi32, #tpu.memory_space<hbm>>
        %dma_start3A_134 = tpu.memref_squeeze %dma_start3A_133 : memref<1x1x128xi32, #tpu.memory_space<hbm>> -> memref<128xi32, #tpu.memory_space<hbm>>
        tpu.enqueue_dma source(%dma_start3A_134 : memref<128xi32, #tpu.memory_space<hbm>>) target(%dma_start3A_131 : memref<128xi32, #tpu.memory_space<vmem>>) target_semaphore(%arg16 : memref<!tpu.dma_semaphore, #tpu.memory_space<semaphore_mem>>)
        %add3A_135 = arith.constant 2 : i32
        %add3A_136 = arith.addi %add3A_75, %add3A_135 : i32
        %dma_start3A_137 = arith.constant 1 : i32
        %dma_start3A_138 = arith.constant 0 : i32
        %dma_start3A_139 = tpu.memref_slice %arg9[%dma_start3A_137, %dma_start3A_138] : memref<2x128xi32, #tpu.memory_space<vmem>> -> memref<1x128xi32, #tpu.memory_space<vmem>>
        %dma_start3A_140 = tpu.memref_squeeze %dma_start3A_139 : memref<1x128xi32, #tpu.memory_space<vmem>> -> memref<128xi32, #tpu.memory_space<vmem>>
        %dma_start3A_141 = arith.constant 0 : i32
        %dma_start3A_142 = tpu.memref_slice %arg5[%add3A, %add3A_136, %dma_start3A_141] : memref<32x80x128xi32, #tpu.memory_space<hbm>> -> memref<1x1x128xi32, #tpu.memory_space<hbm>>
        %dma_start3A_143 = tpu.memref_squeeze %dma_start3A_142 : memref<1x1x128xi32, #tpu.memory_space<hbm>> -> memref<128xi32, #tpu.memory_space<hbm>>
        %dma_start3A_144 = arith.constant 0 : i32
        %dma_start3A_145 = tpu.memref_slice %arg9[%dma_start3A_137, %dma_start3A_144] : memref<2x128xi32, #tpu.memory_space<vmem>> -> memref<1x128xi32, #tpu.memory_space<vmem>>
        %dma_start3A_146 = tpu.memref_squeeze %dma_start3A_145 : memref<1x128xi32, #tpu.memory_space<vmem>> -> memref<128xi32, #tpu.memory_space<vmem>>
        %dma_start3A_147 = arith.constant 0 : i32
        %dma_start3A_148 = tpu.memref_slice %arg5[%add3A, %add3A_136, %dma_start3A_147] : memref<32x80x128xi32, #tpu.memory_space<hbm>> -> memref<1x1x128xi32, #tpu.memory_space<hbm>>
        %dma_start3A_149 = tpu.memref_squeeze %dma_start3A_148 : memref<1x1x128xi32, #tpu.memory_space<hbm>> -> memref<128xi32, #tpu.memory_space<hbm>>
        tpu.enqueue_dma source(%dma_start3A_149 : memref<128xi32, #tpu.memory_space<hbm>>) target(%dma_start3A_146 : memref<128xi32, #tpu.memory_space<vmem>>) target_semaphore(%arg16 : memref<!tpu.dma_semaphore, #tpu.memory_space<semaphore_mem>>)
      } else {
      }
      %add3A_112 = arith.constant 1 : i32
      %add3A_113 = arith.addi %add3A_75, %add3A_112 : i32
      %lt3A_114 = arith.constant 80 : i32
      %lt3A_115 = arith.cmpi slt, %add3A_113, %lt3A_114 : i32
      %convert_element_type3A_116 = arith.extui %lt3A_115 : i1 to i32
      %cond3A_117 = arith.constant 0 : i32
      %cond3A_118 = arith.cmpi ne, %convert_element_type3A_116, %cond3A_117 : i32
      scf.if %cond3A_118 {
        %add3A_120 = arith.constant 1 : i32
        %add3A_121 = arith.addi %add3A_75, %add3A_120 : i32
        %mul3A_122 = arith.constant 128 : i32
        %mul3A_123 = arith.muli %add3A_121, %mul3A_122 : i32
        %add3A_124 = arith.addi %mul3A_11, %mul3A_123 : i32
        %dma_start3A_125 = arith.constant 0 : i32
        %dma_start3A_126 = tpu.memref_slice %arg3[%add3A_124, %dma_start3A_125] : memref<327680x128xf32, #tpu.memory_space<hbm>> -> memref<128x128xf32, #tpu.memory_space<hbm>>
        %dma_start3A_127 = arith.constant 0 : i32
        %dma_start3A_128 = tpu.memref_slice %arg3[%add3A_124, %dma_start3A_127] : memref<327680x128xf32, #tpu.memory_space<hbm>> -> memref<128x128xf32, #tpu.memory_space<hbm>>
        tpu.enqueue_dma source(%dma_start3A_128 : memref<128x128xf32, #tpu.memory_space<hbm>>) target(%arg12 : memref<128x128xf32, #tpu.memory_space<vmem>>) target_semaphore(%arg17 : memref<!tpu.dma_semaphore, #tpu.memory_space<semaphore_mem>>)
      } else {
      }
      %scan3A_119 = arith.constant 0 : i32
      scf.yield %scan3A_119 : i32
    }
    %scan3A_27 = arith.constant 40 : i32
    %barrier3A_28 = arith.constant 0 : index
    tpu.barrier barrier_id(%barrier3A_28)
    "tpu.region"() ({
      %run_scoped3A_29 = tpu.sem_alloc : memref<!tpu.dma_semaphore, #tpu.memory_space<semaphore_mem>>
      %dma_start3A_30 = arith.constant 0 : i32
      %dma_start3A_31 = tpu.memref_slice %arg7[%arg0, %mul3A_2, %dma_start3A_30] : memref<2x10112x128xf32, #tpu.memory_space<hbm>> -> memref<1x632x128xf32, #tpu.memory_space<hbm>>
      %dma_start3A_32 = tpu.memref_squeeze %dma_start3A_31 : memref<1x632x128xf32, #tpu.memory_space<hbm>> -> memref<632x128xf32, #tpu.memory_space<hbm>>
      %dma_start3A_33 = arith.constant 0 : i32
      %dma_start3A_34 = tpu.memref_slice %arg13[%mul3A_2, %dma_start3A_33] : memref<10112x128xf32, #tpu.memory_space<vmem_shared>> -> memref<632x128xf32, #tpu.memory_space<vmem_shared>>
      tpu.enqueue_dma source(%dma_start3A_34 : memref<632x128xf32, #tpu.memory_space<vmem_shared>>) target(%dma_start3A_32 : memref<632x128xf32, #tpu.memory_space<hbm>>) target_semaphore(%run_scoped3A_29 : memref<!tpu.dma_semaphore, #tpu.memory_space<semaphore_mem>>)
      %dma_wait3A = arith.constant 0 : i32
      %dma_wait3A_35 = tpu.memref_slice %arg7[%arg0, %mul3A_2, %dma_wait3A] : memref<2x10112x128xf32, #tpu.memory_space<hbm>> -> memref<1x632x128xf32, #tpu.memory_space<hbm>>
      %dma_wait3A_36 = tpu.memref_squeeze %dma_wait3A_35 : memref<1x632x128xf32, #tpu.memory_space<hbm>> -> memref<632x128xf32, #tpu.memory_space<hbm>>
      %dma_wait3A_37 = arith.constant 0 : i32
      %dma_wait3A_38 = tpu.memref_slice %arg13[%mul3A_2, %dma_wait3A_37] : memref<10112x128xf32, #tpu.memory_space<vmem_shared>> -> memref<632x128xf32, #tpu.memory_space<vmem_shared>>
      tpu.wait_dma2 semaphore(%run_scoped3A_29 : memref<!tpu.dma_semaphore, #tpu.memory_space<semaphore_mem>>) src(%dma_wait3A_38 : memref<632x128xf32, #tpu.memory_space<vmem_shared>>) dst(%dma_wait3A_36 : memref<632x128xf32, #tpu.memory_space<hbm>>)
      tpu.yield
    }) : () -> ()
    return
  }
}

#map = affine_map<(d0, d1) -> (0, 0)>
#map1 = affine_map<(d0, d1) -> (0, 0, 0)>
module attributes {stable_mosaic.version = 14 : i64} {
  func.func @_sc_msgseg(%arg0: i32, %arg1: i32, %arg2: memref<10000x128xf32, #tpu.memory_space<hbm>>, %arg3: memref<327680x128xf32, #tpu.memory_space<hbm>>, %arg4: memref<32x80x128xi32, #tpu.memory_space<hbm>>, %arg5: memref<32x80x128xi32, #tpu.memory_space<hbm>>, %arg6: memref<10112x128xf32, #tpu.memory_space<hbm>>, %arg7: memref<2x10112x128xf32, #tpu.memory_space<hbm>>, %arg8: memref<2x128xi32, #tpu.memory_space<vmem>>, %arg9: memref<2x128xi32, #tpu.memory_space<vmem>>, %arg10: memref<128x128xf32, #tpu.memory_space<vmem>>, %arg11: memref<128x128xf32, #tpu.memory_space<vmem>>, %arg12: memref<128x128xf32, #tpu.memory_space<vmem>>, %arg13: memref<10112x128xf32, #tpu.memory_space<vmem_shared>>, %arg14: memref<!tpu.dma_semaphore, #tpu.memory_space<semaphore_mem>>, %arg15: memref<!tpu.dma_semaphore, #tpu.memory_space<semaphore_mem>>, %arg16: memref<!tpu.dma_semaphore, #tpu.memory_space<semaphore_mem>>, %arg17: memref<!tpu.dma_semaphore, #tpu.memory_space<semaphore_mem>>) attributes {dimension_semantics = [#tpu.dimension_semantics<core_parallel>, #tpu.dimension_semantics<subcore_parallel>], iteration_bounds = array<i64: 2, 16>, scalar_prefetch = 0 : i64, scratch_operands = 10 : i64, tpu.core_type = #tpu.core_type<sc_vector_subcore>, window_params = [{transform_indices = #map}, {transform_indices = #map}, {transform_indices = #map1}, {transform_indices = #map1}, {transform_indices = #map}, {transform_indices = #map1}]} {
    %mul3A = arith.constant 16 : i32
    %mul3A_0 = arith.muli %arg0, %mul3A : i32
    %add3A = arith.addi %mul3A_0, %arg1 : i32
    %mul3A_1 = arith.constant 632 : i32
    %mul3A_2 = arith.muli %arg1, %mul3A_1 : i32
    "tpu.region"() ({
      %run_scoped3A_29 = tpu.sem_alloc : memref<!tpu.dma_semaphore, #tpu.memory_space<semaphore_mem>>
      %dma_start3A_30 = arith.constant 0 : i32
      %dma_start3A_31 = tpu.memref_slice %arg13[%mul3A_2, %dma_start3A_30] : memref<10112x128xf32, #tpu.memory_space<vmem_shared>> -> memref<632x128xf32, #tpu.memory_space<vmem_shared>>
      %dma_start3A_32 = arith.constant 0 : i32
      %dma_start3A_33 = tpu.memref_slice %arg6[%mul3A_2, %dma_start3A_32] : memref<10112x128xf32, #tpu.memory_space<hbm>> -> memref<632x128xf32, #tpu.memory_space<hbm>>
      tpu.enqueue_dma source(%dma_start3A_33 : memref<632x128xf32, #tpu.memory_space<hbm>>) target(%dma_start3A_31 : memref<632x128xf32, #tpu.memory_space<vmem_shared>>) target_semaphore(%run_scoped3A_29 : memref<!tpu.dma_semaphore, #tpu.memory_space<semaphore_mem>>)
      %dma_wait3A = arith.constant 0 : i32
      %dma_wait3A_34 = tpu.memref_slice %arg13[%mul3A_2, %dma_wait3A] : memref<10112x128xf32, #tpu.memory_space<vmem_shared>> -> memref<632x128xf32, #tpu.memory_space<vmem_shared>>
      %dma_wait3A_35 = arith.constant 0 : i32
      %dma_wait3A_36 = tpu.memref_slice %arg6[%mul3A_2, %dma_wait3A_35] : memref<10112x128xf32, #tpu.memory_space<hbm>> -> memref<632x128xf32, #tpu.memory_space<hbm>>
      tpu.wait_dma2 semaphore(%run_scoped3A_29 : memref<!tpu.dma_semaphore, #tpu.memory_space<semaphore_mem>>) src(%dma_wait3A_36 : memref<632x128xf32, #tpu.memory_space<hbm>>) dst(%dma_wait3A_34 : memref<632x128xf32, #tpu.memory_space<vmem_shared>>)
      tpu.yield
    }) : () -> ()
    %run_scoped3A = arith.constant 0 : i32
    %run_scoped3A_3 = arith.constant 0 : i32
    "tpu.region"() ({
      %run_scoped3A_29 = tpu.sem_alloc : memref<!tpu.dma_semaphore, #tpu.memory_space<semaphore_mem>>
      %dma_start3A_30 = arith.constant 0 : i32
      %dma_start3A_31 = tpu.memref_slice %arg8[%run_scoped3A_3, %dma_start3A_30] : memref<2x128xi32, #tpu.memory_space<vmem>> -> memref<1x128xi32, #tpu.memory_space<vmem>>
      %dma_start3A_32 = tpu.memref_squeeze %dma_start3A_31 : memref<1x128xi32, #tpu.memory_space<vmem>> -> memref<128xi32, #tpu.memory_space<vmem>>
      %dma_start3A_33 = arith.constant 0 : i32
      %dma_start3A_34 = tpu.memref_slice %arg4[%add3A, %run_scoped3A, %dma_start3A_33] : memref<32x80x128xi32, #tpu.memory_space<hbm>> -> memref<1x1x128xi32, #tpu.memory_space<hbm>>
      %dma_start3A_35 = tpu.memref_squeeze %dma_start3A_34 : memref<1x1x128xi32, #tpu.memory_space<hbm>> -> memref<128xi32, #tpu.memory_space<hbm>>
      %dma_start3A_36 = arith.constant 0 : i32
      %dma_start3A_37 = tpu.memref_slice %arg8[%run_scoped3A_3, %dma_start3A_36] : memref<2x128xi32, #tpu.memory_space<vmem>> -> memref<1x128xi32, #tpu.memory_space<vmem>>
      %dma_start3A_38 = tpu.memref_squeeze %dma_start3A_37 : memref<1x128xi32, #tpu.memory_space<vmem>> -> memref<128xi32, #tpu.memory_space<vmem>>
      %dma_start3A_39 = arith.constant 0 : i32
      %dma_start3A_40 = tpu.memref_slice %arg4[%add3A, %run_scoped3A, %dma_start3A_39] : memref<32x80x128xi32, #tpu.memory_space<hbm>> -> memref<1x1x128xi32, #tpu.memory_space<hbm>>
      %dma_start3A_41 = tpu.memref_squeeze %dma_start3A_40 : memref<1x1x128xi32, #tpu.memory_space<hbm>> -> memref<128xi32, #tpu.memory_space<hbm>>
      tpu.enqueue_dma source(%dma_start3A_41 : memref<128xi32, #tpu.memory_space<hbm>>) target(%dma_start3A_38 : memref<128xi32, #tpu.memory_space<vmem>>) target_semaphore(%run_scoped3A_29 : memref<!tpu.dma_semaphore, #tpu.memory_space<semaphore_mem>>)
      %dma_wait3A = arith.constant 0 : i32
      %dma_wait3A_42 = tpu.memref_slice %arg8[%run_scoped3A_3, %dma_wait3A] : memref<2x128xi32, #tpu.memory_space<vmem>> -> memref<1x128xi32, #tpu.memory_space<vmem>>
      %dma_wait3A_43 = tpu.memref_squeeze %dma_wait3A_42 : memref<1x128xi32, #tpu.memory_space<vmem>> -> memref<128xi32, #tpu.memory_space<vmem>>
      %dma_wait3A_44 = arith.constant 0 : i32
      %dma_wait3A_45 = tpu.memref_slice %arg4[%add3A, %run_scoped3A, %dma_wait3A_44] : memref<32x80x128xi32, #tpu.memory_space<hbm>> -> memref<1x1x128xi32, #tpu.memory_space<hbm>>
      %dma_wait3A_46 = tpu.memref_squeeze %dma_wait3A_45 : memref<1x1x128xi32, #tpu.memory_space<hbm>> -> memref<128xi32, #tpu.memory_space<hbm>>
      %dma_wait3A_47 = arith.constant 0 : i32
      %dma_wait3A_48 = tpu.memref_slice %arg8[%run_scoped3A_3, %dma_wait3A_47] : memref<2x128xi32, #tpu.memory_space<vmem>> -> memref<1x128xi32, #tpu.memory_space<vmem>>
      %dma_wait3A_49 = tpu.memref_squeeze %dma_wait3A_48 : memref<1x128xi32, #tpu.memory_space<vmem>> -> memref<128xi32, #tpu.memory_space<vmem>>
      %dma_wait3A_50 = arith.constant 0 : i32
      %dma_wait3A_51 = tpu.memref_slice %arg4[%add3A, %run_scoped3A, %dma_wait3A_50] : memref<32x80x128xi32, #tpu.memory_space<hbm>> -> memref<1x1x128xi32, #tpu.memory_space<hbm>>
      %dma_wait3A_52 = tpu.memref_squeeze %dma_wait3A_51 : memref<1x1x128xi32, #tpu.memory_space<hbm>> -> memref<128xi32, #tpu.memory_space<hbm>>
      tpu.wait_dma2 semaphore(%run_scoped3A_29 : memref<!tpu.dma_semaphore, #tpu.memory_space<semaphore_mem>>) src(%dma_wait3A_52 : memref<128xi32, #tpu.memory_space<hbm>>) dst(%dma_wait3A_49 : memref<128xi32, #tpu.memory_space<vmem>>)
      tpu.yield
    }) : () -> ()
    %run_scoped3A_4 = arith.constant 0 : i32
    %run_scoped3A_5 = arith.constant 0 : i32
    "tpu.region"() ({
      %run_scoped3A_29 = tpu.sem_alloc : memref<!tpu.dma_semaphore, #tpu.memory_space<semaphore_mem>>
      %dma_start3A_30 = arith.constant 0 : i32
      %dma_start3A_31 = tpu.memref_slice %arg9[%run_scoped3A_5, %dma_start3A_30] : memref<2x128xi32, #tpu.memory_space<vmem>> -> memref<1x128xi32, #tpu.memory_space<vmem>>
      %dma_start3A_32 = tpu.memref_squeeze %dma_start3A_31 : memref<1x128xi32, #tpu.memory_space<vmem>> -> memref<128xi32, #tpu.memory_space<vmem>>
      %dma_start3A_33 = arith.constant 0 : i32
      %dma_start3A_34 = tpu.memref_slice %arg5[%add3A, %run_scoped3A_4, %dma_start3A_33] : memref<32x80x128xi32, #tpu.memory_space<hbm>> -> memref<1x1x128xi32, #tpu.memory_space<hbm>>
      %dma_start3A_35 = tpu.memref_squeeze %dma_start3A_34 : memref<1x1x128xi32, #tpu.memory_space<hbm>> -> memref<128xi32, #tpu.memory_space<hbm>>
      %dma_start3A_36 = arith.constant 0 : i32
      %dma_start3A_37 = tpu.memref_slice %arg9[%run_scoped3A_5, %dma_start3A_36] : memref<2x128xi32, #tpu.memory_space<vmem>> -> memref<1x128xi32, #tpu.memory_space<vmem>>
      %dma_start3A_38 = tpu.memref_squeeze %dma_start3A_37 : memref<1x128xi32, #tpu.memory_space<vmem>> -> memref<128xi32, #tpu.memory_space<vmem>>
      %dma_start3A_39 = arith.constant 0 : i32
      %dma_start3A_40 = tpu.memref_slice %arg5[%add3A, %run_scoped3A_4, %dma_start3A_39] : memref<32x80x128xi32, #tpu.memory_space<hbm>> -> memref<1x1x128xi32, #tpu.memory_space<hbm>>
      %dma_start3A_41 = tpu.memref_squeeze %dma_start3A_40 : memref<1x1x128xi32, #tpu.memory_space<hbm>> -> memref<128xi32, #tpu.memory_space<hbm>>
      tpu.enqueue_dma source(%dma_start3A_41 : memref<128xi32, #tpu.memory_space<hbm>>) target(%dma_start3A_38 : memref<128xi32, #tpu.memory_space<vmem>>) target_semaphore(%run_scoped3A_29 : memref<!tpu.dma_semaphore, #tpu.memory_space<semaphore_mem>>)
      %dma_wait3A = arith.constant 0 : i32
      %dma_wait3A_42 = tpu.memref_slice %arg9[%run_scoped3A_5, %dma_wait3A] : memref<2x128xi32, #tpu.memory_space<vmem>> -> memref<1x128xi32, #tpu.memory_space<vmem>>
      %dma_wait3A_43 = tpu.memref_squeeze %dma_wait3A_42 : memref<1x128xi32, #tpu.memory_space<vmem>> -> memref<128xi32, #tpu.memory_space<vmem>>
      %dma_wait3A_44 = arith.constant 0 : i32
      %dma_wait3A_45 = tpu.memref_slice %arg5[%add3A, %run_scoped3A_4, %dma_wait3A_44] : memref<32x80x128xi32, #tpu.memory_space<hbm>> -> memref<1x1x128xi32, #tpu.memory_space<hbm>>
      %dma_wait3A_46 = tpu.memref_squeeze %dma_wait3A_45 : memref<1x1x128xi32, #tpu.memory_space<hbm>> -> memref<128xi32, #tpu.memory_space<hbm>>
      %dma_wait3A_47 = arith.constant 0 : i32
      %dma_wait3A_48 = tpu.memref_slice %arg9[%run_scoped3A_5, %dma_wait3A_47] : memref<2x128xi32, #tpu.memory_space<vmem>> -> memref<1x128xi32, #tpu.memory_space<vmem>>
      %dma_wait3A_49 = tpu.memref_squeeze %dma_wait3A_48 : memref<1x128xi32, #tpu.memory_space<vmem>> -> memref<128xi32, #tpu.memory_space<vmem>>
      %dma_wait3A_50 = arith.constant 0 : i32
      %dma_wait3A_51 = tpu.memref_slice %arg5[%add3A, %run_scoped3A_4, %dma_wait3A_50] : memref<32x80x128xi32, #tpu.memory_space<hbm>> -> memref<1x1x128xi32, #tpu.memory_space<hbm>>
      %dma_wait3A_52 = tpu.memref_squeeze %dma_wait3A_51 : memref<1x1x128xi32, #tpu.memory_space<hbm>> -> memref<128xi32, #tpu.memory_space<hbm>>
      tpu.wait_dma2 semaphore(%run_scoped3A_29 : memref<!tpu.dma_semaphore, #tpu.memory_space<semaphore_mem>>) src(%dma_wait3A_52 : memref<128xi32, #tpu.memory_space<hbm>>) dst(%dma_wait3A_49 : memref<128xi32, #tpu.memory_space<vmem>>)
      tpu.yield
    }) : () -> ()
    %run_scoped3A_6 = arith.constant 1 : i32
    %run_scoped3A_7 = arith.constant 1 : i32
    "tpu.region"() ({
      %run_scoped3A_29 = tpu.sem_alloc : memref<!tpu.dma_semaphore, #tpu.memory_space<semaphore_mem>>
      %dma_start3A_30 = arith.constant 0 : i32
      %dma_start3A_31 = tpu.memref_slice %arg8[%run_scoped3A_7, %dma_start3A_30] : memref<2x128xi32, #tpu.memory_space<vmem>> -> memref<1x128xi32, #tpu.memory_space<vmem>>
      %dma_start3A_32 = tpu.memref_squeeze %dma_start3A_31 : memref<1x128xi32, #tpu.memory_space<vmem>> -> memref<128xi32, #tpu.memory_space<vmem>>
      %dma_start3A_33 = arith.constant 0 : i32
      %dma_start3A_34 = tpu.memref_slice %arg4[%add3A, %run_scoped3A_6, %dma_start3A_33] : memref<32x80x128xi32, #tpu.memory_space<hbm>> -> memref<1x1x128xi32, #tpu.memory_space<hbm>>
      %dma_start3A_35 = tpu.memref_squeeze %dma_start3A_34 : memref<1x1x128xi32, #tpu.memory_space<hbm>> -> memref<128xi32, #tpu.memory_space<hbm>>
      %dma_start3A_36 = arith.constant 0 : i32
      %dma_start3A_37 = tpu.memref_slice %arg8[%run_scoped3A_7, %dma_start3A_36] : memref<2x128xi32, #tpu.memory_space<vmem>> -> memref<1x128xi32, #tpu.memory_space<vmem>>
      %dma_start3A_38 = tpu.memref_squeeze %dma_start3A_37 : memref<1x128xi32, #tpu.memory_space<vmem>> -> memref<128xi32, #tpu.memory_space<vmem>>
      %dma_start3A_39 = arith.constant 0 : i32
      %dma_start3A_40 = tpu.memref_slice %arg4[%add3A, %run_scoped3A_6, %dma_start3A_39] : memref<32x80x128xi32, #tpu.memory_space<hbm>> -> memref<1x1x128xi32, #tpu.memory_space<hbm>>
      %dma_start3A_41 = tpu.memref_squeeze %dma_start3A_40 : memref<1x1x128xi32, #tpu.memory_space<hbm>> -> memref<128xi32, #tpu.memory_space<hbm>>
      tpu.enqueue_dma source(%dma_start3A_41 : memref<128xi32, #tpu.memory_space<hbm>>) target(%dma_start3A_38 : memref<128xi32, #tpu.memory_space<vmem>>) target_semaphore(%run_scoped3A_29 : memref<!tpu.dma_semaphore, #tpu.memory_space<semaphore_mem>>)
      %dma_wait3A = arith.constant 0 : i32
      %dma_wait3A_42 = tpu.memref_slice %arg8[%run_scoped3A_7, %dma_wait3A] : memref<2x128xi32, #tpu.memory_space<vmem>> -> memref<1x128xi32, #tpu.memory_space<vmem>>
      %dma_wait3A_43 = tpu.memref_squeeze %dma_wait3A_42 : memref<1x128xi32, #tpu.memory_space<vmem>> -> memref<128xi32, #tpu.memory_space<vmem>>
      %dma_wait3A_44 = arith.constant 0 : i32
      %dma_wait3A_45 = tpu.memref_slice %arg4[%add3A, %run_scoped3A_6, %dma_wait3A_44] : memref<32x80x128xi32, #tpu.memory_space<hbm>> -> memref<1x1x128xi32, #tpu.memory_space<hbm>>
      %dma_wait3A_46 = tpu.memref_squeeze %dma_wait3A_45 : memref<1x1x128xi32, #tpu.memory_space<hbm>> -> memref<128xi32, #tpu.memory_space<hbm>>
      %dma_wait3A_47 = arith.constant 0 : i32
      %dma_wait3A_48 = tpu.memref_slice %arg8[%run_scoped3A_7, %dma_wait3A_47] : memref<2x128xi32, #tpu.memory_space<vmem>> -> memref<1x128xi32, #tpu.memory_space<vmem>>
      %dma_wait3A_49 = tpu.memref_squeeze %dma_wait3A_48 : memref<1x128xi32, #tpu.memory_space<vmem>> -> memref<128xi32, #tpu.memory_space<vmem>>
      %dma_wait3A_50 = arith.constant 0 : i32
      %dma_wait3A_51 = tpu.memref_slice %arg4[%add3A, %run_scoped3A_6, %dma_wait3A_50] : memref<32x80x128xi32, #tpu.memory_space<hbm>> -> memref<1x1x128xi32, #tpu.memory_space<hbm>>
      %dma_wait3A_52 = tpu.memref_squeeze %dma_wait3A_51 : memref<1x1x128xi32, #tpu.memory_space<hbm>> -> memref<128xi32, #tpu.memory_space<hbm>>
      tpu.wait_dma2 semaphore(%run_scoped3A_29 : memref<!tpu.dma_semaphore, #tpu.memory_space<semaphore_mem>>) src(%dma_wait3A_52 : memref<128xi32, #tpu.memory_space<hbm>>) dst(%dma_wait3A_49 : memref<128xi32, #tpu.memory_space<vmem>>)
      tpu.yield
    }) : () -> ()
    %run_scoped3A_8 = arith.constant 1 : i32
    %run_scoped3A_9 = arith.constant 1 : i32
    "tpu.region"() ({
      %run_scoped3A_29 = tpu.sem_alloc : memref<!tpu.dma_semaphore, #tpu.memory_space<semaphore_mem>>
      %dma_start3A_30 = arith.constant 0 : i32
      %dma_start3A_31 = tpu.memref_slice %arg9[%run_scoped3A_9, %dma_start3A_30] : memref<2x128xi32, #tpu.memory_space<vmem>> -> memref<1x128xi32, #tpu.memory_space<vmem>>
      %dma_start3A_32 = tpu.memref_squeeze %dma_start3A_31 : memref<1x128xi32, #tpu.memory_space<vmem>> -> memref<128xi32, #tpu.memory_space<vmem>>
      %dma_start3A_33 = arith.constant 0 : i32
      %dma_start3A_34 = tpu.memref_slice %arg5[%add3A, %run_scoped3A_8, %dma_start3A_33] : memref<32x80x128xi32, #tpu.memory_space<hbm>> -> memref<1x1x128xi32, #tpu.memory_space<hbm>>
      %dma_start3A_35 = tpu.memref_squeeze %dma_start3A_34 : memref<1x1x128xi32, #tpu.memory_space<hbm>> -> memref<128xi32, #tpu.memory_space<hbm>>
      %dma_start3A_36 = arith.constant 0 : i32
      %dma_start3A_37 = tpu.memref_slice %arg9[%run_scoped3A_9, %dma_start3A_36] : memref<2x128xi32, #tpu.memory_space<vmem>> -> memref<1x128xi32, #tpu.memory_space<vmem>>
      %dma_start3A_38 = tpu.memref_squeeze %dma_start3A_37 : memref<1x128xi32, #tpu.memory_space<vmem>> -> memref<128xi32, #tpu.memory_space<vmem>>
      %dma_start3A_39 = arith.constant 0 : i32
      %dma_start3A_40 = tpu.memref_slice %arg5[%add3A, %run_scoped3A_8, %dma_start3A_39] : memref<32x80x128xi32, #tpu.memory_space<hbm>> -> memref<1x1x128xi32, #tpu.memory_space<hbm>>
      %dma_start3A_41 = tpu.memref_squeeze %dma_start3A_40 : memref<1x1x128xi32, #tpu.memory_space<hbm>> -> memref<128xi32, #tpu.memory_space<hbm>>
      tpu.enqueue_dma source(%dma_start3A_41 : memref<128xi32, #tpu.memory_space<hbm>>) target(%dma_start3A_38 : memref<128xi32, #tpu.memory_space<vmem>>) target_semaphore(%run_scoped3A_29 : memref<!tpu.dma_semaphore, #tpu.memory_space<semaphore_mem>>)
      %dma_wait3A = arith.constant 0 : i32
      %dma_wait3A_42 = tpu.memref_slice %arg9[%run_scoped3A_9, %dma_wait3A] : memref<2x128xi32, #tpu.memory_space<vmem>> -> memref<1x128xi32, #tpu.memory_space<vmem>>
      %dma_wait3A_43 = tpu.memref_squeeze %dma_wait3A_42 : memref<1x128xi32, #tpu.memory_space<vmem>> -> memref<128xi32, #tpu.memory_space<vmem>>
      %dma_wait3A_44 = arith.constant 0 : i32
      %dma_wait3A_45 = tpu.memref_slice %arg5[%add3A, %run_scoped3A_8, %dma_wait3A_44] : memref<32x80x128xi32, #tpu.memory_space<hbm>> -> memref<1x1x128xi32, #tpu.memory_space<hbm>>
      %dma_wait3A_46 = tpu.memref_squeeze %dma_wait3A_45 : memref<1x1x128xi32, #tpu.memory_space<hbm>> -> memref<128xi32, #tpu.memory_space<hbm>>
      %dma_wait3A_47 = arith.constant 0 : i32
      %dma_wait3A_48 = tpu.memref_slice %arg9[%run_scoped3A_9, %dma_wait3A_47] : memref<2x128xi32, #tpu.memory_space<vmem>> -> memref<1x128xi32, #tpu.memory_space<vmem>>
      %dma_wait3A_49 = tpu.memref_squeeze %dma_wait3A_48 : memref<1x128xi32, #tpu.memory_space<vmem>> -> memref<128xi32, #tpu.memory_space<vmem>>
      %dma_wait3A_50 = arith.constant 0 : i32
      %dma_wait3A_51 = tpu.memref_slice %arg5[%add3A, %run_scoped3A_8, %dma_wait3A_50] : memref<32x80x128xi32, #tpu.memory_space<hbm>> -> memref<1x1x128xi32, #tpu.memory_space<hbm>>
      %dma_wait3A_52 = tpu.memref_squeeze %dma_wait3A_51 : memref<1x1x128xi32, #tpu.memory_space<hbm>> -> memref<128xi32, #tpu.memory_space<hbm>>
      tpu.wait_dma2 semaphore(%run_scoped3A_29 : memref<!tpu.dma_semaphore, #tpu.memory_space<semaphore_mem>>) src(%dma_wait3A_52 : memref<128xi32, #tpu.memory_space<hbm>>) dst(%dma_wait3A_49 : memref<128xi32, #tpu.memory_space<vmem>>)
      tpu.yield
    }) : () -> ()
    %barrier3A = arith.constant 0 : index
    tpu.barrier barrier_id(%barrier3A)
    %mul3A_10 = arith.constant 10240 : i32
    %mul3A_11 = arith.muli %add3A, %mul3A_10 : i32
    %dma_start3A = arith.constant 0 : i32
    %dma_start3A_12 = arith.constant 0 : i32
    %dma_start3A_13 = tpu.memref_slice %arg8[%dma_start3A, %dma_start3A_12] : memref<2x128xi32, #tpu.memory_space<vmem>> -> memref<1x128xi32, #tpu.memory_space<vmem>>
    %dma_start3A_14 = tpu.memref_squeeze %dma_start3A_13 : memref<1x128xi32, #tpu.memory_space<vmem>> -> memref<128xi32, #tpu.memory_space<vmem>>
    %dma_start3A_15 = arith.constant 0 : i32
    %dma_start3A_16 = arith.constant 0 : i32
    %dma_start3A_17 = tpu.memref_slice %arg2[%dma_start3A_15, %dma_start3A_16] : memref<10000x128xf32, #tpu.memory_space<hbm>> -> memref<10000x128xf32, #tpu.memory_space<hbm>>
    tpu.enqueue_indirect_dma source(%dma_start3A_17 : memref<10000x128xf32, #tpu.memory_space<hbm>>) target(%arg10 : memref<128x128xf32, #tpu.memory_space<vmem>>) offsets(%dma_start3A_14 : memref<128xi32, #tpu.memory_space<vmem>>) semaphore(%arg14 : memref<!tpu.dma_semaphore, #tpu.memory_space<semaphore_mem>>)
    %dma_start3A_18 = arith.constant 0 : i32
    %dma_start3A_19 = tpu.memref_slice %arg3[%mul3A_11, %dma_start3A_18] : memref<327680x128xf32, #tpu.memory_space<hbm>> -> memref<128x128xf32, #tpu.memory_space<hbm>>
    %dma_start3A_20 = arith.constant 0 : i32
    %dma_start3A_21 = tpu.memref_slice %arg3[%mul3A_11, %dma_start3A_20] : memref<327680x128xf32, #tpu.memory_space<hbm>> -> memref<128x128xf32, #tpu.memory_space<hbm>>
    tpu.enqueue_dma source(%dma_start3A_21 : memref<128x128xf32, #tpu.memory_space<hbm>>) target(%arg12 : memref<128x128xf32, #tpu.memory_space<vmem>>) target_semaphore(%arg17 : memref<!tpu.dma_semaphore, #tpu.memory_space<semaphore_mem>>)
    %scan3A = arith.constant 0 : i32
    %scan3A_22 = arith.constant 0 : i32
    %scan3A_23 = arith.constant 40 : i32
    %scan3A_24 = arith.addi %scan3A_22, %scan3A_23 : i32
    %scan3A_25 = arith.constant 1 : i32
    %scan3A_26 = scf.for %scan3A_29 = %scan3A_22 to %scan3A_24 step %scan3A_25 iter_args(%scan3A_30 = %scan3A) -> (i32)  : i32 {
      %mul3A_31 = arith.constant 2 : i32
      %mul3A_32 = arith.muli %scan3A_29, %mul3A_31 : i32
      %mul3A_33 = arith.constant 128 : i32
      %mul3A_34 = arith.muli %mul3A_32, %mul3A_33 : i32
      %add3A_35 = arith.addi %mul3A_11, %mul3A_34 : i32
      %dma_wait3A = arith.constant 0 : i32
      %dma_wait3A_36 = tpu.memref_slice %arg3[%add3A_35, %dma_wait3A] : memref<327680x128xf32, #tpu.memory_space<hbm>> -> memref<128x128xf32, #tpu.memory_space<hbm>>
      %dma_wait3A_37 = arith.constant 0 : i32
      %dma_wait3A_38 = tpu.memref_slice %arg3[%add3A_35, %dma_wait3A_37] : memref<327680x128xf32, #tpu.memory_space<hbm>> -> memref<128x128xf32, #tpu.memory_space<hbm>>
      tpu.wait_dma2 semaphore(%arg17 : memref<!tpu.dma_semaphore, #tpu.memory_space<semaphore_mem>>) src(%dma_wait3A_38 : memref<128x128xf32, #tpu.memory_space<hbm>>) dst(%arg12 : memref<128x128xf32, #tpu.memory_space<vmem>>)
      %dma_wait3A_39 = arith.constant 0 : i32
      %dma_wait3A_40 = arith.constant 0 : i32
      %dma_wait3A_41 = tpu.memref_slice %arg8[%dma_wait3A_39, %dma_wait3A_40] : memref<2x128xi32, #tpu.memory_space<vmem>> -> memref<1x128xi32, #tpu.memory_space<vmem>>
      %dma_wait3A_42 = tpu.memref_squeeze %dma_wait3A_41 : memref<1x128xi32, #tpu.memory_space<vmem>> -> memref<128xi32, #tpu.memory_space<vmem>>
      %dma_wait3A_43 = arith.constant 0 : i32
      %dma_wait3A_44 = arith.constant 0 : i32
      %dma_wait3A_45 = tpu.memref_slice %arg2[%dma_wait3A_43, %dma_wait3A_44] : memref<10000x128xf32, #tpu.memory_space<hbm>> -> memref<10000x128xf32, #tpu.memory_space<hbm>>
      tpu.wait_indirect_dma semaphore(%arg14 : memref<!tpu.dma_semaphore, #tpu.memory_space<semaphore_mem>>) src(%dma_wait3A_45 : memref<10000x128xf32, #tpu.memory_space<hbm>>) dst(%arg10 : memref<128x128xf32, #tpu.memory_space<vmem>>)
      %add3A_46 = arith.constant 1 : i32
      %add3A_47 = arith.addi %mul3A_32, %add3A_46 : i32
      %lt3A = arith.constant 80 : i32
      %lt3A_48 = arith.cmpi slt, %add3A_47, %lt3A : i32
      %convert_element_type3A = arith.extui %lt3A_48 : i1 to i32
      %cond3A = arith.constant 0 : i32
      %cond3A_49 = arith.cmpi ne, %convert_element_type3A, %cond3A : i32
      scf.if %cond3A_49 {
        %ge3A = arith.constant 1 : i32
        %ge3A_120 = arith.cmpi sge, %mul3A_32, %ge3A : i32
        %convert_element_type3A_121 = arith.extui %ge3A_120 : i1 to i32
        %cond3A_122 = arith.constant 0 : i32
        %cond3A_123 = arith.cmpi ne, %convert_element_type3A_121, %cond3A_122 : i32
        scf.if %cond3A_123 {
          %dma_wait3A_131 = arith.constant 0 : i32
          %dma_wait3A_132 = arith.constant 1 : i32
          %dma_wait3A_133 = arith.constant 0 : i32
          %dma_wait3A_134 = tpu.memref_slice %arg8[%dma_wait3A_132, %dma_wait3A_133] : memref<2x128xi32, #tpu.memory_space<vmem>> -> memref<1x128xi32, #tpu.memory_space<vmem>>
          %dma_wait3A_135 = tpu.memref_squeeze %dma_wait3A_134 : memref<1x128xi32, #tpu.memory_space<vmem>> -> memref<128xi32, #tpu.memory_space<vmem>>
          %dma_wait3A_136 = arith.constant 0 : i32
          %dma_wait3A_137 = tpu.memref_slice %arg4[%add3A, %dma_wait3A_131, %dma_wait3A_136] : memref<32x80x128xi32, #tpu.memory_space<hbm>> -> memref<1x1x128xi32, #tpu.memory_space<hbm>>
          %dma_wait3A_138 = tpu.memref_squeeze %dma_wait3A_137 : memref<1x1x128xi32, #tpu.memory_space<hbm>> -> memref<128xi32, #tpu.memory_space<hbm>>
          %dma_wait3A_139 = arith.constant 0 : i32
          %dma_wait3A_140 = tpu.memref_slice %arg8[%dma_wait3A_132, %dma_wait3A_139] : memref<2x128xi32, #tpu.memory_space<vmem>> -> memref<1x128xi32, #tpu.memory_space<vmem>>
          %dma_wait3A_141 = tpu.memref_squeeze %dma_wait3A_140 : memref<1x128xi32, #tpu.memory_space<vmem>> -> memref<128xi32, #tpu.memory_space<vmem>>
          %dma_wait3A_142 = arith.constant 0 : i32
          %dma_wait3A_143 = tpu.memref_slice %arg4[%add3A, %dma_wait3A_131, %dma_wait3A_142] : memref<32x80x128xi32, #tpu.memory_space<hbm>> -> memref<1x1x128xi32, #tpu.memory_space<hbm>>
          %dma_wait3A_144 = tpu.memref_squeeze %dma_wait3A_143 : memref<1x1x128xi32, #tpu.memory_space<hbm>> -> memref<128xi32, #tpu.memory_space<hbm>>
          tpu.wait_dma2 semaphore(%arg16 : memref<!tpu.dma_semaphore, #tpu.memory_space<semaphore_mem>>) src(%dma_wait3A_144 : memref<128xi32, #tpu.memory_space<hbm>>) dst(%dma_wait3A_141 : memref<128xi32, #tpu.memory_space<vmem>>)
          %dma_wait3A_145 = arith.constant 0 : i32
          %dma_wait3A_146 = arith.constant 1 : i32
          %dma_wait3A_147 = arith.constant 0 : i32
          %dma_wait3A_148 = tpu.memref_slice %arg9[%dma_wait3A_146, %dma_wait3A_147] : memref<2x128xi32, #tpu.memory_space<vmem>> -> memref<1x128xi32, #tpu.memory_space<vmem>>
          %dma_wait3A_149 = tpu.memref_squeeze %dma_wait3A_148 : memref<1x128xi32, #tpu.memory_space<vmem>> -> memref<128xi32, #tpu.memory_space<vmem>>
          %dma_wait3A_150 = arith.constant 0 : i32
          %dma_wait3A_151 = tpu.memref_slice %arg5[%add3A, %dma_wait3A_145, %dma_wait3A_150] : memref<32x80x128xi32, #tpu.memory_space<hbm>> -> memref<1x1x128xi32, #tpu.memory_space<hbm>>
          %dma_wait3A_152 = tpu.memref_squeeze %dma_wait3A_151 : memref<1x1x128xi32, #tpu.memory_space<hbm>> -> memref<128xi32, #tpu.memory_space<hbm>>
          %dma_wait3A_153 = arith.constant 0 : i32
          %dma_wait3A_154 = tpu.memref_slice %arg9[%dma_wait3A_146, %dma_wait3A_153] : memref<2x128xi32, #tpu.memory_space<vmem>> -> memref<1x128xi32, #tpu.memory_space<vmem>>
          %dma_wait3A_155 = tpu.memref_squeeze %dma_wait3A_154 : memref<1x128xi32, #tpu.memory_space<vmem>> -> memref<128xi32, #tpu.memory_space<vmem>>
          %dma_wait3A_156 = arith.constant 0 : i32
          %dma_wait3A_157 = tpu.memref_slice %arg5[%add3A, %dma_wait3A_145, %dma_wait3A_156] : memref<32x80x128xi32, #tpu.memory_space<hbm>> -> memref<1x1x128xi32, #tpu.memory_space<hbm>>
          %dma_wait3A_158 = tpu.memref_squeeze %dma_wait3A_157 : memref<1x1x128xi32, #tpu.memory_space<hbm>> -> memref<128xi32, #tpu.memory_space<hbm>>
          tpu.wait_dma2 semaphore(%arg16 : memref<!tpu.dma_semaphore, #tpu.memory_space<semaphore_mem>>) src(%dma_wait3A_158 : memref<128xi32, #tpu.memory_space<hbm>>) dst(%dma_wait3A_155 : memref<128xi32, #tpu.memory_space<vmem>>)
        } else {
        }
        %dma_start3A_124 = arith.constant 1 : i32
        %dma_start3A_125 = arith.constant 0 : i32
        %dma_start3A_126 = tpu.memref_slice %arg8[%dma_start3A_124, %dma_start3A_125] : memref<2x128xi32, #tpu.memory_space<vmem>> -> memref<1x128xi32, #tpu.memory_space<vmem>>
        %dma_start3A_127 = tpu.memref_squeeze %dma_start3A_126 : memref<1x128xi32, #tpu.memory_space<vmem>> -> memref<128xi32, #tpu.memory_space<vmem>>
        %dma_start3A_128 = arith.constant 0 : i32
        %dma_start3A_129 = arith.constant 0 : i32
        %dma_start3A_130 = tpu.memref_slice %arg2[%dma_start3A_128, %dma_start3A_129] : memref<10000x128xf32, #tpu.memory_space<hbm>> -> memref<10000x128xf32, #tpu.memory_space<hbm>>
        tpu.enqueue_indirect_dma source(%dma_start3A_130 : memref<10000x128xf32, #tpu.memory_space<hbm>>) target(%arg11 : memref<128x128xf32, #tpu.memory_space<vmem>>) offsets(%dma_start3A_127 : memref<128xi32, #tpu.memory_space<vmem>>) semaphore(%arg15 : memref<!tpu.dma_semaphore, #tpu.memory_space<semaphore_mem>>)
      } else {
      }
      %scan3A_50 = arith.constant 0 : i32
      %scan3A_51 = arith.constant 0 : i32
      %scan3A_52 = arith.constant 128 : i32
      %scan3A_53 = arith.addi %scan3A_51, %scan3A_52 : i32
      %scan3A_54 = arith.constant 1 : i32
      %scan3A_55 = scf.for %scan3A_120 = %scan3A_51 to %scan3A_53 step %scan3A_54 iter_args(%scan3A_121 = %scan3A_50) -> (i32)  : i32 {
        %get3A = arith.index_cast %scan3A_120 : i32 to index
        %get3A_122 = arith.constant 0 : index
        %get3A_123 = tpu.vector_load %arg10[%get3A, %get3A_122] {strides = array<i32>} : memref<128x128xf32, #tpu.memory_space<vmem>>, vector<1x16xf32>,
        %get3A_124 = vector.shape_cast %get3A_123 : vector<1x16xf32> to vector<16xf32>
        %get3A_125 = arith.index_cast %scan3A_120 : i32 to index
        %get3A_126 = arith.constant 0 : index
        %get3A_127 = tpu.vector_load %arg12[%get3A_125, %get3A_126] {strides = array<i32>} : memref<128x128xf32, #tpu.memory_space<vmem>>, vector<1x16xf32>,
        %get3A_128 = vector.shape_cast %get3A_127 : vector<1x16xf32> to vector<16xf32>
        %add3A_129 = arith.addf %get3A_124, %get3A_128 : vector<16xf32>
        %swap3A = arith.index_cast %scan3A_120 : i32 to index
        %swap3A_130 = arith.constant 0 : index
        %swap3A_131 = tpu.vector_load %arg12[%swap3A, %swap3A_130] {strides = array<i32>} : memref<128x128xf32, #tpu.memory_space<vmem>>, vector<1x16xf32>,
        %swap3A_132 = vector.shape_cast %swap3A_131 : vector<1x16xf32> to vector<16xf32>
        %swap3A_133 = vector.shape_cast %add3A_129 : vector<16xf32> to vector<1x16xf32>
        tpu.vector_store %arg12[%swap3A, %swap3A_130], %swap3A_133 {strides = array<i32>} : memref<128x128xf32, #tpu.memory_space<vmem>>, vector<1x16xf32>,
        %get3A_134 = arith.index_cast %scan3A_120 : i32 to index
        %get3A_135 = arith.constant 16 : index
        %get3A_136 = tpu.vector_load %arg10[%get3A_134, %get3A_135] {strides = array<i32>} : memref<128x128xf32, #tpu.memory_space<vmem>>, vector<1x16xf32>,
        %get3A_137 = vector.shape_cast %get3A_136 : vector<1x16xf32> to vector<16xf32>
        %get3A_138 = arith.index_cast %scan3A_120 : i32 to index
        %get3A_139 = arith.constant 16 : index
        %get3A_140 = tpu.vector_load %arg12[%get3A_138, %get3A_139] {strides = array<i32>} : memref<128x128xf32, #tpu.memory_space<vmem>>, vector<1x16xf32>,
        %get3A_141 = vector.shape_cast %get3A_140 : vector<1x16xf32> to vector<16xf32>
        %add3A_142 = arith.addf %get3A_137, %get3A_141 : vector<16xf32>
        %swap3A_143 = arith.index_cast %scan3A_120 : i32 to index
        %swap3A_144 = arith.constant 16 : index
        %swap3A_145 = tpu.vector_load %arg12[%swap3A_143, %swap3A_144] {strides = array<i32>} : memref<128x128xf32, #tpu.memory_space<vmem>>, vector<1x16xf32>,
        %swap3A_146 = vector.shape_cast %swap3A_145 : vector<1x16xf32> to vector<16xf32>
        %swap3A_147 = vector.shape_cast %add3A_142 : vector<16xf32> to vector<1x16xf32>
        tpu.vector_store %arg12[%swap3A_143, %swap3A_144], %swap3A_147 {strides = array<i32>} : memref<128x128xf32, #tpu.memory_space<vmem>>, vector<1x16xf32>,
        %get3A_148 = arith.index_cast %scan3A_120 : i32 to index
        %get3A_149 = arith.constant 32 : index
        %get3A_150 = tpu.vector_load %arg10[%get3A_148, %get3A_149] {strides = array<i32>} : memref<128x128xf32, #tpu.memory_space<vmem>>, vector<1x16xf32>,
        %get3A_151 = vector.shape_cast %get3A_150 : vector<1x16xf32> to vector<16xf32>
        %get3A_152 = arith.index_cast %scan3A_120 : i32 to index
        %get3A_153 = arith.constant 32 : index
        %get3A_154 = tpu.vector_load %arg12[%get3A_152, %get3A_153] {strides = array<i32>} : memref<128x128xf32, #tpu.memory_space<vmem>>, vector<1x16xf32>,
        %get3A_155 = vector.shape_cast %get3A_154 : vector<1x16xf32> to vector<16xf32>
        %add3A_156 = arith.addf %get3A_151, %get3A_155 : vector<16xf32>
        %swap3A_157 = arith.index_cast %scan3A_120 : i32 to index
        %swap3A_158 = arith.constant 32 : index
        %swap3A_159 = tpu.vector_load %arg12[%swap3A_157, %swap3A_158] {strides = array<i32>} : memref<128x128xf32, #tpu.memory_space<vmem>>, vector<1x16xf32>,
        %swap3A_160 = vector.shape_cast %swap3A_159 : vector<1x16xf32> to vector<16xf32>
        %swap3A_161 = vector.shape_cast %add3A_156 : vector<16xf32> to vector<1x16xf32>
        tpu.vector_store %arg12[%swap3A_157, %swap3A_158], %swap3A_161 {strides = array<i32>} : memref<128x128xf32, #tpu.memory_space<vmem>>, vector<1x16xf32>,
        %get3A_162 = arith.index_cast %scan3A_120 : i32 to index
        %get3A_163 = arith.constant 48 : index
        %get3A_164 = tpu.vector_load %arg10[%get3A_162, %get3A_163] {strides = array<i32>} : memref<128x128xf32, #tpu.memory_space<vmem>>, vector<1x16xf32>,
        %get3A_165 = vector.shape_cast %get3A_164 : vector<1x16xf32> to vector<16xf32>
        %get3A_166 = arith.index_cast %scan3A_120 : i32 to index
        %get3A_167 = arith.constant 48 : index
        %get3A_168 = tpu.vector_load %arg12[%get3A_166, %get3A_167] {strides = array<i32>} : memref<128x128xf32, #tpu.memory_space<vmem>>, vector<1x16xf32>,
        %get3A_169 = vector.shape_cast %get3A_168 : vector<1x16xf32> to vector<16xf32>
        %add3A_170 = arith.addf %get3A_165, %get3A_169 : vector<16xf32>
        %swap3A_171 = arith.index_cast %scan3A_120 : i32 to index
        %swap3A_172 = arith.constant 48 : index
        %swap3A_173 = tpu.vector_load %arg12[%swap3A_171, %swap3A_172] {strides = array<i32>} : memref<128x128xf32, #tpu.memory_space<vmem>>, vector<1x16xf32>,
        %swap3A_174 = vector.shape_cast %swap3A_173 : vector<1x16xf32> to vector<16xf32>
        %swap3A_175 = vector.shape_cast %add3A_170 : vector<16xf32> to vector<1x16xf32>
        tpu.vector_store %arg12[%swap3A_171, %swap3A_172], %swap3A_175 {strides = array<i32>} : memref<128x128xf32, #tpu.memory_space<vmem>>, vector<1x16xf32>,
        %get3A_176 = arith.index_cast %scan3A_120 : i32 to index
        %get3A_177 = arith.constant 64 : index
        %get3A_178 = tpu.vector_load %arg10[%get3A_176, %get3A_177] {strides = array<i32>} : memref<128x128xf32, #tpu.memory_space<vmem>>, vector<1x16xf32>,
        %get3A_179 = vector.shape_cast %get3A_178 : vector<1x16xf32> to vector<16xf32>
        %get3A_180 = arith.index_cast %scan3A_120 : i32 to index
        %get3A_181 = arith.constant 64 : index
        %get3A_182 = tpu.vector_load %arg12[%get3A_180, %get3A_181] {strides = array<i32>} : memref<128x128xf32, #tpu.memory_space<vmem>>, vector<1x16xf32>,
        %get3A_183 = vector.shape_cast %get3A_182 : vector<1x16xf32> to vector<16xf32>
        %add3A_184 = arith.addf %get3A_179, %get3A_183 : vector<16xf32>
        %swap3A_185 = arith.index_cast %scan3A_120 : i32 to index
        %swap3A_186 = arith.constant 64 : index
        %swap3A_187 = tpu.vector_load %arg12[%swap3A_185, %swap3A_186] {strides = array<i32>} : memref<128x128xf32, #tpu.memory_space<vmem>>, vector<1x16xf32>,
        %swap3A_188 = vector.shape_cast %swap3A_187 : vector<1x16xf32> to vector<16xf32>
        %swap3A_189 = vector.shape_cast %add3A_184 : vector<16xf32> to vector<1x16xf32>
        tpu.vector_store %arg12[%swap3A_185, %swap3A_186], %swap3A_189 {strides = array<i32>} : memref<128x128xf32, #tpu.memory_space<vmem>>, vector<1x16xf32>,
        %get3A_190 = arith.index_cast %scan3A_120 : i32 to index
        %get3A_191 = arith.constant 80 : index
        %get3A_192 = tpu.vector_load %arg10[%get3A_190, %get3A_191] {strides = array<i32>} : memref<128x128xf32, #tpu.memory_space<vmem>>, vector<1x16xf32>,
        %get3A_193 = vector.shape_cast %get3A_192 : vector<1x16xf32> to vector<16xf32>
        %get3A_194 = arith.index_cast %scan3A_120 : i32 to index
        %get3A_195 = arith.constant 80 : index
        %get3A_196 = tpu.vector_load %arg12[%get3A_194, %get3A_195] {strides = array<i32>} : memref<128x128xf32, #tpu.memory_space<vmem>>, vector<1x16xf32>,
        %get3A_197 = vector.shape_cast %get3A_196 : vector<1x16xf32> to vector<16xf32>
        %add3A_198 = arith.addf %get3A_193, %get3A_197 : vector<16xf32>
        %swap3A_199 = arith.index_cast %scan3A_120 : i32 to index
        %swap3A_200 = arith.constant 80 : index
        %swap3A_201 = tpu.vector_load %arg12[%swap3A_199, %swap3A_200] {strides = array<i32>} : memref<128x128xf32, #tpu.memory_space<vmem>>, vector<1x16xf32>,
        %swap3A_202 = vector.shape_cast %swap3A_201 : vector<1x16xf32> to vector<16xf32>
        %swap3A_203 = vector.shape_cast %add3A_198 : vector<16xf32> to vector<1x16xf32>
        tpu.vector_store %arg12[%swap3A_199, %swap3A_200], %swap3A_203 {strides = array<i32>} : memref<128x128xf32, #tpu.memory_space<vmem>>, vector<1x16xf32>,
        %get3A_204 = arith.index_cast %scan3A_120 : i32 to index
        %get3A_205 = arith.constant 96 : index
        %get3A_206 = tpu.vector_load %arg10[%get3A_204, %get3A_205] {strides = array<i32>} : memref<128x128xf32, #tpu.memory_space<vmem>>, vector<1x16xf32>,
        %get3A_207 = vector.shape_cast %get3A_206 : vector<1x16xf32> to vector<16xf32>
        %get3A_208 = arith.index_cast %scan3A_120 : i32 to index
        %get3A_209 = arith.constant 96 : index
        %get3A_210 = tpu.vector_load %arg12[%get3A_208, %get3A_209] {strides = array<i32>} : memref<128x128xf32, #tpu.memory_space<vmem>>, vector<1x16xf32>,
        %get3A_211 = vector.shape_cast %get3A_210 : vector<1x16xf32> to vector<16xf32>
        %add3A_212 = arith.addf %get3A_207, %get3A_211 : vector<16xf32>
        %swap3A_213 = arith.index_cast %scan3A_120 : i32 to index
        %swap3A_214 = arith.constant 96 : index
        %swap3A_215 = tpu.vector_load %arg12[%swap3A_213, %swap3A_214] {strides = array<i32>} : memref<128x128xf32, #tpu.memory_space<vmem>>, vector<1x16xf32>,
        %swap3A_216 = vector.shape_cast %swap3A_215 : vector<1x16xf32> to vector<16xf32>
        %swap3A_217 = vector.shape_cast %add3A_212 : vector<16xf32> to vector<1x16xf32>
        tpu.vector_store %arg12[%swap3A_213, %swap3A_214], %swap3A_217 {strides = array<i32>} : memref<128x128xf32, #tpu.memory_space<vmem>>, vector<1x16xf32>,
        %get3A_218 = arith.index_cast %scan3A_120 : i32 to index
        %get3A_219 = arith.constant 112 : index
        %get3A_220 = tpu.vector_load %arg10[%get3A_218, %get3A_219] {strides = array<i32>} : memref<128x128xf32, #tpu.memory_space<vmem>>, vector<1x16xf32>,
        %get3A_221 = vector.shape_cast %get3A_220 : vector<1x16xf32> to vector<16xf32>
        %get3A_222 = arith.index_cast %scan3A_120 : i32 to index
        %get3A_223 = arith.constant 112 : index
        %get3A_224 = tpu.vector_load %arg12[%get3A_222, %get3A_223] {strides = array<i32>} : memref<128x128xf32, #tpu.memory_space<vmem>>, vector<1x16xf32>,
        %get3A_225 = vector.shape_cast %get3A_224 : vector<1x16xf32> to vector<16xf32>
        %add3A_226 = arith.addf %get3A_221, %get3A_225 : vector<16xf32>
        %swap3A_227 = arith.index_cast %scan3A_120 : i32 to index
        %swap3A_228 = arith.constant 112 : index
        %swap3A_229 = tpu.vector_load %arg12[%swap3A_227, %swap3A_228] {strides = array<i32>} : memref<128x128xf32, #tpu.memory_space<vmem>>, vector<1x16xf32>,
        %swap3A_230 = vector.shape_cast %swap3A_229 : vector<1x16xf32> to vector<16xf32>
        %swap3A_231 = vector.shape_cast %add3A_226 : vector<16xf32> to vector<1x16xf32>
        tpu.vector_store %arg12[%swap3A_227, %swap3A_228], %swap3A_231 {strides = array<i32>} : memref<128x128xf32, #tpu.memory_space<vmem>>, vector<1x16xf32>,
        %scan3A_232 = arith.constant 0 : i32
        scf.yield %scan3A_232 : i32
      }
      %scan3A_56 = arith.constant 128 : i32
      %run_scoped3A_57 = arith.constant 0 : i32
      "tpu.region"() ({
        %run_scoped3A_120 = tpu.sem_alloc : memref<!tpu.dma_semaphore, #tpu.memory_space<semaphore_mem>>
        %dma_start3A_121 = arith.constant 0 : i32
        %dma_start3A_122 = tpu.memref_slice %arg9[%run_scoped3A_57, %dma_start3A_121] : memref<2x128xi32, #tpu.memory_space<vmem>> -> memref<1x128xi32, #tpu.memory_space<vmem>>
        %dma_start3A_123 = tpu.memref_squeeze %dma_start3A_122 : memref<1x128xi32, #tpu.memory_space<vmem>> -> memref<128xi32, #tpu.memory_space<vmem>>
        %dma_start3A_124 = arith.constant 0 : i32
        %dma_start3A_125 = arith.constant 0 : i32
        %dma_start3A_126 = tpu.memref_slice %arg13[%dma_start3A_124, %dma_start3A_125] : memref<10112x128xf32, #tpu.memory_space<vmem_shared>> -> memref<10112x128xf32, #tpu.memory_space<vmem_shared>>
        tpu.enqueue_indirect_dma source(%arg12 : memref<128x128xf32, #tpu.memory_space<vmem>>) target(%dma_start3A_126 : memref<10112x128xf32, #tpu.memory_space<vmem_shared>>) offsets(%dma_start3A_123 : memref<128xi32, #tpu.memory_space<vmem>>) semaphore(%run_scoped3A_120 : memref<!tpu.dma_semaphore, #tpu.memory_space<semaphore_mem>>) {add = true}
        %dma_wait3A_127 = arith.constant 0 : i32
        %dma_wait3A_128 = tpu.memref_slice %arg9[%run_scoped3A_57, %dma_wait3A_127] : memref<2x128xi32, #tpu.memory_space<vmem>> -> memref<1x128xi32, #tpu.memory_space<vmem>>
        %dma_wait3A_129 = tpu.memref_squeeze %dma_wait3A_128 : memref<1x128xi32, #tpu.memory_space<vmem>> -> memref<128xi32, #tpu.memory_space<vmem>>
        %dma_wait3A_130 = arith.constant 0 : i32
        %dma_wait3A_131 = arith.constant 0 : i32
        %dma_wait3A_132 = tpu.memref_slice %arg13[%dma_wait3A_130, %dma_wait3A_131] : memref<10112x128xf32, #tpu.memory_space<vmem_shared>> -> memref<10112x128xf32, #tpu.memory_space<vmem_shared>>
        tpu.wait_indirect_dma semaphore(%run_scoped3A_120 : memref<!tpu.dma_semaphore, #tpu.memory_space<semaphore_mem>>) src(%arg12 : memref<128x128xf32, #tpu.memory_space<vmem>>) dst(%dma_wait3A_132 : memref<10112x128xf32, #tpu.memory_space<vmem_shared>>)
        tpu.yield
      }) : () -> ()
      %add3A_58 = arith.constant 2 : i32
      %add3A_59 = arith.addi %mul3A_32, %add3A_58 : i32
      %lt3A_60 = arith.constant 80 : i32
      %lt3A_61 = arith.cmpi slt, %add3A_59, %lt3A_60 : i32
      %convert_element_type3A_62 = arith.extui %lt3A_61 : i1 to i32
      %cond3A_63 = arith.constant 0 : i32
      %cond3A_64 = arith.cmpi ne, %convert_element_type3A_62, %cond3A_63 : i32
      scf.if %cond3A_64 {
        %add3A_120 = arith.constant 2 : i32
        %add3A_121 = arith.addi %mul3A_32, %add3A_120 : i32
        %dma_start3A_122 = arith.constant 0 : i32
        %dma_start3A_123 = arith.constant 0 : i32
        %dma_start3A_124 = tpu.memref_slice %arg8[%dma_start3A_122, %dma_start3A_123] : memref<2x128xi32, #tpu.memory_space<vmem>> -> memref<1x128xi32, #tpu.memory_space<vmem>>
        %dma_start3A_125 = tpu.memref_squeeze %dma_start3A_124 : memref<1x128xi32, #tpu.memory_space<vmem>> -> memref<128xi32, #tpu.memory_space<vmem>>
        %dma_start3A_126 = arith.constant 0 : i32
        %dma_start3A_127 = tpu.memref_slice %arg4[%add3A, %add3A_121, %dma_start3A_126] : memref<32x80x128xi32, #tpu.memory_space<hbm>> -> memref<1x1x128xi32, #tpu.memory_space<hbm>>
        %dma_start3A_128 = tpu.memref_squeeze %dma_start3A_127 : memref<1x1x128xi32, #tpu.memory_space<hbm>> -> memref<128xi32, #tpu.memory_space<hbm>>
        %dma_start3A_129 = arith.constant 0 : i32
        %dma_start3A_130 = tpu.memref_slice %arg8[%dma_start3A_122, %dma_start3A_129] : memref<2x128xi32, #tpu.memory_space<vmem>> -> memref<1x128xi32, #tpu.memory_space<vmem>>
        %dma_start3A_131 = tpu.memref_squeeze %dma_start3A_130 : memref<1x128xi32, #tpu.memory_space<vmem>> -> memref<128xi32, #tpu.memory_space<vmem>>
        %dma_start3A_132 = arith.constant 0 : i32
        %dma_start3A_133 = tpu.memref_slice %arg4[%add3A, %add3A_121, %dma_start3A_132] : memref<32x80x128xi32, #tpu.memory_space<hbm>> -> memref<1x1x128xi32, #tpu.memory_space<hbm>>
        %dma_start3A_134 = tpu.memref_squeeze %dma_start3A_133 : memref<1x1x128xi32, #tpu.memory_space<hbm>> -> memref<128xi32, #tpu.memory_space<hbm>>
        tpu.enqueue_dma source(%dma_start3A_134 : memref<128xi32, #tpu.memory_space<hbm>>) target(%dma_start3A_131 : memref<128xi32, #tpu.memory_space<vmem>>) target_semaphore(%arg16 : memref<!tpu.dma_semaphore, #tpu.memory_space<semaphore_mem>>)
        %add3A_135 = arith.constant 2 : i32
        %add3A_136 = arith.addi %mul3A_32, %add3A_135 : i32
        %dma_start3A_137 = arith.constant 0 : i32
        %dma_start3A_138 = arith.constant 0 : i32
        %dma_start3A_139 = tpu.memref_slice %arg9[%dma_start3A_137, %dma_start3A_138] : memref<2x128xi32, #tpu.memory_space<vmem>> -> memref<1x128xi32, #tpu.memory_space<vmem>>
        %dma_start3A_140 = tpu.memref_squeeze %dma_start3A_139 : memref<1x128xi32, #tpu.memory_space<vmem>> -> memref<128xi32, #tpu.memory_space<vmem>>
        %dma_start3A_141 = arith.constant 0 : i32
        %dma_start3A_142 = tpu.memref_slice %arg5[%add3A, %add3A_136, %dma_start3A_141] : memref<32x80x128xi32, #tpu.memory_space<hbm>> -> memref<1x1x128xi32, #tpu.memory_space<hbm>>
        %dma_start3A_143 = tpu.memref_squeeze %dma_start3A_142 : memref<1x1x128xi32, #tpu.memory_space<hbm>> -> memref<128xi32, #tpu.memory_space<hbm>>
        %dma_start3A_144 = arith.constant 0 : i32
        %dma_start3A_145 = tpu.memref_slice %arg9[%dma_start3A_137, %dma_start3A_144] : memref<2x128xi32, #tpu.memory_space<vmem>> -> memref<1x128xi32, #tpu.memory_space<vmem>>
        %dma_start3A_146 = tpu.memref_squeeze %dma_start3A_145 : memref<1x128xi32, #tpu.memory_space<vmem>> -> memref<128xi32, #tpu.memory_space<vmem>>
        %dma_start3A_147 = arith.constant 0 : i32
        %dma_start3A_148 = tpu.memref_slice %arg5[%add3A, %add3A_136, %dma_start3A_147] : memref<32x80x128xi32, #tpu.memory_space<hbm>> -> memref<1x1x128xi32, #tpu.memory_space<hbm>>
        %dma_start3A_149 = tpu.memref_squeeze %dma_start3A_148 : memref<1x1x128xi32, #tpu.memory_space<hbm>> -> memref<128xi32, #tpu.memory_space<hbm>>
        tpu.enqueue_dma source(%dma_start3A_149 : memref<128xi32, #tpu.memory_space<hbm>>) target(%dma_start3A_146 : memref<128xi32, #tpu.memory_space<vmem>>) target_semaphore(%arg16 : memref<!tpu.dma_semaphore, #tpu.memory_space<semaphore_mem>>)
      } else {
      }
      %add3A_65 = arith.constant 1 : i32
      %add3A_66 = arith.addi %mul3A_32, %add3A_65 : i32
      %lt3A_67 = arith.constant 80 : i32
      %lt3A_68 = arith.cmpi slt, %add3A_66, %lt3A_67 : i32
      %convert_element_type3A_69 = arith.extui %lt3A_68 : i1 to i32
      %cond3A_70 = arith.constant 0 : i32
      %cond3A_71 = arith.cmpi ne, %convert_element_type3A_69, %cond3A_70 : i32
      scf.if %cond3A_71 {
        %add3A_120 = arith.constant 1 : i32
        %add3A_121 = arith.addi %mul3A_32, %add3A_120 : i32
        %mul3A_122 = arith.constant 128 : i32
        %mul3A_123 = arith.muli %add3A_121, %mul3A_122 : i32
        %add3A_124 = arith.addi %mul3A_11, %mul3A_123 : i32
        %dma_start3A_125 = arith.constant 0 : i32
        %dma_start3A_126 = tpu.memref_slice %arg3[%add3A_124, %dma_start3A_125] : memref<327680x128xf32, #tpu.memory_space<hbm>> -> memref<128x128xf32, #tpu.memory_space<hbm>>
        %dma_start3A_127 = arith.constant 0 : i32
        %dma_start3A_128 = tpu.memref_slice %arg3[%add3A_124, %dma_start3A_127] : memref<327680x128xf32, #tpu.memory_space<hbm>> -> memref<128x128xf32, #tpu.memory_space<hbm>>
        tpu.enqueue_dma source(%dma_start3A_128 : memref<128x128xf32, #tpu.memory_space<hbm>>) target(%arg12 : memref<128x128xf32, #tpu.memory_space<vmem>>) target_semaphore(%arg17 : memref<!tpu.dma_semaphore, #tpu.memory_space<semaphore_mem>>)
      } else {
      }
      %mul3A_72 = arith.constant 2 : i32
      %mul3A_73 = arith.muli %scan3A_29, %mul3A_72 : i32
      %add3A_74 = arith.constant 1 : i32
      %add3A_75 = arith.addi %mul3A_73, %add3A_74 : i32
      %mul3A_76 = arith.constant 128 : i32
      %mul3A_77 = arith.muli %add3A_75, %mul3A_76 : i32
      %add3A_78 = arith.addi %mul3A_11, %mul3A_77 : i32
      %dma_wait3A_79 = arith.constant 0 : i32
      %dma_wait3A_80 = tpu.memref_slice %arg3[%add3A_78, %dma_wait3A_79] : memref<327680x128xf32, #tpu.memory_space<hbm>> -> memref<128x128xf32, #tpu.memory_space<hbm>>
      %dma_wait3A_81 = arith.constant 0 : i32
      %dma_wait3A_82 = tpu.memref_slice %arg3[%add3A_78, %dma_wait3A_81] : memref<327680x128xf32, #tpu.memory_space<hbm>> -> memref<128x128xf32, #tpu.memory_space<hbm>>
      tpu.wait_dma2 semaphore(%arg17 : memref<!tpu.dma_semaphore, #tpu.memory_space<semaphore_mem>>) src(%dma_wait3A_82 : memref<128x128xf32, #tpu.memory_space<hbm>>) dst(%arg12 : memref<128x128xf32, #tpu.memory_space<vmem>>)
      %dma_wait3A_83 = arith.constant 1 : i32
      %dma_wait3A_84 = arith.constant 0 : i32
      %dma_wait3A_85 = tpu.memref_slice %arg8[%dma_wait3A_83, %dma_wait3A_84] : memref<2x128xi32, #tpu.memory_space<vmem>> -> memref<1x128xi32, #tpu.memory_space<vmem>>
      %dma_wait3A_86 = tpu.memref_squeeze %dma_wait3A_85 : memref<1x128xi32, #tpu.memory_space<vmem>> -> memref<128xi32, #tpu.memory_space<vmem>>
      %dma_wait3A_87 = arith.constant 0 : i32
      %dma_wait3A_88 = arith.constant 0 : i32
      %dma_wait3A_89 = tpu.memref_slice %arg2[%dma_wait3A_87, %dma_wait3A_88] : memref<10000x128xf32, #tpu.memory_space<hbm>> -> memref<10000x128xf32, #tpu.memory_space<hbm>>
      tpu.wait_indirect_dma semaphore(%arg15 : memref<!tpu.dma_semaphore, #tpu.memory_space<semaphore_mem>>) src(%dma_wait3A_89 : memref<10000x128xf32, #tpu.memory_space<hbm>>) dst(%arg11 : memref<128x128xf32, #tpu.memory_space<vmem>>)
      %add3A_90 = arith.constant 1 : i32
      %add3A_91 = arith.addi %add3A_75, %add3A_90 : i32
      %lt3A_92 = arith.constant 80 : i32
      %lt3A_93 = arith.cmpi slt, %add3A_91, %lt3A_92 : i32
      %convert_element_type3A_94 = arith.extui %lt3A_93 : i1 to i32
      %cond3A_95 = arith.constant 0 : i32
      %cond3A_96 = arith.cmpi ne, %convert_element_type3A_94, %cond3A_95 : i32
      scf.if %cond3A_96 {
        %ge3A = arith.constant 1 : i32
        %ge3A_120 = arith.cmpi sge, %add3A_75, %ge3A : i32
        %convert_element_type3A_121 = arith.extui %ge3A_120 : i1 to i32
        %cond3A_122 = arith.constant 0 : i32
        %cond3A_123 = arith.cmpi ne, %convert_element_type3A_121, %cond3A_122 : i32
        scf.if %cond3A_123 {
          %dma_wait3A_131 = arith.constant 0 : i32
          %dma_wait3A_132 = arith.constant 0 : i32
          %dma_wait3A_133 = arith.constant 0 : i32
          %dma_wait3A_134 = tpu.memref_slice %arg8[%dma_wait3A_132, %dma_wait3A_133] : memref<2x128xi32, #tpu.memory_space<vmem>> -> memref<1x128xi32, #tpu.memory_space<vmem>>
          %dma_wait3A_135 = tpu.memref_squeeze %dma_wait3A_134 : memref<1x128xi32, #tpu.memory_space<vmem>> -> memref<128xi32, #tpu.memory_space<vmem>>
          %dma_wait3A_136 = arith.constant 0 : i32
          %dma_wait3A_137 = tpu.memref_slice %arg4[%add3A, %dma_wait3A_131, %dma_wait3A_136] : memref<32x80x128xi32, #tpu.memory_space<hbm>> -> memref<1x1x128xi32, #tpu.memory_space<hbm>>
          %dma_wait3A_138 = tpu.memref_squeeze %dma_wait3A_137 : memref<1x1x128xi32, #tpu.memory_space<hbm>> -> memref<128xi32, #tpu.memory_space<hbm>>
          %dma_wait3A_139 = arith.constant 0 : i32
          %dma_wait3A_140 = tpu.memref_slice %arg8[%dma_wait3A_132, %dma_wait3A_139] : memref<2x128xi32, #tpu.memory_space<vmem>> -> memref<1x128xi32, #tpu.memory_space<vmem>>
          %dma_wait3A_141 = tpu.memref_squeeze %dma_wait3A_140 : memref<1x128xi32, #tpu.memory_space<vmem>> -> memref<128xi32, #tpu.memory_space<vmem>>
          %dma_wait3A_142 = arith.constant 0 : i32
          %dma_wait3A_143 = tpu.memref_slice %arg4[%add3A, %dma_wait3A_131, %dma_wait3A_142] : memref<32x80x128xi32, #tpu.memory_space<hbm>> -> memref<1x1x128xi32, #tpu.memory_space<hbm>>
          %dma_wait3A_144 = tpu.memref_squeeze %dma_wait3A_143 : memref<1x1x128xi32, #tpu.memory_space<hbm>> -> memref<128xi32, #tpu.memory_space<hbm>>
          tpu.wait_dma2 semaphore(%arg16 : memref<!tpu.dma_semaphore, #tpu.memory_space<semaphore_mem>>) src(%dma_wait3A_144 : memref<128xi32, #tpu.memory_space<hbm>>) dst(%dma_wait3A_141 : memref<128xi32, #tpu.memory_space<vmem>>)
          %dma_wait3A_145 = arith.constant 0 : i32
          %dma_wait3A_146 = arith.constant 0 : i32
          %dma_wait3A_147 = arith.constant 0 : i32
          %dma_wait3A_148 = tpu.memref_slice %arg9[%dma_wait3A_146, %dma_wait3A_147] : memref<2x128xi32, #tpu.memory_space<vmem>> -> memref<1x128xi32, #tpu.memory_space<vmem>>
          %dma_wait3A_149 = tpu.memref_squeeze %dma_wait3A_148 : memref<1x128xi32, #tpu.memory_space<vmem>> -> memref<128xi32, #tpu.memory_space<vmem>>
          %dma_wait3A_150 = arith.constant 0 : i32
          %dma_wait3A_151 = tpu.memref_slice %arg5[%add3A, %dma_wait3A_145, %dma_wait3A_150] : memref<32x80x128xi32, #tpu.memory_space<hbm>> -> memref<1x1x128xi32, #tpu.memory_space<hbm>>
          %dma_wait3A_152 = tpu.memref_squeeze %dma_wait3A_151 : memref<1x1x128xi32, #tpu.memory_space<hbm>> -> memref<128xi32, #tpu.memory_space<hbm>>
          %dma_wait3A_153 = arith.constant 0 : i32
          %dma_wait3A_154 = tpu.memref_slice %arg9[%dma_wait3A_146, %dma_wait3A_153] : memref<2x128xi32, #tpu.memory_space<vmem>> -> memref<1x128xi32, #tpu.memory_space<vmem>>
          %dma_wait3A_155 = tpu.memref_squeeze %dma_wait3A_154 : memref<1x128xi32, #tpu.memory_space<vmem>> -> memref<128xi32, #tpu.memory_space<vmem>>
          %dma_wait3A_156 = arith.constant 0 : i32
          %dma_wait3A_157 = tpu.memref_slice %arg5[%add3A, %dma_wait3A_145, %dma_wait3A_156] : memref<32x80x128xi32, #tpu.memory_space<hbm>> -> memref<1x1x128xi32, #tpu.memory_space<hbm>>
          %dma_wait3A_158 = tpu.memref_squeeze %dma_wait3A_157 : memref<1x1x128xi32, #tpu.memory_space<hbm>> -> memref<128xi32, #tpu.memory_space<hbm>>
          tpu.wait_dma2 semaphore(%arg16 : memref<!tpu.dma_semaphore, #tpu.memory_space<semaphore_mem>>) src(%dma_wait3A_158 : memref<128xi32, #tpu.memory_space<hbm>>) dst(%dma_wait3A_155 : memref<128xi32, #tpu.memory_space<vmem>>)
        } else {
        }
        %dma_start3A_124 = arith.constant 0 : i32
        %dma_start3A_125 = arith.constant 0 : i32
        %dma_start3A_126 = tpu.memref_slice %arg8[%dma_start3A_124, %dma_start3A_125] : memref<2x128xi32, #tpu.memory_space<vmem>> -> memref<1x128xi32, #tpu.memory_space<vmem>>
        %dma_start3A_127 = tpu.memref_squeeze %dma_start3A_126 : memref<1x128xi32, #tpu.memory_space<vmem>> -> memref<128xi32, #tpu.memory_space<vmem>>
        %dma_start3A_128 = arith.constant 0 : i32
        %dma_start3A_129 = arith.constant 0 : i32
        %dma_start3A_130 = tpu.memref_slice %arg2[%dma_start3A_128, %dma_start3A_129] : memref<10000x128xf32, #tpu.memory_space<hbm>> -> memref<10000x128xf32, #tpu.memory_space<hbm>>
        tpu.enqueue_indirect_dma source(%dma_start3A_130 : memref<10000x128xf32, #tpu.memory_space<hbm>>) target(%arg10 : memref<128x128xf32, #tpu.memory_space<vmem>>) offsets(%dma_start3A_127 : memref<128xi32, #tpu.memory_space<vmem>>) semaphore(%arg14 : memref<!tpu.dma_semaphore, #tpu.memory_space<semaphore_mem>>)
      } else {
      }
      %scan3A_97 = arith.constant 0 : i32
      %scan3A_98 = arith.constant 0 : i32
      %scan3A_99 = arith.constant 128 : i32
      %scan3A_100 = arith.addi %scan3A_98, %scan3A_99 : i32
      %scan3A_101 = arith.constant 1 : i32
      %scan3A_102 = scf.for %scan3A_120 = %scan3A_98 to %scan3A_100 step %scan3A_101 iter_args(%scan3A_121 = %scan3A_97) -> (i32)  : i32 {
        %get3A = arith.index_cast %scan3A_120 : i32 to index
        %get3A_122 = arith.constant 0 : index
        %get3A_123 = tpu.vector_load %arg11[%get3A, %get3A_122] {strides = array<i32>} : memref<128x128xf32, #tpu.memory_space<vmem>>, vector<1x16xf32>,
        %get3A_124 = vector.shape_cast %get3A_123 : vector<1x16xf32> to vector<16xf32>
        %get3A_125 = arith.index_cast %scan3A_120 : i32 to index
        %get3A_126 = arith.constant 0 : index
        %get3A_127 = tpu.vector_load %arg12[%get3A_125, %get3A_126] {strides = array<i32>} : memref<128x128xf32, #tpu.memory_space<vmem>>, vector<1x16xf32>,
        %get3A_128 = vector.shape_cast %get3A_127 : vector<1x16xf32> to vector<16xf32>
        %add3A_129 = arith.addf %get3A_124, %get3A_128 : vector<16xf32>
        %swap3A = arith.index_cast %scan3A_120 : i32 to index
        %swap3A_130 = arith.constant 0 : index
        %swap3A_131 = tpu.vector_load %arg12[%swap3A, %swap3A_130] {strides = array<i32>} : memref<128x128xf32, #tpu.memory_space<vmem>>, vector<1x16xf32>,
        %swap3A_132 = vector.shape_cast %swap3A_131 : vector<1x16xf32> to vector<16xf32>
        %swap3A_133 = vector.shape_cast %add3A_129 : vector<16xf32> to vector<1x16xf32>
        tpu.vector_store %arg12[%swap3A, %swap3A_130], %swap3A_133 {strides = array<i32>} : memref<128x128xf32, #tpu.memory_space<vmem>>, vector<1x16xf32>,
        %get3A_134 = arith.index_cast %scan3A_120 : i32 to index
        %get3A_135 = arith.constant 16 : index
        %get3A_136 = tpu.vector_load %arg11[%get3A_134, %get3A_135] {strides = array<i32>} : memref<128x128xf32, #tpu.memory_space<vmem>>, vector<1x16xf32>,
        %get3A_137 = vector.shape_cast %get3A_136 : vector<1x16xf32> to vector<16xf32>
        %get3A_138 = arith.index_cast %scan3A_120 : i32 to index
        %get3A_139 = arith.constant 16 : index
        %get3A_140 = tpu.vector_load %arg12[%get3A_138, %get3A_139] {strides = array<i32>} : memref<128x128xf32, #tpu.memory_space<vmem>>, vector<1x16xf32>,
        %get3A_141 = vector.shape_cast %get3A_140 : vector<1x16xf32> to vector<16xf32>
        %add3A_142 = arith.addf %get3A_137, %get3A_141 : vector<16xf32>
        %swap3A_143 = arith.index_cast %scan3A_120 : i32 to index
        %swap3A_144 = arith.constant 16 : index
        %swap3A_145 = tpu.vector_load %arg12[%swap3A_143, %swap3A_144] {strides = array<i32>} : memref<128x128xf32, #tpu.memory_space<vmem>>, vector<1x16xf32>,
        %swap3A_146 = vector.shape_cast %swap3A_145 : vector<1x16xf32> to vector<16xf32>
        %swap3A_147 = vector.shape_cast %add3A_142 : vector<16xf32> to vector<1x16xf32>
        tpu.vector_store %arg12[%swap3A_143, %swap3A_144], %swap3A_147 {strides = array<i32>} : memref<128x128xf32, #tpu.memory_space<vmem>>, vector<1x16xf32>,
        %get3A_148 = arith.index_cast %scan3A_120 : i32 to index
        %get3A_149 = arith.constant 32 : index
        %get3A_150 = tpu.vector_load %arg11[%get3A_148, %get3A_149] {strides = array<i32>} : memref<128x128xf32, #tpu.memory_space<vmem>>, vector<1x16xf32>,
        %get3A_151 = vector.shape_cast %get3A_150 : vector<1x16xf32> to vector<16xf32>
        %get3A_152 = arith.index_cast %scan3A_120 : i32 to index
        %get3A_153 = arith.constant 32 : index
        %get3A_154 = tpu.vector_load %arg12[%get3A_152, %get3A_153] {strides = array<i32>} : memref<128x128xf32, #tpu.memory_space<vmem>>, vector<1x16xf32>,
        %get3A_155 = vector.shape_cast %get3A_154 : vector<1x16xf32> to vector<16xf32>
        %add3A_156 = arith.addf %get3A_151, %get3A_155 : vector<16xf32>
        %swap3A_157 = arith.index_cast %scan3A_120 : i32 to index
        %swap3A_158 = arith.constant 32 : index
        %swap3A_159 = tpu.vector_load %arg12[%swap3A_157, %swap3A_158] {strides = array<i32>} : memref<128x128xf32, #tpu.memory_space<vmem>>, vector<1x16xf32>,
        %swap3A_160 = vector.shape_cast %swap3A_159 : vector<1x16xf32> to vector<16xf32>
        %swap3A_161 = vector.shape_cast %add3A_156 : vector<16xf32> to vector<1x16xf32>
        tpu.vector_store %arg12[%swap3A_157, %swap3A_158], %swap3A_161 {strides = array<i32>} : memref<128x128xf32, #tpu.memory_space<vmem>>, vector<1x16xf32>,
        %get3A_162 = arith.index_cast %scan3A_120 : i32 to index
        %get3A_163 = arith.constant 48 : index
        %get3A_164 = tpu.vector_load %arg11[%get3A_162, %get3A_163] {strides = array<i32>} : memref<128x128xf32, #tpu.memory_space<vmem>>, vector<1x16xf32>,
        %get3A_165 = vector.shape_cast %get3A_164 : vector<1x16xf32> to vector<16xf32>
        %get3A_166 = arith.index_cast %scan3A_120 : i32 to index
        %get3A_167 = arith.constant 48 : index
        %get3A_168 = tpu.vector_load %arg12[%get3A_166, %get3A_167] {strides = array<i32>} : memref<128x128xf32, #tpu.memory_space<vmem>>, vector<1x16xf32>,
        %get3A_169 = vector.shape_cast %get3A_168 : vector<1x16xf32> to vector<16xf32>
        %add3A_170 = arith.addf %get3A_165, %get3A_169 : vector<16xf32>
        %swap3A_171 = arith.index_cast %scan3A_120 : i32 to index
        %swap3A_172 = arith.constant 48 : index
        %swap3A_173 = tpu.vector_load %arg12[%swap3A_171, %swap3A_172] {strides = array<i32>} : memref<128x128xf32, #tpu.memory_space<vmem>>, vector<1x16xf32>,
        %swap3A_174 = vector.shape_cast %swap3A_173 : vector<1x16xf32> to vector<16xf32>
        %swap3A_175 = vector.shape_cast %add3A_170 : vector<16xf32> to vector<1x16xf32>
        tpu.vector_store %arg12[%swap3A_171, %swap3A_172], %swap3A_175 {strides = array<i32>} : memref<128x128xf32, #tpu.memory_space<vmem>>, vector<1x16xf32>,
        %get3A_176 = arith.index_cast %scan3A_120 : i32 to index
        %get3A_177 = arith.constant 64 : index
        %get3A_178 = tpu.vector_load %arg11[%get3A_176, %get3A_177] {strides = array<i32>} : memref<128x128xf32, #tpu.memory_space<vmem>>, vector<1x16xf32>,
        %get3A_179 = vector.shape_cast %get3A_178 : vector<1x16xf32> to vector<16xf32>
        %get3A_180 = arith.index_cast %scan3A_120 : i32 to index
        %get3A_181 = arith.constant 64 : index
        %get3A_182 = tpu.vector_load %arg12[%get3A_180, %get3A_181] {strides = array<i32>} : memref<128x128xf32, #tpu.memory_space<vmem>>, vector<1x16xf32>,
        %get3A_183 = vector.shape_cast %get3A_182 : vector<1x16xf32> to vector<16xf32>
        %add3A_184 = arith.addf %get3A_179, %get3A_183 : vector<16xf32>
        %swap3A_185 = arith.index_cast %scan3A_120 : i32 to index
        %swap3A_186 = arith.constant 64 : index
        %swap3A_187 = tpu.vector_load %arg12[%swap3A_185, %swap3A_186] {strides = array<i32>} : memref<128x128xf32, #tpu.memory_space<vmem>>, vector<1x16xf32>,
        %swap3A_188 = vector.shape_cast %swap3A_187 : vector<1x16xf32> to vector<16xf32>
        %swap3A_189 = vector.shape_cast %add3A_184 : vector<16xf32> to vector<1x16xf32>
        tpu.vector_store %arg12[%swap3A_185, %swap3A_186], %swap3A_189 {strides = array<i32>} : memref<128x128xf32, #tpu.memory_space<vmem>>, vector<1x16xf32>,
        %get3A_190 = arith.index_cast %scan3A_120 : i32 to index
        %get3A_191 = arith.constant 80 : index
        %get3A_192 = tpu.vector_load %arg11[%get3A_190, %get3A_191] {strides = array<i32>} : memref<128x128xf32, #tpu.memory_space<vmem>>, vector<1x16xf32>,
        %get3A_193 = vector.shape_cast %get3A_192 : vector<1x16xf32> to vector<16xf32>
        %get3A_194 = arith.index_cast %scan3A_120 : i32 to index
        %get3A_195 = arith.constant 80 : index
        %get3A_196 = tpu.vector_load %arg12[%get3A_194, %get3A_195] {strides = array<i32>} : memref<128x128xf32, #tpu.memory_space<vmem>>, vector<1x16xf32>,
        %get3A_197 = vector.shape_cast %get3A_196 : vector<1x16xf32> to vector<16xf32>
        %add3A_198 = arith.addf %get3A_193, %get3A_197 : vector<16xf32>
        %swap3A_199 = arith.index_cast %scan3A_120 : i32 to index
        %swap3A_200 = arith.constant 80 : index
        %swap3A_201 = tpu.vector_load %arg12[%swap3A_199, %swap3A_200] {strides = array<i32>} : memref<128x128xf32, #tpu.memory_space<vmem>>, vector<1x16xf32>,
        %swap3A_202 = vector.shape_cast %swap3A_201 : vector<1x16xf32> to vector<16xf32>
        %swap3A_203 = vector.shape_cast %add3A_198 : vector<16xf32> to vector<1x16xf32>
        tpu.vector_store %arg12[%swap3A_199, %swap3A_200], %swap3A_203 {strides = array<i32>} : memref<128x128xf32, #tpu.memory_space<vmem>>, vector<1x16xf32>,
        %get3A_204 = arith.index_cast %scan3A_120 : i32 to index
        %get3A_205 = arith.constant 96 : index
        %get3A_206 = tpu.vector_load %arg11[%get3A_204, %get3A_205] {strides = array<i32>} : memref<128x128xf32, #tpu.memory_space<vmem>>, vector<1x16xf32>,
        %get3A_207 = vector.shape_cast %get3A_206 : vector<1x16xf32> to vector<16xf32>
        %get3A_208 = arith.index_cast %scan3A_120 : i32 to index
        %get3A_209 = arith.constant 96 : index
        %get3A_210 = tpu.vector_load %arg12[%get3A_208, %get3A_209] {strides = array<i32>} : memref<128x128xf32, #tpu.memory_space<vmem>>, vector<1x16xf32>,
        %get3A_211 = vector.shape_cast %get3A_210 : vector<1x16xf32> to vector<16xf32>
        %add3A_212 = arith.addf %get3A_207, %get3A_211 : vector<16xf32>
        %swap3A_213 = arith.index_cast %scan3A_120 : i32 to index
        %swap3A_214 = arith.constant 96 : index
        %swap3A_215 = tpu.vector_load %arg12[%swap3A_213, %swap3A_214] {strides = array<i32>} : memref<128x128xf32, #tpu.memory_space<vmem>>, vector<1x16xf32>,
        %swap3A_216 = vector.shape_cast %swap3A_215 : vector<1x16xf32> to vector<16xf32>
        %swap3A_217 = vector.shape_cast %add3A_212 : vector<16xf32> to vector<1x16xf32>
        tpu.vector_store %arg12[%swap3A_213, %swap3A_214], %swap3A_217 {strides = array<i32>} : memref<128x128xf32, #tpu.memory_space<vmem>>, vector<1x16xf32>,
        %get3A_218 = arith.index_cast %scan3A_120 : i32 to index
        %get3A_219 = arith.constant 112 : index
        %get3A_220 = tpu.vector_load %arg11[%get3A_218, %get3A_219] {strides = array<i32>} : memref<128x128xf32, #tpu.memory_space<vmem>>, vector<1x16xf32>,
        %get3A_221 = vector.shape_cast %get3A_220 : vector<1x16xf32> to vector<16xf32>
        %get3A_222 = arith.index_cast %scan3A_120 : i32 to index
        %get3A_223 = arith.constant 112 : index
        %get3A_224 = tpu.vector_load %arg12[%get3A_222, %get3A_223] {strides = array<i32>} : memref<128x128xf32, #tpu.memory_space<vmem>>, vector<1x16xf32>,
        %get3A_225 = vector.shape_cast %get3A_224 : vector<1x16xf32> to vector<16xf32>
        %add3A_226 = arith.addf %get3A_221, %get3A_225 : vector<16xf32>
        %swap3A_227 = arith.index_cast %scan3A_120 : i32 to index
        %swap3A_228 = arith.constant 112 : index
        %swap3A_229 = tpu.vector_load %arg12[%swap3A_227, %swap3A_228] {strides = array<i32>} : memref<128x128xf32, #tpu.memory_space<vmem>>, vector<1x16xf32>,
        %swap3A_230 = vector.shape_cast %swap3A_229 : vector<1x16xf32> to vector<16xf32>
        %swap3A_231 = vector.shape_cast %add3A_226 : vector<16xf32> to vector<1x16xf32>
        tpu.vector_store %arg12[%swap3A_227, %swap3A_228], %swap3A_231 {strides = array<i32>} : memref<128x128xf32, #tpu.memory_space<vmem>>, vector<1x16xf32>,
        %scan3A_232 = arith.constant 0 : i32
        scf.yield %scan3A_232 : i32
      }
      %scan3A_103 = arith.constant 128 : i32
      %run_scoped3A_104 = arith.constant 1 : i32
      "tpu.region"() ({
        %run_scoped3A_120 = tpu.sem_alloc : memref<!tpu.dma_semaphore, #tpu.memory_space<semaphore_mem>>
        %dma_start3A_121 = arith.constant 0 : i32
        %dma_start3A_122 = tpu.memref_slice %arg9[%run_scoped3A_104, %dma_start3A_121] : memref<2x128xi32, #tpu.memory_space<vmem>> -> memref<1x128xi32, #tpu.memory_space<vmem>>
        %dma_start3A_123 = tpu.memref_squeeze %dma_start3A_122 : memref<1x128xi32, #tpu.memory_space<vmem>> -> memref<128xi32, #tpu.memory_space<vmem>>
        %dma_start3A_124 = arith.constant 0 : i32
        %dma_start3A_125 = arith.constant 0 : i32
        %dma_start3A_126 = tpu.memref_slice %arg13[%dma_start3A_124, %dma_start3A_125] : memref<10112x128xf32, #tpu.memory_space<vmem_shared>> -> memref<10112x128xf32, #tpu.memory_space<vmem_shared>>
        tpu.enqueue_indirect_dma source(%arg12 : memref<128x128xf32, #tpu.memory_space<vmem>>) target(%dma_start3A_126 : memref<10112x128xf32, #tpu.memory_space<vmem_shared>>) offsets(%dma_start3A_123 : memref<128xi32, #tpu.memory_space<vmem>>) semaphore(%run_scoped3A_120 : memref<!tpu.dma_semaphore, #tpu.memory_space<semaphore_mem>>) {add = true}
        %dma_wait3A_127 = arith.constant 0 : i32
        %dma_wait3A_128 = tpu.memref_slice %arg9[%run_scoped3A_104, %dma_wait3A_127] : memref<2x128xi32, #tpu.memory_space<vmem>> -> memref<1x128xi32, #tpu.memory_space<vmem>>
        %dma_wait3A_129 = tpu.memref_squeeze %dma_wait3A_128 : memref<1x128xi32, #tpu.memory_space<vmem>> -> memref<128xi32, #tpu.memory_space<vmem>>
        %dma_wait3A_130 = arith.constant 0 : i32
        %dma_wait3A_131 = arith.constant 0 : i32
        %dma_wait3A_132 = tpu.memref_slice %arg13[%dma_wait3A_130, %dma_wait3A_131] : memref<10112x128xf32, #tpu.memory_space<vmem_shared>> -> memref<10112x128xf32, #tpu.memory_space<vmem_shared>>
        tpu.wait_indirect_dma semaphore(%run_scoped3A_120 : memref<!tpu.dma_semaphore, #tpu.memory_space<semaphore_mem>>) src(%arg12 : memref<128x128xf32, #tpu.memory_space<vmem>>) dst(%dma_wait3A_132 : memref<10112x128xf32, #tpu.memory_space<vmem_shared>>)
        tpu.yield
      }) : () -> ()
      %add3A_105 = arith.constant 2 : i32
      %add3A_106 = arith.addi %add3A_75, %add3A_105 : i32
      %lt3A_107 = arith.constant 80 : i32
      %lt3A_108 = arith.cmpi slt, %add3A_106, %lt3A_107 : i32
      %convert_element_type3A_109 = arith.extui %lt3A_108 : i1 to i32
      %cond3A_110 = arith.constant 0 : i32
      %cond3A_111 = arith.cmpi ne, %convert_element_type3A_109, %cond3A_110 : i32
      scf.if %cond3A_111 {
        %add3A_120 = arith.constant 2 : i32
        %add3A_121 = arith.addi %add3A_75, %add3A_120 : i32
        %dma_start3A_122 = arith.constant 1 : i32
        %dma_start3A_123 = arith.constant 0 : i32
        %dma_start3A_124 = tpu.memref_slice %arg8[%dma_start3A_122, %dma_start3A_123] : memref<2x128xi32, #tpu.memory_space<vmem>> -> memref<1x128xi32, #tpu.memory_space<vmem>>
        %dma_start3A_125 = tpu.memref_squeeze %dma_start3A_124 : memref<1x128xi32, #tpu.memory_space<vmem>> -> memref<128xi32, #tpu.memory_space<vmem>>
        %dma_start3A_126 = arith.constant 0 : i32
        %dma_start3A_127 = tpu.memref_slice %arg4[%add3A, %add3A_121, %dma_start3A_126] : memref<32x80x128xi32, #tpu.memory_space<hbm>> -> memref<1x1x128xi32, #tpu.memory_space<hbm>>
        %dma_start3A_128 = tpu.memref_squeeze %dma_start3A_127 : memref<1x1x128xi32, #tpu.memory_space<hbm>> -> memref<128xi32, #tpu.memory_space<hbm>>
        %dma_start3A_129 = arith.constant 0 : i32
        %dma_start3A_130 = tpu.memref_slice %arg8[%dma_start3A_122, %dma_start3A_129] : memref<2x128xi32, #tpu.memory_space<vmem>> -> memref<1x128xi32, #tpu.memory_space<vmem>>
        %dma_start3A_131 = tpu.memref_squeeze %dma_start3A_130 : memref<1x128xi32, #tpu.memory_space<vmem>> -> memref<128xi32, #tpu.memory_space<vmem>>
        %dma_start3A_132 = arith.constant 0 : i32
        %dma_start3A_133 = tpu.memref_slice %arg4[%add3A, %add3A_121, %dma_start3A_132] : memref<32x80x128xi32, #tpu.memory_space<hbm>> -> memref<1x1x128xi32, #tpu.memory_space<hbm>>
        %dma_start3A_134 = tpu.memref_squeeze %dma_start3A_133 : memref<1x1x128xi32, #tpu.memory_space<hbm>> -> memref<128xi32, #tpu.memory_space<hbm>>
        tpu.enqueue_dma source(%dma_start3A_134 : memref<128xi32, #tpu.memory_space<hbm>>) target(%dma_start3A_131 : memref<128xi32, #tpu.memory_space<vmem>>) target_semaphore(%arg16 : memref<!tpu.dma_semaphore, #tpu.memory_space<semaphore_mem>>)
        %add3A_135 = arith.constant 2 : i32
        %add3A_136 = arith.addi %add3A_75, %add3A_135 : i32
        %dma_start3A_137 = arith.constant 1 : i32
        %dma_start3A_138 = arith.constant 0 : i32
        %dma_start3A_139 = tpu.memref_slice %arg9[%dma_start3A_137, %dma_start3A_138] : memref<2x128xi32, #tpu.memory_space<vmem>> -> memref<1x128xi32, #tpu.memory_space<vmem>>
        %dma_start3A_140 = tpu.memref_squeeze %dma_start3A_139 : memref<1x128xi32, #tpu.memory_space<vmem>> -> memref<128xi32, #tpu.memory_space<vmem>>
        %dma_start3A_141 = arith.constant 0 : i32
        %dma_start3A_142 = tpu.memref_slice %arg5[%add3A, %add3A_136, %dma_start3A_141] : memref<32x80x128xi32, #tpu.memory_space<hbm>> -> memref<1x1x128xi32, #tpu.memory_space<hbm>>
        %dma_start3A_143 = tpu.memref_squeeze %dma_start3A_142 : memref<1x1x128xi32, #tpu.memory_space<hbm>> -> memref<128xi32, #tpu.memory_space<hbm>>
        %dma_start3A_144 = arith.constant 0 : i32
        %dma_start3A_145 = tpu.memref_slice %arg9[%dma_start3A_137, %dma_start3A_144] : memref<2x128xi32, #tpu.memory_space<vmem>> -> memref<1x128xi32, #tpu.memory_space<vmem>>
        %dma_start3A_146 = tpu.memref_squeeze %dma_start3A_145 : memref<1x128xi32, #tpu.memory_space<vmem>> -> memref<128xi32, #tpu.memory_space<vmem>>
        %dma_start3A_147 = arith.constant 0 : i32
        %dma_start3A_148 = tpu.memref_slice %arg5[%add3A, %add3A_136, %dma_start3A_147] : memref<32x80x128xi32, #tpu.memory_space<hbm>> -> memref<1x1x128xi32, #tpu.memory_space<hbm>>
        %dma_start3A_149 = tpu.memref_squeeze %dma_start3A_148 : memref<1x1x128xi32, #tpu.memory_space<hbm>> -> memref<128xi32, #tpu.memory_space<hbm>>
        tpu.enqueue_dma source(%dma_start3A_149 : memref<128xi32, #tpu.memory_space<hbm>>) target(%dma_start3A_146 : memref<128xi32, #tpu.memory_space<vmem>>) target_semaphore(%arg16 : memref<!tpu.dma_semaphore, #tpu.memory_space<semaphore_mem>>)
      } else {
      }
      %add3A_112 = arith.constant 1 : i32
      %add3A_113 = arith.addi %add3A_75, %add3A_112 : i32
      %lt3A_114 = arith.constant 80 : i32
      %lt3A_115 = arith.cmpi slt, %add3A_113, %lt3A_114 : i32
      %convert_element_type3A_116 = arith.extui %lt3A_115 : i1 to i32
      %cond3A_117 = arith.constant 0 : i32
      %cond3A_118 = arith.cmpi ne, %convert_element_type3A_116, %cond3A_117 : i32
      scf.if %cond3A_118 {
        %add3A_120 = arith.constant 1 : i32
        %add3A_121 = arith.addi %add3A_75, %add3A_120 : i32
        %mul3A_122 = arith.constant 128 : i32
        %mul3A_123 = arith.muli %add3A_121, %mul3A_122 : i32
        %add3A_124 = arith.addi %mul3A_11, %mul3A_123 : i32
        %dma_start3A_125 = arith.constant 0 : i32
        %dma_start3A_126 = tpu.memref_slice %arg3[%add3A_124, %dma_start3A_125] : memref<327680x128xf32, #tpu.memory_space<hbm>> -> memref<128x128xf32, #tpu.memory_space<hbm>>
        %dma_start3A_127 = arith.constant 0 : i32
        %dma_start3A_128 = tpu.memref_slice %arg3[%add3A_124, %dma_start3A_127] : memref<327680x128xf32, #tpu.memory_space<hbm>> -> memref<128x128xf32, #tpu.memory_space<hbm>>
        tpu.enqueue_dma source(%dma_start3A_128 : memref<128x128xf32, #tpu.memory_space<hbm>>) target(%arg12 : memref<128x128xf32, #tpu.memory_space<vmem>>) target_semaphore(%arg17 : memref<!tpu.dma_semaphore, #tpu.memory_space<semaphore_mem>>)
      } else {
      }
      %scan3A_119 = arith.constant 0 : i32
      scf.yield %scan3A_119 : i32
    }
    %scan3A_27 = arith.constant 40 : i32
    %barrier3A_28 = arith.constant 0 : index
    tpu.barrier barrier_id(%barrier3A_28)
    "tpu.region"() ({
      %run_scoped3A_29 = tpu.sem_alloc : memref<!tpu.dma_semaphore, #tpu.memory_space<semaphore_mem>>
      %dma_start3A_30 = arith.constant 0 : i32
      %dma_start3A_31 = tpu.memref_slice %arg7[%arg0, %mul3A_2, %dma_start3A_30] : memref<2x10112x128xf32, #tpu.memory_space<hbm>> -> memref<1x632x128xf32, #tpu.memory_space<hbm>>
      %dma_start3A_32 = tpu.memref_squeeze %dma_start3A_31 : memref<1x632x128xf32, #tpu.memory_space<hbm>> -> memref<632x128xf32, #tpu.memory_space<hbm>>
      %dma_start3A_33 = arith.constant 0 : i32
      %dma_start3A_34 = tpu.memref_slice %arg13[%mul3A_2, %dma_start3A_33] : memref<10112x128xf32, #tpu.memory_space<vmem_shared>> -> memref<632x128xf32, #tpu.memory_space<vmem_shared>>
      tpu.enqueue_dma source(%dma_start3A_34 : memref<632x128xf32, #tpu.memory_space<vmem_shared>>) target(%dma_start3A_32 : memref<632x128xf32, #tpu.memory_space<hbm>>) target_semaphore(%run_scoped3A_29 : memref<!tpu.dma_semaphore, #tpu.memory_space<semaphore_mem>>)
      %dma_wait3A = arith.constant 0 : i32
      %dma_wait3A_35 = tpu.memref_slice %arg7[%arg0, %mul3A_2, %dma_wait3A] : memref<2x10112x128xf32, #tpu.memory_space<hbm>> -> memref<1x632x128xf32, #tpu.memory_space<hbm>>
      %dma_wait3A_36 = tpu.memref_squeeze %dma_wait3A_35 : memref<1x632x128xf32, #tpu.memory_space<hbm>> -> memref<632x128xf32, #tpu.memory_space<hbm>>
      %dma_wait3A_37 = arith.constant 0 : i32
      %dma_wait3A_38 = tpu.memref_slice %arg13[%mul3A_2, %dma_wait3A_37] : memref<10112x128xf32, #tpu.memory_space<vmem_shared>> -> memref<632x128xf32, #tpu.memory_space<vmem_shared>>
      tpu.wait_dma2 semaphore(%run_scoped3A_29 : memref<!tpu.dma_semaphore, #tpu.memory_space<semaphore_mem>>) src(%dma_wait3A_38 : memref<632x128xf32, #tpu.memory_space<vmem_shared>>) dst(%dma_wait3A_36 : memref<632x128xf32, #tpu.memory_space<hbm>>)
      tpu.yield
    }) : () -> ()
    return
  }
}

#map = affine_map<(d0, d1) -> (0, 0)>
#map1 = affine_map<(d0, d1) -> (0, 0, 0)>
module attributes {stable_mosaic.version = 14 : i64} {
  func.func @_sc_msgseg(%arg0: i32, %arg1: i32, %arg2: memref<10000x128xf32, #tpu.memory_space<hbm>>, %arg3: memref<327680x128xf32, #tpu.memory_space<hbm>>, %arg4: memref<32x80x128xi32, #tpu.memory_space<hbm>>, %arg5: memref<32x80x128xi32, #tpu.memory_space<hbm>>, %arg6: memref<10112x128xf32, #tpu.memory_space<hbm>>, %arg7: memref<2x10112x128xf32, #tpu.memory_space<hbm>>, %arg8: memref<2x128xi32, #tpu.memory_space<vmem>>, %arg9: memref<2x128xi32, #tpu.memory_space<vmem>>, %arg10: memref<128x128xf32, #tpu.memory_space<vmem>>, %arg11: memref<128x128xf32, #tpu.memory_space<vmem>>, %arg12: memref<128x128xf32, #tpu.memory_space<vmem>>, %arg13: memref<10112x128xf32, #tpu.memory_space<vmem_shared>>, %arg14: memref<!tpu.dma_semaphore, #tpu.memory_space<semaphore_mem>>, %arg15: memref<!tpu.dma_semaphore, #tpu.memory_space<semaphore_mem>>, %arg16: memref<!tpu.dma_semaphore, #tpu.memory_space<semaphore_mem>>, %arg17: memref<!tpu.dma_semaphore, #tpu.memory_space<semaphore_mem>>) attributes {dimension_semantics = [#tpu.dimension_semantics<core_parallel>, #tpu.dimension_semantics<subcore_parallel>], iteration_bounds = array<i64: 2, 16>, scalar_prefetch = 0 : i64, scratch_operands = 10 : i64, tpu.core_type = #tpu.core_type<sc_vector_subcore>, window_params = [{transform_indices = #map}, {transform_indices = #map}, {transform_indices = #map1}, {transform_indices = #map1}, {transform_indices = #map}, {transform_indices = #map1}]} {
    %mul3A = arith.constant 16 : i32
    %mul3A_0 = arith.muli %arg0, %mul3A : i32
    %add3A = arith.addi %mul3A_0, %arg1 : i32
    %mul3A_1 = arith.constant 632 : i32
    %mul3A_2 = arith.muli %arg1, %mul3A_1 : i32
    "tpu.region"() ({
      %run_scoped3A_29 = tpu.sem_alloc : memref<!tpu.dma_semaphore, #tpu.memory_space<semaphore_mem>>
      %dma_start3A_30 = arith.constant 0 : i32
      %dma_start3A_31 = tpu.memref_slice %arg13[%mul3A_2, %dma_start3A_30] : memref<10112x128xf32, #tpu.memory_space<vmem_shared>> -> memref<632x128xf32, #tpu.memory_space<vmem_shared>>
      %dma_start3A_32 = arith.constant 0 : i32
      %dma_start3A_33 = tpu.memref_slice %arg6[%mul3A_2, %dma_start3A_32] : memref<10112x128xf32, #tpu.memory_space<hbm>> -> memref<632x128xf32, #tpu.memory_space<hbm>>
      tpu.enqueue_dma source(%dma_start3A_33 : memref<632x128xf32, #tpu.memory_space<hbm>>) target(%dma_start3A_31 : memref<632x128xf32, #tpu.memory_space<vmem_shared>>) target_semaphore(%run_scoped3A_29 : memref<!tpu.dma_semaphore, #tpu.memory_space<semaphore_mem>>)
      %dma_wait3A = arith.constant 0 : i32
      %dma_wait3A_34 = tpu.memref_slice %arg13[%mul3A_2, %dma_wait3A] : memref<10112x128xf32, #tpu.memory_space<vmem_shared>> -> memref<632x128xf32, #tpu.memory_space<vmem_shared>>
      %dma_wait3A_35 = arith.constant 0 : i32
      %dma_wait3A_36 = tpu.memref_slice %arg6[%mul3A_2, %dma_wait3A_35] : memref<10112x128xf32, #tpu.memory_space<hbm>> -> memref<632x128xf32, #tpu.memory_space<hbm>>
      tpu.wait_dma2 semaphore(%run_scoped3A_29 : memref<!tpu.dma_semaphore, #tpu.memory_space<semaphore_mem>>) src(%dma_wait3A_36 : memref<632x128xf32, #tpu.memory_space<hbm>>) dst(%dma_wait3A_34 : memref<632x128xf32, #tpu.memory_space<vmem_shared>>)
      tpu.yield
    }) : () -> ()
    %run_scoped3A = arith.constant 0 : i32
    %run_scoped3A_3 = arith.constant 0 : i32
    "tpu.region"() ({
      %run_scoped3A_29 = tpu.sem_alloc : memref<!tpu.dma_semaphore, #tpu.memory_space<semaphore_mem>>
      %dma_start3A_30 = arith.constant 0 : i32
      %dma_start3A_31 = tpu.memref_slice %arg8[%run_scoped3A_3, %dma_start3A_30] : memref<2x128xi32, #tpu.memory_space<vmem>> -> memref<1x128xi32, #tpu.memory_space<vmem>>
      %dma_start3A_32 = tpu.memref_squeeze %dma_start3A_31 : memref<1x128xi32, #tpu.memory_space<vmem>> -> memref<128xi32, #tpu.memory_space<vmem>>
      %dma_start3A_33 = arith.constant 0 : i32
      %dma_start3A_34 = tpu.memref_slice %arg4[%add3A, %run_scoped3A, %dma_start3A_33] : memref<32x80x128xi32, #tpu.memory_space<hbm>> -> memref<1x1x128xi32, #tpu.memory_space<hbm>>
      %dma_start3A_35 = tpu.memref_squeeze %dma_start3A_34 : memref<1x1x128xi32, #tpu.memory_space<hbm>> -> memref<128xi32, #tpu.memory_space<hbm>>
      %dma_start3A_36 = arith.constant 0 : i32
      %dma_start3A_37 = tpu.memref_slice %arg8[%run_scoped3A_3, %dma_start3A_36] : memref<2x128xi32, #tpu.memory_space<vmem>> -> memref<1x128xi32, #tpu.memory_space<vmem>>
      %dma_start3A_38 = tpu.memref_squeeze %dma_start3A_37 : memref<1x128xi32, #tpu.memory_space<vmem>> -> memref<128xi32, #tpu.memory_space<vmem>>
      %dma_start3A_39 = arith.constant 0 : i32
      %dma_start3A_40 = tpu.memref_slice %arg4[%add3A, %run_scoped3A, %dma_start3A_39] : memref<32x80x128xi32, #tpu.memory_space<hbm>> -> memref<1x1x128xi32, #tpu.memory_space<hbm>>
      %dma_start3A_41 = tpu.memref_squeeze %dma_start3A_40 : memref<1x1x128xi32, #tpu.memory_space<hbm>> -> memref<128xi32, #tpu.memory_space<hbm>>
      tpu.enqueue_dma source(%dma_start3A_41 : memref<128xi32, #tpu.memory_space<hbm>>) target(%dma_start3A_38 : memref<128xi32, #tpu.memory_space<vmem>>) target_semaphore(%run_scoped3A_29 : memref<!tpu.dma_semaphore, #tpu.memory_space<semaphore_mem>>)
      %dma_wait3A = arith.constant 0 : i32
      %dma_wait3A_42 = tpu.memref_slice %arg8[%run_scoped3A_3, %dma_wait3A] : memref<2x128xi32, #tpu.memory_space<vmem>> -> memref<1x128xi32, #tpu.memory_space<vmem>>
      %dma_wait3A_43 = tpu.memref_squeeze %dma_wait3A_42 : memref<1x128xi32, #tpu.memory_space<vmem>> -> memref<128xi32, #tpu.memory_space<vmem>>
      %dma_wait3A_44 = arith.constant 0 : i32
      %dma_wait3A_45 = tpu.memref_slice %arg4[%add3A, %run_scoped3A, %dma_wait3A_44] : memref<32x80x128xi32, #tpu.memory_space<hbm>> -> memref<1x1x128xi32, #tpu.memory_space<hbm>>
      %dma_wait3A_46 = tpu.memref_squeeze %dma_wait3A_45 : memref<1x1x128xi32, #tpu.memory_space<hbm>> -> memref<128xi32, #tpu.memory_space<hbm>>
      %dma_wait3A_47 = arith.constant 0 : i32
      %dma_wait3A_48 = tpu.memref_slice %arg8[%run_scoped3A_3, %dma_wait3A_47] : memref<2x128xi32, #tpu.memory_space<vmem>> -> memref<1x128xi32, #tpu.memory_space<vmem>>
      %dma_wait3A_49 = tpu.memref_squeeze %dma_wait3A_48 : memref<1x128xi32, #tpu.memory_space<vmem>> -> memref<128xi32, #tpu.memory_space<vmem>>
      %dma_wait3A_50 = arith.constant 0 : i32
      %dma_wait3A_51 = tpu.memref_slice %arg4[%add3A, %run_scoped3A, %dma_wait3A_50] : memref<32x80x128xi32, #tpu.memory_space<hbm>> -> memref<1x1x128xi32, #tpu.memory_space<hbm>>
      %dma_wait3A_52 = tpu.memref_squeeze %dma_wait3A_51 : memref<1x1x128xi32, #tpu.memory_space<hbm>> -> memref<128xi32, #tpu.memory_space<hbm>>
      tpu.wait_dma2 semaphore(%run_scoped3A_29 : memref<!tpu.dma_semaphore, #tpu.memory_space<semaphore_mem>>) src(%dma_wait3A_52 : memref<128xi32, #tpu.memory_space<hbm>>) dst(%dma_wait3A_49 : memref<128xi32, #tpu.memory_space<vmem>>)
      tpu.yield
    }) : () -> ()
    %run_scoped3A_4 = arith.constant 0 : i32
    %run_scoped3A_5 = arith.constant 0 : i32
    "tpu.region"() ({
      %run_scoped3A_29 = tpu.sem_alloc : memref<!tpu.dma_semaphore, #tpu.memory_space<semaphore_mem>>
      %dma_start3A_30 = arith.constant 0 : i32
      %dma_start3A_31 = tpu.memref_slice %arg9[%run_scoped3A_5, %dma_start3A_30] : memref<2x128xi32, #tpu.memory_space<vmem>> -> memref<1x128xi32, #tpu.memory_space<vmem>>
      %dma_start3A_32 = tpu.memref_squeeze %dma_start3A_31 : memref<1x128xi32, #tpu.memory_space<vmem>> -> memref<128xi32, #tpu.memory_space<vmem>>
      %dma_start3A_33 = arith.constant 0 : i32
      %dma_start3A_34 = tpu.memref_slice %arg5[%add3A, %run_scoped3A_4, %dma_start3A_33] : memref<32x80x128xi32, #tpu.memory_space<hbm>> -> memref<1x1x128xi32, #tpu.memory_space<hbm>>
      %dma_start3A_35 = tpu.memref_squeeze %dma_start3A_34 : memref<1x1x128xi32, #tpu.memory_space<hbm>> -> memref<128xi32, #tpu.memory_space<hbm>>
      %dma_start3A_36 = arith.constant 0 : i32
      %dma_start3A_37 = tpu.memref_slice %arg9[%run_scoped3A_5, %dma_start3A_36] : memref<2x128xi32, #tpu.memory_space<vmem>> -> memref<1x128xi32, #tpu.memory_space<vmem>>
      %dma_start3A_38 = tpu.memref_squeeze %dma_start3A_37 : memref<1x128xi32, #tpu.memory_space<vmem>> -> memref<128xi32, #tpu.memory_space<vmem>>
      %dma_start3A_39 = arith.constant 0 : i32
      %dma_start3A_40 = tpu.memref_slice %arg5[%add3A, %run_scoped3A_4, %dma_start3A_39] : memref<32x80x128xi32, #tpu.memory_space<hbm>> -> memref<1x1x128xi32, #tpu.memory_space<hbm>>
      %dma_start3A_41 = tpu.memref_squeeze %dma_start3A_40 : memref<1x1x128xi32, #tpu.memory_space<hbm>> -> memref<128xi32, #tpu.memory_space<hbm>>
      tpu.enqueue_dma source(%dma_start3A_41 : memref<128xi32, #tpu.memory_space<hbm>>) target(%dma_start3A_38 : memref<128xi32, #tpu.memory_space<vmem>>) target_semaphore(%run_scoped3A_29 : memref<!tpu.dma_semaphore, #tpu.memory_space<semaphore_mem>>)
      %dma_wait3A = arith.constant 0 : i32
      %dma_wait3A_42 = tpu.memref_slice %arg9[%run_scoped3A_5, %dma_wait3A] : memref<2x128xi32, #tpu.memory_space<vmem>> -> memref<1x128xi32, #tpu.memory_space<vmem>>
      %dma_wait3A_43 = tpu.memref_squeeze %dma_wait3A_42 : memref<1x128xi32, #tpu.memory_space<vmem>> -> memref<128xi32, #tpu.memory_space<vmem>>
      %dma_wait3A_44 = arith.constant 0 : i32
      %dma_wait3A_45 = tpu.memref_slice %arg5[%add3A, %run_scoped3A_4, %dma_wait3A_44] : memref<32x80x128xi32, #tpu.memory_space<hbm>> -> memref<1x1x128xi32, #tpu.memory_space<hbm>>
      %dma_wait3A_46 = tpu.memref_squeeze %dma_wait3A_45 : memref<1x1x128xi32, #tpu.memory_space<hbm>> -> memref<128xi32, #tpu.memory_space<hbm>>
      %dma_wait3A_47 = arith.constant 0 : i32
      %dma_wait3A_48 = tpu.memref_slice %arg9[%run_scoped3A_5, %dma_wait3A_47] : memref<2x128xi32, #tpu.memory_space<vmem>> -> memref<1x128xi32, #tpu.memory_space<vmem>>
      %dma_wait3A_49 = tpu.memref_squeeze %dma_wait3A_48 : memref<1x128xi32, #tpu.memory_space<vmem>> -> memref<128xi32, #tpu.memory_space<vmem>>
      %dma_wait3A_50 = arith.constant 0 : i32
      %dma_wait3A_51 = tpu.memref_slice %arg5[%add3A, %run_scoped3A_4, %dma_wait3A_50] : memref<32x80x128xi32, #tpu.memory_space<hbm>> -> memref<1x1x128xi32, #tpu.memory_space<hbm>>
      %dma_wait3A_52 = tpu.memref_squeeze %dma_wait3A_51 : memref<1x1x128xi32, #tpu.memory_space<hbm>> -> memref<128xi32, #tpu.memory_space<hbm>>
      tpu.wait_dma2 semaphore(%run_scoped3A_29 : memref<!tpu.dma_semaphore, #tpu.memory_space<semaphore_mem>>) src(%dma_wait3A_52 : memref<128xi32, #tpu.memory_space<hbm>>) dst(%dma_wait3A_49 : memref<128xi32, #tpu.memory_space<vmem>>)
      tpu.yield
    }) : () -> ()
    %run_scoped3A_6 = arith.constant 1 : i32
    %run_scoped3A_7 = arith.constant 1 : i32
    "tpu.region"() ({
      %run_scoped3A_29 = tpu.sem_alloc : memref<!tpu.dma_semaphore, #tpu.memory_space<semaphore_mem>>
      %dma_start3A_30 = arith.constant 0 : i32
      %dma_start3A_31 = tpu.memref_slice %arg8[%run_scoped3A_7, %dma_start3A_30] : memref<2x128xi32, #tpu.memory_space<vmem>> -> memref<1x128xi32, #tpu.memory_space<vmem>>
      %dma_start3A_32 = tpu.memref_squeeze %dma_start3A_31 : memref<1x128xi32, #tpu.memory_space<vmem>> -> memref<128xi32, #tpu.memory_space<vmem>>
      %dma_start3A_33 = arith.constant 0 : i32
      %dma_start3A_34 = tpu.memref_slice %arg4[%add3A, %run_scoped3A_6, %dma_start3A_33] : memref<32x80x128xi32, #tpu.memory_space<hbm>> -> memref<1x1x128xi32, #tpu.memory_space<hbm>>
      %dma_start3A_35 = tpu.memref_squeeze %dma_start3A_34 : memref<1x1x128xi32, #tpu.memory_space<hbm>> -> memref<128xi32, #tpu.memory_space<hbm>>
      %dma_start3A_36 = arith.constant 0 : i32
      %dma_start3A_37 = tpu.memref_slice %arg8[%run_scoped3A_7, %dma_start3A_36] : memref<2x128xi32, #tpu.memory_space<vmem>> -> memref<1x128xi32, #tpu.memory_space<vmem>>
      %dma_start3A_38 = tpu.memref_squeeze %dma_start3A_37 : memref<1x128xi32, #tpu.memory_space<vmem>> -> memref<128xi32, #tpu.memory_space<vmem>>
      %dma_start3A_39 = arith.constant 0 : i32
      %dma_start3A_40 = tpu.memref_slice %arg4[%add3A, %run_scoped3A_6, %dma_start3A_39] : memref<32x80x128xi32, #tpu.memory_space<hbm>> -> memref<1x1x128xi32, #tpu.memory_space<hbm>>
      %dma_start3A_41 = tpu.memref_squeeze %dma_start3A_40 : memref<1x1x128xi32, #tpu.memory_space<hbm>> -> memref<128xi32, #tpu.memory_space<hbm>>
      tpu.enqueue_dma source(%dma_start3A_41 : memref<128xi32, #tpu.memory_space<hbm>>) target(%dma_start3A_38 : memref<128xi32, #tpu.memory_space<vmem>>) target_semaphore(%run_scoped3A_29 : memref<!tpu.dma_semaphore, #tpu.memory_space<semaphore_mem>>)
      %dma_wait3A = arith.constant 0 : i32
      %dma_wait3A_42 = tpu.memref_slice %arg8[%run_scoped3A_7, %dma_wait3A] : memref<2x128xi32, #tpu.memory_space<vmem>> -> memref<1x128xi32, #tpu.memory_space<vmem>>
      %dma_wait3A_43 = tpu.memref_squeeze %dma_wait3A_42 : memref<1x128xi32, #tpu.memory_space<vmem>> -> memref<128xi32, #tpu.memory_space<vmem>>
      %dma_wait3A_44 = arith.constant 0 : i32
      %dma_wait3A_45 = tpu.memref_slice %arg4[%add3A, %run_scoped3A_6, %dma_wait3A_44] : memref<32x80x128xi32, #tpu.memory_space<hbm>> -> memref<1x1x128xi32, #tpu.memory_space<hbm>>
      %dma_wait3A_46 = tpu.memref_squeeze %dma_wait3A_45 : memref<1x1x128xi32, #tpu.memory_space<hbm>> -> memref<128xi32, #tpu.memory_space<hbm>>
      %dma_wait3A_47 = arith.constant 0 : i32
      %dma_wait3A_48 = tpu.memref_slice %arg8[%run_scoped3A_7, %dma_wait3A_47] : memref<2x128xi32, #tpu.memory_space<vmem>> -> memref<1x128xi32, #tpu.memory_space<vmem>>
      %dma_wait3A_49 = tpu.memref_squeeze %dma_wait3A_48 : memref<1x128xi32, #tpu.memory_space<vmem>> -> memref<128xi32, #tpu.memory_space<vmem>>
      %dma_wait3A_50 = arith.constant 0 : i32
      %dma_wait3A_51 = tpu.memref_slice %arg4[%add3A, %run_scoped3A_6, %dma_wait3A_50] : memref<32x80x128xi32, #tpu.memory_space<hbm>> -> memref<1x1x128xi32, #tpu.memory_space<hbm>>
      %dma_wait3A_52 = tpu.memref_squeeze %dma_wait3A_51 : memref<1x1x128xi32, #tpu.memory_space<hbm>> -> memref<128xi32, #tpu.memory_space<hbm>>
      tpu.wait_dma2 semaphore(%run_scoped3A_29 : memref<!tpu.dma_semaphore, #tpu.memory_space<semaphore_mem>>) src(%dma_wait3A_52 : memref<128xi32, #tpu.memory_space<hbm>>) dst(%dma_wait3A_49 : memref<128xi32, #tpu.memory_space<vmem>>)
      tpu.yield
    }) : () -> ()
    %run_scoped3A_8 = arith.constant 1 : i32
    %run_scoped3A_9 = arith.constant 1 : i32
    "tpu.region"() ({
      %run_scoped3A_29 = tpu.sem_alloc : memref<!tpu.dma_semaphore, #tpu.memory_space<semaphore_mem>>
      %dma_start3A_30 = arith.constant 0 : i32
      %dma_start3A_31 = tpu.memref_slice %arg9[%run_scoped3A_9, %dma_start3A_30] : memref<2x128xi32, #tpu.memory_space<vmem>> -> memref<1x128xi32, #tpu.memory_space<vmem>>
      %dma_start3A_32 = tpu.memref_squeeze %dma_start3A_31 : memref<1x128xi32, #tpu.memory_space<vmem>> -> memref<128xi32, #tpu.memory_space<vmem>>
      %dma_start3A_33 = arith.constant 0 : i32
      %dma_start3A_34 = tpu.memref_slice %arg5[%add3A, %run_scoped3A_8, %dma_start3A_33] : memref<32x80x128xi32, #tpu.memory_space<hbm>> -> memref<1x1x128xi32, #tpu.memory_space<hbm>>
      %dma_start3A_35 = tpu.memref_squeeze %dma_start3A_34 : memref<1x1x128xi32, #tpu.memory_space<hbm>> -> memref<128xi32, #tpu.memory_space<hbm>>
      %dma_start3A_36 = arith.constant 0 : i32
      %dma_start3A_37 = tpu.memref_slice %arg9[%run_scoped3A_9, %dma_start3A_36] : memref<2x128xi32, #tpu.memory_space<vmem>> -> memref<1x128xi32, #tpu.memory_space<vmem>>
      %dma_start3A_38 = tpu.memref_squeeze %dma_start3A_37 : memref<1x128xi32, #tpu.memory_space<vmem>> -> memref<128xi32, #tpu.memory_space<vmem>>
      %dma_start3A_39 = arith.constant 0 : i32
      %dma_start3A_40 = tpu.memref_slice %arg5[%add3A, %run_scoped3A_8, %dma_start3A_39] : memref<32x80x128xi32, #tpu.memory_space<hbm>> -> memref<1x1x128xi32, #tpu.memory_space<hbm>>
      %dma_start3A_41 = tpu.memref_squeeze %dma_start3A_40 : memref<1x1x128xi32, #tpu.memory_space<hbm>> -> memref<128xi32, #tpu.memory_space<hbm>>
      tpu.enqueue_dma source(%dma_start3A_41 : memref<128xi32, #tpu.memory_space<hbm>>) target(%dma_start3A_38 : memref<128xi32, #tpu.memory_space<vmem>>) target_semaphore(%run_scoped3A_29 : memref<!tpu.dma_semaphore, #tpu.memory_space<semaphore_mem>>)
      %dma_wait3A = arith.constant 0 : i32
      %dma_wait3A_42 = tpu.memref_slice %arg9[%run_scoped3A_9, %dma_wait3A] : memref<2x128xi32, #tpu.memory_space<vmem>> -> memref<1x128xi32, #tpu.memory_space<vmem>>
      %dma_wait3A_43 = tpu.memref_squeeze %dma_wait3A_42 : memref<1x128xi32, #tpu.memory_space<vmem>> -> memref<128xi32, #tpu.memory_space<vmem>>
      %dma_wait3A_44 = arith.constant 0 : i32
      %dma_wait3A_45 = tpu.memref_slice %arg5[%add3A, %run_scoped3A_8, %dma_wait3A_44] : memref<32x80x128xi32, #tpu.memory_space<hbm>> -> memref<1x1x128xi32, #tpu.memory_space<hbm>>
      %dma_wait3A_46 = tpu.memref_squeeze %dma_wait3A_45 : memref<1x1x128xi32, #tpu.memory_space<hbm>> -> memref<128xi32, #tpu.memory_space<hbm>>
      %dma_wait3A_47 = arith.constant 0 : i32
      %dma_wait3A_48 = tpu.memref_slice %arg9[%run_scoped3A_9, %dma_wait3A_47] : memref<2x128xi32, #tpu.memory_space<vmem>> -> memref<1x128xi32, #tpu.memory_space<vmem>>
      %dma_wait3A_49 = tpu.memref_squeeze %dma_wait3A_48 : memref<1x128xi32, #tpu.memory_space<vmem>> -> memref<128xi32, #tpu.memory_space<vmem>>
      %dma_wait3A_50 = arith.constant 0 : i32
      %dma_wait3A_51 = tpu.memref_slice %arg5[%add3A, %run_scoped3A_8, %dma_wait3A_50] : memref<32x80x128xi32, #tpu.memory_space<hbm>> -> memref<1x1x128xi32, #tpu.memory_space<hbm>>
      %dma_wait3A_52 = tpu.memref_squeeze %dma_wait3A_51 : memref<1x1x128xi32, #tpu.memory_space<hbm>> -> memref<128xi32, #tpu.memory_space<hbm>>
      tpu.wait_dma2 semaphore(%run_scoped3A_29 : memref<!tpu.dma_semaphore, #tpu.memory_space<semaphore_mem>>) src(%dma_wait3A_52 : memref<128xi32, #tpu.memory_space<hbm>>) dst(%dma_wait3A_49 : memref<128xi32, #tpu.memory_space<vmem>>)
      tpu.yield
    }) : () -> ()
    %barrier3A = arith.constant 0 : index
    tpu.barrier barrier_id(%barrier3A)
    %mul3A_10 = arith.constant 10240 : i32
    %mul3A_11 = arith.muli %add3A, %mul3A_10 : i32
    %dma_start3A = arith.constant 0 : i32
    %dma_start3A_12 = arith.constant 0 : i32
    %dma_start3A_13 = tpu.memref_slice %arg8[%dma_start3A, %dma_start3A_12] : memref<2x128xi32, #tpu.memory_space<vmem>> -> memref<1x128xi32, #tpu.memory_space<vmem>>
    %dma_start3A_14 = tpu.memref_squeeze %dma_start3A_13 : memref<1x128xi32, #tpu.memory_space<vmem>> -> memref<128xi32, #tpu.memory_space<vmem>>
    %dma_start3A_15 = arith.constant 0 : i32
    %dma_start3A_16 = arith.constant 0 : i32
    %dma_start3A_17 = tpu.memref_slice %arg2[%dma_start3A_15, %dma_start3A_16] : memref<10000x128xf32, #tpu.memory_space<hbm>> -> memref<10000x128xf32, #tpu.memory_space<hbm>>
    tpu.enqueue_indirect_dma source(%dma_start3A_17 : memref<10000x128xf32, #tpu.memory_space<hbm>>) target(%arg10 : memref<128x128xf32, #tpu.memory_space<vmem>>) offsets(%dma_start3A_14 : memref<128xi32, #tpu.memory_space<vmem>>) semaphore(%arg14 : memref<!tpu.dma_semaphore, #tpu.memory_space<semaphore_mem>>)
    %dma_start3A_18 = arith.constant 0 : i32
    %dma_start3A_19 = tpu.memref_slice %arg3[%mul3A_11, %dma_start3A_18] : memref<327680x128xf32, #tpu.memory_space<hbm>> -> memref<128x128xf32, #tpu.memory_space<hbm>>
    %dma_start3A_20 = arith.constant 0 : i32
    %dma_start3A_21 = tpu.memref_slice %arg3[%mul3A_11, %dma_start3A_20] : memref<327680x128xf32, #tpu.memory_space<hbm>> -> memref<128x128xf32, #tpu.memory_space<hbm>>
    tpu.enqueue_dma source(%dma_start3A_21 : memref<128x128xf32, #tpu.memory_space<hbm>>) target(%arg12 : memref<128x128xf32, #tpu.memory_space<vmem>>) target_semaphore(%arg17 : memref<!tpu.dma_semaphore, #tpu.memory_space<semaphore_mem>>)
    %scan3A = arith.constant 0 : i32
    %scan3A_22 = arith.constant 0 : i32
    %scan3A_23 = arith.constant 40 : i32
    %scan3A_24 = arith.addi %scan3A_22, %scan3A_23 : i32
    %scan3A_25 = arith.constant 1 : i32
    %scan3A_26 = scf.for %scan3A_29 = %scan3A_22 to %scan3A_24 step %scan3A_25 iter_args(%scan3A_30 = %scan3A) -> (i32)  : i32 {
      %mul3A_31 = arith.constant 2 : i32
      %mul3A_32 = arith.muli %scan3A_29, %mul3A_31 : i32
      %mul3A_33 = arith.constant 128 : i32
      %mul3A_34 = arith.muli %mul3A_32, %mul3A_33 : i32
      %add3A_35 = arith.addi %mul3A_11, %mul3A_34 : i32
      %dma_wait3A = arith.constant 0 : i32
      %dma_wait3A_36 = tpu.memref_slice %arg3[%add3A_35, %dma_wait3A] : memref<327680x128xf32, #tpu.memory_space<hbm>> -> memref<128x128xf32, #tpu.memory_space<hbm>>
      %dma_wait3A_37 = arith.constant 0 : i32
      %dma_wait3A_38 = tpu.memref_slice %arg3[%add3A_35, %dma_wait3A_37] : memref<327680x128xf32, #tpu.memory_space<hbm>> -> memref<128x128xf32, #tpu.memory_space<hbm>>
      tpu.wait_dma2 semaphore(%arg17 : memref<!tpu.dma_semaphore, #tpu.memory_space<semaphore_mem>>) src(%dma_wait3A_38 : memref<128x128xf32, #tpu.memory_space<hbm>>) dst(%arg12 : memref<128x128xf32, #tpu.memory_space<vmem>>)
      %dma_wait3A_39 = arith.constant 0 : i32
      %dma_wait3A_40 = arith.constant 0 : i32
      %dma_wait3A_41 = tpu.memref_slice %arg8[%dma_wait3A_39, %dma_wait3A_40] : memref<2x128xi32, #tpu.memory_space<vmem>> -> memref<1x128xi32, #tpu.memory_space<vmem>>
      %dma_wait3A_42 = tpu.memref_squeeze %dma_wait3A_41 : memref<1x128xi32, #tpu.memory_space<vmem>> -> memref<128xi32, #tpu.memory_space<vmem>>
      %dma_wait3A_43 = arith.constant 0 : i32
      %dma_wait3A_44 = arith.constant 0 : i32
      %dma_wait3A_45 = tpu.memref_slice %arg2[%dma_wait3A_43, %dma_wait3A_44] : memref<10000x128xf32, #tpu.memory_space<hbm>> -> memref<10000x128xf32, #tpu.memory_space<hbm>>
      tpu.wait_indirect_dma semaphore(%arg14 : memref<!tpu.dma_semaphore, #tpu.memory_space<semaphore_mem>>) src(%dma_wait3A_45 : memref<10000x128xf32, #tpu.memory_space<hbm>>) dst(%arg10 : memref<128x128xf32, #tpu.memory_space<vmem>>)
      %add3A_46 = arith.constant 1 : i32
      %add3A_47 = arith.addi %mul3A_32, %add3A_46 : i32
      %lt3A = arith.constant 80 : i32
      %lt3A_48 = arith.cmpi slt, %add3A_47, %lt3A : i32
      %convert_element_type3A = arith.extui %lt3A_48 : i1 to i32
      %cond3A = arith.constant 0 : i32
      %cond3A_49 = arith.cmpi ne, %convert_element_type3A, %cond3A : i32
      scf.if %cond3A_49 {
        %ge3A = arith.constant 1 : i32
        %ge3A_120 = arith.cmpi sge, %mul3A_32, %ge3A : i32
        %convert_element_type3A_121 = arith.extui %ge3A_120 : i1 to i32
        %cond3A_122 = arith.constant 0 : i32
        %cond3A_123 = arith.cmpi ne, %convert_element_type3A_121, %cond3A_122 : i32
        scf.if %cond3A_123 {
          %dma_wait3A_131 = arith.constant 0 : i32
          %dma_wait3A_132 = arith.constant 1 : i32
          %dma_wait3A_133 = arith.constant 0 : i32
          %dma_wait3A_134 = tpu.memref_slice %arg8[%dma_wait3A_132, %dma_wait3A_133] : memref<2x128xi32, #tpu.memory_space<vmem>> -> memref<1x128xi32, #tpu.memory_space<vmem>>
          %dma_wait3A_135 = tpu.memref_squeeze %dma_wait3A_134 : memref<1x128xi32, #tpu.memory_space<vmem>> -> memref<128xi32, #tpu.memory_space<vmem>>
          %dma_wait3A_136 = arith.constant 0 : i32
          %dma_wait3A_137 = tpu.memref_slice %arg4[%add3A, %dma_wait3A_131, %dma_wait3A_136] : memref<32x80x128xi32, #tpu.memory_space<hbm>> -> memref<1x1x128xi32, #tpu.memory_space<hbm>>
          %dma_wait3A_138 = tpu.memref_squeeze %dma_wait3A_137 : memref<1x1x128xi32, #tpu.memory_space<hbm>> -> memref<128xi32, #tpu.memory_space<hbm>>
          %dma_wait3A_139 = arith.constant 0 : i32
          %dma_wait3A_140 = tpu.memref_slice %arg8[%dma_wait3A_132, %dma_wait3A_139] : memref<2x128xi32, #tpu.memory_space<vmem>> -> memref<1x128xi32, #tpu.memory_space<vmem>>
          %dma_wait3A_141 = tpu.memref_squeeze %dma_wait3A_140 : memref<1x128xi32, #tpu.memory_space<vmem>> -> memref<128xi32, #tpu.memory_space<vmem>>
          %dma_wait3A_142 = arith.constant 0 : i32
          %dma_wait3A_143 = tpu.memref_slice %arg4[%add3A, %dma_wait3A_131, %dma_wait3A_142] : memref<32x80x128xi32, #tpu.memory_space<hbm>> -> memref<1x1x128xi32, #tpu.memory_space<hbm>>
          %dma_wait3A_144 = tpu.memref_squeeze %dma_wait3A_143 : memref<1x1x128xi32, #tpu.memory_space<hbm>> -> memref<128xi32, #tpu.memory_space<hbm>>
          tpu.wait_dma2 semaphore(%arg16 : memref<!tpu.dma_semaphore, #tpu.memory_space<semaphore_mem>>) src(%dma_wait3A_144 : memref<128xi32, #tpu.memory_space<hbm>>) dst(%dma_wait3A_141 : memref<128xi32, #tpu.memory_space<vmem>>)
          %dma_wait3A_145 = arith.constant 0 : i32
          %dma_wait3A_146 = arith.constant 1 : i32
          %dma_wait3A_147 = arith.constant 0 : i32
          %dma_wait3A_148 = tpu.memref_slice %arg9[%dma_wait3A_146, %dma_wait3A_147] : memref<2x128xi32, #tpu.memory_space<vmem>> -> memref<1x128xi32, #tpu.memory_space<vmem>>
          %dma_wait3A_149 = tpu.memref_squeeze %dma_wait3A_148 : memref<1x128xi32, #tpu.memory_space<vmem>> -> memref<128xi32, #tpu.memory_space<vmem>>
          %dma_wait3A_150 = arith.constant 0 : i32
          %dma_wait3A_151 = tpu.memref_slice %arg5[%add3A, %dma_wait3A_145, %dma_wait3A_150] : memref<32x80x128xi32, #tpu.memory_space<hbm>> -> memref<1x1x128xi32, #tpu.memory_space<hbm>>
          %dma_wait3A_152 = tpu.memref_squeeze %dma_wait3A_151 : memref<1x1x128xi32, #tpu.memory_space<hbm>> -> memref<128xi32, #tpu.memory_space<hbm>>
          %dma_wait3A_153 = arith.constant 0 : i32
          %dma_wait3A_154 = tpu.memref_slice %arg9[%dma_wait3A_146, %dma_wait3A_153] : memref<2x128xi32, #tpu.memory_space<vmem>> -> memref<1x128xi32, #tpu.memory_space<vmem>>
          %dma_wait3A_155 = tpu.memref_squeeze %dma_wait3A_154 : memref<1x128xi32, #tpu.memory_space<vmem>> -> memref<128xi32, #tpu.memory_space<vmem>>
          %dma_wait3A_156 = arith.constant 0 : i32
          %dma_wait3A_157 = tpu.memref_slice %arg5[%add3A, %dma_wait3A_145, %dma_wait3A_156] : memref<32x80x128xi32, #tpu.memory_space<hbm>> -> memref<1x1x128xi32, #tpu.memory_space<hbm>>
          %dma_wait3A_158 = tpu.memref_squeeze %dma_wait3A_157 : memref<1x1x128xi32, #tpu.memory_space<hbm>> -> memref<128xi32, #tpu.memory_space<hbm>>
          tpu.wait_dma2 semaphore(%arg16 : memref<!tpu.dma_semaphore, #tpu.memory_space<semaphore_mem>>) src(%dma_wait3A_158 : memref<128xi32, #tpu.memory_space<hbm>>) dst(%dma_wait3A_155 : memref<128xi32, #tpu.memory_space<vmem>>)
        } else {
        }
        %dma_start3A_124 = arith.constant 1 : i32
        %dma_start3A_125 = arith.constant 0 : i32
        %dma_start3A_126 = tpu.memref_slice %arg8[%dma_start3A_124, %dma_start3A_125] : memref<2x128xi32, #tpu.memory_space<vmem>> -> memref<1x128xi32, #tpu.memory_space<vmem>>
        %dma_start3A_127 = tpu.memref_squeeze %dma_start3A_126 : memref<1x128xi32, #tpu.memory_space<vmem>> -> memref<128xi32, #tpu.memory_space<vmem>>
        %dma_start3A_128 = arith.constant 0 : i32
        %dma_start3A_129 = arith.constant 0 : i32
        %dma_start3A_130 = tpu.memref_slice %arg2[%dma_start3A_128, %dma_start3A_129] : memref<10000x128xf32, #tpu.memory_space<hbm>> -> memref<10000x128xf32, #tpu.memory_space<hbm>>
        tpu.enqueue_indirect_dma source(%dma_start3A_130 : memref<10000x128xf32, #tpu.memory_space<hbm>>) target(%arg11 : memref<128x128xf32, #tpu.memory_space<vmem>>) offsets(%dma_start3A_127 : memref<128xi32, #tpu.memory_space<vmem>>) semaphore(%arg15 : memref<!tpu.dma_semaphore, #tpu.memory_space<semaphore_mem>>)
      } else {
      }
      %scan3A_50 = arith.constant 0 : i32
      %scan3A_51 = arith.constant 0 : i32
      %scan3A_52 = arith.constant 128 : i32
      %scan3A_53 = arith.addi %scan3A_51, %scan3A_52 : i32
      %scan3A_54 = arith.constant 1 : i32
      %scan3A_55 = scf.for %scan3A_120 = %scan3A_51 to %scan3A_53 step %scan3A_54 iter_args(%scan3A_121 = %scan3A_50) -> (i32)  : i32 {
        %get3A = arith.index_cast %scan3A_120 : i32 to index
        %get3A_122 = arith.constant 0 : index
        %get3A_123 = tpu.vector_load %arg10[%get3A, %get3A_122] {strides = array<i32>} : memref<128x128xf32, #tpu.memory_space<vmem>>, vector<1x16xf32>,
        %get3A_124 = vector.shape_cast %get3A_123 : vector<1x16xf32> to vector<16xf32>
        %get3A_125 = arith.index_cast %scan3A_120 : i32 to index
        %get3A_126 = arith.constant 0 : index
        %get3A_127 = tpu.vector_load %arg12[%get3A_125, %get3A_126] {strides = array<i32>} : memref<128x128xf32, #tpu.memory_space<vmem>>, vector<1x16xf32>,
        %get3A_128 = vector.shape_cast %get3A_127 : vector<1x16xf32> to vector<16xf32>
        %add3A_129 = arith.addf %get3A_124, %get3A_128 : vector<16xf32>
        %swap3A = arith.index_cast %scan3A_120 : i32 to index
        %swap3A_130 = arith.constant 0 : index
        %swap3A_131 = tpu.vector_load %arg12[%swap3A, %swap3A_130] {strides = array<i32>} : memref<128x128xf32, #tpu.memory_space<vmem>>, vector<1x16xf32>,
        %swap3A_132 = vector.shape_cast %swap3A_131 : vector<1x16xf32> to vector<16xf32>
        %swap3A_133 = vector.shape_cast %add3A_129 : vector<16xf32> to vector<1x16xf32>
        tpu.vector_store %arg12[%swap3A, %swap3A_130], %swap3A_133 {strides = array<i32>} : memref<128x128xf32, #tpu.memory_space<vmem>>, vector<1x16xf32>,
        %get3A_134 = arith.index_cast %scan3A_120 : i32 to index
        %get3A_135 = arith.constant 16 : index
        %get3A_136 = tpu.vector_load %arg10[%get3A_134, %get3A_135] {strides = array<i32>} : memref<128x128xf32, #tpu.memory_space<vmem>>, vector<1x16xf32>,
        %get3A_137 = vector.shape_cast %get3A_136 : vector<1x16xf32> to vector<16xf32>
        %get3A_138 = arith.index_cast %scan3A_120 : i32 to index
        %get3A_139 = arith.constant 16 : index
        %get3A_140 = tpu.vector_load %arg12[%get3A_138, %get3A_139] {strides = array<i32>} : memref<128x128xf32, #tpu.memory_space<vmem>>, vector<1x16xf32>,
        %get3A_141 = vector.shape_cast %get3A_140 : vector<1x16xf32> to vector<16xf32>
        %add3A_142 = arith.addf %get3A_137, %get3A_141 : vector<16xf32>
        %swap3A_143 = arith.index_cast %scan3A_120 : i32 to index
        %swap3A_144 = arith.constant 16 : index
        %swap3A_145 = tpu.vector_load %arg12[%swap3A_143, %swap3A_144] {strides = array<i32>} : memref<128x128xf32, #tpu.memory_space<vmem>>, vector<1x16xf32>,
        %swap3A_146 = vector.shape_cast %swap3A_145 : vector<1x16xf32> to vector<16xf32>
        %swap3A_147 = vector.shape_cast %add3A_142 : vector<16xf32> to vector<1x16xf32>
        tpu.vector_store %arg12[%swap3A_143, %swap3A_144], %swap3A_147 {strides = array<i32>} : memref<128x128xf32, #tpu.memory_space<vmem>>, vector<1x16xf32>,
        %get3A_148 = arith.index_cast %scan3A_120 : i32 to index
        %get3A_149 = arith.constant 32 : index
        %get3A_150 = tpu.vector_load %arg10[%get3A_148, %get3A_149] {strides = array<i32>} : memref<128x128xf32, #tpu.memory_space<vmem>>, vector<1x16xf32>,
        %get3A_151 = vector.shape_cast %get3A_150 : vector<1x16xf32> to vector<16xf32>
        %get3A_152 = arith.index_cast %scan3A_120 : i32 to index
        %get3A_153 = arith.constant 32 : index
        %get3A_154 = tpu.vector_load %arg12[%get3A_152, %get3A_153] {strides = array<i32>} : memref<128x128xf32, #tpu.memory_space<vmem>>, vector<1x16xf32>,
        %get3A_155 = vector.shape_cast %get3A_154 : vector<1x16xf32> to vector<16xf32>
        %add3A_156 = arith.addf %get3A_151, %get3A_155 : vector<16xf32>
        %swap3A_157 = arith.index_cast %scan3A_120 : i32 to index
        %swap3A_158 = arith.constant 32 : index
        %swap3A_159 = tpu.vector_load %arg12[%swap3A_157, %swap3A_158] {strides = array<i32>} : memref<128x128xf32, #tpu.memory_space<vmem>>, vector<1x16xf32>,
        %swap3A_160 = vector.shape_cast %swap3A_159 : vector<1x16xf32> to vector<16xf32>
        %swap3A_161 = vector.shape_cast %add3A_156 : vector<16xf32> to vector<1x16xf32>
        tpu.vector_store %arg12[%swap3A_157, %swap3A_158], %swap3A_161 {strides = array<i32>} : memref<128x128xf32, #tpu.memory_space<vmem>>, vector<1x16xf32>,
        %get3A_162 = arith.index_cast %scan3A_120 : i32 to index
        %get3A_163 = arith.constant 48 : index
        %get3A_164 = tpu.vector_load %arg10[%get3A_162, %get3A_163] {strides = array<i32>} : memref<128x128xf32, #tpu.memory_space<vmem>>, vector<1x16xf32>,
        %get3A_165 = vector.shape_cast %get3A_164 : vector<1x16xf32> to vector<16xf32>
        %get3A_166 = arith.index_cast %scan3A_120 : i32 to index
        %get3A_167 = arith.constant 48 : index
        %get3A_168 = tpu.vector_load %arg12[%get3A_166, %get3A_167] {strides = array<i32>} : memref<128x128xf32, #tpu.memory_space<vmem>>, vector<1x16xf32>,
        %get3A_169 = vector.shape_cast %get3A_168 : vector<1x16xf32> to vector<16xf32>
        %add3A_170 = arith.addf %get3A_165, %get3A_169 : vector<16xf32>
        %swap3A_171 = arith.index_cast %scan3A_120 : i32 to index
        %swap3A_172 = arith.constant 48 : index
        %swap3A_173 = tpu.vector_load %arg12[%swap3A_171, %swap3A_172] {strides = array<i32>} : memref<128x128xf32, #tpu.memory_space<vmem>>, vector<1x16xf32>,
        %swap3A_174 = vector.shape_cast %swap3A_173 : vector<1x16xf32> to vector<16xf32>
        %swap3A_175 = vector.shape_cast %add3A_170 : vector<16xf32> to vector<1x16xf32>
        tpu.vector_store %arg12[%swap3A_171, %swap3A_172], %swap3A_175 {strides = array<i32>} : memref<128x128xf32, #tpu.memory_space<vmem>>, vector<1x16xf32>,
        %get3A_176 = arith.index_cast %scan3A_120 : i32 to index
        %get3A_177 = arith.constant 64 : index
        %get3A_178 = tpu.vector_load %arg10[%get3A_176, %get3A_177] {strides = array<i32>} : memref<128x128xf32, #tpu.memory_space<vmem>>, vector<1x16xf32>,
        %get3A_179 = vector.shape_cast %get3A_178 : vector<1x16xf32> to vector<16xf32>
        %get3A_180 = arith.index_cast %scan3A_120 : i32 to index
        %get3A_181 = arith.constant 64 : index
        %get3A_182 = tpu.vector_load %arg12[%get3A_180, %get3A_181] {strides = array<i32>} : memref<128x128xf32, #tpu.memory_space<vmem>>, vector<1x16xf32>,
        %get3A_183 = vector.shape_cast %get3A_182 : vector<1x16xf32> to vector<16xf32>
        %add3A_184 = arith.addf %get3A_179, %get3A_183 : vector<16xf32>
        %swap3A_185 = arith.index_cast %scan3A_120 : i32 to index
        %swap3A_186 = arith.constant 64 : index
        %swap3A_187 = tpu.vector_load %arg12[%swap3A_185, %swap3A_186] {strides = array<i32>} : memref<128x128xf32, #tpu.memory_space<vmem>>, vector<1x16xf32>,
        %swap3A_188 = vector.shape_cast %swap3A_187 : vector<1x16xf32> to vector<16xf32>
        %swap3A_189 = vector.shape_cast %add3A_184 : vector<16xf32> to vector<1x16xf32>
        tpu.vector_store %arg12[%swap3A_185, %swap3A_186], %swap3A_189 {strides = array<i32>} : memref<128x128xf32, #tpu.memory_space<vmem>>, vector<1x16xf32>,
        %get3A_190 = arith.index_cast %scan3A_120 : i32 to index
        %get3A_191 = arith.constant 80 : index
        %get3A_192 = tpu.vector_load %arg10[%get3A_190, %get3A_191] {strides = array<i32>} : memref<128x128xf32, #tpu.memory_space<vmem>>, vector<1x16xf32>,
        %get3A_193 = vector.shape_cast %get3A_192 : vector<1x16xf32> to vector<16xf32>
        %get3A_194 = arith.index_cast %scan3A_120 : i32 to index
        %get3A_195 = arith.constant 80 : index
        %get3A_196 = tpu.vector_load %arg12[%get3A_194, %get3A_195] {strides = array<i32>} : memref<128x128xf32, #tpu.memory_space<vmem>>, vector<1x16xf32>,
        %get3A_197 = vector.shape_cast %get3A_196 : vector<1x16xf32> to vector<16xf32>
        %add3A_198 = arith.addf %get3A_193, %get3A_197 : vector<16xf32>
        %swap3A_199 = arith.index_cast %scan3A_120 : i32 to index
        %swap3A_200 = arith.constant 80 : index
        %swap3A_201 = tpu.vector_load %arg12[%swap3A_199, %swap3A_200] {strides = array<i32>} : memref<128x128xf32, #tpu.memory_space<vmem>>, vector<1x16xf32>,
        %swap3A_202 = vector.shape_cast %swap3A_201 : vector<1x16xf32> to vector<16xf32>
        %swap3A_203 = vector.shape_cast %add3A_198 : vector<16xf32> to vector<1x16xf32>
        tpu.vector_store %arg12[%swap3A_199, %swap3A_200], %swap3A_203 {strides = array<i32>} : memref<128x128xf32, #tpu.memory_space<vmem>>, vector<1x16xf32>,
        %get3A_204 = arith.index_cast %scan3A_120 : i32 to index
        %get3A_205 = arith.constant 96 : index
        %get3A_206 = tpu.vector_load %arg10[%get3A_204, %get3A_205] {strides = array<i32>} : memref<128x128xf32, #tpu.memory_space<vmem>>, vector<1x16xf32>,
        %get3A_207 = vector.shape_cast %get3A_206 : vector<1x16xf32> to vector<16xf32>
        %get3A_208 = arith.index_cast %scan3A_120 : i32 to index
        %get3A_209 = arith.constant 96 : index
        %get3A_210 = tpu.vector_load %arg12[%get3A_208, %get3A_209] {strides = array<i32>} : memref<128x128xf32, #tpu.memory_space<vmem>>, vector<1x16xf32>,
        %get3A_211 = vector.shape_cast %get3A_210 : vector<1x16xf32> to vector<16xf32>
        %add3A_212 = arith.addf %get3A_207, %get3A_211 : vector<16xf32>
        %swap3A_213 = arith.index_cast %scan3A_120 : i32 to index
        %swap3A_214 = arith.constant 96 : index
        %swap3A_215 = tpu.vector_load %arg12[%swap3A_213, %swap3A_214] {strides = array<i32>} : memref<128x128xf32, #tpu.memory_space<vmem>>, vector<1x16xf32>,
        %swap3A_216 = vector.shape_cast %swap3A_215 : vector<1x16xf32> to vector<16xf32>
        %swap3A_217 = vector.shape_cast %add3A_212 : vector<16xf32> to vector<1x16xf32>
        tpu.vector_store %arg12[%swap3A_213, %swap3A_214], %swap3A_217 {strides = array<i32>} : memref<128x128xf32, #tpu.memory_space<vmem>>, vector<1x16xf32>,
        %get3A_218 = arith.index_cast %scan3A_120 : i32 to index
        %get3A_219 = arith.constant 112 : index
        %get3A_220 = tpu.vector_load %arg10[%get3A_218, %get3A_219] {strides = array<i32>} : memref<128x128xf32, #tpu.memory_space<vmem>>, vector<1x16xf32>,
        %get3A_221 = vector.shape_cast %get3A_220 : vector<1x16xf32> to vector<16xf32>
        %get3A_222 = arith.index_cast %scan3A_120 : i32 to index
        %get3A_223 = arith.constant 112 : index
        %get3A_224 = tpu.vector_load %arg12[%get3A_222, %get3A_223] {strides = array<i32>} : memref<128x128xf32, #tpu.memory_space<vmem>>, vector<1x16xf32>,
        %get3A_225 = vector.shape_cast %get3A_224 : vector<1x16xf32> to vector<16xf32>
        %add3A_226 = arith.addf %get3A_221, %get3A_225 : vector<16xf32>
        %swap3A_227 = arith.index_cast %scan3A_120 : i32 to index
        %swap3A_228 = arith.constant 112 : index
        %swap3A_229 = tpu.vector_load %arg12[%swap3A_227, %swap3A_228] {strides = array<i32>} : memref<128x128xf32, #tpu.memory_space<vmem>>, vector<1x16xf32>,
        %swap3A_230 = vector.shape_cast %swap3A_229 : vector<1x16xf32> to vector<16xf32>
        %swap3A_231 = vector.shape_cast %add3A_226 : vector<16xf32> to vector<1x16xf32>
        tpu.vector_store %arg12[%swap3A_227, %swap3A_228], %swap3A_231 {strides = array<i32>} : memref<128x128xf32, #tpu.memory_space<vmem>>, vector<1x16xf32>,
        %scan3A_232 = arith.constant 0 : i32
        scf.yield %scan3A_232 : i32
      }
      %scan3A_56 = arith.constant 128 : i32
      %run_scoped3A_57 = arith.constant 0 : i32
      "tpu.region"() ({
        %run_scoped3A_120 = tpu.sem_alloc : memref<!tpu.dma_semaphore, #tpu.memory_space<semaphore_mem>>
        %dma_start3A_121 = arith.constant 0 : i32
        %dma_start3A_122 = tpu.memref_slice %arg9[%run_scoped3A_57, %dma_start3A_121] : memref<2x128xi32, #tpu.memory_space<vmem>> -> memref<1x128xi32, #tpu.memory_space<vmem>>
        %dma_start3A_123 = tpu.memref_squeeze %dma_start3A_122 : memref<1x128xi32, #tpu.memory_space<vmem>> -> memref<128xi32, #tpu.memory_space<vmem>>
        %dma_start3A_124 = arith.constant 0 : i32
        %dma_start3A_125 = arith.constant 0 : i32
        %dma_start3A_126 = tpu.memref_slice %arg13[%dma_start3A_124, %dma_start3A_125] : memref<10112x128xf32, #tpu.memory_space<vmem_shared>> -> memref<10112x128xf32, #tpu.memory_space<vmem_shared>>
        tpu.enqueue_indirect_dma source(%arg12 : memref<128x128xf32, #tpu.memory_space<vmem>>) target(%dma_start3A_126 : memref<10112x128xf32, #tpu.memory_space<vmem_shared>>) offsets(%dma_start3A_123 : memref<128xi32, #tpu.memory_space<vmem>>) semaphore(%run_scoped3A_120 : memref<!tpu.dma_semaphore, #tpu.memory_space<semaphore_mem>>) {add = true}
        %dma_wait3A_127 = arith.constant 0 : i32
        %dma_wait3A_128 = tpu.memref_slice %arg9[%run_scoped3A_57, %dma_wait3A_127] : memref<2x128xi32, #tpu.memory_space<vmem>> -> memref<1x128xi32, #tpu.memory_space<vmem>>
        %dma_wait3A_129 = tpu.memref_squeeze %dma_wait3A_128 : memref<1x128xi32, #tpu.memory_space<vmem>> -> memref<128xi32, #tpu.memory_space<vmem>>
        %dma_wait3A_130 = arith.constant 0 : i32
        %dma_wait3A_131 = arith.constant 0 : i32
        %dma_wait3A_132 = tpu.memref_slice %arg13[%dma_wait3A_130, %dma_wait3A_131] : memref<10112x128xf32, #tpu.memory_space<vmem_shared>> -> memref<10112x128xf32, #tpu.memory_space<vmem_shared>>
        tpu.wait_indirect_dma semaphore(%run_scoped3A_120 : memref<!tpu.dma_semaphore, #tpu.memory_space<semaphore_mem>>) src(%arg12 : memref<128x128xf32, #tpu.memory_space<vmem>>) dst(%dma_wait3A_132 : memref<10112x128xf32, #tpu.memory_space<vmem_shared>>)
        tpu.yield
      }) : () -> ()
      %add3A_58 = arith.constant 2 : i32
      %add3A_59 = arith.addi %mul3A_32, %add3A_58 : i32
      %lt3A_60 = arith.constant 80 : i32
      %lt3A_61 = arith.cmpi slt, %add3A_59, %lt3A_60 : i32
      %convert_element_type3A_62 = arith.extui %lt3A_61 : i1 to i32
      %cond3A_63 = arith.constant 0 : i32
      %cond3A_64 = arith.cmpi ne, %convert_element_type3A_62, %cond3A_63 : i32
      scf.if %cond3A_64 {
        %add3A_120 = arith.constant 2 : i32
        %add3A_121 = arith.addi %mul3A_32, %add3A_120 : i32
        %dma_start3A_122 = arith.constant 0 : i32
        %dma_start3A_123 = arith.constant 0 : i32
        %dma_start3A_124 = tpu.memref_slice %arg8[%dma_start3A_122, %dma_start3A_123] : memref<2x128xi32, #tpu.memory_space<vmem>> -> memref<1x128xi32, #tpu.memory_space<vmem>>
        %dma_start3A_125 = tpu.memref_squeeze %dma_start3A_124 : memref<1x128xi32, #tpu.memory_space<vmem>> -> memref<128xi32, #tpu.memory_space<vmem>>
        %dma_start3A_126 = arith.constant 0 : i32
        %dma_start3A_127 = tpu.memref_slice %arg4[%add3A, %add3A_121, %dma_start3A_126] : memref<32x80x128xi32, #tpu.memory_space<hbm>> -> memref<1x1x128xi32, #tpu.memory_space<hbm>>
        %dma_start3A_128 = tpu.memref_squeeze %dma_start3A_127 : memref<1x1x128xi32, #tpu.memory_space<hbm>> -> memref<128xi32, #tpu.memory_space<hbm>>
        %dma_start3A_129 = arith.constant 0 : i32
        %dma_start3A_130 = tpu.memref_slice %arg8[%dma_start3A_122, %dma_start3A_129] : memref<2x128xi32, #tpu.memory_space<vmem>> -> memref<1x128xi32, #tpu.memory_space<vmem>>
        %dma_start3A_131 = tpu.memref_squeeze %dma_start3A_130 : memref<1x128xi32, #tpu.memory_space<vmem>> -> memref<128xi32, #tpu.memory_space<vmem>>
        %dma_start3A_132 = arith.constant 0 : i32
        %dma_start3A_133 = tpu.memref_slice %arg4[%add3A, %add3A_121, %dma_start3A_132] : memref<32x80x128xi32, #tpu.memory_space<hbm>> -> memref<1x1x128xi32, #tpu.memory_space<hbm>>
        %dma_start3A_134 = tpu.memref_squeeze %dma_start3A_133 : memref<1x1x128xi32, #tpu.memory_space<hbm>> -> memref<128xi32, #tpu.memory_space<hbm>>
        tpu.enqueue_dma source(%dma_start3A_134 : memref<128xi32, #tpu.memory_space<hbm>>) target(%dma_start3A_131 : memref<128xi32, #tpu.memory_space<vmem>>) target_semaphore(%arg16 : memref<!tpu.dma_semaphore, #tpu.memory_space<semaphore_mem>>)
        %add3A_135 = arith.constant 2 : i32
        %add3A_136 = arith.addi %mul3A_32, %add3A_135 : i32
        %dma_start3A_137 = arith.constant 0 : i32
        %dma_start3A_138 = arith.constant 0 : i32
        %dma_start3A_139 = tpu.memref_slice %arg9[%dma_start3A_137, %dma_start3A_138] : memref<2x128xi32, #tpu.memory_space<vmem>> -> memref<1x128xi32, #tpu.memory_space<vmem>>
        %dma_start3A_140 = tpu.memref_squeeze %dma_start3A_139 : memref<1x128xi32, #tpu.memory_space<vmem>> -> memref<128xi32, #tpu.memory_space<vmem>>
        %dma_start3A_141 = arith.constant 0 : i32
        %dma_start3A_142 = tpu.memref_slice %arg5[%add3A, %add3A_136, %dma_start3A_141] : memref<32x80x128xi32, #tpu.memory_space<hbm>> -> memref<1x1x128xi32, #tpu.memory_space<hbm>>
        %dma_start3A_143 = tpu.memref_squeeze %dma_start3A_142 : memref<1x1x128xi32, #tpu.memory_space<hbm>> -> memref<128xi32, #tpu.memory_space<hbm>>
        %dma_start3A_144 = arith.constant 0 : i32
        %dma_start3A_145 = tpu.memref_slice %arg9[%dma_start3A_137, %dma_start3A_144] : memref<2x128xi32, #tpu.memory_space<vmem>> -> memref<1x128xi32, #tpu.memory_space<vmem>>
        %dma_start3A_146 = tpu.memref_squeeze %dma_start3A_145 : memref<1x128xi32, #tpu.memory_space<vmem>> -> memref<128xi32, #tpu.memory_space<vmem>>
        %dma_start3A_147 = arith.constant 0 : i32
        %dma_start3A_148 = tpu.memref_slice %arg5[%add3A, %add3A_136, %dma_start3A_147] : memref<32x80x128xi32, #tpu.memory_space<hbm>> -> memref<1x1x128xi32, #tpu.memory_space<hbm>>
        %dma_start3A_149 = tpu.memref_squeeze %dma_start3A_148 : memref<1x1x128xi32, #tpu.memory_space<hbm>> -> memref<128xi32, #tpu.memory_space<hbm>>
        tpu.enqueue_dma source(%dma_start3A_149 : memref<128xi32, #tpu.memory_space<hbm>>) target(%dma_start3A_146 : memref<128xi32, #tpu.memory_space<vmem>>) target_semaphore(%arg16 : memref<!tpu.dma_semaphore, #tpu.memory_space<semaphore_mem>>)
      } else {
      }
      %add3A_65 = arith.constant 1 : i32
      %add3A_66 = arith.addi %mul3A_32, %add3A_65 : i32
      %lt3A_67 = arith.constant 80 : i32
      %lt3A_68 = arith.cmpi slt, %add3A_66, %lt3A_67 : i32
      %convert_element_type3A_69 = arith.extui %lt3A_68 : i1 to i32
      %cond3A_70 = arith.constant 0 : i32
      %cond3A_71 = arith.cmpi ne, %convert_element_type3A_69, %cond3A_70 : i32
      scf.if %cond3A_71 {
        %add3A_120 = arith.constant 1 : i32
        %add3A_121 = arith.addi %mul3A_32, %add3A_120 : i32
        %mul3A_122 = arith.constant 128 : i32
        %mul3A_123 = arith.muli %add3A_121, %mul3A_122 : i32
        %add3A_124 = arith.addi %mul3A_11, %mul3A_123 : i32
        %dma_start3A_125 = arith.constant 0 : i32
        %dma_start3A_126 = tpu.memref_slice %arg3[%add3A_124, %dma_start3A_125] : memref<327680x128xf32, #tpu.memory_space<hbm>> -> memref<128x128xf32, #tpu.memory_space<hbm>>
        %dma_start3A_127 = arith.constant 0 : i32
        %dma_start3A_128 = tpu.memref_slice %arg3[%add3A_124, %dma_start3A_127] : memref<327680x128xf32, #tpu.memory_space<hbm>> -> memref<128x128xf32, #tpu.memory_space<hbm>>
        tpu.enqueue_dma source(%dma_start3A_128 : memref<128x128xf32, #tpu.memory_space<hbm>>) target(%arg12 : memref<128x128xf32, #tpu.memory_space<vmem>>) target_semaphore(%arg17 : memref<!tpu.dma_semaphore, #tpu.memory_space<semaphore_mem>>)
      } else {
      }
      %mul3A_72 = arith.constant 2 : i32
      %mul3A_73 = arith.muli %scan3A_29, %mul3A_72 : i32
      %add3A_74 = arith.constant 1 : i32
      %add3A_75 = arith.addi %mul3A_73, %add3A_74 : i32
      %mul3A_76 = arith.constant 128 : i32
      %mul3A_77 = arith.muli %add3A_75, %mul3A_76 : i32
      %add3A_78 = arith.addi %mul3A_11, %mul3A_77 : i32
      %dma_wait3A_79 = arith.constant 0 : i32
      %dma_wait3A_80 = tpu.memref_slice %arg3[%add3A_78, %dma_wait3A_79] : memref<327680x128xf32, #tpu.memory_space<hbm>> -> memref<128x128xf32, #tpu.memory_space<hbm>>
      %dma_wait3A_81 = arith.constant 0 : i32
      %dma_wait3A_82 = tpu.memref_slice %arg3[%add3A_78, %dma_wait3A_81] : memref<327680x128xf32, #tpu.memory_space<hbm>> -> memref<128x128xf32, #tpu.memory_space<hbm>>
      tpu.wait_dma2 semaphore(%arg17 : memref<!tpu.dma_semaphore, #tpu.memory_space<semaphore_mem>>) src(%dma_wait3A_82 : memref<128x128xf32, #tpu.memory_space<hbm>>) dst(%arg12 : memref<128x128xf32, #tpu.memory_space<vmem>>)
      %dma_wait3A_83 = arith.constant 1 : i32
      %dma_wait3A_84 = arith.constant 0 : i32
      %dma_wait3A_85 = tpu.memref_slice %arg8[%dma_wait3A_83, %dma_wait3A_84] : memref<2x128xi32, #tpu.memory_space<vmem>> -> memref<1x128xi32, #tpu.memory_space<vmem>>
      %dma_wait3A_86 = tpu.memref_squeeze %dma_wait3A_85 : memref<1x128xi32, #tpu.memory_space<vmem>> -> memref<128xi32, #tpu.memory_space<vmem>>
      %dma_wait3A_87 = arith.constant 0 : i32
      %dma_wait3A_88 = arith.constant 0 : i32
      %dma_wait3A_89 = tpu.memref_slice %arg2[%dma_wait3A_87, %dma_wait3A_88] : memref<10000x128xf32, #tpu.memory_space<hbm>> -> memref<10000x128xf32, #tpu.memory_space<hbm>>
      tpu.wait_indirect_dma semaphore(%arg15 : memref<!tpu.dma_semaphore, #tpu.memory_space<semaphore_mem>>) src(%dma_wait3A_89 : memref<10000x128xf32, #tpu.memory_space<hbm>>) dst(%arg11 : memref<128x128xf32, #tpu.memory_space<vmem>>)
      %add3A_90 = arith.constant 1 : i32
      %add3A_91 = arith.addi %add3A_75, %add3A_90 : i32
      %lt3A_92 = arith.constant 80 : i32
      %lt3A_93 = arith.cmpi slt, %add3A_91, %lt3A_92 : i32
      %convert_element_type3A_94 = arith.extui %lt3A_93 : i1 to i32
      %cond3A_95 = arith.constant 0 : i32
      %cond3A_96 = arith.cmpi ne, %convert_element_type3A_94, %cond3A_95 : i32
      scf.if %cond3A_96 {
        %ge3A = arith.constant 1 : i32
        %ge3A_120 = arith.cmpi sge, %add3A_75, %ge3A : i32
        %convert_element_type3A_121 = arith.extui %ge3A_120 : i1 to i32
        %cond3A_122 = arith.constant 0 : i32
        %cond3A_123 = arith.cmpi ne, %convert_element_type3A_121, %cond3A_122 : i32
        scf.if %cond3A_123 {
          %dma_wait3A_131 = arith.constant 0 : i32
          %dma_wait3A_132 = arith.constant 0 : i32
          %dma_wait3A_133 = arith.constant 0 : i32
          %dma_wait3A_134 = tpu.memref_slice %arg8[%dma_wait3A_132, %dma_wait3A_133] : memref<2x128xi32, #tpu.memory_space<vmem>> -> memref<1x128xi32, #tpu.memory_space<vmem>>
          %dma_wait3A_135 = tpu.memref_squeeze %dma_wait3A_134 : memref<1x128xi32, #tpu.memory_space<vmem>> -> memref<128xi32, #tpu.memory_space<vmem>>
          %dma_wait3A_136 = arith.constant 0 : i32
          %dma_wait3A_137 = tpu.memref_slice %arg4[%add3A, %dma_wait3A_131, %dma_wait3A_136] : memref<32x80x128xi32, #tpu.memory_space<hbm>> -> memref<1x1x128xi32, #tpu.memory_space<hbm>>
          %dma_wait3A_138 = tpu.memref_squeeze %dma_wait3A_137 : memref<1x1x128xi32, #tpu.memory_space<hbm>> -> memref<128xi32, #tpu.memory_space<hbm>>
          %dma_wait3A_139 = arith.constant 0 : i32
          %dma_wait3A_140 = tpu.memref_slice %arg8[%dma_wait3A_132, %dma_wait3A_139] : memref<2x128xi32, #tpu.memory_space<vmem>> -> memref<1x128xi32, #tpu.memory_space<vmem>>
          %dma_wait3A_141 = tpu.memref_squeeze %dma_wait3A_140 : memref<1x128xi32, #tpu.memory_space<vmem>> -> memref<128xi32, #tpu.memory_space<vmem>>
          %dma_wait3A_142 = arith.constant 0 : i32
          %dma_wait3A_143 = tpu.memref_slice %arg4[%add3A, %dma_wait3A_131, %dma_wait3A_142] : memref<32x80x128xi32, #tpu.memory_space<hbm>> -> memref<1x1x128xi32, #tpu.memory_space<hbm>>
          %dma_wait3A_144 = tpu.memref_squeeze %dma_wait3A_143 : memref<1x1x128xi32, #tpu.memory_space<hbm>> -> memref<128xi32, #tpu.memory_space<hbm>>
          tpu.wait_dma2 semaphore(%arg16 : memref<!tpu.dma_semaphore, #tpu.memory_space<semaphore_mem>>) src(%dma_wait3A_144 : memref<128xi32, #tpu.memory_space<hbm>>) dst(%dma_wait3A_141 : memref<128xi32, #tpu.memory_space<vmem>>)
          %dma_wait3A_145 = arith.constant 0 : i32
          %dma_wait3A_146 = arith.constant 0 : i32
          %dma_wait3A_147 = arith.constant 0 : i32
          %dma_wait3A_148 = tpu.memref_slice %arg9[%dma_wait3A_146, %dma_wait3A_147] : memref<2x128xi32, #tpu.memory_space<vmem>> -> memref<1x128xi32, #tpu.memory_space<vmem>>
          %dma_wait3A_149 = tpu.memref_squeeze %dma_wait3A_148 : memref<1x128xi32, #tpu.memory_space<vmem>> -> memref<128xi32, #tpu.memory_space<vmem>>
          %dma_wait3A_150 = arith.constant 0 : i32
          %dma_wait3A_151 = tpu.memref_slice %arg5[%add3A, %dma_wait3A_145, %dma_wait3A_150] : memref<32x80x128xi32, #tpu.memory_space<hbm>> -> memref<1x1x128xi32, #tpu.memory_space<hbm>>
          %dma_wait3A_152 = tpu.memref_squeeze %dma_wait3A_151 : memref<1x1x128xi32, #tpu.memory_space<hbm>> -> memref<128xi32, #tpu.memory_space<hbm>>
          %dma_wait3A_153 = arith.constant 0 : i32
          %dma_wait3A_154 = tpu.memref_slice %arg9[%dma_wait3A_146, %dma_wait3A_153] : memref<2x128xi32, #tpu.memory_space<vmem>> -> memref<1x128xi32, #tpu.memory_space<vmem>>
          %dma_wait3A_155 = tpu.memref_squeeze %dma_wait3A_154 : memref<1x128xi32, #tpu.memory_space<vmem>> -> memref<128xi32, #tpu.memory_space<vmem>>
          %dma_wait3A_156 = arith.constant 0 : i32
          %dma_wait3A_157 = tpu.memref_slice %arg5[%add3A, %dma_wait3A_145, %dma_wait3A_156] : memref<32x80x128xi32, #tpu.memory_space<hbm>> -> memref<1x1x128xi32, #tpu.memory_space<hbm>>
          %dma_wait3A_158 = tpu.memref_squeeze %dma_wait3A_157 : memref<1x1x128xi32, #tpu.memory_space<hbm>> -> memref<128xi32, #tpu.memory_space<hbm>>
          tpu.wait_dma2 semaphore(%arg16 : memref<!tpu.dma_semaphore, #tpu.memory_space<semaphore_mem>>) src(%dma_wait3A_158 : memref<128xi32, #tpu.memory_space<hbm>>) dst(%dma_wait3A_155 : memref<128xi32, #tpu.memory_space<vmem>>)
        } else {
        }
        %dma_start3A_124 = arith.constant 0 : i32
        %dma_start3A_125 = arith.constant 0 : i32
        %dma_start3A_126 = tpu.memref_slice %arg8[%dma_start3A_124, %dma_start3A_125] : memref<2x128xi32, #tpu.memory_space<vmem>> -> memref<1x128xi32, #tpu.memory_space<vmem>>
        %dma_start3A_127 = tpu.memref_squeeze %dma_start3A_126 : memref<1x128xi32, #tpu.memory_space<vmem>> -> memref<128xi32, #tpu.memory_space<vmem>>
        %dma_start3A_128 = arith.constant 0 : i32
        %dma_start3A_129 = arith.constant 0 : i32
        %dma_start3A_130 = tpu.memref_slice %arg2[%dma_start3A_128, %dma_start3A_129] : memref<10000x128xf32, #tpu.memory_space<hbm>> -> memref<10000x128xf32, #tpu.memory_space<hbm>>
        tpu.enqueue_indirect_dma source(%dma_start3A_130 : memref<10000x128xf32, #tpu.memory_space<hbm>>) target(%arg10 : memref<128x128xf32, #tpu.memory_space<vmem>>) offsets(%dma_start3A_127 : memref<128xi32, #tpu.memory_space<vmem>>) semaphore(%arg14 : memref<!tpu.dma_semaphore, #tpu.memory_space<semaphore_mem>>)
      } else {
      }
      %scan3A_97 = arith.constant 0 : i32
      %scan3A_98 = arith.constant 0 : i32
      %scan3A_99 = arith.constant 128 : i32
      %scan3A_100 = arith.addi %scan3A_98, %scan3A_99 : i32
      %scan3A_101 = arith.constant 1 : i32
      %scan3A_102 = scf.for %scan3A_120 = %scan3A_98 to %scan3A_100 step %scan3A_101 iter_args(%scan3A_121 = %scan3A_97) -> (i32)  : i32 {
        %get3A = arith.index_cast %scan3A_120 : i32 to index
        %get3A_122 = arith.constant 0 : index
        %get3A_123 = tpu.vector_load %arg11[%get3A, %get3A_122] {strides = array<i32>} : memref<128x128xf32, #tpu.memory_space<vmem>>, vector<1x16xf32>,
        %get3A_124 = vector.shape_cast %get3A_123 : vector<1x16xf32> to vector<16xf32>
        %get3A_125 = arith.index_cast %scan3A_120 : i32 to index
        %get3A_126 = arith.constant 0 : index
        %get3A_127 = tpu.vector_load %arg12[%get3A_125, %get3A_126] {strides = array<i32>} : memref<128x128xf32, #tpu.memory_space<vmem>>, vector<1x16xf32>,
        %get3A_128 = vector.shape_cast %get3A_127 : vector<1x16xf32> to vector<16xf32>
        %add3A_129 = arith.addf %get3A_124, %get3A_128 : vector<16xf32>
        %swap3A = arith.index_cast %scan3A_120 : i32 to index
        %swap3A_130 = arith.constant 0 : index
        %swap3A_131 = tpu.vector_load %arg12[%swap3A, %swap3A_130] {strides = array<i32>} : memref<128x128xf32, #tpu.memory_space<vmem>>, vector<1x16xf32>,
        %swap3A_132 = vector.shape_cast %swap3A_131 : vector<1x16xf32> to vector<16xf32>
        %swap3A_133 = vector.shape_cast %add3A_129 : vector<16xf32> to vector<1x16xf32>
        tpu.vector_store %arg12[%swap3A, %swap3A_130], %swap3A_133 {strides = array<i32>} : memref<128x128xf32, #tpu.memory_space<vmem>>, vector<1x16xf32>,
        %get3A_134 = arith.index_cast %scan3A_120 : i32 to index
        %get3A_135 = arith.constant 16 : index
        %get3A_136 = tpu.vector_load %arg11[%get3A_134, %get3A_135] {strides = array<i32>} : memref<128x128xf32, #tpu.memory_space<vmem>>, vector<1x16xf32>,
        %get3A_137 = vector.shape_cast %get3A_136 : vector<1x16xf32> to vector<16xf32>
        %get3A_138 = arith.index_cast %scan3A_120 : i32 to index
        %get3A_139 = arith.constant 16 : index
        %get3A_140 = tpu.vector_load %arg12[%get3A_138, %get3A_139] {strides = array<i32>} : memref<128x128xf32, #tpu.memory_space<vmem>>, vector<1x16xf32>,
        %get3A_141 = vector.shape_cast %get3A_140 : vector<1x16xf32> to vector<16xf32>
        %add3A_142 = arith.addf %get3A_137, %get3A_141 : vector<16xf32>
        %swap3A_143 = arith.index_cast %scan3A_120 : i32 to index
        %swap3A_144 = arith.constant 16 : index
        %swap3A_145 = tpu.vector_load %arg12[%swap3A_143, %swap3A_144] {strides = array<i32>} : memref<128x128xf32, #tpu.memory_space<vmem>>, vector<1x16xf32>,
        %swap3A_146 = vector.shape_cast %swap3A_145 : vector<1x16xf32> to vector<16xf32>
        %swap3A_147 = vector.shape_cast %add3A_142 : vector<16xf32> to vector<1x16xf32>
        tpu.vector_store %arg12[%swap3A_143, %swap3A_144], %swap3A_147 {strides = array<i32>} : memref<128x128xf32, #tpu.memory_space<vmem>>, vector<1x16xf32>,
        %get3A_148 = arith.index_cast %scan3A_120 : i32 to index
        %get3A_149 = arith.constant 32 : index
        %get3A_150 = tpu.vector_load %arg11[%get3A_148, %get3A_149] {strides = array<i32>} : memref<128x128xf32, #tpu.memory_space<vmem>>, vector<1x16xf32>,
        %get3A_151 = vector.shape_cast %get3A_150 : vector<1x16xf32> to vector<16xf32>
        %get3A_152 = arith.index_cast %scan3A_120 : i32 to index
        %get3A_153 = arith.constant 32 : index
        %get3A_154 = tpu.vector_load %arg12[%get3A_152, %get3A_153] {strides = array<i32>} : memref<128x128xf32, #tpu.memory_space<vmem>>, vector<1x16xf32>,
        %get3A_155 = vector.shape_cast %get3A_154 : vector<1x16xf32> to vector<16xf32>
        %add3A_156 = arith.addf %get3A_151, %get3A_155 : vector<16xf32>
        %swap3A_157 = arith.index_cast %scan3A_120 : i32 to index
        %swap3A_158 = arith.constant 32 : index
        %swap3A_159 = tpu.vector_load %arg12[%swap3A_157, %swap3A_158] {strides = array<i32>} : memref<128x128xf32, #tpu.memory_space<vmem>>, vector<1x16xf32>,
        %swap3A_160 = vector.shape_cast %swap3A_159 : vector<1x16xf32> to vector<16xf32>
        %swap3A_161 = vector.shape_cast %add3A_156 : vector<16xf32> to vector<1x16xf32>
        tpu.vector_store %arg12[%swap3A_157, %swap3A_158], %swap3A_161 {strides = array<i32>} : memref<128x128xf32, #tpu.memory_space<vmem>>, vector<1x16xf32>,
        %get3A_162 = arith.index_cast %scan3A_120 : i32 to index
        %get3A_163 = arith.constant 48 : index
        %get3A_164 = tpu.vector_load %arg11[%get3A_162, %get3A_163] {strides = array<i32>} : memref<128x128xf32, #tpu.memory_space<vmem>>, vector<1x16xf32>,
        %get3A_165 = vector.shape_cast %get3A_164 : vector<1x16xf32> to vector<16xf32>
        %get3A_166 = arith.index_cast %scan3A_120 : i32 to index
        %get3A_167 = arith.constant 48 : index
        %get3A_168 = tpu.vector_load %arg12[%get3A_166, %get3A_167] {strides = array<i32>} : memref<128x128xf32, #tpu.memory_space<vmem>>, vector<1x16xf32>,
        %get3A_169 = vector.shape_cast %get3A_168 : vector<1x16xf32> to vector<16xf32>
        %add3A_170 = arith.addf %get3A_165, %get3A_169 : vector<16xf32>
        %swap3A_171 = arith.index_cast %scan3A_120 : i32 to index
        %swap3A_172 = arith.constant 48 : index
        %swap3A_173 = tpu.vector_load %arg12[%swap3A_171, %swap3A_172] {strides = array<i32>} : memref<128x128xf32, #tpu.memory_space<vmem>>, vector<1x16xf32>,
        %swap3A_174 = vector.shape_cast %swap3A_173 : vector<1x16xf32> to vector<16xf32>
        %swap3A_175 = vector.shape_cast %add3A_170 : vector<16xf32> to vector<1x16xf32>
        tpu.vector_store %arg12[%swap3A_171, %swap3A_172], %swap3A_175 {strides = array<i32>} : memref<128x128xf32, #tpu.memory_space<vmem>>, vector<1x16xf32>,
        %get3A_176 = arith.index_cast %scan3A_120 : i32 to index
        %get3A_177 = arith.constant 64 : index
        %get3A_178 = tpu.vector_load %arg11[%get3A_176, %get3A_177] {strides = array<i32>} : memref<128x128xf32, #tpu.memory_space<vmem>>, vector<1x16xf32>,
        %get3A_179 = vector.shape_cast %get3A_178 : vector<1x16xf32> to vector<16xf32>
        %get3A_180 = arith.index_cast %scan3A_120 : i32 to index
        %get3A_181 = arith.constant 64 : index
        %get3A_182 = tpu.vector_load %arg12[%get3A_180, %get3A_181] {strides = array<i32>} : memref<128x128xf32, #tpu.memory_space<vmem>>, vector<1x16xf32>,
        %get3A_183 = vector.shape_cast %get3A_182 : vector<1x16xf32> to vector<16xf32>
        %add3A_184 = arith.addf %get3A_179, %get3A_183 : vector<16xf32>
        %swap3A_185 = arith.index_cast %scan3A_120 : i32 to index
        %swap3A_186 = arith.constant 64 : index
        %swap3A_187 = tpu.vector_load %arg12[%swap3A_185, %swap3A_186] {strides = array<i32>} : memref<128x128xf32, #tpu.memory_space<vmem>>, vector<1x16xf32>,
        %swap3A_188 = vector.shape_cast %swap3A_187 : vector<1x16xf32> to vector<16xf32>
        %swap3A_189 = vector.shape_cast %add3A_184 : vector<16xf32> to vector<1x16xf32>
        tpu.vector_store %arg12[%swap3A_185, %swap3A_186], %swap3A_189 {strides = array<i32>} : memref<128x128xf32, #tpu.memory_space<vmem>>, vector<1x16xf32>,
        %get3A_190 = arith.index_cast %scan3A_120 : i32 to index
        %get3A_191 = arith.constant 80 : index
        %get3A_192 = tpu.vector_load %arg11[%get3A_190, %get3A_191] {strides = array<i32>} : memref<128x128xf32, #tpu.memory_space<vmem>>, vector<1x16xf32>,
        %get3A_193 = vector.shape_cast %get3A_192 : vector<1x16xf32> to vector<16xf32>
        %get3A_194 = arith.index_cast %scan3A_120 : i32 to index
        %get3A_195 = arith.constant 80 : index
        %get3A_196 = tpu.vector_load %arg12[%get3A_194, %get3A_195] {strides = array<i32>} : memref<128x128xf32, #tpu.memory_space<vmem>>, vector<1x16xf32>,
        %get3A_197 = vector.shape_cast %get3A_196 : vector<1x16xf32> to vector<16xf32>
        %add3A_198 = arith.addf %get3A_193, %get3A_197 : vector<16xf32>
        %swap3A_199 = arith.index_cast %scan3A_120 : i32 to index
        %swap3A_200 = arith.constant 80 : index
        %swap3A_201 = tpu.vector_load %arg12[%swap3A_199, %swap3A_200] {strides = array<i32>} : memref<128x128xf32, #tpu.memory_space<vmem>>, vector<1x16xf32>,
        %swap3A_202 = vector.shape_cast %swap3A_201 : vector<1x16xf32> to vector<16xf32>
        %swap3A_203 = vector.shape_cast %add3A_198 : vector<16xf32> to vector<1x16xf32>
        tpu.vector_store %arg12[%swap3A_199, %swap3A_200], %swap3A_203 {strides = array<i32>} : memref<128x128xf32, #tpu.memory_space<vmem>>, vector<1x16xf32>,
        %get3A_204 = arith.index_cast %scan3A_120 : i32 to index
        %get3A_205 = arith.constant 96 : index
        %get3A_206 = tpu.vector_load %arg11[%get3A_204, %get3A_205] {strides = array<i32>} : memref<128x128xf32, #tpu.memory_space<vmem>>, vector<1x16xf32>,
        %get3A_207 = vector.shape_cast %get3A_206 : vector<1x16xf32> to vector<16xf32>
        %get3A_208 = arith.index_cast %scan3A_120 : i32 to index
        %get3A_209 = arith.constant 96 : index
        %get3A_210 = tpu.vector_load %arg12[%get3A_208, %get3A_209] {strides = array<i32>} : memref<128x128xf32, #tpu.memory_space<vmem>>, vector<1x16xf32>,
        %get3A_211 = vector.shape_cast %get3A_210 : vector<1x16xf32> to vector<16xf32>
        %add3A_212 = arith.addf %get3A_207, %get3A_211 : vector<16xf32>
        %swap3A_213 = arith.index_cast %scan3A_120 : i32 to index
        %swap3A_214 = arith.constant 96 : index
        %swap3A_215 = tpu.vector_load %arg12[%swap3A_213, %swap3A_214] {strides = array<i32>} : memref<128x128xf32, #tpu.memory_space<vmem>>, vector<1x16xf32>,
        %swap3A_216 = vector.shape_cast %swap3A_215 : vector<1x16xf32> to vector<16xf32>
        %swap3A_217 = vector.shape_cast %add3A_212 : vector<16xf32> to vector<1x16xf32>
        tpu.vector_store %arg12[%swap3A_213, %swap3A_214], %swap3A_217 {strides = array<i32>} : memref<128x128xf32, #tpu.memory_space<vmem>>, vector<1x16xf32>,
        %get3A_218 = arith.index_cast %scan3A_120 : i32 to index
        %get3A_219 = arith.constant 112 : index
        %get3A_220 = tpu.vector_load %arg11[%get3A_218, %get3A_219] {strides = array<i32>} : memref<128x128xf32, #tpu.memory_space<vmem>>, vector<1x16xf32>,
        %get3A_221 = vector.shape_cast %get3A_220 : vector<1x16xf32> to vector<16xf32>
        %get3A_222 = arith.index_cast %scan3A_120 : i32 to index
        %get3A_223 = arith.constant 112 : index
        %get3A_224 = tpu.vector_load %arg12[%get3A_222, %get3A_223] {strides = array<i32>} : memref<128x128xf32, #tpu.memory_space<vmem>>, vector<1x16xf32>,
        %get3A_225 = vector.shape_cast %get3A_224 : vector<1x16xf32> to vector<16xf32>
        %add3A_226 = arith.addf %get3A_221, %get3A_225 : vector<16xf32>
        %swap3A_227 = arith.index_cast %scan3A_120 : i32 to index
        %swap3A_228 = arith.constant 112 : index
        %swap3A_229 = tpu.vector_load %arg12[%swap3A_227, %swap3A_228] {strides = array<i32>} : memref<128x128xf32, #tpu.memory_space<vmem>>, vector<1x16xf32>,
        %swap3A_230 = vector.shape_cast %swap3A_229 : vector<1x16xf32> to vector<16xf32>
        %swap3A_231 = vector.shape_cast %add3A_226 : vector<16xf32> to vector<1x16xf32>
        tpu.vector_store %arg12[%swap3A_227, %swap3A_228], %swap3A_231 {strides = array<i32>} : memref<128x128xf32, #tpu.memory_space<vmem>>, vector<1x16xf32>,
        %scan3A_232 = arith.constant 0 : i32
        scf.yield %scan3A_232 : i32
      }
      %scan3A_103 = arith.constant 128 : i32
      %run_scoped3A_104 = arith.constant 1 : i32
      "tpu.region"() ({
        %run_scoped3A_120 = tpu.sem_alloc : memref<!tpu.dma_semaphore, #tpu.memory_space<semaphore_mem>>
        %dma_start3A_121 = arith.constant 0 : i32
        %dma_start3A_122 = tpu.memref_slice %arg9[%run_scoped3A_104, %dma_start3A_121] : memref<2x128xi32, #tpu.memory_space<vmem>> -> memref<1x128xi32, #tpu.memory_space<vmem>>
        %dma_start3A_123 = tpu.memref_squeeze %dma_start3A_122 : memref<1x128xi32, #tpu.memory_space<vmem>> -> memref<128xi32, #tpu.memory_space<vmem>>
        %dma_start3A_124 = arith.constant 0 : i32
        %dma_start3A_125 = arith.constant 0 : i32
        %dma_start3A_126 = tpu.memref_slice %arg13[%dma_start3A_124, %dma_start3A_125] : memref<10112x128xf32, #tpu.memory_space<vmem_shared>> -> memref<10112x128xf32, #tpu.memory_space<vmem_shared>>
        tpu.enqueue_indirect_dma source(%arg12 : memref<128x128xf32, #tpu.memory_space<vmem>>) target(%dma_start3A_126 : memref<10112x128xf32, #tpu.memory_space<vmem_shared>>) offsets(%dma_start3A_123 : memref<128xi32, #tpu.memory_space<vmem>>) semaphore(%run_scoped3A_120 : memref<!tpu.dma_semaphore, #tpu.memory_space<semaphore_mem>>) {add = true}
        %dma_wait3A_127 = arith.constant 0 : i32
        %dma_wait3A_128 = tpu.memref_slice %arg9[%run_scoped3A_104, %dma_wait3A_127] : memref<2x128xi32, #tpu.memory_space<vmem>> -> memref<1x128xi32, #tpu.memory_space<vmem>>
        %dma_wait3A_129 = tpu.memref_squeeze %dma_wait3A_128 : memref<1x128xi32, #tpu.memory_space<vmem>> -> memref<128xi32, #tpu.memory_space<vmem>>
        %dma_wait3A_130 = arith.constant 0 : i32
        %dma_wait3A_131 = arith.constant 0 : i32
        %dma_wait3A_132 = tpu.memref_slice %arg13[%dma_wait3A_130, %dma_wait3A_131] : memref<10112x128xf32, #tpu.memory_space<vmem_shared>> -> memref<10112x128xf32, #tpu.memory_space<vmem_shared>>
        tpu.wait_indirect_dma semaphore(%run_scoped3A_120 : memref<!tpu.dma_semaphore, #tpu.memory_space<semaphore_mem>>) src(%arg12 : memref<128x128xf32, #tpu.memory_space<vmem>>) dst(%dma_wait3A_132 : memref<10112x128xf32, #tpu.memory_space<vmem_shared>>)
        tpu.yield
      }) : () -> ()
      %add3A_105 = arith.constant 2 : i32
      %add3A_106 = arith.addi %add3A_75, %add3A_105 : i32
      %lt3A_107 = arith.constant 80 : i32
      %lt3A_108 = arith.cmpi slt, %add3A_106, %lt3A_107 : i32
      %convert_element_type3A_109 = arith.extui %lt3A_108 : i1 to i32
      %cond3A_110 = arith.constant 0 : i32
      %cond3A_111 = arith.cmpi ne, %convert_element_type3A_109, %cond3A_110 : i32
      scf.if %cond3A_111 {
        %add3A_120 = arith.constant 2 : i32
        %add3A_121 = arith.addi %add3A_75, %add3A_120 : i32
        %dma_start3A_122 = arith.constant 1 : i32
        %dma_start3A_123 = arith.constant 0 : i32
        %dma_start3A_124 = tpu.memref_slice %arg8[%dma_start3A_122, %dma_start3A_123] : memref<2x128xi32, #tpu.memory_space<vmem>> -> memref<1x128xi32, #tpu.memory_space<vmem>>
        %dma_start3A_125 = tpu.memref_squeeze %dma_start3A_124 : memref<1x128xi32, #tpu.memory_space<vmem>> -> memref<128xi32, #tpu.memory_space<vmem>>
        %dma_start3A_126 = arith.constant 0 : i32
        %dma_start3A_127 = tpu.memref_slice %arg4[%add3A, %add3A_121, %dma_start3A_126] : memref<32x80x128xi32, #tpu.memory_space<hbm>> -> memref<1x1x128xi32, #tpu.memory_space<hbm>>
        %dma_start3A_128 = tpu.memref_squeeze %dma_start3A_127 : memref<1x1x128xi32, #tpu.memory_space<hbm>> -> memref<128xi32, #tpu.memory_space<hbm>>
        %dma_start3A_129 = arith.constant 0 : i32
        %dma_start3A_130 = tpu.memref_slice %arg8[%dma_start3A_122, %dma_start3A_129] : memref<2x128xi32, #tpu.memory_space<vmem>> -> memref<1x128xi32, #tpu.memory_space<vmem>>
        %dma_start3A_131 = tpu.memref_squeeze %dma_start3A_130 : memref<1x128xi32, #tpu.memory_space<vmem>> -> memref<128xi32, #tpu.memory_space<vmem>>
        %dma_start3A_132 = arith.constant 0 : i32
        %dma_start3A_133 = tpu.memref_slice %arg4[%add3A, %add3A_121, %dma_start3A_132] : memref<32x80x128xi32, #tpu.memory_space<hbm>> -> memref<1x1x128xi32, #tpu.memory_space<hbm>>
        %dma_start3A_134 = tpu.memref_squeeze %dma_start3A_133 : memref<1x1x128xi32, #tpu.memory_space<hbm>> -> memref<128xi32, #tpu.memory_space<hbm>>
        tpu.enqueue_dma source(%dma_start3A_134 : memref<128xi32, #tpu.memory_space<hbm>>) target(%dma_start3A_131 : memref<128xi32, #tpu.memory_space<vmem>>) target_semaphore(%arg16 : memref<!tpu.dma_semaphore, #tpu.memory_space<semaphore_mem>>)
        %add3A_135 = arith.constant 2 : i32
        %add3A_136 = arith.addi %add3A_75, %add3A_135 : i32
        %dma_start3A_137 = arith.constant 1 : i32
        %dma_start3A_138 = arith.constant 0 : i32
        %dma_start3A_139 = tpu.memref_slice %arg9[%dma_start3A_137, %dma_start3A_138] : memref<2x128xi32, #tpu.memory_space<vmem>> -> memref<1x128xi32, #tpu.memory_space<vmem>>
        %dma_start3A_140 = tpu.memref_squeeze %dma_start3A_139 : memref<1x128xi32, #tpu.memory_space<vmem>> -> memref<128xi32, #tpu.memory_space<vmem>>
        %dma_start3A_141 = arith.constant 0 : i32
        %dma_start3A_142 = tpu.memref_slice %arg5[%add3A, %add3A_136, %dma_start3A_141] : memref<32x80x128xi32, #tpu.memory_space<hbm>> -> memref<1x1x128xi32, #tpu.memory_space<hbm>>
        %dma_start3A_143 = tpu.memref_squeeze %dma_start3A_142 : memref<1x1x128xi32, #tpu.memory_space<hbm>> -> memref<128xi32, #tpu.memory_space<hbm>>
        %dma_start3A_144 = arith.constant 0 : i32
        %dma_start3A_145 = tpu.memref_slice %arg9[%dma_start3A_137, %dma_start3A_144] : memref<2x128xi32, #tpu.memory_space<vmem>> -> memref<1x128xi32, #tpu.memory_space<vmem>>
        %dma_start3A_146 = tpu.memref_squeeze %dma_start3A_145 : memref<1x128xi32, #tpu.memory_space<vmem>> -> memref<128xi32, #tpu.memory_space<vmem>>
        %dma_start3A_147 = arith.constant 0 : i32
        %dma_start3A_148 = tpu.memref_slice %arg5[%add3A, %add3A_136, %dma_start3A_147] : memref<32x80x128xi32, #tpu.memory_space<hbm>> -> memref<1x1x128xi32, #tpu.memory_space<hbm>>
        %dma_start3A_149 = tpu.memref_squeeze %dma_start3A_148 : memref<1x1x128xi32, #tpu.memory_space<hbm>> -> memref<128xi32, #tpu.memory_space<hbm>>
        tpu.enqueue_dma source(%dma_start3A_149 : memref<128xi32, #tpu.memory_space<hbm>>) target(%dma_start3A_146 : memref<128xi32, #tpu.memory_space<vmem>>) target_semaphore(%arg16 : memref<!tpu.dma_semaphore, #tpu.memory_space<semaphore_mem>>)
      } else {
      }
      %add3A_112 = arith.constant 1 : i32
      %add3A_113 = arith.addi %add3A_75, %add3A_112 : i32
      %lt3A_114 = arith.constant 80 : i32
      %lt3A_115 = arith.cmpi slt, %add3A_113, %lt3A_114 : i32
      %convert_element_type3A_116 = arith.extui %lt3A_115 : i1 to i32
      %cond3A_117 = arith.constant 0 : i32
      %cond3A_118 = arith.cmpi ne, %convert_element_type3A_116, %cond3A_117 : i32
      scf.if %cond3A_118 {
        %add3A_120 = arith.constant 1 : i32
        %add3A_121 = arith.addi %add3A_75, %add3A_120 : i32
        %mul3A_122 = arith.constant 128 : i32
        %mul3A_123 = arith.muli %add3A_121, %mul3A_122 : i32
        %add3A_124 = arith.addi %mul3A_11, %mul3A_123 : i32
        %dma_start3A_125 = arith.constant 0 : i32
        %dma_start3A_126 = tpu.memref_slice %arg3[%add3A_124, %dma_start3A_125] : memref<327680x128xf32, #tpu.memory_space<hbm>> -> memref<128x128xf32, #tpu.memory_space<hbm>>
        %dma_start3A_127 = arith.constant 0 : i32
        %dma_start3A_128 = tpu.memref_slice %arg3[%add3A_124, %dma_start3A_127] : memref<327680x128xf32, #tpu.memory_space<hbm>> -> memref<128x128xf32, #tpu.memory_space<hbm>>
        tpu.enqueue_dma source(%dma_start3A_128 : memref<128x128xf32, #tpu.memory_space<hbm>>) target(%arg12 : memref<128x128xf32, #tpu.memory_space<vmem>>) target_semaphore(%arg17 : memref<!tpu.dma_semaphore, #tpu.memory_space<semaphore_mem>>)
      } else {
      }
      %scan3A_119 = arith.constant 0 : i32
      scf.yield %scan3A_119 : i32
    }
    %scan3A_27 = arith.constant 40 : i32
    %barrier3A_28 = arith.constant 0 : index
    tpu.barrier barrier_id(%barrier3A_28)
    "tpu.region"() ({
      %run_scoped3A_29 = tpu.sem_alloc : memref<!tpu.dma_semaphore, #tpu.memory_space<semaphore_mem>>
      %dma_start3A_30 = arith.constant 0 : i32
      %dma_start3A_31 = tpu.memref_slice %arg7[%arg0, %mul3A_2, %dma_start3A_30] : memref<2x10112x128xf32, #tpu.memory_space<hbm>> -> memref<1x632x128xf32, #tpu.memory_space<hbm>>
      %dma_start3A_32 = tpu.memref_squeeze %dma_start3A_31 : memref<1x632x128xf32, #tpu.memory_space<hbm>> -> memref<632x128xf32, #tpu.memory_space<hbm>>
      %dma_start3A_33 = arith.constant 0 : i32
      %dma_start3A_34 = tpu.memref_slice %arg13[%mul3A_2, %dma_start3A_33] : memref<10112x128xf32, #tpu.memory_space<vmem_shared>> -> memref<632x128xf32, #tpu.memory_space<vmem_shared>>
      tpu.enqueue_dma source(%dma_start3A_34 : memref<632x128xf32, #tpu.memory_space<vmem_shared>>) target(%dma_start3A_32 : memref<632x128xf32, #tpu.memory_space<hbm>>) target_semaphore(%run_scoped3A_29 : memref<!tpu.dma_semaphore, #tpu.memory_space<semaphore_mem>>)
      %dma_wait3A = arith.constant 0 : i32
      %dma_wait3A_35 = tpu.memref_slice %arg7[%arg0, %mul3A_2, %dma_wait3A] : memref<2x10112x128xf32, #tpu.memory_space<hbm>> -> memref<1x632x128xf32, #tpu.memory_space<hbm>>
      %dma_wait3A_36 = tpu.memref_squeeze %dma_wait3A_35 : memref<1x632x128xf32, #tpu.memory_space<hbm>> -> memref<632x128xf32, #tpu.memory_space<hbm>>
      %dma_wait3A_37 = arith.constant 0 : i32
      %dma_wait3A_38 = tpu.memref_slice %arg13[%mul3A_2, %dma_wait3A_37] : memref<10112x128xf32, #tpu.memory_space<vmem_shared>> -> memref<632x128xf32, #tpu.memory_space<vmem_shared>>
      tpu.wait_dma2 semaphore(%run_scoped3A_29 : memref<!tpu.dma_semaphore, #tpu.memory_space<semaphore_mem>>) src(%dma_wait3A_38 : memref<632x128xf32, #tpu.memory_space<vmem_shared>>) dst(%dma_wait3A_36 : memref<632x128xf32, #tpu.memory_space<hbm>>)
      tpu.yield
    }) : () -> ()
    return
  }
}

module attributes {stable_mosaic.version = 14 : i64} {
  func.func @_embed_body(%arg0: i32, %arg1: memref<400x128xf32, #tpu.memory_space<vmem>>, %arg2: memref<128x128xf32, #tpu.memory_space<vmem>>, %arg3: memref<1x128xf32, #tpu.memory_space<vmem>>, %arg4: memref<400x128xf32, #tpu.memory_space<vmem>>) attributes {dimension_semantics = [#tpu.dimension_semantics<arbitrary>], iteration_bounds = array<i64: 25>, scalar_prefetch = 0 : i64, scratch_operands = 0 : i64, tpu.core_type = #tpu.core_type<tc>, window_params = [{transform_indices = @transform_0, window_bounds = array<i64: 400, 128>}, {pipeline_mode = #tpu.pipeline_mode<synchronous>, transform_indices = @transform_1, window_bounds = array<i64: 128, 128>}, {pipeline_mode = #tpu.pipeline_mode<synchronous>, transform_indices = @transform_2, window_bounds = array<i64: 1, 128>}, {transform_indices = @transform_3, window_bounds = array<i64: 400, 128>}]} {
    %get3A = arith.constant 0 : index
    %get3A_0 = arith.constant 0 : index
    %get3A_1 = vector.load %arg1[%get3A, %get3A_0] : memref<400x128xf32, #tpu.memory_space<vmem>>, vector<400x128xf32>
    %get3A_2 = arith.constant 0 : index
    %get3A_3 = arith.constant 0 : index
    %get3A_4 = vector.load %arg2[%get3A_2, %get3A_3] : memref<128x128xf32, #tpu.memory_space<vmem>>, vector<128x128xf32>
    %dot_general3A = arith.constant dense<0.000000e+00> : vector<400x128xf32>
    %dot_general3A_5 = tpu.matmul %get3A_1, %get3A_4, %dot_general3A {dimension_numbers = #tpu.dot_dimension_numbers<[1], [0], [0], [1], [0, 0, 1, 1], [], []>, transpose_lhs_hint = false} : vector<400x128xf32>, vector<128x128xf32>, vector<400x128xf32> -> vector<400x128xf32>
    %get3A_6 = arith.constant 0 : index
    %get3A_7 = arith.constant 0 : index
    %get3A_8 = vector.load %arg3[%get3A_6, %get3A_7] : memref<1x128xf32, #tpu.memory_space<vmem>>, vector<1x128xf32>
    %add3A = vector.broadcast %get3A_8 : vector<1x128xf32> to vector<400x128xf32>
    %add3A_9 = arith.addf %dot_general3A_5, %add3A : vector<400x128xf32>
    %max3A = arith.constant 0.000000e+00 : f32
    %max3A_10 = vector.broadcast %max3A : f32 to vector<400x128xf32>
    %max3A_11 = arith.maximumf %add3A_9, %max3A_10 : vector<400x128xf32>
    %swap3A = arith.constant 0 : index
    %swap3A_12 = arith.constant 0 : index
    %swap3A_13 = vector.load %arg4[%swap3A, %swap3A_12] : memref<400x128xf32, #tpu.memory_space<vmem>>, vector<400x128xf32>
    tpu.vector_store %arg4[%swap3A, %swap3A_12], %max3A_11 {strides = array<i32>} : memref<400x128xf32, #tpu.memory_space<vmem>>, vector<400x128xf32>,
    return
  }
  func.func @transform_0(%arg0: i32) -> (i32, i32) {
    %c0_i32 = arith.constant 0 : i32
    %c0_i32_0 = arith.constant 0 : i32
    return %arg0, %c0_i32 : i32, i32
  }
  func.func @transform_1(%arg0: i32) -> (i32, i32) {
    %c0_i32 = arith.constant 0 : i32
    %c0_i32_0 = arith.constant 0 : i32
    %c0_i32_1 = arith.constant 0 : i32
    return %c0_i32, %c0_i32_0 : i32, i32
  }
  func.func @transform_2(%arg0: i32) -> (i32, i32) {
    %c0_i32 = arith.constant 0 : i32
    %c0_i32_0 = arith.constant 0 : i32
    %c0_i32_1 = arith.constant 0 : i32
    return %c0_i32, %c0_i32_0 : i32, i32
  }
  func.func @transform_3(%arg0: i32) -> (i32, i32) {
    %c0_i32 = arith.constant 0 : i32
    %c0_i32_0 = arith.constant 0 : i32
    return %arg0, %c0_i32 : i32, i32
  }
}

module attributes {stable_mosaic.version = 14 : i64} {
  func.func @_emat_body(%arg0: i32, %arg1: memref<4096x16xf32, #tpu.memory_space<vmem>>, %arg2: memref<16x128xf32, #tpu.memory_space<vmem>>, %arg3: memref<1x128xf32, #tpu.memory_space<vmem>>, %arg4: memref<16x128xf32, #tpu.memory_space<vmem>>, %arg5: memref<1x128xf32, #tpu.memory_space<vmem>>, %arg6: memref<16x128xf32, #tpu.memory_space<vmem>>, %arg7: memref<1x128xf32, #tpu.memory_space<vmem>>, %arg8: memref<4096x128xf32, #tpu.memory_space<vmem>>, %arg9: memref<4096x128xf32, #tpu.memory_space<vmem>>, %arg10: memref<4096x128xf32, #tpu.memory_space<vmem>>) attributes {dimension_semantics = [#tpu.dimension_semantics<arbitrary>], iteration_bounds = array<i64: 80>, scalar_prefetch = 0 : i64, scratch_operands = 0 : i64, tpu.core_type = #tpu.core_type<tc>, window_params = [{transform_indices = @transform_0, window_bounds = array<i64: 4096, 16>}, {pipeline_mode = #tpu.pipeline_mode<synchronous>, transform_indices = @transform_1, window_bounds = array<i64: 16, 128>}, {pipeline_mode = #tpu.pipeline_mode<synchronous>, transform_indices = @transform_2, window_bounds = array<i64: 1, 128>}, {pipeline_mode = #tpu.pipeline_mode<synchronous>, transform_indices = @transform_3, window_bounds = array<i64: 16, 128>}, {pipeline_mode = #tpu.pipeline_mode<synchronous>, transform_indices = @transform_4, window_bounds = array<i64: 1, 128>}, {pipeline_mode = #tpu.pipeline_mode<synchronous>, transform_indices = @transform_5, window_bounds = array<i64: 16, 128>}, {pipeline_mode = #tpu.pipeline_mode<synchronous>, transform_indices = @transform_6, window_bounds = array<i64: 1, 128>}, {transform_indices = @transform_7, window_bounds = array<i64: 4096, 128>}, {transform_indices = @transform_8, window_bounds = array<i64: 4096, 128>}, {transform_indices = @transform_9, window_bounds = array<i64: 4096, 128>}]} {
    %get3A = arith.constant 0 : index
    %get3A_0 = arith.constant 0 : index
    %get3A_1 = vector.load %arg1[%get3A, %get3A_0] : memref<4096x16xf32, #tpu.memory_space<vmem>>, vector<4096x16xf32>
    %get3A_2 = arith.constant 0 : index
    %get3A_3 = arith.constant 0 : index
    %get3A_4 = vector.load %arg2[%get3A_2, %get3A_3] : memref<16x128xf32, #tpu.memory_space<vmem>>, vector<16x128xf32>
    %dot_general3A = arith.constant dense<0.000000e+00> : vector<4096x128xf32>
    %dot_general3A_5 = tpu.matmul %get3A_1, %get3A_4, %dot_general3A {dimension_numbers = #tpu.dot_dimension_numbers<[1], [0], [0], [1], [0, 0, 1, 1], [], []>, transpose_lhs_hint = false} : vector<4096x16xf32>, vector<16x128xf32>, vector<4096x128xf32> -> vector<4096x128xf32>
    %get3A_6 = arith.constant 0 : index
    %get3A_7 = arith.constant 0 : index
    %get3A_8 = vector.load %arg3[%get3A_6, %get3A_7] : memref<1x128xf32, #tpu.memory_space<vmem>>, vector<1x128xf32>
    %add3A = vector.broadcast %get3A_8 : vector<1x128xf32> to vector<4096x128xf32>
    %add3A_9 = arith.addf %dot_general3A_5, %add3A : vector<4096x128xf32>
    %swap3A = arith.constant 0 : index
    %swap3A_10 = arith.constant 0 : index
    %swap3A_11 = vector.load %arg8[%swap3A, %swap3A_10] : memref<4096x128xf32, #tpu.memory_space<vmem>>, vector<4096x128xf32>
    tpu.vector_store %arg8[%swap3A, %swap3A_10], %add3A_9 {strides = array<i32>} : memref<4096x128xf32, #tpu.memory_space<vmem>>, vector<4096x128xf32>,
    %get3A_12 = arith.constant 0 : index
    %get3A_13 = arith.constant 0 : index
    %get3A_14 = vector.load %arg4[%get3A_12, %get3A_13] : memref<16x128xf32, #tpu.memory_space<vmem>>, vector<16x128xf32>
    %dot_general3A_15 = arith.constant dense<0.000000e+00> : vector<4096x128xf32>
    %dot_general3A_16 = tpu.matmul %get3A_1, %get3A_14, %dot_general3A_15 {dimension_numbers = #tpu.dot_dimension_numbers<[1], [0], [0], [1], [0, 0, 1, 1], [], []>, transpose_lhs_hint = false} : vector<4096x16xf32>, vector<16x128xf32>, vector<4096x128xf32> -> vector<4096x128xf32>
    %get3A_17 = arith.constant 0 : index
    %get3A_18 = arith.constant 0 : index
    %get3A_19 = vector.load %arg5[%get3A_17, %get3A_18] : memref<1x128xf32, #tpu.memory_space<vmem>>, vector<1x128xf32>
    %add3A_20 = vector.broadcast %get3A_19 : vector<1x128xf32> to vector<4096x128xf32>
    %add3A_21 = arith.addf %dot_general3A_16, %add3A_20 : vector<4096x128xf32>
    %swap3A_22 = arith.constant 0 : index
    %swap3A_23 = arith.constant 0 : index
    %swap3A_24 = vector.load %arg9[%swap3A_22, %swap3A_23] : memref<4096x128xf32, #tpu.memory_space<vmem>>, vector<4096x128xf32>
    tpu.vector_store %arg9[%swap3A_22, %swap3A_23], %add3A_21 {strides = array<i32>} : memref<4096x128xf32, #tpu.memory_space<vmem>>, vector<4096x128xf32>,
    %get3A_25 = arith.constant 0 : index
    %get3A_26 = arith.constant 0 : index
    %get3A_27 = vector.load %arg6[%get3A_25, %get3A_26] : memref<16x128xf32, #tpu.memory_space<vmem>>, vector<16x128xf32>
    %dot_general3A_28 = arith.constant dense<0.000000e+00> : vector<4096x128xf32>
    %dot_general3A_29 = tpu.matmul %get3A_1, %get3A_27, %dot_general3A_28 {dimension_numbers = #tpu.dot_dimension_numbers<[1], [0], [0], [1], [0, 0, 1, 1], [], []>, transpose_lhs_hint = false} : vector<4096x16xf32>, vector<16x128xf32>, vector<4096x128xf32> -> vector<4096x128xf32>
    %get3A_30 = arith.constant 0 : index
    %get3A_31 = arith.constant 0 : index
    %get3A_32 = vector.load %arg7[%get3A_30, %get3A_31] : memref<1x128xf32, #tpu.memory_space<vmem>>, vector<1x128xf32>
    %add3A_33 = vector.broadcast %get3A_32 : vector<1x128xf32> to vector<4096x128xf32>
    %add3A_34 = arith.addf %dot_general3A_29, %add3A_33 : vector<4096x128xf32>
    %swap3A_35 = arith.constant 0 : index
    %swap3A_36 = arith.constant 0 : index
    %swap3A_37 = vector.load %arg10[%swap3A_35, %swap3A_36] : memref<4096x128xf32, #tpu.memory_space<vmem>>, vector<4096x128xf32>
    tpu.vector_store %arg10[%swap3A_35, %swap3A_36], %add3A_34 {strides = array<i32>} : memref<4096x128xf32, #tpu.memory_space<vmem>>, vector<4096x128xf32>,
    return
  }
  func.func @transform_0(%arg0: i32) -> (i32, i32) {
    %c0_i32 = arith.constant 0 : i32
    %c0_i32_0 = arith.constant 0 : i32
    return %arg0, %c0_i32 : i32, i32
  }
  func.func @transform_1(%arg0: i32) -> (i32, i32) {
    %c0_i32 = arith.constant 0 : i32
    %c0_i32_0 = arith.constant 0 : i32
    %c0_i32_1 = arith.constant 0 : i32
    return %c0_i32, %c0_i32_0 : i32, i32
  }
  func.func @transform_2(%arg0: i32) -> (i32, i32) {
    %c0_i32 = arith.constant 0 : i32
    %c0_i32_0 = arith.constant 0 : i32
    %c0_i32_1 = arith.constant 0 : i32
    return %c0_i32, %c0_i32_0 : i32, i32
  }
  func.func @transform_3(%arg0: i32) -> (i32, i32) {
    %c0_i32 = arith.constant 0 : i32
    %c0_i32_0 = arith.constant 0 : i32
    %c0_i32_1 = arith.constant 0 : i32
    return %c0_i32, %c0_i32_0 : i32, i32
  }
  func.func @transform_4(%arg0: i32) -> (i32, i32) {
    %c0_i32 = arith.constant 0 : i32
    %c0_i32_0 = arith.constant 0 : i32
    %c0_i32_1 = arith.constant 0 : i32
    return %c0_i32, %c0_i32_0 : i32, i32
  }
  func.func @transform_5(%arg0: i32) -> (i32, i32) {
    %c0_i32 = arith.constant 0 : i32
    %c0_i32_0 = arith.constant 0 : i32
    %c0_i32_1 = arith.constant 0 : i32
    return %c0_i32, %c0_i32_0 : i32, i32
  }
  func.func @transform_6(%arg0: i32) -> (i32, i32) {
    %c0_i32 = arith.constant 0 : i32
    %c0_i32_0 = arith.constant 0 : i32
    %c0_i32_1 = arith.constant 0 : i32
    return %c0_i32, %c0_i32_0 : i32, i32
  }
  func.func @transform_7(%arg0: i32) -> (i32, i32) {
    %c0_i32 = arith.constant 0 : i32
    %c0_i32_0 = arith.constant 0 : i32
    return %arg0, %c0_i32 : i32, i32
  }
  func.func @transform_8(%arg0: i32) -> (i32, i32) {
    %c0_i32 = arith.constant 0 : i32
    %c0_i32_0 = arith.constant 0 : i32
    return %arg0, %c0_i32 : i32, i32
  }
  func.func @transform_9(%arg0: i32) -> (i32, i32) {
    %c0_i32 = arith.constant 0 : i32
    %c0_i32_0 = arith.constant 0 : i32
    return %arg0, %c0_i32 : i32, i32
  }
}

module attributes {stable_mosaic.version = 14 : i64} {
  func.func @_layer1_body(%arg0: i32, %arg1: memref<400x128xf32, #tpu.memory_space<vmem>>, %arg2: memref<1x400x128xf32, #tpu.memory_space<vmem>>, %arg3: memref<1x400x128xf32, #tpu.memory_space<vmem>>, %arg4: memref<128x256xf32, #tpu.memory_space<vmem>>, %arg5: memref<1x256xf32, #tpu.memory_space<vmem>>, %arg6: memref<256x128xf32, #tpu.memory_space<vmem>>, %arg7: memref<1x128xf32, #tpu.memory_space<vmem>>, %arg8: memref<400x128xf32, #tpu.memory_space<vmem>>, %arg9: memref<1x128xf32, #tpu.memory_space<vmem>>, %arg10: memref<1x128xf32, #tpu.memory_space<vmem>>) attributes {dimension_semantics = [#tpu.dimension_semantics<arbitrary>], iteration_bounds = array<i64: 25>, scalar_prefetch = 0 : i64, scratch_operands = 0 : i64, tpu.core_type = #tpu.core_type<tc>, window_params = [{transform_indices = @transform_0, window_bounds = array<i64: 400, 128>}, {transform_indices = @transform_1, window_bounds = array<i64: 1, 400, 128>}, {transform_indices = @transform_2, window_bounds = array<i64: 1, 400, 128>}, {pipeline_mode = #tpu.pipeline_mode<synchronous>, transform_indices = @transform_3, window_bounds = array<i64: 128, 256>}, {pipeline_mode = #tpu.pipeline_mode<synchronous>, transform_indices = @transform_4, window_bounds = array<i64: 1, 256>}, {pipeline_mode = #tpu.pipeline_mode<synchronous>, transform_indices = @transform_5, window_bounds = array<i64: 256, 128>}, {pipeline_mode = #tpu.pipeline_mode<synchronous>, transform_indices = @transform_6, window_bounds = array<i64: 1, 128>}, {transform_indices = @transform_7, window_bounds = array<i64: 400, 128>}, {pipeline_mode = #tpu.pipeline_mode<synchronous>, transform_indices = @transform_8, window_bounds = array<i64: 1, 128>}, {pipeline_mode = #tpu.pipeline_mode<synchronous>, transform_indices = @transform_9, window_bounds = array<i64: 1, 128>}]} {
    %get3A = arith.constant 0 : index
    %get3A_0 = arith.constant 0 : index
    %get3A_1 = vector.load %arg1[%get3A, %get3A_0] : memref<400x128xf32, #tpu.memory_space<vmem>>, vector<400x128xf32>
    %get3A_2 = arith.constant 0 : index
    %get3A_3 = arith.constant 0 : index
    %get3A_4 = arith.constant 0 : index
    %get3A_5 = vector.load %arg2[%get3A_2, %get3A_3, %get3A_4] : memref<1x400x128xf32, #tpu.memory_space<vmem>>, vector<1x400x128xf32>
    %reshape3A = vector.shape_cast %get3A_5 : vector<1x400x128xf32> to vector<400x128xf32>
    %add3A = arith.addf %get3A_1, %reshape3A : vector<400x128xf32>
    %get3A_6 = arith.constant 0 : index
    %get3A_7 = arith.constant 0 : index
    %get3A_8 = arith.constant 0 : index
    %get3A_9 = vector.load %arg3[%get3A_6, %get3A_7, %get3A_8] : memref<1x400x128xf32, #tpu.memory_space<vmem>>, vector<1x400x128xf32>
    %reshape3A_10 = vector.shape_cast %get3A_9 : vector<1x400x128xf32> to vector<400x128xf32>
    %add3A_11 = arith.addf %add3A, %reshape3A_10 : vector<400x128xf32>
    %get3A_12 = arith.constant 0 : index
    %get3A_13 = arith.constant 0 : index
    %get3A_14 = vector.load %arg4[%get3A_12, %get3A_13] : memref<128x256xf32, #tpu.memory_space<vmem>>, vector<128x256xf32>
    %dot_general3A = arith.constant dense<0.000000e+00> : vector<400x256xf32>
    %dot_general3A_15 = tpu.matmul %add3A_11, %get3A_14, %dot_general3A {dimension_numbers = #tpu.dot_dimension_numbers<[1], [0], [0], [1], [0, 0, 1, 1], [], []>, transpose_lhs_hint = false} : vector<400x128xf32>, vector<128x256xf32>, vector<400x256xf32> -> vector<400x256xf32>
    %get3A_16 = arith.constant 0 : index
    %get3A_17 = arith.constant 0 : index
    %get3A_18 = vector.load %arg5[%get3A_16, %get3A_17] : memref<1x256xf32, #tpu.memory_space<vmem>>, vector<1x256xf32>
    %add3A_19 = vector.broadcast %get3A_18 : vector<1x256xf32> to vector<400x256xf32>
    %add3A_20 = arith.addf %dot_general3A_15, %add3A_19 : vector<400x256xf32>
    %max3A = arith.constant 0.000000e+00 : f32
    %max3A_21 = vector.broadcast %max3A : f32 to vector<400x256xf32>
    %max3A_22 = arith.maximumf %add3A_20, %max3A_21 : vector<400x256xf32>
    %get3A_23 = arith.constant 0 : index
    %get3A_24 = arith.constant 0 : index
    %get3A_25 = vector.load %arg6[%get3A_23, %get3A_24] : memref<256x128xf32, #tpu.memory_space<vmem>>, vector<256x128xf32>
    %dot_general3A_26 = arith.constant dense<0.000000e+00> : vector<400x128xf32>
    %dot_general3A_27 = tpu.matmul %max3A_22, %get3A_25, %dot_general3A_26 {dimension_numbers = #tpu.dot_dimension_numbers<[1], [0], [0], [1], [0, 0, 1, 1], [], []>, transpose_lhs_hint = false} : vector<400x256xf32>, vector<256x128xf32>, vector<400x128xf32> -> vector<400x128xf32>
    %get3A_28 = arith.constant 0 : index
    %get3A_29 = arith.constant 0 : index
    %get3A_30 = vector.load %arg7[%get3A_28, %get3A_29] : memref<1x128xf32, #tpu.memory_space<vmem>>, vector<1x128xf32>
    %add3A_31 = vector.broadcast %get3A_30 : vector<1x128xf32> to vector<400x128xf32>
    %add3A_32 = arith.addf %dot_general3A_27, %add3A_31 : vector<400x128xf32>
    %swap3A = arith.constant 0 : index
    %swap3A_33 = arith.constant 0 : index
    %swap3A_34 = vector.load %arg8[%swap3A, %swap3A_33] : memref<400x128xf32, #tpu.memory_space<vmem>>, vector<400x128xf32>
    tpu.vector_store %arg8[%swap3A, %swap3A_33], %add3A_32 {strides = array<i32>} : memref<400x128xf32, #tpu.memory_space<vmem>>, vector<400x128xf32>,
    %reduce_sum3A = arith.constant dense<0.000000e+00> : vector<128xf32>
    %reduce_sum3A_35 = vector.multi_reduction <add>, %add3A_32, %reduce_sum3A [0] : vector<400x128xf32> to vector<128xf32>
    %broadcast_in_dim3A = vector.shape_cast %reduce_sum3A_35 : vector<128xf32> to vector<1x128xf32>
    %mul3A = arith.mulf %add3A_32, %add3A_32 : vector<400x128xf32>
    %reduce_sum3A_36 = arith.constant dense<0.000000e+00> : vector<128xf32>
    %reduce_sum3A_37 = vector.multi_reduction <add>, %mul3A, %reduce_sum3A_36 [0] : vector<400x128xf32> to vector<128xf32>
    %broadcast_in_dim3A_38 = vector.shape_cast %reduce_sum3A_37 : vector<128xf32> to vector<1x128xf32>
    %eq3A = arith.constant 0 : i32
    %eq3A_39 = arith.cmpi eq, %arg0, %eq3A : i32
    %convert_element_type3A = arith.extui %eq3A_39 : i1 to i32
    %cond3A = arith.constant 0 : i32
    %cond3A_40 = arith.cmpi ne, %convert_element_type3A, %cond3A : i32
    scf.if %cond3A_40 {
      %swap3A_45 = arith.constant 0 : index
      %swap3A_46 = arith.constant 0 : index
      %swap3A_47 = vector.load %arg9[%swap3A_45, %swap3A_46] : memref<1x128xf32, #tpu.memory_space<vmem>>, vector<1x128xf32>
      tpu.vector_store %arg9[%swap3A_45, %swap3A_46], %broadcast_in_dim3A {strides = array<i32>} : memref<1x128xf32, #tpu.memory_space<vmem>>, vector<1x128xf32>,
      %swap3A_48 = arith.constant 0 : index
      %swap3A_49 = arith.constant 0 : index
      %swap3A_50 = vector.load %arg10[%swap3A_48, %swap3A_49] : memref<1x128xf32, #tpu.memory_space<vmem>>, vector<1x128xf32>
      tpu.vector_store %arg10[%swap3A_48, %swap3A_49], %broadcast_in_dim3A_38 {strides = array<i32>} : memref<1x128xf32, #tpu.memory_space<vmem>>, vector<1x128xf32>,
    } else {
    }
    %gt3A = arith.constant 0 : i32
    %gt3A_41 = arith.cmpi sgt, %arg0, %gt3A : i32
    %convert_element_type3A_42 = arith.extui %gt3A_41 : i1 to i32
    %cond3A_43 = arith.constant 0 : i32
    %cond3A_44 = arith.cmpi ne, %convert_element_type3A_42, %cond3A_43 : i32
    scf.if %cond3A_44 {
      %get3A_45 = arith.constant 0 : index
      %get3A_46 = arith.constant 0 : index
      %get3A_47 = vector.load %arg9[%get3A_45, %get3A_46] : memref<1x128xf32, #tpu.memory_space<vmem>>, vector<1x128xf32>
      %add3A_48 = arith.addf %get3A_47, %broadcast_in_dim3A : vector<1x128xf32>
      %swap3A_49 = arith.constant 0 : index
      %swap3A_50 = arith.constant 0 : index
      %swap3A_51 = vector.load %arg9[%swap3A_49, %swap3A_50] : memref<1x128xf32, #tpu.memory_space<vmem>>, vector<1x128xf32>
      tpu.vector_store %arg9[%swap3A_49, %swap3A_50], %add3A_48 {strides = array<i32>} : memref<1x128xf32, #tpu.memory_space<vmem>>, vector<1x128xf32>,
      %get3A_52 = arith.constant 0 : index
      %get3A_53 = arith.constant 0 : index
      %get3A_54 = vector.load %arg10[%get3A_52, %get3A_53] : memref<1x128xf32, #tpu.memory_space<vmem>>, vector<1x128xf32>
      %add3A_55 = arith.addf %get3A_54, %broadcast_in_dim3A_38 : vector<1x128xf32>
      %swap3A_56 = arith.constant 0 : index
      %swap3A_57 = arith.constant 0 : index
      %swap3A_58 = vector.load %arg10[%swap3A_56, %swap3A_57] : memref<1x128xf32, #tpu.memory_space<vmem>>, vector<1x128xf32>
      tpu.vector_store %arg10[%swap3A_56, %swap3A_57], %add3A_55 {strides = array<i32>} : memref<1x128xf32, #tpu.memory_space<vmem>>, vector<1x128xf32>,
    } else {
    }
    return
  }
  func.func @transform_0(%arg0: i32) -> (i32, i32) {
    %c0_i32 = arith.constant 0 : i32
    %c0_i32_0 = arith.constant 0 : i32
    return %arg0, %c0_i32 : i32, i32
  }
  func.func @transform_1(%arg0: i32) -> (i32, i32, i32) {
    %c0_i32 = arith.constant 0 : i32
    %c0_i32_0 = arith.constant 0 : i32
    %c0_i32_1 = arith.constant 0 : i32
    return %c0_i32, %arg0, %c0_i32_0 : i32, i32, i32
  }
  func.func @transform_2(%arg0: i32) -> (i32, i32, i32) {
    %c1_i32 = arith.constant 1 : i32
    %c0_i32 = arith.constant 0 : i32
    %c0_i32_0 = arith.constant 0 : i32
    return %c1_i32, %arg0, %c0_i32 : i32, i32, i32
  }
  func.func @transform_3(%arg0: i32) -> (i32, i32) {
    %c0_i32 = arith.constant 0 : i32
    %c0_i32_0 = arith.constant 0 : i32
    %c0_i32_1 = arith.constant 0 : i32
    return %c0_i32, %c0_i32_0 : i32, i32
  }
  func.func @transform_4(%arg0: i32) -> (i32, i32) {
    %c0_i32 = arith.constant 0 : i32
    %c0_i32_0 = arith.constant 0 : i32
    %c0_i32_1 = arith.constant 0 : i32
    return %c0_i32, %c0_i32_0 : i32, i32
  }
  func.func @transform_5(%arg0: i32) -> (i32, i32) {
    %c0_i32 = arith.constant 0 : i32
    %c0_i32_0 = arith.constant 0 : i32
    %c0_i32_1 = arith.constant 0 : i32
    return %c0_i32, %c0_i32_0 : i32, i32
  }
  func.func @transform_6(%arg0: i32) -> (i32, i32) {
    %c0_i32 = arith.constant 0 : i32
    %c0_i32_0 = arith.constant 0 : i32
    %c0_i32_1 = arith.constant 0 : i32
    return %c0_i32, %c0_i32_0 : i32, i32
  }
  func.func @transform_7(%arg0: i32) -> (i32, i32) {
    %c0_i32 = arith.constant 0 : i32
    %c0_i32_0 = arith.constant 0 : i32
    return %arg0, %c0_i32 : i32, i32
  }
  func.func @transform_8(%arg0: i32) -> (i32, i32) {
    %c0_i32 = arith.constant 0 : i32
    %c0_i32_0 = arith.constant 0 : i32
    %c0_i32_1 = arith.constant 0 : i32
    return %c0_i32, %c0_i32_0 : i32, i32
  }
  func.func @transform_9(%arg0: i32) -> (i32, i32) {
    %c0_i32 = arith.constant 0 : i32
    %c0_i32_0 = arith.constant 0 : i32
    %c0_i32_1 = arith.constant 0 : i32
    return %c0_i32, %c0_i32_0 : i32, i32
  }
}

module attributes {stable_mosaic.version = 14 : i64} {
  func.func @_layer2_body(%arg0: i32, %arg1: memref<400x128xf32, #tpu.memory_space<vmem>>, %arg2: memref<1x128xf32, #tpu.memory_space<vmem>>, %arg3: memref<1x128xf32, #tpu.memory_space<vmem>>, %arg4: memref<1x128xf32, #tpu.memory_space<vmem>>, %arg5: memref<1x128xf32, #tpu.memory_space<vmem>>, %arg6: memref<400x128xf32, #tpu.memory_space<vmem>>) attributes {dimension_semantics = [#tpu.dimension_semantics<arbitrary>], iteration_bounds = array<i64: 25>, scalar_prefetch = 0 : i64, scratch_operands = 0 : i64, tpu.core_type = #tpu.core_type<tc>, window_params = [{transform_indices = @transform_0, window_bounds = array<i64: 400, 128>}, {pipeline_mode = #tpu.pipeline_mode<synchronous>, transform_indices = @transform_1, window_bounds = array<i64: 1, 128>}, {pipeline_mode = #tpu.pipeline_mode<synchronous>, transform_indices = @transform_2, window_bounds = array<i64: 1, 128>}, {pipeline_mode = #tpu.pipeline_mode<synchronous>, transform_indices = @transform_3, window_bounds = array<i64: 1, 128>}, {pipeline_mode = #tpu.pipeline_mode<synchronous>, transform_indices = @transform_4, window_bounds = array<i64: 1, 128>}, {transform_indices = @transform_5, window_bounds = array<i64: 400, 128>}]} {
    %get3A = arith.constant 0 : index
    %get3A_0 = arith.constant 0 : index
    %get3A_1 = vector.load %arg2[%get3A, %get3A_0] : memref<1x128xf32, #tpu.memory_space<vmem>>, vector<1x128xf32>
    %div3A = arith.constant 1.000000e+04 : f32
    %div3A_2 = vector.broadcast %div3A : f32 to vector<1x128xf32>
    %div3A_3 = arith.divf %get3A_1, %div3A_2 : vector<1x128xf32>
    %get3A_4 = arith.constant 0 : index
    %get3A_5 = arith.constant 0 : index
    %get3A_6 = vector.load %arg3[%get3A_4, %get3A_5] : memref<1x128xf32, #tpu.memory_space<vmem>>, vector<1x128xf32>
    %div3A_7 = arith.constant 1.000000e+04 : f32
    %div3A_8 = vector.broadcast %div3A_7 : f32 to vector<1x128xf32>
    %div3A_9 = arith.divf %get3A_6, %div3A_8 : vector<1x128xf32>
    %mul3A = arith.mulf %div3A_3, %div3A_3 : vector<1x128xf32>
    %sub3A = arith.subf %div3A_9, %mul3A : vector<1x128xf32>
    %get3A_10 = arith.constant 0 : index
    %get3A_11 = arith.constant 0 : index
    %get3A_12 = vector.load %arg1[%get3A_10, %get3A_11] : memref<400x128xf32, #tpu.memory_space<vmem>>, vector<400x128xf32>
    %sub3A_13 = vector.broadcast %div3A_3 : vector<1x128xf32> to vector<400x128xf32>
    %sub3A_14 = arith.subf %get3A_12, %sub3A_13 : vector<400x128xf32>
    %add3A = arith.constant 9.99999974E-6 : f32
    %add3A_15 = vector.broadcast %add3A : f32 to vector<1x128xf32>
    %add3A_16 = arith.addf %sub3A, %add3A_15 : vector<1x128xf32>
    %rsqrt3A = math.rsqrt %add3A_16 : vector<1x128xf32>
    %mul3A_17 = vector.broadcast %rsqrt3A : vector<1x128xf32> to vector<400x128xf32>
    %mul3A_18 = arith.mulf %sub3A_14, %mul3A_17 : vector<400x128xf32>
    %get3A_19 = arith.constant 0 : index
    %get3A_20 = arith.constant 0 : index
    %get3A_21 = vector.load %arg4[%get3A_19, %get3A_20] : memref<1x128xf32, #tpu.memory_space<vmem>>, vector<1x128xf32>
    %mul3A_22 = vector.broadcast %get3A_21 : vector<1x128xf32> to vector<400x128xf32>
    %mul3A_23 = arith.mulf %mul3A_18, %mul3A_22 : vector<400x128xf32>
    %get3A_24 = arith.constant 0 : index
    %get3A_25 = arith.constant 0 : index
    %get3A_26 = vector.load %arg5[%get3A_24, %get3A_25] : memref<1x128xf32, #tpu.memory_space<vmem>>, vector<1x128xf32>
    %add3A_27 = vector.broadcast %get3A_26 : vector<1x128xf32> to vector<400x128xf32>
    %add3A_28 = arith.addf %mul3A_23, %add3A_27 : vector<400x128xf32>
    %max3A = arith.constant 0.000000e+00 : f32
    %max3A_29 = vector.broadcast %max3A : f32 to vector<400x128xf32>
    %max3A_30 = arith.maximumf %add3A_28, %max3A_29 : vector<400x128xf32>
    %swap3A = arith.constant 0 : index
    %swap3A_31 = arith.constant 0 : index
    %swap3A_32 = vector.load %arg6[%swap3A, %swap3A_31] : memref<400x128xf32, #tpu.memory_space<vmem>>, vector<400x128xf32>
    tpu.vector_store %arg6[%swap3A, %swap3A_31], %max3A_30 {strides = array<i32>} : memref<400x128xf32, #tpu.memory_space<vmem>>, vector<400x128xf32>,
    return
  }
  func.func @transform_0(%arg0: i32) -> (i32, i32) {
    %c0_i32 = arith.constant 0 : i32
    %c0_i32_0 = arith.constant 0 : i32
    return %arg0, %c0_i32 : i32, i32
  }
  func.func @transform_1(%arg0: i32) -> (i32, i32) {
    %c0_i32 = arith.constant 0 : i32
    %c0_i32_0 = arith.constant 0 : i32
    %c0_i32_1 = arith.constant 0 : i32
    return %c0_i32, %c0_i32_0 : i32, i32
  }
  func.func @transform_2(%arg0: i32) -> (i32, i32) {
    %c0_i32 = arith.constant 0 : i32
    %c0_i32_0 = arith.constant 0 : i32
    %c0_i32_1 = arith.constant 0 : i32
    return %c0_i32, %c0_i32_0 : i32, i32
  }
  func.func @transform_3(%arg0: i32) -> (i32, i32) {
    %c0_i32 = arith.constant 0 : i32
    %c0_i32_0 = arith.constant 0 : i32
    %c0_i32_1 = arith.constant 0 : i32
    return %c0_i32, %c0_i32_0 : i32, i32
  }
  func.func @transform_4(%arg0: i32) -> (i32, i32) {
    %c0_i32 = arith.constant 0 : i32
    %c0_i32_0 = arith.constant 0 : i32
    %c0_i32_1 = arith.constant 0 : i32
    return %c0_i32, %c0_i32_0 : i32, i32
  }
  func.func @transform_5(%arg0: i32) -> (i32, i32) {
    %c0_i32 = arith.constant 0 : i32
    %c0_i32_0 = arith.constant 0 : i32
    return %arg0, %c0_i32 : i32, i32
  }
}

module attributes {stable_mosaic.version = 14 : i64} {
  func.func @_pool_body(%arg0: i32, %arg1: memref<400x128xf32, #tpu.memory_space<vmem>>, %arg2: memref<1x1x400xi32, #tpu.memory_space<vmem>>, %arg3: memref<128x128xf32, #tpu.memory_space<vmem>>, %arg4: memref<1x128xf32, #tpu.memory_space<vmem>>, %arg5: memref<128x128xf32, #tpu.memory_space<vmem>>, %arg6: memref<1x128xf32, #tpu.memory_space<vmem>>, %arg7: memref<128x128xf32, #tpu.memory_space<vmem>>, %arg8: memref<1x128xf32, #tpu.memory_space<vmem>>, %arg9: memref<128x128xf32, #tpu.memory_space<vmem>>, %arg10: memref<1x128xf32, #tpu.memory_space<vmem>>, %arg11: memref<64x128xf32, #tpu.memory_space<vmem>>, %arg12: memref<64x128xf32, #tpu.memory_space<vmem>>, %arg13: memref<64x128xf32, #tpu.memory_space<vmem>>) attributes {dimension_semantics = [#tpu.dimension_semantics<arbitrary>], iteration_bounds = array<i64: 25>, scalar_prefetch = 0 : i64, scratch_operands = 2 : i64, tpu.core_type = #tpu.core_type<tc>, window_params = [{transform_indices = @transform_0, window_bounds = array<i64: 400, 128>}, {transform_indices = @transform_1, window_bounds = array<i64: 1, 1, 400>}, {pipeline_mode = #tpu.pipeline_mode<synchronous>, transform_indices = @transform_2, window_bounds = array<i64: 128, 128>}, {pipeline_mode = #tpu.pipeline_mode<synchronous>, transform_indices = @transform_3, window_bounds = array<i64: 1, 128>}, {pipeline_mode = #tpu.pipeline_mode<synchronous>, transform_indices = @transform_4, window_bounds = array<i64: 128, 128>}, {pipeline_mode = #tpu.pipeline_mode<synchronous>, transform_indices = @transform_5, window_bounds = array<i64: 1, 128>}, {pipeline_mode = #tpu.pipeline_mode<synchronous>, transform_indices = @transform_6, window_bounds = array<i64: 128, 128>}, {pipeline_mode = #tpu.pipeline_mode<synchronous>, transform_indices = @transform_7, window_bounds = array<i64: 1, 128>}, {pipeline_mode = #tpu.pipeline_mode<synchronous>, transform_indices = @transform_8, window_bounds = array<i64: 128, 128>}, {pipeline_mode = #tpu.pipeline_mode<synchronous>, transform_indices = @transform_9, window_bounds = array<i64: 1, 128>}, {pipeline_mode = #tpu.pipeline_mode<synchronous>, transform_indices = @transform_10, window_bounds = array<i64: 64, 128>}]} {
    %get3A = arith.constant 0 : index
    %get3A_0 = arith.constant 0 : index
    %get3A_1 = arith.constant 0 : index
    %get3A_2 = vector.load %arg2[%get3A, %get3A_0, %get3A_1] : memref<1x1x400xi32, #tpu.memory_space<vmem>>, vector<1x1x400xi32>
    %reshape3A = vector.shape_cast %get3A_2 : vector<1x1x400xi32> to vector<1x400xi32>
    %iota3A = tpu.iota {dimensions = array<i32: 0>} : vector<64x400xi32>
    %eq3A = vector.broadcast %reshape3A : vector<1x400xi32> to vector<64x400xi32>
    %eq3A_3 = arith.cmpi eq, %iota3A, %eq3A : vector<64x400xi32>
    %convert_element_type3A = arith.extui %eq3A_3 : vector<64x400xi1> to vector<64x400xi32>
    %convert_element_type3A_4 = arith.sitofp %convert_element_type3A : vector<64x400xi32> to vector<64x400xf32>
    %get3A_5 = arith.constant 0 : index
    %get3A_6 = arith.constant 0 : index
    %get3A_7 = vector.load %arg1[%get3A_5, %get3A_6] : memref<400x128xf32, #tpu.memory_space<vmem>>, vector<400x128xf32>
    %dot_general3A = arith.constant dense<0.000000e+00> : vector<64x128xf32>
    %dot_general3A_8 = tpu.matmul %convert_element_type3A_4, %get3A_7, %dot_general3A {dimension_numbers = #tpu.dot_dimension_numbers<[1], [0], [0], [1], [0, 0, 1, 1], [], []>, precision = #tpu.contract_precision<fp32>, transpose_lhs_hint = false} : vector<64x400xf32>, vector<400x128xf32>, vector<64x128xf32> -> vector<64x128xf32>
    %broadcast_in_dim3A = arith.constant 1.000000e+00 : f32
    %broadcast_in_dim3A_9 = vector.broadcast %broadcast_in_dim3A : f32 to vector<400x128xf32>
    %dot_general3A_10 = arith.constant dense<0.000000e+00> : vector<64x128xf32>
    %dot_general3A_11 = tpu.matmul %convert_element_type3A_4, %broadcast_in_dim3A_9, %dot_general3A_10 {dimension_numbers = #tpu.dot_dimension_numbers<[1], [0], [0], [1], [0, 0, 1, 1], [], []>, precision = #tpu.contract_precision<fp32>, transpose_lhs_hint = false} : vector<64x400xf32>, vector<400x128xf32>, vector<64x128xf32> -> vector<64x128xf32>
    %eq3A_12 = arith.constant 0 : i32
    %eq3A_13 = arith.cmpi eq, %arg0, %eq3A_12 : i32
    %convert_element_type3A_14 = arith.extui %eq3A_13 : i1 to i32
    %cond3A = arith.constant 0 : i32
    %cond3A_15 = arith.cmpi ne, %convert_element_type3A_14, %cond3A : i32
    scf.if %cond3A_15 {
      %swap3A = arith.constant 0 : index
      %swap3A_25 = arith.constant 0 : index
      %swap3A_26 = vector.load %arg12[%swap3A, %swap3A_25] : memref<64x128xf32, #tpu.memory_space<vmem>>, vector<64x128xf32>
      tpu.vector_store %arg12[%swap3A, %swap3A_25], %dot_general3A_8 {strides = array<i32>} : memref<64x128xf32, #tpu.memory_space<vmem>>, vector<64x128xf32>,
      %swap3A_27 = arith.constant 0 : index
      %swap3A_28 = arith.constant 0 : index
      %swap3A_29 = vector.load %arg13[%swap3A_27, %swap3A_28] : memref<64x128xf32, #tpu.memory_space<vmem>>, vector<64x128xf32>
      tpu.vector_store %arg13[%swap3A_27, %swap3A_28], %dot_general3A_11 {strides = array<i32>} : memref<64x128xf32, #tpu.memory_space<vmem>>, vector<64x128xf32>,
    } else {
    }
    %gt3A = arith.constant 0 : i32
    %gt3A_16 = arith.cmpi sgt, %arg0, %gt3A : i32
    %convert_element_type3A_17 = arith.extui %gt3A_16 : i1 to i32
    %cond3A_18 = arith.constant 0 : i32
    %cond3A_19 = arith.cmpi ne, %convert_element_type3A_17, %cond3A_18 : i32
    scf.if %cond3A_19 {
      %get3A_25 = arith.constant 0 : index
      %get3A_26 = arith.constant 0 : index
      %get3A_27 = vector.load %arg12[%get3A_25, %get3A_26] : memref<64x128xf32, #tpu.memory_space<vmem>>, vector<64x128xf32>
      %add3A = arith.addf %get3A_27, %dot_general3A_8 : vector<64x128xf32>
      %swap3A = arith.constant 0 : index
      %swap3A_28 = arith.constant 0 : index
      %swap3A_29 = vector.load %arg12[%swap3A, %swap3A_28] : memref<64x128xf32, #tpu.memory_space<vmem>>, vector<64x128xf32>
      tpu.vector_store %arg12[%swap3A, %swap3A_28], %add3A {strides = array<i32>} : memref<64x128xf32, #tpu.memory_space<vmem>>, vector<64x128xf32>,
      %get3A_30 = arith.constant 0 : index
      %get3A_31 = arith.constant 0 : index
      %get3A_32 = vector.load %arg13[%get3A_30, %get3A_31] : memref<64x128xf32, #tpu.memory_space<vmem>>, vector<64x128xf32>
      %add3A_33 = arith.addf %get3A_32, %dot_general3A_11 : vector<64x128xf32>
      %swap3A_34 = arith.constant 0 : index
      %swap3A_35 = arith.constant 0 : index
      %swap3A_36 = vector.load %arg13[%swap3A_34, %swap3A_35] : memref<64x128xf32, #tpu.memory_space<vmem>>, vector<64x128xf32>
      tpu.vector_store %arg13[%swap3A_34, %swap3A_35], %add3A_33 {strides = array<i32>} : memref<64x128xf32, #tpu.memory_space<vmem>>, vector<64x128xf32>,
    } else {
    }
    %eq3A_20 = arith.constant 24 : i32
    %eq3A_21 = arith.cmpi eq, %arg0, %eq3A_20 : i32
    %convert_element_type3A_22 = arith.extui %eq3A_21 : i1 to i32
    %cond3A_23 = arith.constant 0 : i32
    %cond3A_24 = arith.cmpi ne, %convert_element_type3A_22, %cond3A_23 : i32
    scf.if %cond3A_24 {
      %get3A_25 = arith.constant 0 : index
      %get3A_26 = arith.constant 0 : index
      %get3A_27 = vector.load %arg12[%get3A_25, %get3A_26] : memref<64x128xf32, #tpu.memory_space<vmem>>, vector<64x128xf32>
      %get3A_28 = arith.constant 0 : index
      %get3A_29 = arith.constant 0 : index
      %get3A_30 = vector.load %arg13[%get3A_28, %get3A_29] : memref<64x128xf32, #tpu.memory_space<vmem>>, vector<64x128xf32>
      %max3A = arith.constant 1.000000e+00 : f32
      %max3A_31 = vector.broadcast %max3A : f32 to vector<64x128xf32>
      %max3A_32 = arith.maximumf %get3A_30, %max3A_31 : vector<64x128xf32>
      %div3A = arith.divf %get3A_27, %max3A_32 : vector<64x128xf32>
      %get3A_33 = arith.constant 0 : index
      %get3A_34 = arith.constant 0 : index
      %get3A_35 = vector.load %arg3[%get3A_33, %get3A_34] : memref<128x128xf32, #tpu.memory_space<vmem>>, vector<128x128xf32>
      %dot_general3A_36 = arith.constant dense<0.000000e+00> : vector<64x128xf32>
      %dot_general3A_37 = tpu.matmul %div3A, %get3A_35, %dot_general3A_36 {dimension_numbers = #tpu.dot_dimension_numbers<[1], [0], [0], [1], [0, 0, 1, 1], [], []>, transpose_lhs_hint = false} : vector<64x128xf32>, vector<128x128xf32>, vector<64x128xf32> -> vector<64x128xf32>
      %get3A_38 = arith.constant 0 : index
      %get3A_39 = arith.constant 0 : index
      %get3A_40 = vector.load %arg4[%get3A_38, %get3A_39] : memref<1x128xf32, #tpu.memory_space<vmem>>, vector<1x128xf32>
      %add3A = vector.broadcast %get3A_40 : vector<1x128xf32> to vector<64x128xf32>
      %add3A_41 = arith.addf %dot_general3A_37, %add3A : vector<64x128xf32>
      %max3A_42 = arith.constant 0.000000e+00 : f32
      %max3A_43 = vector.broadcast %max3A_42 : f32 to vector<64x128xf32>
      %max3A_44 = arith.maximumf %add3A_41, %max3A_43 : vector<64x128xf32>
      %get3A_45 = arith.constant 0 : index
      %get3A_46 = arith.constant 0 : index
      %get3A_47 = vector.load %arg5[%get3A_45, %get3A_46] : memref<128x128xf32, #tpu.memory_space<vmem>>, vector<128x128xf32>
      %dot_general3A_48 = arith.constant dense<0.000000e+00> : vector<64x128xf32>
      %dot_general3A_49 = tpu.matmul %max3A_44, %get3A_47, %dot_general3A_48 {dimension_numbers = #tpu.dot_dimension_numbers<[1], [0], [0], [1], [0, 0, 1, 1], [], []>, transpose_lhs_hint = false} : vector<64x128xf32>, vector<128x128xf32>, vector<64x128xf32> -> vector<64x128xf32>
      %get3A_50 = arith.constant 0 : index
      %get3A_51 = arith.constant 0 : index
      %get3A_52 = vector.load %arg6[%get3A_50, %get3A_51] : memref<1x128xf32, #tpu.memory_space<vmem>>, vector<1x128xf32>
      %add3A_53 = vector.broadcast %get3A_52 : vector<1x128xf32> to vector<64x128xf32>
      %add3A_54 = arith.addf %dot_general3A_49, %add3A_53 : vector<64x128xf32>
      %max3A_55 = arith.constant 0.000000e+00 : f32
      %max3A_56 = vector.broadcast %max3A_55 : f32 to vector<64x128xf32>
      %max3A_57 = arith.maximumf %add3A_54, %max3A_56 : vector<64x128xf32>
      %get3A_58 = arith.constant 0 : index
      %get3A_59 = arith.constant 0 : index
      %get3A_60 = vector.load %arg7[%get3A_58, %get3A_59] : memref<128x128xf32, #tpu.memory_space<vmem>>, vector<128x128xf32>
      %dot_general3A_61 = arith.constant dense<0.000000e+00> : vector<64x128xf32>
      %dot_general3A_62 = tpu.matmul %max3A_57, %get3A_60, %dot_general3A_61 {dimension_numbers = #tpu.dot_dimension_numbers<[1], [0], [0], [1], [0, 0, 1, 1], [], []>, transpose_lhs_hint = false} : vector<64x128xf32>, vector<128x128xf32>, vector<64x128xf32> -> vector<64x128xf32>
      %get3A_63 = arith.constant 0 : index
      %get3A_64 = arith.constant 0 : index
      %get3A_65 = vector.load %arg8[%get3A_63, %get3A_64] : memref<1x128xf32, #tpu.memory_space<vmem>>, vector<1x128xf32>
      %add3A_66 = vector.broadcast %get3A_65 : vector<1x128xf32> to vector<64x128xf32>
      %add3A_67 = arith.addf %dot_general3A_62, %add3A_66 : vector<64x128xf32>
      %max3A_68 = arith.constant 0.000000e+00 : f32
      %max3A_69 = vector.broadcast %max3A_68 : f32 to vector<64x128xf32>
      %max3A_70 = arith.maximumf %add3A_67, %max3A_69 : vector<64x128xf32>
      %get3A_71 = arith.constant 0 : index
      %get3A_72 = arith.constant 0 : index
      %get3A_73 = vector.load %arg9[%get3A_71, %get3A_72] : memref<128x128xf32, #tpu.memory_space<vmem>>, vector<128x128xf32>
      %dot_general3A_74 = arith.constant dense<0.000000e+00> : vector<64x128xf32>
      %dot_general3A_75 = tpu.matmul %max3A_70, %get3A_73, %dot_general3A_74 {dimension_numbers = #tpu.dot_dimension_numbers<[1], [0], [0], [1], [0, 0, 1, 1], [], []>, transpose_lhs_hint = false} : vector<64x128xf32>, vector<128x128xf32>, vector<64x128xf32> -> vector<64x128xf32>
      %get3A_76 = arith.constant 0 : index
      %get3A_77 = arith.constant 0 : index
      %get3A_78 = vector.load %arg10[%get3A_76, %get3A_77] : memref<1x128xf32, #tpu.memory_space<vmem>>, vector<1x128xf32>
      %add3A_79 = vector.broadcast %get3A_78 : vector<1x128xf32> to vector<64x128xf32>
      %add3A_80 = arith.addf %dot_general3A_75, %add3A_79 : vector<64x128xf32>
      %swap3A = arith.constant 0 : index
      %swap3A_81 = arith.constant 0 : index
      %swap3A_82 = vector.load %arg11[%swap3A, %swap3A_81] : memref<64x128xf32, #tpu.memory_space<vmem>>, vector<64x128xf32>
      tpu.vector_store %arg11[%swap3A, %swap3A_81], %add3A_80 {strides = array<i32>} : memref<64x128xf32, #tpu.memory_space<vmem>>, vector<64x128xf32>,
    } else {
    }
    return
  }
  func.func @transform_0(%arg0: i32) -> (i32, i32) {
    %c0_i32 = arith.constant 0 : i32
    %c0_i32_0 = arith.constant 0 : i32
    return %arg0, %c0_i32 : i32, i32
  }
  func.func @transform_1(%arg0: i32) -> (i32, i32, i32) {
    %c0_i32 = arith.constant 0 : i32
    %c0_i32_0 = arith.constant 0 : i32
    %c0_i32_1 = arith.constant 0 : i32
    return %arg0, %c0_i32, %c0_i32_0 : i32, i32, i32
  }
  func.func @transform_2(%arg0: i32) -> (i32, i32) {
    %c0_i32 = arith.constant 0 : i32
    %c0_i32_0 = arith.constant 0 : i32
    %c0_i32_1 = arith.constant 0 : i32
    return %c0_i32, %c0_i32_0 : i32, i32
  }
  func.func @transform_3(%arg0: i32) -> (i32, i32) {
    %c0_i32 = arith.constant 0 : i32
    %c0_i32_0 = arith.constant 0 : i32
    %c0_i32_1 = arith.constant 0 : i32
    return %c0_i32, %c0_i32_0 : i32, i32
  }
  func.func @transform_4(%arg0: i32) -> (i32, i32) {
    %c0_i32 = arith.constant 0 : i32
    %c0_i32_0 = arith.constant 0 : i32
    %c0_i32_1 = arith.constant 0 : i32
    return %c0_i32, %c0_i32_0 : i32, i32
  }
  func.func @transform_5(%arg0: i32) -> (i32, i32) {
    %c0_i32 = arith.constant 0 : i32
    %c0_i32_0 = arith.constant 0 : i32
    %c0_i32_1 = arith.constant 0 : i32
    return %c0_i32, %c0_i32_0 : i32, i32
  }
  func.func @transform_6(%arg0: i32) -> (i32, i32) {
    %c0_i32 = arith.constant 0 : i32
    %c0_i32_0 = arith.constant 0 : i32
    %c0_i32_1 = arith.constant 0 : i32
    return %c0_i32, %c0_i32_0 : i32, i32
  }
  func.func @transform_7(%arg0: i32) -> (i32, i32) {
    %c0_i32 = arith.constant 0 : i32
    %c0_i32_0 = arith.constant 0 : i32
    %c0_i32_1 = arith.constant 0 : i32
    return %c0_i32, %c0_i32_0 : i32, i32
  }
  func.func @transform_8(%arg0: i32) -> (i32, i32) {
    %c0_i32 = arith.constant 0 : i32
    %c0_i32_0 = arith.constant 0 : i32
    %c0_i32_1 = arith.constant 0 : i32
    return %c0_i32, %c0_i32_0 : i32, i32
  }
  func.func @transform_9(%arg0: i32) -> (i32, i32) {
    %c0_i32 = arith.constant 0 : i32
    %c0_i32_0 = arith.constant 0 : i32
    %c0_i32_1 = arith.constant 0 : i32
    return %c0_i32, %c0_i32_0 : i32, i32
  }
  func.func @transform_10(%arg0: i32) -> (i32, i32) {
    %c0_i32 = arith.constant 0 : i32
    %c0_i32_0 = arith.constant 0 : i32
    %c0_i32_1 = arith.constant 0 : i32
    return %c0_i32, %c0_i32_0 : i32, i32
  }
}

module attributes {stable_mosaic.version = 14 : i64} {
  func.func @_layer2_body(%arg0: i32, %arg1: memref<400x128xf32, #tpu.memory_space<vmem>>, %arg2: memref<1x128xf32, #tpu.memory_space<vmem>>, %arg3: memref<1x128xf32, #tpu.memory_space<vmem>>, %arg4: memref<1x128xf32, #tpu.memory_space<vmem>>, %arg5: memref<1x128xf32, #tpu.memory_space<vmem>>, %arg6: memref<400x128xf32, #tpu.memory_space<vmem>>) attributes {dimension_semantics = [#tpu.dimension_semantics<arbitrary>], iteration_bounds = array<i64: 25>, scalar_prefetch = 0 : i64, scratch_operands = 0 : i64, tpu.core_type = #tpu.core_type<tc>, window_params = [{transform_indices = @transform_0, window_bounds = array<i64: 400, 128>}, {pipeline_mode = #tpu.pipeline_mode<synchronous>, transform_indices = @transform_1, window_bounds = array<i64: 1, 128>}, {pipeline_mode = #tpu.pipeline_mode<synchronous>, transform_indices = @transform_2, window_bounds = array<i64: 1, 128>}, {pipeline_mode = #tpu.pipeline_mode<synchronous>, transform_indices = @transform_3, window_bounds = array<i64: 1, 128>}, {pipeline_mode = #tpu.pipeline_mode<synchronous>, transform_indices = @transform_4, window_bounds = array<i64: 1, 128>}, {transform_indices = @transform_5, window_bounds = array<i64: 400, 128>}]} {
    %get3A = arith.constant 0 : index
    %get3A_0 = arith.constant 0 : index
    %get3A_1 = vector.load %arg2[%get3A, %get3A_0] : memref<1x128xf32, #tpu.memory_space<vmem>>, vector<1x128xf32>
    %div3A = arith.constant 1.000000e+04 : f32
    %div3A_2 = vector.broadcast %div3A : f32 to vector<1x128xf32>
    %div3A_3 = arith.divf %get3A_1, %div3A_2 : vector<1x128xf32>
    %get3A_4 = arith.constant 0 : index
    %get3A_5 = arith.constant 0 : index
    %get3A_6 = vector.load %arg3[%get3A_4, %get3A_5] : memref<1x128xf32, #tpu.memory_space<vmem>>, vector<1x128xf32>
    %div3A_7 = arith.constant 1.000000e+04 : f32
    %div3A_8 = vector.broadcast %div3A_7 : f32 to vector<1x128xf32>
    %div3A_9 = arith.divf %get3A_6, %div3A_8 : vector<1x128xf32>
    %mul3A = arith.mulf %div3A_3, %div3A_3 : vector<1x128xf32>
    %sub3A = arith.subf %div3A_9, %mul3A : vector<1x128xf32>
    %get3A_10 = arith.constant 0 : index
    %get3A_11 = arith.constant 0 : index
    %get3A_12 = vector.load %arg1[%get3A_10, %get3A_11] : memref<400x128xf32, #tpu.memory_space<vmem>>, vector<400x128xf32>
    %sub3A_13 = vector.broadcast %div3A_3 : vector<1x128xf32> to vector<400x128xf32>
    %sub3A_14 = arith.subf %get3A_12, %sub3A_13 : vector<400x128xf32>
    %add3A = arith.constant 9.99999974E-6 : f32
    %add3A_15 = vector.broadcast %add3A : f32 to vector<1x128xf32>
    %add3A_16 = arith.addf %sub3A, %add3A_15 : vector<1x128xf32>
    %rsqrt3A = math.rsqrt %add3A_16 : vector<1x128xf32>
    %mul3A_17 = vector.broadcast %rsqrt3A : vector<1x128xf32> to vector<400x128xf32>
    %mul3A_18 = arith.mulf %sub3A_14, %mul3A_17 : vector<400x128xf32>
    %get3A_19 = arith.constant 0 : index
    %get3A_20 = arith.constant 0 : index
    %get3A_21 = vector.load %arg4[%get3A_19, %get3A_20] : memref<1x128xf32, #tpu.memory_space<vmem>>, vector<1x128xf32>
    %mul3A_22 = vector.broadcast %get3A_21 : vector<1x128xf32> to vector<400x128xf32>
    %mul3A_23 = arith.mulf %mul3A_18, %mul3A_22 : vector<400x128xf32>
    %get3A_24 = arith.constant 0 : index
    %get3A_25 = arith.constant 0 : index
    %get3A_26 = vector.load %arg5[%get3A_24, %get3A_25] : memref<1x128xf32, #tpu.memory_space<vmem>>, vector<1x128xf32>
    %add3A_27 = vector.broadcast %get3A_26 : vector<1x128xf32> to vector<400x128xf32>
    %add3A_28 = arith.addf %mul3A_23, %add3A_27 : vector<400x128xf32>
    %swap3A = arith.constant 0 : index
    %swap3A_29 = arith.constant 0 : index
    %swap3A_30 = vector.load %arg6[%swap3A, %swap3A_29] : memref<400x128xf32, #tpu.memory_space<vmem>>, vector<400x128xf32>
    tpu.vector_store %arg6[%swap3A, %swap3A_29], %add3A_28 {strides = array<i32>} : memref<400x128xf32, #tpu.memory_space<vmem>>, vector<400x128xf32>,
    return
  }
  func.func @transform_0(%arg0: i32) -> (i32, i32) {
    %c0_i32 = arith.constant 0 : i32
    %c0_i32_0 = arith.constant 0 : i32
    return %arg0, %c0_i32 : i32, i32
  }
  func.func @transform_1(%arg0: i32) -> (i32, i32) {
    %c0_i32 = arith.constant 0 : i32
    %c0_i32_0 = arith.constant 0 : i32
    %c0_i32_1 = arith.constant 0 : i32
    return %c0_i32, %c0_i32_0 : i32, i32
  }
  func.func @transform_2(%arg0: i32) -> (i32, i32) {
    %c0_i32 = arith.constant 0 : i32
    %c0_i32_0 = arith.constant 0 : i32
    %c0_i32_1 = arith.constant 0 : i32
    return %c0_i32, %c0_i32_0 : i32, i32
  }
  func.func @transform_3(%arg0: i32) -> (i32, i32) {
    %c0_i32 = arith.constant 0 : i32
    %c0_i32_0 = arith.constant 0 : i32
    %c0_i32_1 = arith.constant 0 : i32
    return %c0_i32, %c0_i32_0 : i32, i32
  }
  func.func @transform_4(%arg0: i32) -> (i32, i32) {
    %c0_i32 = arith.constant 0 : i32
    %c0_i32_0 = arith.constant 0 : i32
    %c0_i32_1 = arith.constant 0 : i32
    return %c0_i32, %c0_i32_0 : i32, i32
  }
  func.func @transform_5(%arg0: i32) -> (i32, i32) {
    %c0_i32 = arith.constant 0 : i32
    %c0_i32_0 = arith.constant 0 : i32
    return %arg0, %c0_i32 : i32, i32
  }
}

</mosaic_0001>

<sc_bundles>
// kernel: kernel.14.cloned.1.call-start
scs
__scs_entry_jumppad:
0x0: {  	(pc) =	sbr.rel $0x88, $3  }
0x1: {  	(tag) =	ssettag $0x0;
	lr =	simm.s32 $0x1  }
0x2: {  	[smem:$0x3F8B] =	sst lr;
	_ =	strace $0xD0000000  }
0x3: {  	_ = 	snop  }
0x4: {  	_ = 	snop  }
0x5: {  	_ = 	snop  }
0x6: {  	_ = 	snop  }
0x7: {  	_ = 	snop  }
__scs_overlays_trampoline_lowered:
0x8: {  	[smem:$0x3F9A] =	sst s0  }
0x9: {  	[smem:$0x3F9B] =	sst s1  }
0xa: {  	[smem:$0x3F9C] =	sst s2  }
0xb: {  	[smem:$0x3F9D] =	sst s3  }
0xc: {  	[smem:$0x3F9E] =	sst s4  }
0xd: {  	[smem:$0x3F9F] =	sst s5  }
0xe: {  	[smem:$0x3FA0] =	sst s6  }
0xf: {  	[smem:$0x3FA1] =	sst s7  }
0x10: {  	[smem:$0x3FA2] =	sst s8  }
0x11: {  	[smem:$0x3FA3] =	sst s9;
	s0 =	simm.s32 @!p0 $0x0  }
0x12: {  	s1 =	sld [smem:$0x3F89];
	s0 =	simm.s32 @p0 $0x1  }
0x13: {  	[smem:$0x3FA4] =	sst s0;
	s0 =	simm.s32 @!p1 $0x0  }
0x14: {  	s2 =	sld [smem:$0x3F88];
	s0 =	simm.s32 @p1 $0x1  }
0x15: {  	[smem:$0x3FA5] =	sst s0;
	s0 =	simm.s32 @!p2 $0x0  }
0x16: {  	s3 =	sld [smem:$0x3FDB];
	s0 =	simm.s32 @p2 $0x1  }
0x17: {  	s4 =	simm.s32 $0x1BF5;
	[smem:$0x3FA7] =	sst s0  }
0x18: {  	s0 =	sld [smem:$0x3F8A];
	_ =	swait.ge [sflag:s4], $0x0  }
0x19: {  	s7 =	sld [smem:$0x3F8B]  }
0x1a: {  	s8 =	sadd.s32 $0xFFFFE003, lr  }
0x1b: {  	s9 =	sadd.s32 $0xFFFFFEF7, lr;
	s5 =	simm.s32 $0xFFFFFFFF;
	p2 =	slt.u32 s8, $0xFFFFF086  }
0x1c: {  	p1 =	slt.u32 s9, $0xF7A;
	s5 =	simm.s32 @!p2 $0x0  }
0x1d: {  	s5 =	simm.s32 @p1 $0x1;
	p0 =	seq.s32 s7, s2  }
0x1e: {  	s7 =	smul.u32 @!p0 $0xF7A, s2;
	p2 =	seq.s32 @!p0 s5, $0x0  }
0x1f: {  	s9 =	smul.u32 $0xF7A, s1;
	s8 =	simm.s32 @!p0 $0x1BF5;
	p2 =	por !p2, p0  }
0x20: {  	[sflag:s8] =	ssyncset.s32 @!p0 $0xFFFFF086;
	s6 =	sadd.s32 @!p0 s3, s7;
	s7 =	simm.s32 @!p0 $0x108  }
0x21: {  	s3 =	sadd.s32 s3, s9;
	s6 =	sadd.s32 @!p0 $0x88, s6;
	s7 =	simm.s32 @p2 $0x1082  }
0x22: {  	[simem:s7], [sflag:s8] =	dma.local @!p0 [hbm:s6], $0xF7A  }
0x23: {  	s9 =	sor.u32 $0xD0000000, s2;
	s6 =	simm.s32 $0x108;
	_ =	swait.ge @!p0 [sflag:s8], $0x0  }
0x24: {  	s3 =	sadd.s32 $0x88, s3;
	s6 =	simm.s32 @!p1 $0x1082;
	[sflag:s4] =	ssyncset.s32 $0xFFFFF086  }
0x25: {  	[simem:s6], [sflag:s4] =	dma.local [hbm:s3], $0xF7A  }
0x26: {  	[smem:$0x3F8B] =	sst s1;
	(tag) =	ssettag s2;
	_ =	strace s9  }
0x27: {  	s1 =	sld [smem:$0x3F9B]  }
0x28: {  	s2 =	sld [smem:$0x3F9C]  }
0x29: {  	s4 =	sld [smem:$0x3F9E]  }
0x2a: {  	p0 =	seq.s32 s5, $0x0;
	s5 =	sld [smem:$0x3F9F]  }
0x2b: {  	s6 =	sld [smem:$0x3FA0]  }
0x2c: {  	s7 =	sld [smem:$0x3FA1]  }
0x2d: {  	s3 =	simm.s32 $0x108;
	s8 =	sld [smem:$0x3FA2]  }
0x2e: {  	s3 =	simm.s32 @!p0 $0x1082;
	s9 =	sld [smem:$0x3FA3]  }
0x2f: {  	lr =	sadd.s32 s0, s3;
	s0 =	sld [smem:$0x3F9A]  }
0x30: {  	s3 =	sld [smem:$0x3F9D]  }
0x31: {  	[smem:$0x3FA6] =	sst s10  }
0x32: {  	s10 =	sld [smem:$0x3FA4];
	_ =	sdelay $0x3  }
0x33: {  	p0 =	seq.s32 s10, $0x1;
	s10 =	sld [smem:$0x3FA6];
	_ =	sdelay $0x3  }
0x34: {  	[smem:$0x3FA6] =	sst s10  }
0x35: {  	s10 =	sld [smem:$0x3FA5];
	_ =	sdelay $0x3  }
0x36: {  	p1 =	seq.s32 s10, $0x1;
	s10 =	sld [smem:$0x3FA6];
	_ =	sdelay $0x3  }
0x37: {  	[smem:$0x3FA6] =	sst s10  }
0x38: {  	s10 =	sld [smem:$0x3FA7]  }
0x39: {  	_ = 	snop;
	(pc) =	sbr.ind lr, $3  }
0x3a: {  	_ = 	snop  }
0x3b: {  	_ = 	snop  }
0x3c: {  	p2 =	seq.s32 s10, $0x1;
	s10 =	sld [smem:$0x3FA6]  }
0x3d: {  	_ =	shalt  }
0x3e: {  	_ =	shalt  }
0x3f: {  	_ =	shalt  }
0x40: {  	_ =	shalt  }
0x41: {  	_ =	shalt  }
0x42: {  	_ =	shalt  }
0x43: {  	_ =	shalt  }
0x44: {  	_ =	shalt  }
0x45: {  	_ =	shalt  }
0x46: {  	_ =	shalt  }
0x47: {  	_ =	shalt  }
0x48: {  	_ =	shalt  }
0x49: {  	_ =	shalt  }
0x4a: {  	_ =	shalt  }
0x4b: {  	_ =	shalt  }
0x4c: {  	_ =	shalt  }
0x4d: {  	_ =	shalt  }
0x4e: {  	_ =	shalt  }
0x4f: {  	_ =	shalt  }
0x50: {  	_ =	shalt  }
0x51: {  	_ =	shalt  }
0x52: {  	_ =	shalt  }
0x53: {  	_ =	shalt  }
0x54: {  	_ =	shalt  }
0x55: {  	_ =	shalt  }
0x56: {  	_ =	shalt  }
0x57: {  	_ =	shalt  }
0x58: {  	_ =	shalt  }
0x59: {  	_ =	shalt  }
0x5a: {  	_ =	shalt  }
0x5b: {  	_ =	shalt  }
0x5c: {  	_ =	shalt  }
0x5d: {  	_ =	shalt  }
0x5e: {  	_ =	shalt  }
0x5f: {  	_ =	shalt  }
0x60: {  	_ =	shalt  }
0x61: {  	_ =	shalt  }
0x62: {  	_ =	shalt  }
0x63: {  	_ =	shalt  }
0x64: {  	_ =	shalt  }
0x65: {  	_ =	shalt  }
0x66: {  	_ =	shalt  }
0x67: {  	_ =	shalt  }
0x68: {  	_ =	shalt  }
0x69: {  	_ =	shalt  }
0x6a: {  	_ =	shalt  }
0x6b: {  	_ =	shalt  }
0x6c: {  	_ =	shalt  }
0x6d: {  	_ =	shalt  }
0x6e: {  	_ =	shalt  }
0x6f: {  	_ =	shalt  }
0x70: {  	_ =	shalt  }
0x71: {  	_ =	shalt  }
0x72: {  	_ =	shalt  }
0x73: {  	_ =	shalt  }
0x74: {  	_ =	shalt  }
0x75: {  	_ =	shalt  }
0x76: {  	_ =	shalt  }
0x77: {  	_ =	shalt  }
0x78: {  	_ =	shalt  }
0x79: {  	_ =	shalt  }
0x7a: {  	_ =	shalt  }
0x7b: {  	_ =	shalt  }
0x7c: {  	_ =	shalt  }
0x7d: {  	_ =	shalt  }
0x7e: {  	_ =	shalt  }
0x7f: {  	_ =	shalt  }
0x80: {  	_ =	shalt  }
0x81: {  	_ =	shalt  }
0x82: {  	_ =	shalt  }
0x83: {  	_ =	shalt  }
0x84: {  	_ =	shalt  }
0x85: {  	_ =	shalt  }
0x86: {  	_ =	shalt  }
0x87: {  	_ =	shalt  }
.Lfunc_end0:
.L_simem_size_0:
called_computation_lowered:
.L_overlay_start_0:
0x88: {  	s2 =	sld [smem:$0x3FD9]  }
0x89: {  	s3 =	sld [smem:$0x3FFE];
	_ =	sdelay $0x1  }
0x8a: {  	s1 =	srdreg.scid  }
0x8b: {  	s0 =	sand.u32 $0x1, s1  }
0x8c: {  	s16 =	sshll.u32 s0, $0xA;
	s2 =	sadd.s32 s3, s2  }
0x8d: {  	s2 =	sadd.s32 s2, s16  }
0x8e: {  	[smem:$0x3FB2] =	sst s2  }
0x8f: {  	_ = 	snop  }
0x90: {  	(tm) =	ssettm $0x1  }
0x91: {  	s17 =	sld [smem:$0x3FFB];
	_ =	sdelay $0x3  }
0x92: {  	_ =	strace s17  }
0x93: {  	s2 =	sld [smem:$0x3FFC];
	_ =	sdelay $0x3  }
0x94: {  	_ =	strace s2  }
0x95: {  	s2 =	sld [smem:$0x3FFD];
	_ =	sdelay $0x3  }
0x96: {  	_ =	strace s2  }
0x97: {  	_ =	strace $0x8FFFFFFF  }
0x98: {  	s18 =	sld [smem:$0x3FDB];
	_ =	sdelay $0x1  }
0x99: {  	s19 =	simm.s32 $_scs_section_size  }
0x9a: {  	s4 =	simm.s32 $_size__tile_overlayer_lowered;
	s5 =	simm.s32 $_tile_overlayer_lowered  }
0x9b: {  	s22 =	simm.s32 $0x1BFF;
	s21 =	sshll.u32 s5, $0x1;
	s2 =	sadd.s32 s19, s18  }
0x9c: {  	s6 =	simm.s32 $0x0;
	s20 =	sshll.u32 s4, $0x1;
	s4 =	sadd.s32 s21, s2  }
0x9d: {  	[timem:s6], [sflag:s22] =	dma.local [hbm:s4], s20  }
0x9e: {  	_ =	swait.ge [sflag:s22], s20  }
0x9f: {  	s3 =	ssub.s32 $0x0, s20;
	[sflag:s22] =	ssyncset.done $0x0  }
0xa0: {  	[sflag:s22] =	ssyncadd.s32 s3;
	_ =	sdelay $0x1  }
0xa1: {  	s23 =	simm.s32 $0x1B8B  }
0xa2: {  	_ =	swait.ge [sflag:s23], $0x1  }
0xa3: {  	[sflag:s23] =	ssyncset.done $0x0  }
0xa4: {  	s25 =	simm.s32 $0x1B8E;
	s24 =	sld [smem:$0x3FFE];
	[sflag:s23] =	ssyncadd.s32 $0xFFFFFFFF  }
0xa5: {  	s26 =	simm.s32 $execute0_lowered;
	[smem:$0x3FD2] =	sst s25  }
0xa6: {  	s4 =	sshll.u32 s26, $0x1;
	_ =	strace $0x80000046;
	[dreg:$0x1] =	wrdreg $0xFFFFFFFF  }
0xa7: {  	s28 =	simm.s32 $_size_execute0_lowered;
	s2 =	sadd.s32 s2, s4;
	[dreg:$0x0] =	wrdreg $0x0  }
0xa8: {  	s4 =	sshll.u32 s28, $0x1;
	[dreg:$0x2] =	wrdreg s2  }
0xa9: {  	[dreg:$0x3] =	wrdreg s4  }
0xaa: {  	[dreg:$0x4] =	wrdreg $0xC0  }
0xab: {  	_ =	task [dreg:s6], $0x5FFFF  }
0xac: {  	[dreg:$0x1] =	wrdreg $0xFFFFFFFF  }
0xad: {  	[dreg:$0x0] =	wrdreg $0x60  }
0xae: {  	[dreg:$0x2] =	wrdreg s24  }
0xaf: {  	[dreg:$0x3] =	wrdreg $0xC2000  }
0xb0: {  	[dreg:$0x4] =	wrdreg $0x9  }
0xb1: {  	_ =	task.clear_ibuf [dreg:s6], $0x5FFFF;
	_ =	strace $0x90000046  }
0xb2: {  	s29 =	simm.s32 $0x9;
	_ =	strace $0x80000048  }
0xb3: {  	_ =	swait.ge [sflag:s29], $0x1  }
0xb4: {  	[sflag:s29] =	ssyncadd.s32 $0xFFFFFFFF  }
0xb5: {  	_ =	strace $0x90000048  }
0xb6: {  	_ =	sfence  }
0xb7: {  	s30 =	sld [smem:$0x0];
	_ =	sdelay $0x2  }
0xb8: {  	s31 =	sshll.u32 s1, $0xD;
	s1 =	sshrl.u32 s1, $0x2  }
0xb9: {  	s3 =	sand.u32 $0x4000, s31;
	s1 =	sadd.s32 s1, s30  }
0xba: {  	s0 =	sor.u32 s3, s0;
	s1 =	sshll.u32 s1, $0x11  }
0xbb: {  	s0 =	sor.u32 s1, s0  }
0xbc: {  	s0 =	sadd.s32 $0x8F2B, s0  }
0xbd: {  	[sflag:s0] =	ssyncadd.remote.s32 $0x1  }
0xbe: {  	_ =	sfence.sel $0xFFFF  }
0xbf: {  	[dreg:$0x0] =	wrdreg $0xFFFFFFFF;
	(pc) =	sbr.abs _section_cstart, $3  }
0xc0: {  	[dreg:$0x1] =	wrdreg $0xFFFFFFFF  }
0xc1: {  	_ =	task.clear_ibuf [dreg:s6], $0x2FFFF;
	_ =	strace $0x9FFFFFFF  }
0xc2: {  	(tm) =	ssettm $0x7FFFFFFF  }
0xc3: {  	_ =	shalt  }
tec
execute0_lowered:
.L_overlay_start_1:
0x0: {  	(tag) =	ssettag $0x1  }
0x1: {  	s0 =	rddreg [dreg:$0x0]  }
0x2: {  	s2 =	rddreg [dreg:$0x1];
	s3 =	simm.s32 $0x0;
	s14 =	stileid.u32  }
0x3: {  	s5 =	srdreg.scid;
	s28 =	simm.s32 $0x4;
	s29 =	simm.s32 $0x1  }
0x4: {  	s30 =	simm.s32 $0x4200;
	s31 =	simm.s32 $0x2;
	[smem:$0x7FF] =	sst s3  }
0x5: {  	s1 =	smul.u32 $0x13C00, s14;
	s4 =	sadd.s32 $0x1B200, s0;
	s8 =	sand.u32 $0x1, s5  }
0x6: {  	s5 =	sadd.s32 $0x9E9200, s0;
	s6 =	sadd.s32 $0x7200, s0;
	s7 =	sadd.s32 $0x11200, s0  }
0x7: {  	s11 =	smul.u32 $0x4F000, s14;
	s22 =	sshll.u32 s14, $0x6;
	_ =	strace $0x80000047  }
0x8: {  	s10 =	smul.u32 $0x13C000, s8;
	s19 =	sshll.u32 s8, $0x4;
	s12 =	ssub.s32 $0x2, s8  }
0x9: {  	s9 =	sshrl.u32 s1, $0x3;
	s13 =	sor.u32 s14, s19;
	s20 =	sshrl.u32 s12, $0x1  }
0xa: {  	s11 =	sshrl.u32 s11, $0x2;
	s9 =	sadd.s32 s9, s0;
	s8 =	smul.u32 $0x2800, s13  }
0xb: {  	s1 =	sadd.s32 s1, s10;
	s21 =	ssub.s32 s12, s20;
	s25 =	smul.u32 $0x28000, s13  }
0xc: {  	s11 =	sadd.s32 s11, s2;
	s10 =	sor.u32 $0x1C05, s22;
	s13 =	smul.u32 $0x140000, s13  }
0xd: {  	s22 =	simm.s32 $0x100;
	s1 =	sshrl.u32 s1, $0x3;
	s9 =	sadd.s32 $0x42400, s9  }
0xe: {  	s19 =	smax.u32 s21, $0x1;
	s20 =	sshrl.u32 s11, $0x3;
	s21 =	simm.s32 $0x5  }
0xf: {  	s0 =	sadd.s32 s1, s0;
	[dreg:$0x3] =	wrdreg s9;
	s23 =	sshrl.u32 s8, $0x3  }
.Ltmp0:
0x10: {  	s16 =	sadd.s32 s5, s25;
	s17 =	sor.u32 $0x4000, s13;
	(pc) =	sbr.rel .LBB2_1-.Ltmp0, $4  }
0x11: {  	s24 =	sadd.s32 s6, s23;
	s26 =	sadd.s32 s7, s23;
	s15 =	sor.u32 $0x10, s23  }
0x12: {  	s18 =	sadd.s32 $0x69C00, s0;
	s23 =	simm.s32 $0x80;
	[dreg:$0x4] =	wrdreg s24  }
0x13: {  	s0 =	simm.s32 $0x0;
	[dreg:$0x5] =	wrdreg s26;
	s14 =	sadd.s32 s6, s15  }
0x14: {  	s15 =	sadd.s32 s7, s15;
	s24 =	simm.s32 $0x180;
	s26 =	simm.s32 $0x8200  }
.LBB2_8:
0x15: {  	s0 =	sadd.s32 $0x1, s0  }
0x16: {  	p0 =	sne.s32 s0, s19  }
.Ltmp1:
0x17: {  	[bflag:$0x0] =	sbarrier.arrive $0xFFFF;
	(pc) =	sbr.rel @!p0 .LBB2_9-.Ltmp1, $4  }
0x18: {  	[hbm:s18], [sflag:s10] =	dma.local [spmem:s20], $0x2780  }
0x19: {  	_ =	swait.ge [sflag:s21], $0x2780  }
0x1a: {  	[sflag:s21] =	ssyncset.done $0x0  }
0x1b: {  	[sflag:s21] =	ssyncadd.s32 $0xFFFFD880  }
.LBB2_1:
0x1c: {  	s1 =	rddreg [dreg:$0x3]  }
0x1d: {  	[spmem:s20], [sflag:s10] =	dma.local [hbm:s1], $0x2780  }
0x1e: {  	_ =	swait.ge [sflag:s21], $0x2780  }
0x1f: {  	[sflag:s21] =	ssyncset.done $0x0  }
0x20: {  	s11 =	rddreg [dreg:$0x4];
	[sflag:s21] =	ssyncadd.s32 $0xFFFFD880  }
0x21: {  	[tilespmem:s3], [sflag:$0x5] =	stream.linear.gather [hbm4b:s11+s3], $0x80, $0x38;
	[tilespmem:$0x1FE00] =	vst v63  }
0x22: {  	_ =	swait.ge [sflag:s21], $0x80  }
0x23: {  	[sflag:s21] =	ssyncset.done $0x0  }
0x24: {  	s12 =	rddreg [dreg:$0x5];
	[sflag:s21] =	ssyncadd.s32 $0xFFFFFF80  }
0x25: {  	[tilespmem:s22], [sflag:$0x5] =	stream.linear.gather [hbm4b:s12+s3], $0x80, $0x38;
	[tilespmem:$0x1FE00] =	vst v63  }
0x26: {  	_ =	swait.ge [sflag:s21], $0x80  }
0x27: {  	[sflag:s21] =	ssyncset.done $0x0  }
0x28: {  	[sflag:s21] =	ssyncadd.s32 $0xFFFFFF80  }
0x29: {  	[tilespmem:s23], [sflag:$0x5] =	stream.linear.gather [hbm4b:s14+s3], $0x80, $0x38;
	[tilespmem:$0x1FE00] =	vst v63  }
0x2a: {  	_ =	swait.ge [sflag:s21], $0x80  }
0x2b: {  	[sflag:s21] =	ssyncset.done $0x0  }
0x2c: {  	[sflag:s21] =	ssyncadd.s32 $0xFFFFFF80  }
0x2d: {  	[tilespmem:s24], [sflag:$0x5] =	stream.linear.gather [hbm4b:s15+s3], $0x80, $0x38;
	[tilespmem:$0x1FE00] =	vst v63  }
0x2e: {  	_ =	swait.ge [sflag:s21], $0x80  }
0x2f: {  	[sflag:s21] =	ssyncset.done $0x0  }
0x30: {  	[sflag:s21] =	ssyncadd.s32 $0xFFFFFF80  }
0x31: {  	s25 =	simm.s32 $0x200;
	[bflag:$0x0] =	sbarrier.arrive $0xFFFF  }
0x32: {  	[tilespmem:s25], [sflag:$0x1] =	stream.indirect.gather [hbm4b:s4+s23], $0x80, s3, s23, $0xb8;
	[tilespmem:$0x1FE00] =	vst v63  }
0x33: {  	s1 =	simm.s32 $0x0  }
0x34: {  	[tilespmem:s26], [sflag:$0x4] =	stream.linear.gather [hbm4b:s16+s3], $0x4000, $0x38;
	[tilespmem:$0x1FE00] =	vst v63  }
.LBB2_2:
0x35: {  	_ =	swait.ge [sflag:s28], $0x4000  }
0x36: {  	[sflag:s28] =	ssyncset.done $0x0  }
0x37: {  	[sflag:s28] =	ssyncadd.s32 $0xFFFFC000  }
0x38: {  	_ =	swait.ge [sflag:s29], $0x4000  }
0x39: {  	p0 =	seq.s32 s1, $0x0;
	[sflag:s29] =	ssyncset.done $0x0  }
0x3a: {  	s9 =	simm.s32 @!p0 $0x3;
	[sflag:s29] =	ssyncadd.s32 $0xFFFFC000  }
0x3b: {  	_ =	swait.ge @!p0 [sflag:s9], $0x80  }
0x3c: {  	[sflag:s9] =	ssyncset.done @!p0 $0x0  }
0x3d: {  	[sflag:s9] =	ssyncadd.s32 @!p0 $0xFFFFFF80  }
0x3e: {  	_ =	swait.ge @!p0 [sflag:s9], $0x80  }
0x3f: {  	[sflag:s9] =	ssyncset.done @!p0 $0x0  }
0x40: {  	s25 =	simm.s32 $0x0;
	[sflag:s9] =	ssyncadd.s32 @!p0 $0xFFFFFF80  }
0x41: {  	[tilespmem:s30], [sflag:$0x2] =	stream.indirect.gather [hbm4b:s4+s23], $0x80, s23, s23, $0xb8;
	[tilespmem:$0x1FE00] =	vst v63  }
0x42: {  	v7 =	vld [tilespmem:s25+$0x200]  }
0x43: {  	v11 =	vld [tilespmem:s25+$0x210]  }
0x44: {  	v5 =	vld [tilespmem:s25+$0x220]  }
0x45: {  	v4 =	vld [tilespmem:s25+$0x230]  }
0x46: {  	v3 =	vld [tilespmem:s25+$0x240]  }
0x47: {  	v2 =	vld [tilespmem:s25+$0x250]  }
0x48: {  	v1 =	vld [tilespmem:s25+$0x260]  }
0x49: {  	v0 =	vld [tilespmem:s25+$0x270]  }
0x4a: {  	v12 =	vld [tilespmem:s25+$0x8200]  }
0x4b: {  	v13 =	vld [tilespmem:s25+$0x8210]  }
0x4c: {  	v10 =	vld [tilespmem:s25+$0x8220]  }
0x4d: {  	v9 =	vld [tilespmem:s25+$0x8230]  }
0x4e: {  	v8 =	vld [tilespmem:s25+$0x8240]  }
0x4f: {  	v6 =	vld [tilespmem:s25+$0x8250];
	v12 =	vadd.f32 v12, v7  }
0x50: {  	s11 =	simm.s32 $0x200;
	s9 =	sshll.u32 s1, $0x1;
	v11 =	vadd.f32 v13, v11;
	v7 =	vld [tilespmem:s25+$0x8260]  }
.LBB2_3:
0x51: {  	s12 =	sshra.s32 s11, $0x2;
	p0 =	sne.s32 s11, $0xFE00;
	[tilespmem:s25+$0x8200] =	vst v12;
	v5 =	vadd.f32 v10, v5;
	v10 =	vld [tilespmem:s25+$0x8270]  }
0x52: {  	v12 =	vld [tilespmem:s12+$0x200];
	[tilespmem:s25+$0x8210] =	vst v11;
	v4 =	vadd.f32 v9, v4  }
0x53: {  	v11 =	vld [tilespmem:s12+$0x210];
	[tilespmem:s25+$0x8220] =	vst v5;
	v3 =	vadd.f32 v8, v3  }
0x54: {  	v5 =	vld [tilespmem:s12+$0x220];
	[tilespmem:s25+$0x8230] =	vst v4;
	v2 =	vadd.f32 v6, v2  }
0x55: {  	v4 =	vld [tilespmem:s12+$0x230];
	[tilespmem:s25+$0x8240] =	vst v3;
	v1 =	vadd.f32 v7, v1  }
0x56: {  	v3 =	vld [tilespmem:s12+$0x240];
	[tilespmem:s25+$0x8250] =	vst v2;
	v0 =	vadd.f32 v10, v0  }
0x57: {  	v2 =	vld [tilespmem:s12+$0x250];
	[tilespmem:s25+$0x8260] =	vst v1  }
0x58: {  	v1 =	vld [tilespmem:s12+$0x260];
	[tilespmem:s25+$0x8270] =	vst v0;
	s25 =	smov.u32 s12  }
0x59: {  	v0 =	vld [tilespmem:s25+$0x270]  }
0x5a: {  	v6 =	vld [tilespmem:s25+$0x8200]  }
0x5b: {  	v7 =	vld [tilespmem:s25+$0x8210]  }
.Ltmp2:
0x5c: {  	v10 =	vld [tilespmem:s25+$0x8220];
	(pc) =	sbr.rel @p0 .LBB2_3-.Ltmp2, $4  }
0x5d: {  	v9 =	vld [tilespmem:s25+$0x8230]  }
0x5e: {  	v8 =	vld [tilespmem:s25+$0x8240]  }
0x5f: {  	v12 =	vadd.f32 v6, v12;
	v6 =	vld [tilespmem:s25+$0x8250]  }
0x60: {  	s11 =	sadd.s32 $0x200, s11;
	v11 =	vadd.f32 v7, v11;
	v7 =	vld [tilespmem:s25+$0x8260]  }
0x61: {  	[tilespmem:s25+$0x8200] =	vst v12;
	v5 =	vadd.f32 v10, v5;
	v10 =	vld [tilespmem:s25+$0x8270]  }
0x62: {  	[tilespmem:s25+$0x8210] =	vst v11;
	v4 =	vadd.f32 v9, v4  }
0x63: {  	[tilespmem:s25+$0x8220] =	vst v5;
	v3 =	vadd.f32 v8, v3  }
0x64: {  	[tilespmem:s25+$0x8230] =	vst v4;
	v2 =	vadd.f32 v6, v2  }
0x65: {  	[tilespmem:s25+$0x8240] =	vst v3;
	v1 =	vadd.f32 v7, v1  }
0x66: {  	[tilespmem:s25+$0x8250] =	vst v2;
	v0 =	vadd.f32 v10, v0  }
0x67: {  	[tilespmem:s25+$0x8260] =	vst v1  }
0x68: {  	p0 =	seq.s32 s1, $0x27;
	[tilespmem:s25+$0x8270] =	vst v0;
	s25 =	sadd.s32 $0x2, s9  }
0x69: {  	[spmem:s2] =	stream.indirect.scatter.add.f32 [tilespmem:s26], [sflag:$0x5], $0x80, s22, s23, $0xb8;
	[tilespmem:$0x1FE00] =	vst v63  }
0x6a: {  	s9 =	sshll.u32 @!p0 s25, $0x7  }
0x6b: {  	s11 =	sand.u32 @!p0 $0x7C00, s9  }
0x6c: {  	s9 =	sand.u32 @!p0 $0x300, s9;
	s11 =	sadd.s32 @!p0 s8, s11  }
0x6d: {  	_ =	swait.ge [sflag:s21], $0x4000;
	s9 =	sor.u32 @!p0 s9, s11  }
0x6e: {  	[sflag:s21] =	ssyncset.done $0x0;
	s9 =	sshrl.u32 @!p0 s9, $0x3  }
0x6f: {  	s12 =	simm.s32 @!p0 $0x0;
	[sflag:s21] =	ssyncadd.s32 $0xFFFFC000;
	s11 =	sadd.s32 @!p0 s6, s9  }
0x70: {  	[tilespmem:s12], [sflag:$0x3] =	stream.linear.gather @!p0 [hbm4b:s11+s12], $0x80, $0x38;
	[tilespmem:$0x1FE00] =	vst v63  }
0x71: {  	s9 =	sadd.s32 @!p0 s7, s9;
	s11 =	simm.s32 @!p0 $0x100  }
0x72: {  	[tilespmem:s11], [sflag:$0x3] =	stream.linear.gather @!p0 [hbm4b:s9+s12], $0x80, $0x38;
	[tilespmem:$0x1FE00] =	vst v63  }
0x73: {  	s11 =	sshll.u32 s1, $0xF  }
0x74: {  	s9 =	sadd.s32 s11, s17  }
0x75: {  	s9 =	sshrl.u32 s9, $0x3  }
0x76: {  	s9 =	sadd.s32 s5, s9  }
0x77: {  	[tilespmem:s26], [sflag:$0x4] =	stream.linear.gather [hbm4b:s9+s3], $0x4000, $0x38;
	[tilespmem:$0x1FE00] =	vst v63  }
0x78: {  	_ =	swait.ge [sflag:s28], $0x4000  }
0x79: {  	[sflag:s28] =	ssyncset.done $0x0  }
0x7a: {  	[sflag:s28] =	ssyncadd.s32 $0xFFFFC000  }
0x7b: {  	_ =	swait.ge [sflag:s31], $0x4000  }
0x7c: {  	[sflag:s31] =	ssyncset.done $0x0  }
0x7d: {  	s9 =	simm.s32 @!p0 $0x3;
	[sflag:s31] =	ssyncadd.s32 $0xFFFFC000  }
0x7e: {  	_ =	swait.ge @!p0 [sflag:s9], $0x80  }
0x7f: {  	[sflag:s9] =	ssyncset.done @!p0 $0x0  }
0x80: {  	[sflag:s9] =	ssyncadd.s32 @!p0 $0xFFFFFF80  }
0x81: {  	_ =	swait.ge @!p0 [sflag:s9], $0x80  }
0x82: {  	[sflag:s9] =	ssyncset.done @!p0 $0x0  }
0x83: {  	s11 =	simm.s32 @!p0 $0x200;
	[sflag:s9] =	ssyncadd.s32 @!p0 $0xFFFFFF80;
	s9 =	simm.s32 @!p0 $0x80  }
0x84: {  	[tilespmem:s11], [sflag:$0x1] =	stream.indirect.gather @!p0 [hbm4b:s4+s9], $0x80, s12, s9, $0xb8;
	[tilespmem:$0x1FE00] =	vst v63  }
0x85: {  	s9 =	simm.s32 $0x0  }
0x86: {  	v7 =	vld [tilespmem:s9+$0x4200]  }
0x87: {  	v11 =	vld [tilespmem:s9+$0x4210]  }
0x88: {  	v5 =	vld [tilespmem:s9+$0x4220]  }
0x89: {  	v4 =	vld [tilespmem:s9+$0x4230]  }
0x8a: {  	v3 =	vld [tilespmem:s9+$0x4240]  }
0x8b: {  	v2 =	vld [tilespmem:s9+$0x4250]  }
0x8c: {  	v1 =	vld [tilespmem:s9+$0x4260]  }
0x8d: {  	v0 =	vld [tilespmem:s9+$0x4270]  }
0x8e: {  	v12 =	vld [tilespmem:s9+$0x8200]  }
0x8f: {  	v13 =	vld [tilespmem:s9+$0x8210]  }
0x90: {  	v10 =	vld [tilespmem:s9+$0x8220]  }
0x91: {  	v9 =	vld [tilespmem:s9+$0x8230]  }
0x92: {  	v8 =	vld [tilespmem:s9+$0x8240]  }
0x93: {  	v6 =	vld [tilespmem:s9+$0x8250];
	v12 =	vadd.f32 v12, v7  }
0x94: {  	s11 =	simm.s32 $0x200;
	v11 =	vadd.f32 v13, v11;
	v7 =	vld [tilespmem:s9+$0x8260]  }
.LBB2_5:
0x95: {  	s12 =	sshra.s32 s11, $0x2;
	p1 =	sne.s32 s11, $0xFE00;
	[tilespmem:s9+$0x8200] =	vst v12;
	v5 =	vadd.f32 v10, v5;
	v10 =	vld [tilespmem:s9+$0x8270]  }
0x96: {  	v12 =	vld [tilespmem:s12+$0x4200];
	[tilespmem:s9+$0x8210] =	vst v11;
	v4 =	vadd.f32 v9, v4  }
0x97: {  	v11 =	vld [tilespmem:s12+$0x4210];
	[tilespmem:s9+$0x8220] =	vst v5;
	v3 =	vadd.f32 v8, v3  }
0x98: {  	v5 =	vld [tilespmem:s12+$0x4220];
	[tilespmem:s9+$0x8230] =	vst v4;
	v2 =	vadd.f32 v6, v2  }
0x99: {  	v4 =	vld [tilespmem:s12+$0x4230];
	[tilespmem:s9+$0x8240] =	vst v3;
	v1 =	vadd.f32 v7, v1  }
0x9a: {  	v3 =	vld [tilespmem:s12+$0x4240];
	[tilespmem:s9+$0x8250] =	vst v2;
	v0 =	vadd.f32 v10, v0  }
0x9b: {  	v2 =	vld [tilespmem:s12+$0x4250];
	[tilespmem:s9+$0x8260] =	vst v1  }
0x9c: {  	v1 =	vld [tilespmem:s12+$0x4260];
	[tilespmem:s9+$0x8270] =	vst v0;
	s9 =	smov.u32 s12  }
0x9d: {  	v0 =	vld [tilespmem:s9+$0x4270]  }
0x9e: {  	v6 =	vld [tilespmem:s9+$0x8200]  }
0x9f: {  	v7 =	vld [tilespmem:s9+$0x8210]  }
.Ltmp3:
0xa0: {  	v10 =	vld [tilespmem:s9+$0x8220];
	(pc) =	sbr.rel @p1 .LBB2_5-.Ltmp3, $4  }
0xa1: {  	v9 =	vld [tilespmem:s9+$0x8230]  }
0xa2: {  	v8 =	vld [tilespmem:s9+$0x8240]  }
0xa3: {  	v12 =	vadd.f32 v6, v12;
	v6 =	vld [tilespmem:s9+$0x8250]  }
0xa4: {  	s11 =	sadd.s32 $0x200, s11;
	v11 =	vadd.f32 v7, v11;
	v7 =	vld [tilespmem:s9+$0x8260]  }
0xa5: {  	[tilespmem:s9+$0x8200] =	vst v12;
	v5 =	vadd.f32 v10, v5;
	v63 =	vld [tilespmem:s9+$0x8270]  }
0xa6: {  	[tilespmem:s9+$0x8210] =	vst v11;
	v4 =	vadd.f32 v9, v4  }
0xa7: {  	[tilespmem:s9+$0x8220] =	vst v5;
	v3 =	vadd.f32 v8, v3  }
0xa8: {  	[tilespmem:s9+$0x8230] =	vst v4;
	v2 =	vadd.f32 v6, v2  }
0xa9: {  	[tilespmem:s9+$0x8240] =	vst v3;
	v1 =	vadd.f32 v7, v1  }
0xaa: {  	[tilespmem:s9+$0x8250] =	vst v2;
	v0 =	vadd.f32 v63, v0  }
0xab: {  	[tilespmem:s9+$0x8260] =	vst v1  }
.Ltmp4:
0xac: {  	[tilespmem:s9+$0x8270] =	vst v0;
	(pc) =	sbr.rel @p0 .LBB2_8-.Ltmp4, $4  }
0xad: {  	[spmem:s2] =	stream.indirect.scatter.add.f32 [tilespmem:s26], [sflag:$0x5], $0x80, s24, s23, $0xb8;
	[tilespmem:$0x1FE00] =	vst v63  }
0xae: {  	_ =	swait.ge [sflag:s21], $0x4000  }
0xaf: {  	[sflag:s21] =	ssyncset.done $0x0  }
0xb0: {  	[sflag:s21] =	ssyncadd.s32 $0xFFFFC000  }
0xb1: {  	s9 =	sshll.u32 s1, $0x8  }
0xb2: {  	s9 =	sadd.s32 $0x180, s9  }
0xb3: {  	s11 =	sand.u32 $0x7C00, s9  }
0xb4: {  	s9 =	sand.u32 $0x380, s9;
	s11 =	sadd.s32 s8, s11  }
0xb5: {  	s9 =	sor.u32 s9, s11  }
0xb6: {  	s9 =	sshrl.u32 s9, $0x3  }
0xb7: {  	s12 =	sadd.s32 s6, s9  }
0xb8: {  	[tilespmem:s23], [sflag:$0x3] =	stream.linear.gather [hbm4b:s12+s3], $0x80, $0x38;
	[tilespmem:$0x1FE00] =	vst v63  }
0xb9: {  	s9 =	sadd.s32 s7, s9  }
0xba: {  	[tilespmem:s24], [sflag:$0x3] =	stream.linear.gather [hbm4b:s9+s3], $0x80, $0x38;
	[tilespmem:$0x1FE00] =	vst v63  }
.Ltmp5:
0xbb: {  	s25 =	sshll.u32 s25, $0xE;
	(pc) =	sbr.rel .LBB2_2-.Ltmp5, $4  }
0xbc: {  	s9 =	sadd.s32 s13, s25  }
0xbd: {  	s9 =	sshrl.u32 s9, $0x3  }
0xbe: {  	s1 =	sadd.s32 $0x1, s1;
	s9 =	sadd.s32 s5, s9  }
0xbf: {  	[tilespmem:s26], [sflag:$0x4] =	stream.linear.gather [hbm4b:s9+s3], $0x4000, $0x38;
	[tilespmem:$0x1FE00] =	vst v63  }
.LBB2_9:
0xc0: {  	_ =	sfence.sel $0x180000  }
0xc1: {  	[bflag:$0x0] =	sbarrier.arrive $0xFFFF  }
0xc2: {  	_ =	strace $0x90000047  }
0xc3: {  	s0 =	stileid.u32;
	[bflag:$0x2] =	sbarrier.arrive $0xFFFF  }
0xc4: {  	p0 =	sne.s32 s0, $0x0;
	s0 =	rddreg [dreg:$0x2]  }
0xc5: {  	s0 =	sadd.s32 @!p0 $0x100000, s0  }
0xc6: {  	[sflag:s0] =	ssyncadd.tile.s32 @!p0 $0x1;
	_ =	shalt  }
.Lfunc_end2:
_tile_overlayer_lowered:
.L_overlay_start_2:
0xc7: {  	(tag) =	ssettag $0x2  }
0xc8: {  	s0 =	rddreg [dreg:$0x0];
	s2 =	stileid.u32  }
0xc9: {  	s1 =	rddreg [dreg:$0x1];
	p0 =	sne.s32 s2, $0x0  }
0xca: {  	s3 =	rddreg [dreg:$0x2];
	[bflag:$0x3] =	sbarrier.arrive $0xFFFF;
	s2 =	simm.s32 @!p0 $0x1C05  }
0xcb: {  	[timem:s3], [sflag:s2] =	dma.local @!p0 [hbm:s0], s1  }
0xcc: {  	s0 =	simm.s32 @!p0 $0x5  }
0xcd: {  	_ =	swait.ge @!p0 [sflag:s0], s1  }
0xce: {  	s1 =	ssub.s32 @!p0 $0x0, s1;
	[sflag:s0] =	ssyncset.done @!p0 $0x0  }
0xcf: {  	[sflag:s0] =	ssyncadd.s32 @!p0 s1  }
0xd0: {  	[bflag:$0x3] =	sbarrier.arrive $0xFFFF  }
0xd1: {  	_ =	shalt  }

// kernel: kernel.17.cloned.1.call-start
scs
__scs_entry_jumppad:
0x0: {  	(pc) =	sbr.rel $0x88, $3  }
0x1: {  	(tag) =	ssettag $0x0;
	lr =	simm.s32 $0x1  }
0x2: {  	[smem:$0x3F8B] =	sst lr;
	_ =	strace $0xD0000000  }
0x3: {  	_ = 	snop  }
0x4: {  	_ = 	snop  }
0x5: {  	_ = 	snop  }
0x6: {  	_ = 	snop  }
0x7: {  	_ = 	snop  }
__scs_overlays_trampoline_lowered:
0x8: {  	[smem:$0x3F9A] =	sst s0  }
0x9: {  	[smem:$0x3F9B] =	sst s1  }
0xa: {  	[smem:$0x3F9C] =	sst s2  }
0xb: {  	[smem:$0x3F9D] =	sst s3  }
0xc: {  	[smem:$0x3F9E] =	sst s4  }
0xd: {  	[smem:$0x3F9F] =	sst s5  }
0xe: {  	[smem:$0x3FA0] =	sst s6  }
0xf: {  	[smem:$0x3FA1] =	sst s7  }
0x10: {  	[smem:$0x3FA2] =	sst s8  }
0x11: {  	[smem:$0x3FA3] =	sst s9;
	s0 =	simm.s32 @!p0 $0x0  }
0x12: {  	s1 =	sld [smem:$0x3F89];
	s0 =	simm.s32 @p0 $0x1  }
0x13: {  	[smem:$0x3FA4] =	sst s0;
	s0 =	simm.s32 @!p1 $0x0  }
0x14: {  	s2 =	sld [smem:$0x3F88];
	s0 =	simm.s32 @p1 $0x1  }
0x15: {  	[smem:$0x3FA5] =	sst s0;
	s0 =	simm.s32 @!p2 $0x0  }
0x16: {  	s3 =	sld [smem:$0x3FDB];
	s0 =	simm.s32 @p2 $0x1  }
0x17: {  	s4 =	simm.s32 $0x1BF5;
	[smem:$0x3FA7] =	sst s0  }
0x18: {  	s0 =	sld [smem:$0x3F8A];
	_ =	swait.ge [sflag:s4], $0x0  }
0x19: {  	s7 =	sld [smem:$0x3F8B]  }
0x1a: {  	s8 =	sadd.s32 $0xFFFFE003, lr  }
0x1b: {  	s9 =	sadd.s32 $0xFFFFFEF7, lr;
	s5 =	simm.s32 $0xFFFFFFFF;
	p2 =	slt.u32 s8, $0xFFFFF086  }
0x1c: {  	p1 =	slt.u32 s9, $0xF7A;
	s5 =	simm.s32 @!p2 $0x0  }
0x1d: {  	s5 =	simm.s32 @p1 $0x1;
	p0 =	seq.s32 s7, s2  }
0x1e: {  	s7 =	smul.u32 @!p0 $0xF7A, s2;
	p2 =	seq.s32 @!p0 s5, $0x0  }
0x1f: {  	s9 =	smul.u32 $0xF7A, s1;
	s8 =	simm.s32 @!p0 $0x1BF5;
	p2 =	por !p2, p0  }
0x20: {  	[sflag:s8] =	ssyncset.s32 @!p0 $0xFFFFF086;
	s6 =	sadd.s32 @!p0 s3, s7;
	s7 =	simm.s32 @!p0 $0x108  }
0x21: {  	s3 =	sadd.s32 s3, s9;
	s6 =	sadd.s32 @!p0 $0x88, s6;
	s7 =	simm.s32 @p2 $0x1082  }
0x22: {  	[simem:s7], [sflag:s8] =	dma.local @!p0 [hbm:s6], $0xF7A  }
0x23: {  	s9 =	sor.u32 $0xD0000000, s2;
	s6 =	simm.s32 $0x108;
	_ =	swait.ge @!p0 [sflag:s8], $0x0  }
0x24: {  	s3 =	sadd.s32 $0x88, s3;
	s6 =	simm.s32 @!p1 $0x1082;
	[sflag:s4] =	ssyncset.s32 $0xFFFFF086  }
0x25: {  	[simem:s6], [sflag:s4] =	dma.local [hbm:s3], $0xF7A  }
0x26: {  	[smem:$0x3F8B] =	sst s1;
	(tag) =	ssettag s2;
	_ =	strace s9  }
0x27: {  	s1 =	sld [smem:$0x3F9B]  }
0x28: {  	s2 =	sld [smem:$0x3F9C]  }
0x29: {  	s4 =	sld [smem:$0x3F9E]  }
0x2a: {  	p0 =	seq.s32 s5, $0x0;
	s5 =	sld [smem:$0x3F9F]  }
0x2b: {  	s6 =	sld [smem:$0x3FA0]  }
0x2c: {  	s7 =	sld [smem:$0x3FA1]  }
0x2d: {  	s3 =	simm.s32 $0x108;
	s8 =	sld [smem:$0x3FA2]  }
0x2e: {  	s3 =	simm.s32 @!p0 $0x1082;
	s9 =	sld [smem:$0x3FA3]  }
0x2f: {  	lr =	sadd.s32 s0, s3;
	s0 =	sld [smem:$0x3F9A]  }
0x30: {  	s3 =	sld [smem:$0x3F9D]  }
0x31: {  	[smem:$0x3FA6] =	sst s10  }
0x32: {  	s10 =	sld [smem:$0x3FA4];
	_ =	sdelay $0x3  }
0x33: {  	p0 =	seq.s32 s10, $0x1;
	s10 =	sld [smem:$0x3FA6];
	_ =	sdelay $0x3  }
0x34: {  	[smem:$0x3FA6] =	sst s10  }
0x35: {  	s10 =	sld [smem:$0x3FA5];
	_ =	sdelay $0x3  }
0x36: {  	p1 =	seq.s32 s10, $0x1;
	s10 =	sld [smem:$0x3FA6];
	_ =	sdelay $0x3  }
0x37: {  	[smem:$0x3FA6] =	sst s10  }
0x38: {  	s10 =	sld [smem:$0x3FA7]  }
0x39: {  	_ = 	snop;
	(pc) =	sbr.ind lr, $3  }
0x3a: {  	_ = 	snop  }
0x3b: {  	_ = 	snop  }
0x3c: {  	p2 =	seq.s32 s10, $0x1;
	s10 =	sld [smem:$0x3FA6]  }
0x3d: {  	_ =	shalt  }
0x3e: {  	_ =	shalt  }
0x3f: {  	_ =	shalt  }
0x40: {  	_ =	shalt  }
0x41: {  	_ =	shalt  }
0x42: {  	_ =	shalt  }
0x43: {  	_ =	shalt  }
0x44: {  	_ =	shalt  }
0x45: {  	_ =	shalt  }
0x46: {  	_ =	shalt  }
0x47: {  	_ =	shalt  }
0x48: {  	_ =	shalt  }
0x49: {  	_ =	shalt  }
0x4a: {  	_ =	shalt  }
0x4b: {  	_ =	shalt  }
0x4c: {  	_ =	shalt  }
0x4d: {  	_ =	shalt  }
0x4e: {  	_ =	shalt  }
0x4f: {  	_ =	shalt  }
0x50: {  	_ =	shalt  }
0x51: {  	_ =	shalt  }
0x52: {  	_ =	shalt  }
0x53: {  	_ =	shalt  }
0x54: {  	_ =	shalt  }
0x55: {  	_ =	shalt  }
0x56: {  	_ =	shalt  }
0x57: {  	_ =	shalt  }
0x58: {  	_ =	shalt  }
0x59: {  	_ =	shalt  }
0x5a: {  	_ =	shalt  }
0x5b: {  	_ =	shalt  }
0x5c: {  	_ =	shalt  }
0x5d: {  	_ =	shalt  }
0x5e: {  	_ =	shalt  }
0x5f: {  	_ =	shalt  }
0x60: {  	_ =	shalt  }
0x61: {  	_ =	shalt  }
0x62: {  	_ =	shalt  }
0x63: {  	_ =	shalt  }
0x64: {  	_ =	shalt  }
0x65: {  	_ =	shalt  }
0x66: {  	_ =	shalt  }
0x67: {  	_ =	shalt  }
0x68: {  	_ =	shalt  }
0x69: {  	_ =	shalt  }
0x6a: {  	_ =	shalt  }
0x6b: {  	_ =	shalt  }
0x6c: {  	_ =	shalt  }
0x6d: {  	_ =	shalt  }
0x6e: {  	_ =	shalt  }
0x6f: {  	_ =	shalt  }
0x70: {  	_ =	shalt  }
0x71: {  	_ =	shalt  }
0x72: {  	_ =	shalt  }
0x73: {  	_ =	shalt  }
0x74: {  	_ =	shalt  }
0x75: {  	_ =	shalt  }
0x76: {  	_ =	shalt  }
0x77: {  	_ =	shalt  }
0x78: {  	_ =	shalt  }
0x79: {  	_ =	shalt  }
0x7a: {  	_ =	shalt  }
0x7b: {  	_ =	shalt  }
0x7c: {  	_ =	shalt  }
0x7d: {  	_ =	shalt  }
0x7e: {  	_ =	shalt  }
0x7f: {  	_ =	shalt  }
0x80: {  	_ =	shalt  }
0x81: {  	_ =	shalt  }
0x82: {  	_ =	shalt  }
0x83: {  	_ =	shalt  }
0x84: {  	_ =	shalt  }
0x85: {  	_ =	shalt  }
0x86: {  	_ =	shalt  }
0x87: {  	_ =	shalt  }
.Lfunc_end0:
.L_simem_size_0:
called_computation.1_lowered:
.L_overlay_start_0:
0x88: {  	s2 =	sld [smem:$0x3FD9]  }
0x89: {  	s3 =	sld [smem:$0x3FFE];
	_ =	sdelay $0x1  }
0x8a: {  	s1 =	srdreg.scid  }
0x8b: {  	s0 =	sand.u32 $0x1, s1  }
0x8c: {  	s16 =	sshll.u32 s0, $0xA;
	s2 =	sadd.s32 s3, s2  }
0x8d: {  	s2 =	sadd.s32 s2, s16  }
0x8e: {  	[smem:$0x3FB2] =	sst s2  }
0x8f: {  	_ = 	snop  }
0x90: {  	(tm) =	ssettm $0x1  }
0x91: {  	s17 =	sld [smem:$0x3FFB];
	_ =	sdelay $0x3  }
0x92: {  	_ =	strace s17  }
0x93: {  	s2 =	sld [smem:$0x3FFC];
	_ =	sdelay $0x3  }
0x94: {  	_ =	strace s2  }
0x95: {  	s2 =	sld [smem:$0x3FFD];
	_ =	sdelay $0x3  }
0x96: {  	_ =	strace s2  }
0x97: {  	_ =	strace $0x8FFFFFFF  }
0x98: {  	s18 =	sld [smem:$0x3FDB];
	_ =	sdelay $0x1  }
0x99: {  	s19 =	simm.s32 $_scs_section_size  }
0x9a: {  	s4 =	simm.s32 $_size__tile_overlayer_lowered;
	s5 =	simm.s32 $_tile_overlayer_lowered  }
0x9b: {  	s22 =	simm.s32 $0x1BFF;
	s21 =	sshll.u32 s5, $0x1;
	s2 =	sadd.s32 s19, s18  }
0x9c: {  	s6 =	simm.s32 $0x0;
	s20 =	sshll.u32 s4, $0x1;
	s4 =	sadd.s32 s21, s2  }
0x9d: {  	[timem:s6], [sflag:s22] =	dma.local [hbm:s4], s20  }
0x9e: {  	_ =	swait.ge [sflag:s22], s20  }
0x9f: {  	s3 =	ssub.s32 $0x0, s20;
	[sflag:s22] =	ssyncset.done $0x0  }
0xa0: {  	[sflag:s22] =	ssyncadd.s32 s3;
	_ =	sdelay $0x1  }
0xa1: {  	s23 =	simm.s32 $0x1B8B  }
0xa2: {  	_ =	swait.ge [sflag:s23], $0x1  }
0xa3: {  	[sflag:s23] =	ssyncset.done $0x0  }
0xa4: {  	s25 =	simm.s32 $0x1B8E;
	s24 =	sld [smem:$0x3FFE];
	[sflag:s23] =	ssyncadd.s32 $0xFFFFFFFF  }
0xa5: {  	s26 =	simm.s32 $execute0_lowered;
	[smem:$0x3FD2] =	sst s25  }
0xa6: {  	s4 =	sshll.u32 s26, $0x1;
	_ =	strace $0x80000049;
	[dreg:$0x1] =	wrdreg $0xFFFFFFFF  }
0xa7: {  	s28 =	simm.s32 $_size_execute0_lowered;
	s2 =	sadd.s32 s2, s4;
	[dreg:$0x0] =	wrdreg $0x0  }
0xa8: {  	s4 =	sshll.u32 s28, $0x1;
	[dreg:$0x2] =	wrdreg s2  }
0xa9: {  	[dreg:$0x3] =	wrdreg s4  }
0xaa: {  	[dreg:$0x4] =	wrdreg $0xC0  }
0xab: {  	_ =	task [dreg:s6], $0x5FFFF  }
0xac: {  	[dreg:$0x1] =	wrdreg $0xFFFFFFFF  }
0xad: {  	[dreg:$0x0] =	wrdreg $0x60  }
0xae: {  	[dreg:$0x2] =	wrdreg s24  }
0xaf: {  	[dreg:$0x3] =	wrdreg $0xC2000  }
0xb0: {  	[dreg:$0x4] =	wrdreg $0x9  }
0xb1: {  	_ =	task.clear_ibuf [dreg:s6], $0x5FFFF;
	_ =	strace $0x90000049  }
0xb2: {  	s29 =	simm.s32 $0x9;
	_ =	strace $0x8000004B  }
0xb3: {  	_ =	swait.ge [sflag:s29], $0x1  }
0xb4: {  	[sflag:s29] =	ssyncadd.s32 $0xFFFFFFFF  }
0xb5: {  	_ =	strace $0x9000004B  }
0xb6: {  	_ =	sfence  }
0xb7: {  	s30 =	sld [smem:$0x0];
	_ =	sdelay $0x2  }
0xb8: {  	s31 =	sshll.u32 s1, $0xD;
	s1 =	sshrl.u32 s1, $0x2  }
0xb9: {  	s3 =	sand.u32 $0x4000, s31;
	s1 =	sadd.s32 s1, s30  }
0xba: {  	s0 =	sor.u32 s3, s0;
	s1 =	sshll.u32 s1, $0x11  }
0xbb: {  	s0 =	sor.u32 s1, s0  }
0xbc: {  	s0 =	sadd.s32 $0x8F2B, s0  }
0xbd: {  	[sflag:s0] =	ssyncadd.remote.s32 $0x1  }
0xbe: {  	_ =	sfence.sel $0xFFFF  }
0xbf: {  	[dreg:$0x0] =	wrdreg $0xFFFFFFFF;
	(pc) =	sbr.abs _section_cstart, $3  }
0xc0: {  	[dreg:$0x1] =	wrdreg $0xFFFFFFFF  }
0xc1: {  	_ =	task.clear_ibuf [dreg:s6], $0x2FFFF;
	_ =	strace $0x9FFFFFFF  }
0xc2: {  	(tm) =	ssettm $0x7FFFFFFF  }
0xc3: {  	_ =	shalt  }
tec
execute0_lowered:
.L_overlay_start_1:
0x0: {  	(tag) =	ssettag $0x1  }
0x1: {  	s0 =	rddreg [dreg:$0x0]  }
0x2: {  	s2 =	rddreg [dreg:$0x1];
	s3 =	simm.s32 $0x0;
	s14 =	stileid.u32  }
0x3: {  	s5 =	srdreg.scid;
	s28 =	simm.s32 $0x4;
	s29 =	simm.s32 $0x1  }
0x4: {  	s30 =	simm.s32 $0x4200;
	s31 =	simm.s32 $0x2;
	[smem:$0x7FF] =	sst s3  }
0x5: {  	s1 =	smul.u32 $0x13C00, s14;
	s4 =	sadd.s32 $0x1B200, s0;
	s8 =	sand.u32 $0x1, s5  }
0x6: {  	s5 =	sadd.s32 $0xEE9200, s0;
	s6 =	sadd.s32 $0x7200, s0;
	s7 =	sadd.s32 $0x11200, s0  }
0x7: {  	s11 =	smul.u32 $0x4F000, s14;
	s22 =	sshll.u32 s14, $0x6;
	_ =	strace $0x8000004A  }
0x8: {  	s10 =	smul.u32 $0x13C000, s8;
	s19 =	sshll.u32 s8, $0x4;
	s12 =	ssub.s32 $0x2, s8  }
0x9: {  	s9 =	sshrl.u32 s1, $0x3;
	s13 =	sor.u32 s14, s19;
	s20 =	sshrl.u32 s12, $0x1  }
0xa: {  	s11 =	sshrl.u32 s11, $0x2;
	s9 =	sadd.s32 s9, s0;
	s8 =	smul.u32 $0x2800, s13  }
0xb: {  	s1 =	sadd.s32 s1, s10;
	s21 =	ssub.s32 s12, s20;
	s25 =	smul.u32 $0x28000, s13  }
0xc: {  	s11 =	sadd.s32 s11, s2;
	s10 =	sor.u32 $0x1C05, s22;
	s13 =	smul.u32 $0x140000, s13  }
0xd: {  	s22 =	simm.s32 $0x100;
	s1 =	sshrl.u32 s1, $0x3;
	s9 =	sadd.s32 $0x42400, s9  }
0xe: {  	s19 =	smax.u32 s21, $0x1;
	s20 =	sshrl.u32 s11, $0x3;
	s21 =	simm.s32 $0x5  }
0xf: {  	s0 =	sadd.s32 s1, s0;
	[dreg:$0x3] =	wrdreg s9;
	s23 =	sshrl.u32 s8, $0x3  }
.Ltmp0:
0x10: {  	s16 =	sadd.s32 s5, s25;
	s17 =	sor.u32 $0x4000, s13;
	(pc) =	sbr.rel .LBB2_1-.Ltmp0, $4  }
0x11: {  	s24 =	sadd.s32 s6, s23;
	s26 =	sadd.s32 s7, s23;
	s15 =	sor.u32 $0x10, s23  }
0x12: {  	s18 =	sadd.s32 $0x69C00, s0;
	s23 =	simm.s32 $0x80;
	[dreg:$0x4] =	wrdreg s24  }
0x13: {  	s0 =	simm.s32 $0x0;
	[dreg:$0x5] =	wrdreg s26;
	s14 =	sadd.s32 s6, s15  }
0x14: {  	s15 =	sadd.s32 s7, s15;
	s24 =	simm.s32 $0x180;
	s26 =	simm.s32 $0x8200  }
.LBB2_8:
0x15: {  	s0 =	sadd.s32 $0x1, s0  }
0x16: {  	p0 =	sne.s32 s0, s19  }
.Ltmp1:
0x17: {  	[bflag:$0x0] =	sbarrier.arrive $0xFFFF;
	(pc) =	sbr.rel @!p0 .LBB2_9-.Ltmp1, $4  }
0x18: {  	[hbm:s18], [sflag:s10] =	dma.local [spmem:s20], $0x2780  }
0x19: {  	_ =	swait.ge [sflag:s21], $0x2780  }
0x1a: {  	[sflag:s21] =	ssyncset.done $0x0  }
0x1b: {  	[sflag:s21] =	ssyncadd.s32 $0xFFFFD880  }
.LBB2_1:
0x1c: {  	s1 =	rddreg [dreg:$0x3]  }
0x1d: {  	[spmem:s20], [sflag:s10] =	dma.local [hbm:s1], $0x2780  }
0x1e: {  	_ =	swait.ge [sflag:s21], $0x2780  }
0x1f: {  	[sflag:s21] =	ssyncset.done $0x0  }
0x20: {  	s11 =	rddreg [dreg:$0x4];
	[sflag:s21] =	ssyncadd.s32 $0xFFFFD880  }
0x21: {  	[tilespmem:s3], [sflag:$0x5] =	stream.linear.gather [hbm4b:s11+s3], $0x80, $0x38;
	[tilespmem:$0x1FE00] =	vst v63  }
0x22: {  	_ =	swait.ge [sflag:s21], $0x80  }
0x23: {  	[sflag:s21] =	ssyncset.done $0x0  }
0x24: {  	s12 =	rddreg [dreg:$0x5];
	[sflag:s21] =	ssyncadd.s32 $0xFFFFFF80  }
0x25: {  	[tilespmem:s22], [sflag:$0x5] =	stream.linear.gather [hbm4b:s12+s3], $0x80, $0x38;
	[tilespmem:$0x1FE00] =	vst v63  }
0x26: {  	_ =	swait.ge [sflag:s21], $0x80  }
0x27: {  	[sflag:s21] =	ssyncset.done $0x0  }
0x28: {  	[sflag:s21] =	ssyncadd.s32 $0xFFFFFF80  }
0x29: {  	[tilespmem:s23], [sflag:$0x5] =	stream.linear.gather [hbm4b:s14+s3], $0x80, $0x38;
	[tilespmem:$0x1FE00] =	vst v63  }
0x2a: {  	_ =	swait.ge [sflag:s21], $0x80  }
0x2b: {  	[sflag:s21] =	ssyncset.done $0x0  }
0x2c: {  	[sflag:s21] =	ssyncadd.s32 $0xFFFFFF80  }
0x2d: {  	[tilespmem:s24], [sflag:$0x5] =	stream.linear.gather [hbm4b:s15+s3], $0x80, $0x38;
	[tilespmem:$0x1FE00] =	vst v63  }
0x2e: {  	_ =	swait.ge [sflag:s21], $0x80  }
0x2f: {  	[sflag:s21] =	ssyncset.done $0x0  }
0x30: {  	[sflag:s21] =	ssyncadd.s32 $0xFFFFFF80  }
0x31: {  	s25 =	simm.s32 $0x200;
	[bflag:$0x0] =	sbarrier.arrive $0xFFFF  }
0x32: {  	[tilespmem:s25], [sflag:$0x1] =	stream.indirect.gather [hbm4b:s4+s23], $0x80, s3, s23, $0xb8;
	[tilespmem:$0x1FE00] =	vst v63  }
0x33: {  	s1 =	simm.s32 $0x0  }
0x34: {  	[tilespmem:s26], [sflag:$0x4] =	stream.linear.gather [hbm4b:s16+s3], $0x4000, $0x38;
	[tilespmem:$0x1FE00] =	vst v63  }
.LBB2_2:
0x35: {  	_ =	swait.ge [sflag:s28], $0x4000  }
0x36: {  	[sflag:s28] =	ssyncset.done $0x0  }
0x37: {  	[sflag:s28] =	ssyncadd.s32 $0xFFFFC000  }
0x38: {  	_ =	swait.ge [sflag:s29], $0x4000  }
0x39: {  	p0 =	seq.s32 s1, $0x0;
	[sflag:s29] =	ssyncset.done $0x0  }
0x3a: {  	s9 =	simm.s32 @!p0 $0x3;
	[sflag:s29] =	ssyncadd.s32 $0xFFFFC000  }
0x3b: {  	_ =	swait.ge @!p0 [sflag:s9], $0x80  }
0x3c: {  	[sflag:s9] =	ssyncset.done @!p0 $0x0  }
0x3d: {  	[sflag:s9] =	ssyncadd.s32 @!p0 $0xFFFFFF80  }
0x3e: {  	_ =	swait.ge @!p0 [sflag:s9], $0x80  }
0x3f: {  	[sflag:s9] =	ssyncset.done @!p0 $0x0  }
0x40: {  	s25 =	simm.s32 $0x0;
	[sflag:s9] =	ssyncadd.s32 @!p0 $0xFFFFFF80  }
0x41: {  	[tilespmem:s30], [sflag:$0x2] =	stream.indirect.gather [hbm4b:s4+s23], $0x80, s23, s23, $0xb8;
	[tilespmem:$0x1FE00] =	vst v63  }
0x42: {  	v7 =	vld [tilespmem:s25+$0x200]  }
0x43: {  	v11 =	vld [tilespmem:s25+$0x210]  }
0x44: {  	v5 =	vld [tilespmem:s25+$0x220]  }
0x45: {  	v4 =	vld [tilespmem:s25+$0x230]  }
0x46: {  	v3 =	vld [tilespmem:s25+$0x240]  }
0x47: {  	v2 =	vld [tilespmem:s25+$0x250]  }
0x48: {  	v1 =	vld [tilespmem:s25+$0x260]  }
0x49: {  	v0 =	vld [tilespmem:s25+$0x270]  }
0x4a: {  	v12 =	vld [tilespmem:s25+$0x8200]  }
0x4b: {  	v13 =	vld [tilespmem:s25+$0x8210]  }
0x4c: {  	v10 =	vld [tilespmem:s25+$0x8220]  }
0x4d: {  	v9 =	vld [tilespmem:s25+$0x8230]  }
0x4e: {  	v8 =	vld [tilespmem:s25+$0x8240]  }
0x4f: {  	v6 =	vld [tilespmem:s25+$0x8250];
	v12 =	vadd.f32 v12, v7  }
0x50: {  	s11 =	simm.s32 $0x200;
	s9 =	sshll.u32 s1, $0x1;
	v11 =	vadd.f32 v13, v11;
	v7 =	vld [tilespmem:s25+$0x8260]  }
.LBB2_3:
0x51: {  	s12 =	sshra.s32 s11, $0x2;
	p0 =	sne.s32 s11, $0xFE00;
	[tilespmem:s25+$0x8200] =	vst v12;
	v5 =	vadd.f32 v10, v5;
	v10 =	vld [tilespmem:s25+$0x8270]  }
0x52: {  	v12 =	vld [tilespmem:s12+$0x200];
	[tilespmem:s25+$0x8210] =	vst v11;
	v4 =	vadd.f32 v9, v4  }
0x53: {  	v11 =	vld [tilespmem:s12+$0x210];
	[tilespmem:s25+$0x8220] =	vst v5;
	v3 =	vadd.f32 v8, v3  }
0x54: {  	v5 =	vld [tilespmem:s12+$0x220];
	[tilespmem:s25+$0x8230] =	vst v4;
	v2 =	vadd.f32 v6, v2  }
0x55: {  	v4 =	vld [tilespmem:s12+$0x230];
	[tilespmem:s25+$0x8240] =	vst v3;
	v1 =	vadd.f32 v7, v1  }
0x56: {  	v3 =	vld [tilespmem:s12+$0x240];
	[tilespmem:s25+$0x8250] =	vst v2;
	v0 =	vadd.f32 v10, v0  }
0x57: {  	v2 =	vld [tilespmem:s12+$0x250];
	[tilespmem:s25+$0x8260] =	vst v1  }
0x58: {  	v1 =	vld [tilespmem:s12+$0x260];
	[tilespmem:s25+$0x8270] =	vst v0;
	s25 =	smov.u32 s12  }
0x59: {  	v0 =	vld [tilespmem:s25+$0x270]  }
0x5a: {  	v6 =	vld [tilespmem:s25+$0x8200]  }
0x5b: {  	v7 =	vld [tilespmem:s25+$0x8210]  }
.Ltmp2:
0x5c: {  	v10 =	vld [tilespmem:s25+$0x8220];
	(pc) =	sbr.rel @p0 .LBB2_3-.Ltmp2, $4  }
0x5d: {  	v9 =	vld [tilespmem:s25+$0x8230]  }
0x5e: {  	v8 =	vld [tilespmem:s25+$0x8240]  }
0x5f: {  	v12 =	vadd.f32 v6, v12;
	v6 =	vld [tilespmem:s25+$0x8250]  }
0x60: {  	s11 =	sadd.s32 $0x200, s11;
	v11 =	vadd.f32 v7, v11;
	v7 =	vld [tilespmem:s25+$0x8260]  }
0x61: {  	[tilespmem:s25+$0x8200] =	vst v12;
	v5 =	vadd.f32 v10, v5;
	v10 =	vld [tilespmem:s25+$0x8270]  }
0x62: {  	[tilespmem:s25+$0x8210] =	vst v11;
	v4 =	vadd.f32 v9, v4  }
0x63: {  	[tilespmem:s25+$0x8220] =	vst v5;
	v3 =	vadd.f32 v8, v3  }
0x64: {  	[tilespmem:s25+$0x8230] =	vst v4;
	v2 =	vadd.f32 v6, v2  }
0x65: {  	[tilespmem:s25+$0x8240] =	vst v3;
	v1 =	vadd.f32 v7, v1  }
0x66: {  	[tilespmem:s25+$0x8250] =	vst v2;
	v0 =	vadd.f32 v10, v0  }
0x67: {  	[tilespmem:s25+$0x8260] =	vst v1  }
0x68: {  	p0 =	seq.s32 s1, $0x27;
	[tilespmem:s25+$0x8270] =	vst v0;
	s25 =	sadd.s32 $0x2, s9  }
0x69: {  	[spmem:s2] =	stream.indirect.scatter.add.f32 [tilespmem:s26], [sflag:$0x5], $0x80, s22, s23, $0xb8;
	[tilespmem:$0x1FE00] =	vst v63  }
0x6a: {  	s9 =	sshll.u32 @!p0 s25, $0x7  }
0x6b: {  	s11 =	sand.u32 @!p0 $0x7C00, s9  }
0x6c: {  	s9 =	sand.u32 @!p0 $0x300, s9;
	s11 =	sadd.s32 @!p0 s8, s11  }
0x6d: {  	_ =	swait.ge [sflag:s21], $0x4000;
	s9 =	sor.u32 @!p0 s9, s11  }
0x6e: {  	[sflag:s21] =	ssyncset.done $0x0;
	s9 =	sshrl.u32 @!p0 s9, $0x3  }
0x6f: {  	s12 =	simm.s32 @!p0 $0x0;
	[sflag:s21] =	ssyncadd.s32 $0xFFFFC000;
	s11 =	sadd.s32 @!p0 s6, s9  }
0x70: {  	[tilespmem:s12], [sflag:$0x3] =	stream.linear.gather @!p0 [hbm4b:s11+s12], $0x80, $0x38;
	[tilespmem:$0x1FE00] =	vst v63  }
0x71: {  	s9 =	sadd.s32 @!p0 s7, s9;
	s11 =	simm.s32 @!p0 $0x100  }
0x72: {  	[tilespmem:s11], [sflag:$0x3] =	stream.linear.gather @!p0 [hbm4b:s9+s12], $0x80, $0x38;
	[tilespmem:$0x1FE00] =	vst v63  }
0x73: {  	s11 =	sshll.u32 s1, $0xF  }
0x74: {  	s9 =	sadd.s32 s11, s17  }
0x75: {  	s9 =	sshrl.u32 s9, $0x3  }
0x76: {  	s9 =	sadd.s32 s5, s9  }
0x77: {  	[tilespmem:s26], [sflag:$0x4] =	stream.linear.gather [hbm4b:s9+s3], $0x4000, $0x38;
	[tilespmem:$0x1FE00] =	vst v63  }
0x78: {  	_ =	swait.ge [sflag:s28], $0x4000  }
0x79: {  	[sflag:s28] =	ssyncset.done $0x0  }
0x7a: {  	[sflag:s28] =	ssyncadd.s32 $0xFFFFC000  }
0x7b: {  	_ =	swait.ge [sflag:s31], $0x4000  }
0x7c: {  	[sflag:s31] =	ssyncset.done $0x0  }
0x7d: {  	s9 =	simm.s32 @!p0 $0x3;
	[sflag:s31] =	ssyncadd.s32 $0xFFFFC000  }
0x7e: {  	_ =	swait.ge @!p0 [sflag:s9], $0x80  }
0x7f: {  	[sflag:s9] =	ssyncset.done @!p0 $0x0  }
0x80: {  	[sflag:s9] =	ssyncadd.s32 @!p0 $0xFFFFFF80  }
0x81: {  	_ =	swait.ge @!p0 [sflag:s9], $0x80  }
0x82: {  	[sflag:s9] =	ssyncset.done @!p0 $0x0  }
0x83: {  	s11 =	simm.s32 @!p0 $0x200;
	[sflag:s9] =	ssyncadd.s32 @!p0 $0xFFFFFF80;
	s9 =	simm.s32 @!p0 $0x80  }
0x84: {  	[tilespmem:s11], [sflag:$0x1] =	stream.indirect.gather @!p0 [hbm4b:s4+s9], $0x80, s12, s9, $0xb8;
	[tilespmem:$0x1FE00] =	vst v63  }
0x85: {  	s9 =	simm.s32 $0x0  }
0x86: {  	v7 =	vld [tilespmem:s9+$0x4200]  }
0x87: {  	v11 =	vld [tilespmem:s9+$0x4210]  }
0x88: {  	v5 =	vld [tilespmem:s9+$0x4220]  }
0x89: {  	v4 =	vld [tilespmem:s9+$0x4230]  }
0x8a: {  	v3 =	vld [tilespmem:s9+$0x4240]  }
0x8b: {  	v2 =	vld [tilespmem:s9+$0x4250]  }
0x8c: {  	v1 =	vld [tilespmem:s9+$0x4260]  }
0x8d: {  	v0 =	vld [tilespmem:s9+$0x4270]  }
0x8e: {  	v12 =	vld [tilespmem:s9+$0x8200]  }
0x8f: {  	v13 =	vld [tilespmem:s9+$0x8210]  }
0x90: {  	v10 =	vld [tilespmem:s9+$0x8220]  }
0x91: {  	v9 =	vld [tilespmem:s9+$0x8230]  }
0x92: {  	v8 =	vld [tilespmem:s9+$0x8240]  }
0x93: {  	v6 =	vld [tilespmem:s9+$0x8250];
	v12 =	vadd.f32 v12, v7  }
0x94: {  	s11 =	simm.s32 $0x200;
	v11 =	vadd.f32 v13, v11;
	v7 =	vld [tilespmem:s9+$0x8260]  }
.LBB2_5:
0x95: {  	s12 =	sshra.s32 s11, $0x2;
	p1 =	sne.s32 s11, $0xFE00;
	[tilespmem:s9+$0x8200] =	vst v12;
	v5 =	vadd.f32 v10, v5;
	v10 =	vld [tilespmem:s9+$0x8270]  }
0x96: {  	v12 =	vld [tilespmem:s12+$0x4200];
	[tilespmem:s9+$0x8210] =	vst v11;
	v4 =	vadd.f32 v9, v4  }
0x97: {  	v11 =	vld [tilespmem:s12+$0x4210];
	[tilespmem:s9+$0x8220] =	vst v5;
	v3 =	vadd.f32 v8, v3  }
0x98: {  	v5 =	vld [tilespmem:s12+$0x4220];
	[tilespmem:s9+$0x8230] =	vst v4;
	v2 =	vadd.f32 v6, v2  }
0x99: {  	v4 =	vld [tilespmem:s12+$0x4230];
	[tilespmem:s9+$0x8240] =	vst v3;
	v1 =	vadd.f32 v7, v1  }
0x9a: {  	v3 =	vld [tilespmem:s12+$0x4240];
	[tilespmem:s9+$0x8250] =	vst v2;
	v0 =	vadd.f32 v10, v0  }
0x9b: {  	v2 =	vld [tilespmem:s12+$0x4250];
	[tilespmem:s9+$0x8260] =	vst v1  }
0x9c: {  	v1 =	vld [tilespmem:s12+$0x4260];
	[tilespmem:s9+$0x8270] =	vst v0;
	s9 =	smov.u32 s12  }
0x9d: {  	v0 =	vld [tilespmem:s9+$0x4270]  }
0x9e: {  	v6 =	vld [tilespmem:s9+$0x8200]  }
0x9f: {  	v7 =	vld [tilespmem:s9+$0x8210]  }
.Ltmp3:
0xa0: {  	v10 =	vld [tilespmem:s9+$0x8220];
	(pc) =	sbr.rel @p1 .LBB2_5-.Ltmp3, $4  }
0xa1: {  	v9 =	vld [tilespmem:s9+$0x8230]  }
0xa2: {  	v8 =	vld [tilespmem:s9+$0x8240]  }
0xa3: {  	v12 =	vadd.f32 v6, v12;
	v6 =	vld [tilespmem:s9+$0x8250]  }
0xa4: {  	s11 =	sadd.s32 $0x200, s11;
	v11 =	vadd.f32 v7, v11;
	v7 =	vld [tilespmem:s9+$0x8260]  }
0xa5: {  	[tilespmem:s9+$0x8200] =	vst v12;
	v5 =	vadd.f32 v10, v5;
	v63 =	vld [tilespmem:s9+$0x8270]  }
0xa6: {  	[tilespmem:s9+$0x8210] =	vst v11;
	v4 =	vadd.f32 v9, v4  }
0xa7: {  	[tilespmem:s9+$0x8220] =	vst v5;
	v3 =	vadd.f32 v8, v3  }
0xa8: {  	[tilespmem:s9+$0x8230] =	vst v4;
	v2 =	vadd.f32 v6, v2  }
0xa9: {  	[tilespmem:s9+$0x8240] =	vst v3;
	v1 =	vadd.f32 v7, v1  }
0xaa: {  	[tilespmem:s9+$0x8250] =	vst v2;
	v0 =	vadd.f32 v63, v0  }
0xab: {  	[tilespmem:s9+$0x8260] =	vst v1  }
.Ltmp4:
0xac: {  	[tilespmem:s9+$0x8270] =	vst v0;
	(pc) =	sbr.rel @p0 .LBB2_8-.Ltmp4, $4  }
0xad: {  	[spmem:s2] =	stream.indirect.scatter.add.f32 [tilespmem:s26], [sflag:$0x5], $0x80, s24, s23, $0xb8;
	[tilespmem:$0x1FE00] =	vst v63  }
0xae: {  	_ =	swait.ge [sflag:s21], $0x4000  }
0xaf: {  	[sflag:s21] =	ssyncset.done $0x0  }
0xb0: {  	[sflag:s21] =	ssyncadd.s32 $0xFFFFC000  }
0xb1: {  	s9 =	sshll.u32 s1, $0x8  }
0xb2: {  	s9 =	sadd.s32 $0x180, s9  }
0xb3: {  	s11 =	sand.u32 $0x7C00, s9  }
0xb4: {  	s9 =	sand.u32 $0x380, s9;
	s11 =	sadd.s32 s8, s11  }
0xb5: {  	s9 =	sor.u32 s9, s11  }
0xb6: {  	s9 =	sshrl.u32 s9, $0x3  }
0xb7: {  	s12 =	sadd.s32 s6, s9  }
0xb8: {  	[tilespmem:s23], [sflag:$0x3] =	stream.linear.gather [hbm4b:s12+s3], $0x80, $0x38;
	[tilespmem:$0x1FE00] =	vst v63  }
0xb9: {  	s9 =	sadd.s32 s7, s9  }
0xba: {  	[tilespmem:s24], [sflag:$0x3] =	stream.linear.gather [hbm4b:s9+s3], $0x80, $0x38;
	[tilespmem:$0x1FE00] =	vst v63  }
.Ltmp5:
0xbb: {  	s25 =	sshll.u32 s25, $0xE;
	(pc) =	sbr.rel .LBB2_2-.Ltmp5, $4  }
0xbc: {  	s9 =	sadd.s32 s13, s25  }
0xbd: {  	s9 =	sshrl.u32 s9, $0x3  }
0xbe: {  	s1 =	sadd.s32 $0x1, s1;
	s9 =	sadd.s32 s5, s9  }
0xbf: {  	[tilespmem:s26], [sflag:$0x4] =	stream.linear.gather [hbm4b:s9+s3], $0x4000, $0x38;
	[tilespmem:$0x1FE00] =	vst v63  }
.LBB2_9:
0xc0: {  	_ =	sfence.sel $0x180000  }
0xc1: {  	[bflag:$0x0] =	sbarrier.arrive $0xFFFF  }
0xc2: {  	_ =	strace $0x9000004A  }
0xc3: {  	s0 =	stileid.u32;
	[bflag:$0x2] =	sbarrier.arrive $0xFFFF  }
0xc4: {  	p0 =	sne.s32 s0, $0x0;
	s0 =	rddreg [dreg:$0x2]  }
0xc5: {  	s0 =	sadd.s32 @!p0 $0x100000, s0  }
0xc6: {  	[sflag:s0] =	ssyncadd.tile.s32 @!p0 $0x1;
	_ =	shalt  }
.Lfunc_end2:
_tile_overlayer_lowered:
.L_overlay_start_2:
0xc7: {  	(tag) =	ssettag $0x2  }
0xc8: {  	s0 =	rddreg [dreg:$0x0];
	s2 =	stileid.u32  }
0xc9: {  	s1 =	rddreg [dreg:$0x1];
	p0 =	sne.s32 s2, $0x0  }
0xca: {  	s3 =	rddreg [dreg:$0x2];
	[bflag:$0x3] =	sbarrier.arrive $0xFFFF;
	s2 =	simm.s32 @!p0 $0x1C05  }
0xcb: {  	[timem:s3], [sflag:s2] =	dma.local @!p0 [hbm:s0], s1  }
0xcc: {  	s0 =	simm.s32 @!p0 $0x5  }
0xcd: {  	_ =	swait.ge @!p0 [sflag:s0], s1  }
0xce: {  	s1 =	ssub.s32 @!p0 $0x0, s1;
	[sflag:s0] =	ssyncset.done @!p0 $0x0  }
0xcf: {  	[sflag:s0] =	ssyncadd.s32 @!p0 s1  }
0xd0: {  	[bflag:$0x3] =	sbarrier.arrive $0xFFFF  }
0xd1: {  	_ =	shalt  }

// kernel: kernel.20.cloned.1.call-start
scs
__scs_entry_jumppad:
0x0: {  	(pc) =	sbr.rel $0x88, $3  }
0x1: {  	(tag) =	ssettag $0x0;
	lr =	simm.s32 $0x1  }
0x2: {  	[smem:$0x3F8B] =	sst lr;
	_ =	strace $0xD0000000  }
0x3: {  	_ = 	snop  }
0x4: {  	_ = 	snop  }
0x5: {  	_ = 	snop  }
0x6: {  	_ = 	snop  }
0x7: {  	_ = 	snop  }
__scs_overlays_trampoline_lowered:
0x8: {  	[smem:$0x3F9A] =	sst s0  }
0x9: {  	[smem:$0x3F9B] =	sst s1  }
0xa: {  	[smem:$0x3F9C] =	sst s2  }
0xb: {  	[smem:$0x3F9D] =	sst s3  }
0xc: {  	[smem:$0x3F9E] =	sst s4  }
0xd: {  	[smem:$0x3F9F] =	sst s5  }
0xe: {  	[smem:$0x3FA0] =	sst s6  }
0xf: {  	[smem:$0x3FA1] =	sst s7  }
0x10: {  	[smem:$0x3FA2] =	sst s8  }
0x11: {  	[smem:$0x3FA3] =	sst s9;
	s0 =	simm.s32 @!p0 $0x0  }
0x12: {  	s1 =	sld [smem:$0x3F89];
	s0 =	simm.s32 @p0 $0x1  }
0x13: {  	[smem:$0x3FA4] =	sst s0;
	s0 =	simm.s32 @!p1 $0x0  }
0x14: {  	s2 =	sld [smem:$0x3F88];
	s0 =	simm.s32 @p1 $0x1  }
0x15: {  	[smem:$0x3FA5] =	sst s0;
	s0 =	simm.s32 @!p2 $0x0  }
0x16: {  	s3 =	sld [smem:$0x3FDB];
	s0 =	simm.s32 @p2 $0x1  }
0x17: {  	s4 =	simm.s32 $0x1BF5;
	[smem:$0x3FA7] =	sst s0  }
0x18: {  	s0 =	sld [smem:$0x3F8A];
	_ =	swait.ge [sflag:s4], $0x0  }
0x19: {  	s7 =	sld [smem:$0x3F8B]  }
0x1a: {  	s8 =	sadd.s32 $0xFFFFE003, lr  }
0x1b: {  	s9 =	sadd.s32 $0xFFFFFEF7, lr;
	s5 =	simm.s32 $0xFFFFFFFF;
	p2 =	slt.u32 s8, $0xFFFFF086  }
0x1c: {  	p1 =	slt.u32 s9, $0xF7A;
	s5 =	simm.s32 @!p2 $0x0  }
0x1d: {  	s5 =	simm.s32 @p1 $0x1;
	p0 =	seq.s32 s7, s2  }
0x1e: {  	s7 =	smul.u32 @!p0 $0xF7A, s2;
	p2 =	seq.s32 @!p0 s5, $0x0  }
0x1f: {  	s9 =	smul.u32 $0xF7A, s1;
	s8 =	simm.s32 @!p0 $0x1BF5;
	p2 =	por !p2, p0  }
0x20: {  	[sflag:s8] =	ssyncset.s32 @!p0 $0xFFFFF086;
	s6 =	sadd.s32 @!p0 s3, s7;
	s7 =	simm.s32 @!p0 $0x108  }
0x21: {  	s3 =	sadd.s32 s3, s9;
	s6 =	sadd.s32 @!p0 $0x88, s6;
	s7 =	simm.s32 @p2 $0x1082  }
0x22: {  	[simem:s7], [sflag:s8] =	dma.local @!p0 [hbm:s6], $0xF7A  }
0x23: {  	s9 =	sor.u32 $0xD0000000, s2;
	s6 =	simm.s32 $0x108;
	_ =	swait.ge @!p0 [sflag:s8], $0x0  }
0x24: {  	s3 =	sadd.s32 $0x88, s3;
	s6 =	simm.s32 @!p1 $0x1082;
	[sflag:s4] =	ssyncset.s32 $0xFFFFF086  }
0x25: {  	[simem:s6], [sflag:s4] =	dma.local [hbm:s3], $0xF7A  }
0x26: {  	[smem:$0x3F8B] =	sst s1;
	(tag) =	ssettag s2;
	_ =	strace s9  }
0x27: {  	s1 =	sld [smem:$0x3F9B]  }
0x28: {  	s2 =	sld [smem:$0x3F9C]  }
0x29: {  	s4 =	sld [smem:$0x3F9E]  }
0x2a: {  	p0 =	seq.s32 s5, $0x0;
	s5 =	sld [smem:$0x3F9F]  }
0x2b: {  	s6 =	sld [smem:$0x3FA0]  }
0x2c: {  	s7 =	sld [smem:$0x3FA1]  }
0x2d: {  	s3 =	simm.s32 $0x108;
	s8 =	sld [smem:$0x3FA2]  }
0x2e: {  	s3 =	simm.s32 @!p0 $0x1082;
	s9 =	sld [smem:$0x3FA3]  }
0x2f: {  	lr =	sadd.s32 s0, s3;
	s0 =	sld [smem:$0x3F9A]  }
0x30: {  	s3 =	sld [smem:$0x3F9D]  }
0x31: {  	[smem:$0x3FA6] =	sst s10  }
0x32: {  	s10 =	sld [smem:$0x3FA4];
	_ =	sdelay $0x3  }
0x33: {  	p0 =	seq.s32 s10, $0x1;
	s10 =	sld [smem:$0x3FA6];
	_ =	sdelay $0x3  }
0x34: {  	[smem:$0x3FA6] =	sst s10  }
0x35: {  	s10 =	sld [smem:$0x3FA5];
	_ =	sdelay $0x3  }
0x36: {  	p1 =	seq.s32 s10, $0x1;
	s10 =	sld [smem:$0x3FA6];
	_ =	sdelay $0x3  }
0x37: {  	[smem:$0x3FA6] =	sst s10  }
0x38: {  	s10 =	sld [smem:$0x3FA7]  }
0x39: {  	_ = 	snop;
	(pc) =	sbr.ind lr, $3  }
0x3a: {  	_ = 	snop  }
0x3b: {  	_ = 	snop  }
0x3c: {  	p2 =	seq.s32 s10, $0x1;
	s10 =	sld [smem:$0x3FA6]  }
0x3d: {  	_ =	shalt  }
0x3e: {  	_ =	shalt  }
0x3f: {  	_ =	shalt  }
0x40: {  	_ =	shalt  }
0x41: {  	_ =	shalt  }
0x42: {  	_ =	shalt  }
0x43: {  	_ =	shalt  }
0x44: {  	_ =	shalt  }
0x45: {  	_ =	shalt  }
0x46: {  	_ =	shalt  }
0x47: {  	_ =	shalt  }
0x48: {  	_ =	shalt  }
0x49: {  	_ =	shalt  }
0x4a: {  	_ =	shalt  }
0x4b: {  	_ =	shalt  }
0x4c: {  	_ =	shalt  }
0x4d: {  	_ =	shalt  }
0x4e: {  	_ =	shalt  }
0x4f: {  	_ =	shalt  }
0x50: {  	_ =	shalt  }
0x51: {  	_ =	shalt  }
0x52: {  	_ =	shalt  }
0x53: {  	_ =	shalt  }
0x54: {  	_ =	shalt  }
0x55: {  	_ =	shalt  }
0x56: {  	_ =	shalt  }
0x57: {  	_ =	shalt  }
0x58: {  	_ =	shalt  }
0x59: {  	_ =	shalt  }
0x5a: {  	_ =	shalt  }
0x5b: {  	_ =	shalt  }
0x5c: {  	_ =	shalt  }
0x5d: {  	_ =	shalt  }
0x5e: {  	_ =	shalt  }
0x5f: {  	_ =	shalt  }
0x60: {  	_ =	shalt  }
0x61: {  	_ =	shalt  }
0x62: {  	_ =	shalt  }
0x63: {  	_ =	shalt  }
0x64: {  	_ =	shalt  }
0x65: {  	_ =	shalt  }
0x66: {  	_ =	shalt  }
0x67: {  	_ =	shalt  }
0x68: {  	_ =	shalt  }
0x69: {  	_ =	shalt  }
0x6a: {  	_ =	shalt  }
0x6b: {  	_ =	shalt  }
0x6c: {  	_ =	shalt  }
0x6d: {  	_ =	shalt  }
0x6e: {  	_ =	shalt  }
0x6f: {  	_ =	shalt  }
0x70: {  	_ =	shalt  }
0x71: {  	_ =	shalt  }
0x72: {  	_ =	shalt  }
0x73: {  	_ =	shalt  }
0x74: {  	_ =	shalt  }
0x75: {  	_ =	shalt  }
0x76: {  	_ =	shalt  }
0x77: {  	_ =	shalt  }
0x78: {  	_ =	shalt  }
0x79: {  	_ =	shalt  }
0x7a: {  	_ =	shalt  }
0x7b: {  	_ =	shalt  }
0x7c: {  	_ =	shalt  }
0x7d: {  	_ =	shalt  }
0x7e: {  	_ =	shalt  }
0x7f: {  	_ =	shalt  }
0x80: {  	_ =	shalt  }
0x81: {  	_ =	shalt  }
0x82: {  	_ =	shalt  }
0x83: {  	_ =	shalt  }
0x84: {  	_ =	shalt  }
0x85: {  	_ =	shalt  }
0x86: {  	_ =	shalt  }
0x87: {  	_ =	shalt  }
.Lfunc_end0:
.L_simem_size_0:
called_computation.2_lowered:
.L_overlay_start_0:
0x88: {  	s2 =	sld [smem:$0x3FD9]  }
0x89: {  	s3 =	sld [smem:$0x3FFE];
	_ =	sdelay $0x1  }
0x8a: {  	s1 =	srdreg.scid  }
0x8b: {  	s0 =	sand.u32 $0x1, s1  }
0x8c: {  	s16 =	sshll.u32 s0, $0xA;
	s2 =	sadd.s32 s3, s2  }
0x8d: {  	s2 =	sadd.s32 s2, s16  }
0x8e: {  	[smem:$0x3FB2] =	sst s2  }
0x8f: {  	_ = 	snop  }
0x90: {  	(tm) =	ssettm $0x1  }
0x91: {  	s17 =	sld [smem:$0x3FFB];
	_ =	sdelay $0x3  }
0x92: {  	_ =	strace s17  }
0x93: {  	s2 =	sld [smem:$0x3FFC];
	_ =	sdelay $0x3  }
0x94: {  	_ =	strace s2  }
0x95: {  	s2 =	sld [smem:$0x3FFD];
	_ =	sdelay $0x3  }
0x96: {  	_ =	strace s2  }
0x97: {  	_ =	strace $0x8FFFFFFF  }
0x98: {  	s18 =	sld [smem:$0x3FDB];
	_ =	sdelay $0x1  }
0x99: {  	s19 =	simm.s32 $_scs_section_size  }
0x9a: {  	s4 =	simm.s32 $_size__tile_overlayer_lowered;
	s5 =	simm.s32 $_tile_overlayer_lowered  }
0x9b: {  	s22 =	simm.s32 $0x1BFF;
	s21 =	sshll.u32 s5, $0x1;
	s2 =	sadd.s32 s19, s18  }
0x9c: {  	s6 =	simm.s32 $0x0;
	s20 =	sshll.u32 s4, $0x1;
	s4 =	sadd.s32 s21, s2  }
0x9d: {  	[timem:s6], [sflag:s22] =	dma.local [hbm:s4], s20  }
0x9e: {  	_ =	swait.ge [sflag:s22], s20  }
0x9f: {  	s3 =	ssub.s32 $0x0, s20;
	[sflag:s22] =	ssyncset.done $0x0  }
0xa0: {  	[sflag:s22] =	ssyncadd.s32 s3;
	_ =	sdelay $0x1  }
0xa1: {  	s23 =	simm.s32 $0x1B8B  }
0xa2: {  	_ =	swait.ge [sflag:s23], $0x1  }
0xa3: {  	[sflag:s23] =	ssyncset.done $0x0  }
0xa4: {  	s25 =	simm.s32 $0x1B8E;
	s24 =	sld [smem:$0x3FFE];
	[sflag:s23] =	ssyncadd.s32 $0xFFFFFFFF  }
0xa5: {  	s26 =	simm.s32 $execute0_lowered;
	[smem:$0x3FD2] =	sst s25  }
0xa6: {  	s4 =	sshll.u32 s26, $0x1;
	_ =	strace $0x8000004C;
	[dreg:$0x1] =	wrdreg $0xFFFFFFFF  }
0xa7: {  	s28 =	simm.s32 $_size_execute0_lowered;
	s2 =	sadd.s32 s2, s4;
	[dreg:$0x0] =	wrdreg $0x0  }
0xa8: {  	s4 =	sshll.u32 s28, $0x1;
	[dreg:$0x2] =	wrdreg s2  }
0xa9: {  	[dreg:$0x3] =	wrdreg s4  }
0xaa: {  	[dreg:$0x4] =	wrdreg $0xC0  }
0xab: {  	_ =	task [dreg:s6], $0x5FFFF  }
0xac: {  	[dreg:$0x1] =	wrdreg $0xFFFFFFFF  }
0xad: {  	[dreg:$0x0] =	wrdreg $0x60  }
0xae: {  	[dreg:$0x2] =	wrdreg s24  }
0xaf: {  	[dreg:$0x3] =	wrdreg $0xC2000  }
0xb0: {  	[dreg:$0x4] =	wrdreg $0x9  }
0xb1: {  	_ =	task.clear_ibuf [dreg:s6], $0x5FFFF;
	_ =	strace $0x9000004C  }
0xb2: {  	s29 =	simm.s32 $0x9;
	_ =	strace $0x8000004E  }
0xb3: {  	_ =	swait.ge [sflag:s29], $0x1  }
0xb4: {  	[sflag:s29] =	ssyncadd.s32 $0xFFFFFFFF  }
0xb5: {  	_ =	strace $0x9000004E  }
0xb6: {  	_ =	sfence  }
0xb7: {  	s30 =	sld [smem:$0x0];
	_ =	sdelay $0x2  }
0xb8: {  	s31 =	sshll.u32 s1, $0xD;
	s1 =	sshrl.u32 s1, $0x2  }
0xb9: {  	s3 =	sand.u32 $0x4000, s31;
	s1 =	sadd.s32 s1, s30  }
0xba: {  	s0 =	sor.u32 s3, s0;
	s1 =	sshll.u32 s1, $0x11  }
0xbb: {  	s0 =	sor.u32 s1, s0  }
0xbc: {  	s0 =	sadd.s32 $0x8F2B, s0  }
0xbd: {  	[sflag:s0] =	ssyncadd.remote.s32 $0x1  }
0xbe: {  	_ =	sfence.sel $0xFFFF  }
0xbf: {  	[dreg:$0x0] =	wrdreg $0xFFFFFFFF;
	(pc) =	sbr.abs _section_cstart, $3  }
0xc0: {  	[dreg:$0x1] =	wrdreg $0xFFFFFFFF  }
0xc1: {  	_ =	task.clear_ibuf [dreg:s6], $0x2FFFF;
	_ =	strace $0x9FFFFFFF  }
0xc2: {  	(tm) =	ssettm $0x7FFFFFFF  }
0xc3: {  	_ =	shalt  }
tec
execute0_lowered:
.L_overlay_start_1:
0x0: {  	(tag) =	ssettag $0x1  }
0x1: {  	s0 =	rddreg [dreg:$0x0]  }
0x2: {  	s2 =	rddreg [dreg:$0x1];
	s3 =	simm.s32 $0x0;
	s14 =	stileid.u32  }
0x3: {  	s5 =	srdreg.scid;
	s28 =	simm.s32 $0x4;
	s29 =	simm.s32 $0x1  }
0x4: {  	s30 =	simm.s32 $0x4200;
	s31 =	simm.s32 $0x2;
	[smem:$0x7FF] =	sst s3  }
0x5: {  	s1 =	smul.u32 $0x13C00, s14;
	s4 =	sadd.s32 $0x1B200, s0;
	s8 =	sand.u32 $0x1, s5  }
0x6: {  	s5 =	sadd.s32 $0x13E9200, s0;
	s6 =	sadd.s32 $0x7200, s0;
	s7 =	sadd.s32 $0x11200, s0  }
0x7: {  	s11 =	smul.u32 $0x4F000, s14;
	s22 =	sshll.u32 s14, $0x6;
	_ =	strace $0x8000004D  }
0x8: {  	s10 =	smul.u32 $0x13C000, s8;
	s19 =	sshll.u32 s8, $0x4;
	s12 =	ssub.s32 $0x2, s8  }
0x9: {  	s9 =	sshrl.u32 s1, $0x3;
	s13 =	sor.u32 s14, s19;
	s20 =	sshrl.u32 s12, $0x1  }
0xa: {  	s11 =	sshrl.u32 s11, $0x2;
	s9 =	sadd.s32 s9, s0;
	s8 =	smul.u32 $0x2800, s13  }
0xb: {  	s1 =	sadd.s32 s1, s10;
	s21 =	ssub.s32 s12, s20;
	s25 =	smul.u32 $0x28000, s13  }
0xc: {  	s11 =	sadd.s32 s11, s2;
	s10 =	sor.u32 $0x1C05, s22;
	s13 =	smul.u32 $0x140000, s13  }
0xd: {  	s22 =	simm.s32 $0x100;
	s1 =	sshrl.u32 s1, $0x3;
	s9 =	sadd.s32 $0x42400, s9  }
0xe: {  	s19 =	smax.u32 s21, $0x1;
	s20 =	sshrl.u32 s11, $0x3;
	s21 =	simm.s32 $0x5  }
0xf: {  	s0 =	sadd.s32 s1, s0;
	[dreg:$0x3] =	wrdreg s9;
	s23 =	sshrl.u32 s8, $0x3  }
.Ltmp0:
0x10: {  	s16 =	sadd.s32 s5, s25;
	s17 =	sor.u32 $0x4000, s13;
	(pc) =	sbr.rel .LBB2_1-.Ltmp0, $4  }
0x11: {  	s24 =	sadd.s32 s6, s23;
	s26 =	sadd.s32 s7, s23;
	s15 =	sor.u32 $0x10, s23  }
0x12: {  	s18 =	sadd.s32 $0x69C00, s0;
	s23 =	simm.s32 $0x80;
	[dreg:$0x4] =	wrdreg s24  }
0x13: {  	s0 =	simm.s32 $0x0;
	[dreg:$0x5] =	wrdreg s26;
	s14 =	sadd.s32 s6, s15  }
0x14: {  	s15 =	sadd.s32 s7, s15;
	s24 =	simm.s32 $0x180;
	s26 =	simm.s32 $0x8200  }
.LBB2_8:
0x15: {  	s0 =	sadd.s32 $0x1, s0  }
0x16: {  	p0 =	sne.s32 s0, s19  }
.Ltmp1:
0x17: {  	[bflag:$0x0] =	sbarrier.arrive $0xFFFF;
	(pc) =	sbr.rel @!p0 .LBB2_9-.Ltmp1, $4  }
0x18: {  	[hbm:s18], [sflag:s10] =	dma.local [spmem:s20], $0x2780  }
0x19: {  	_ =	swait.ge [sflag:s21], $0x2780  }
0x1a: {  	[sflag:s21] =	ssyncset.done $0x0  }
0x1b: {  	[sflag:s21] =	ssyncadd.s32 $0xFFFFD880  }
.LBB2_1:
0x1c: {  	s1 =	rddreg [dreg:$0x3]  }
0x1d: {  	[spmem:s20], [sflag:s10] =	dma.local [hbm:s1], $0x2780  }
0x1e: {  	_ =	swait.ge [sflag:s21], $0x2780  }
0x1f: {  	[sflag:s21] =	ssyncset.done $0x0  }
0x20: {  	s11 =	rddreg [dreg:$0x4];
	[sflag:s21] =	ssyncadd.s32 $0xFFFFD880  }
0x21: {  	[tilespmem:s3], [sflag:$0x5] =	stream.linear.gather [hbm4b:s11+s3], $0x80, $0x38;
	[tilespmem:$0x1FE00] =	vst v63  }
0x22: {  	_ =	swait.ge [sflag:s21], $0x80  }
0x23: {  	[sflag:s21] =	ssyncset.done $0x0  }
0x24: {  	s12 =	rddreg [dreg:$0x5];
	[sflag:s21] =	ssyncadd.s32 $0xFFFFFF80  }
0x25: {  	[tilespmem:s22], [sflag:$0x5] =	stream.linear.gather [hbm4b:s12+s3], $0x80, $0x38;
	[tilespmem:$0x1FE00] =	vst v63  }
0x26: {  	_ =	swait.ge [sflag:s21], $0x80  }
0x27: {  	[sflag:s21] =	ssyncset.done $0x0  }
0x28: {  	[sflag:s21] =	ssyncadd.s32 $0xFFFFFF80  }
0x29: {  	[tilespmem:s23], [sflag:$0x5] =	stream.linear.gather [hbm4b:s14+s3], $0x80, $0x38;
	[tilespmem:$0x1FE00] =	vst v63  }
0x2a: {  	_ =	swait.ge [sflag:s21], $0x80  }
0x2b: {  	[sflag:s21] =	ssyncset.done $0x0  }
0x2c: {  	[sflag:s21] =	ssyncadd.s32 $0xFFFFFF80  }
0x2d: {  	[tilespmem:s24], [sflag:$0x5] =	stream.linear.gather [hbm4b:s15+s3], $0x80, $0x38;
	[tilespmem:$0x1FE00] =	vst v63  }
0x2e: {  	_ =	swait.ge [sflag:s21], $0x80  }
0x2f: {  	[sflag:s21] =	ssyncset.done $0x0  }
0x30: {  	[sflag:s21] =	ssyncadd.s32 $0xFFFFFF80  }
0x31: {  	s25 =	simm.s32 $0x200;
	[bflag:$0x0] =	sbarrier.arrive $0xFFFF  }
0x32: {  	[tilespmem:s25], [sflag:$0x1] =	stream.indirect.gather [hbm4b:s4+s23], $0x80, s3, s23, $0xb8;
	[tilespmem:$0x1FE00] =	vst v63  }
0x33: {  	s1 =	simm.s32 $0x0  }
0x34: {  	[tilespmem:s26], [sflag:$0x4] =	stream.linear.gather [hbm4b:s16+s3], $0x4000, $0x38;
	[tilespmem:$0x1FE00] =	vst v63  }
.LBB2_2:
0x35: {  	_ =	swait.ge [sflag:s28], $0x4000  }
0x36: {  	[sflag:s28] =	ssyncset.done $0x0  }
0x37: {  	[sflag:s28] =	ssyncadd.s32 $0xFFFFC000  }
0x38: {  	_ =	swait.ge [sflag:s29], $0x4000  }
0x39: {  	p0 =	seq.s32 s1, $0x0;
	[sflag:s29] =	ssyncset.done $0x0  }
0x3a: {  	s9 =	simm.s32 @!p0 $0x3;
	[sflag:s29] =	ssyncadd.s32 $0xFFFFC000  }
0x3b: {  	_ =	swait.ge @!p0 [sflag:s9], $0x80  }
0x3c: {  	[sflag:s9] =	ssyncset.done @!p0 $0x0  }
0x3d: {  	[sflag:s9] =	ssyncadd.s32 @!p0 $0xFFFFFF80  }
0x3e: {  	_ =	swait.ge @!p0 [sflag:s9], $0x80  }
0x3f: {  	[sflag:s9] =	ssyncset.done @!p0 $0x0  }
0x40: {  	s25 =	simm.s32 $0x0;
	[sflag:s9] =	ssyncadd.s32 @!p0 $0xFFFFFF80  }
0x41: {  	[tilespmem:s30], [sflag:$0x2] =	stream.indirect.gather [hbm4b:s4+s23], $0x80, s23, s23, $0xb8;
	[tilespmem:$0x1FE00] =	vst v63  }
0x42: {  	v7 =	vld [tilespmem:s25+$0x200]  }
0x43: {  	v11 =	vld [tilespmem:s25+$0x210]  }
0x44: {  	v5 =	vld [tilespmem:s25+$0x220]  }
0x45: {  	v4 =	vld [tilespmem:s25+$0x230]  }
0x46: {  	v3 =	vld [tilespmem:s25+$0x240]  }
0x47: {  	v2 =	vld [tilespmem:s25+$0x250]  }
0x48: {  	v1 =	vld [tilespmem:s25+$0x260]  }
0x49: {  	v0 =	vld [tilespmem:s25+$0x270]  }
0x4a: {  	v12 =	vld [tilespmem:s25+$0x8200]  }
0x4b: {  	v13 =	vld [tilespmem:s25+$0x8210]  }
0x4c: {  	v10 =	vld [tilespmem:s25+$0x8220]  }
0x4d: {  	v9 =	vld [tilespmem:s25+$0x8230]  }
0x4e: {  	v8 =	vld [tilespmem:s25+$0x8240]  }
0x4f: {  	v6 =	vld [tilespmem:s25+$0x8250];
	v12 =	vadd.f32 v12, v7  }
0x50: {  	s11 =	simm.s32 $0x200;
	s9 =	sshll.u32 s1, $0x1;
	v11 =	vadd.f32 v13, v11;
	v7 =	vld [tilespmem:s25+$0x8260]  }
.LBB2_3:
0x51: {  	s12 =	sshra.s32 s11, $0x2;
	p0 =	sne.s32 s11, $0xFE00;
	[tilespmem:s25+$0x8200] =	vst v12;
	v5 =	vadd.f32 v10, v5;
	v10 =	vld [tilespmem:s25+$0x8270]  }
0x52: {  	v12 =	vld [tilespmem:s12+$0x200];
	[tilespmem:s25+$0x8210] =	vst v11;
	v4 =	vadd.f32 v9, v4  }
0x53: {  	v11 =	vld [tilespmem:s12+$0x210];
	[tilespmem:s25+$0x8220] =	vst v5;
	v3 =	vadd.f32 v8, v3  }
0x54: {  	v5 =	vld [tilespmem:s12+$0x220];
	[tilespmem:s25+$0x8230] =	vst v4;
	v2 =	vadd.f32 v6, v2  }
0x55: {  	v4 =	vld [tilespmem:s12+$0x230];
	[tilespmem:s25+$0x8240] =	vst v3;
	v1 =	vadd.f32 v7, v1  }
0x56: {  	v3 =	vld [tilespmem:s12+$0x240];
	[tilespmem:s25+$0x8250] =	vst v2;
	v0 =	vadd.f32 v10, v0  }
0x57: {  	v2 =	vld [tilespmem:s12+$0x250];
	[tilespmem:s25+$0x8260] =	vst v1  }
0x58: {  	v1 =	vld [tilespmem:s12+$0x260];
	[tilespmem:s25+$0x8270] =	vst v0;
	s25 =	smov.u32 s12  }
0x59: {  	v0 =	vld [tilespmem:s25+$0x270]  }
0x5a: {  	v6 =	vld [tilespmem:s25+$0x8200]  }
0x5b: {  	v7 =	vld [tilespmem:s25+$0x8210]  }
.Ltmp2:
0x5c: {  	v10 =	vld [tilespmem:s25+$0x8220];
	(pc) =	sbr.rel @p0 .LBB2_3-.Ltmp2, $4  }
0x5d: {  	v9 =	vld [tilespmem:s25+$0x8230]  }
0x5e: {  	v8 =	vld [tilespmem:s25+$0x8240]  }
0x5f: {  	v12 =	vadd.f32 v6, v12;
	v6 =	vld [tilespmem:s25+$0x8250]  }
0x60: {  	s11 =	sadd.s32 $0x200, s11;
	v11 =	vadd.f32 v7, v11;
	v7 =	vld [tilespmem:s25+$0x8260]  }
0x61: {  	[tilespmem:s25+$0x8200] =	vst v12;
	v5 =	vadd.f32 v10, v5;
	v10 =	vld [tilespmem:s25+$0x8270]  }
0x62: {  	[tilespmem:s25+$0x8210] =	vst v11;
	v4 =	vadd.f32 v9, v4  }
0x63: {  	[tilespmem:s25+$0x8220] =	vst v5;
	v3 =	vadd.f32 v8, v3  }
0x64: {  	[tilespmem:s25+$0x8230] =	vst v4;
	v2 =	vadd.f32 v6, v2  }
0x65: {  	[tilespmem:s25+$0x8240] =	vst v3;
	v1 =	vadd.f32 v7, v1  }
0x66: {  	[tilespmem:s25+$0x8250] =	vst v2;
	v0 =	vadd.f32 v10, v0  }
0x67: {  	[tilespmem:s25+$0x8260] =	vst v1  }
0x68: {  	p0 =	seq.s32 s1, $0x27;
	[tilespmem:s25+$0x8270] =	vst v0;
	s25 =	sadd.s32 $0x2, s9  }
0x69: {  	[spmem:s2] =	stream.indirect.scatter.add.f32 [tilespmem:s26], [sflag:$0x5], $0x80, s22, s23, $0xb8;
	[tilespmem:$0x1FE00] =	vst v63  }
0x6a: {  	s9 =	sshll.u32 @!p0 s25, $0x7  }
0x6b: {  	s11 =	sand.u32 @!p0 $0x7C00, s9  }
0x6c: {  	s9 =	sand.u32 @!p0 $0x300, s9;
	s11 =	sadd.s32 @!p0 s8, s11  }
0x6d: {  	_ =	swait.ge [sflag:s21], $0x4000;
	s9 =	sor.u32 @!p0 s9, s11  }
0x6e: {  	[sflag:s21] =	ssyncset.done $0x0;
	s9 =	sshrl.u32 @!p0 s9, $0x3  }
0x6f: {  	s12 =	simm.s32 @!p0 $0x0;
	[sflag:s21] =	ssyncadd.s32 $0xFFFFC000;
	s11 =	sadd.s32 @!p0 s6, s9  }
0x70: {  	[tilespmem:s12], [sflag:$0x3] =	stream.linear.gather @!p0 [hbm4b:s11+s12], $0x80, $0x38;
	[tilespmem:$0x1FE00] =	vst v63  }
0x71: {  	s9 =	sadd.s32 @!p0 s7, s9;
	s11 =	simm.s32 @!p0 $0x100  }
0x72: {  	[tilespmem:s11], [sflag:$0x3] =	stream.linear.gather @!p0 [hbm4b:s9+s12], $0x80, $0x38;
	[tilespmem:$0x1FE00] =	vst v63  }
0x73: {  	s11 =	sshll.u32 s1, $0xF  }
0x74: {  	s9 =	sadd.s32 s11, s17  }
0x75: {  	s9 =	sshrl.u32 s9, $0x3  }
0x76: {  	s9 =	sadd.s32 s5, s9  }
0x77: {  	[tilespmem:s26], [sflag:$0x4] =	stream.linear.gather [hbm4b:s9+s3], $0x4000, $0x38;
	[tilespmem:$0x1FE00] =	vst v63  }
0x78: {  	_ =	swait.ge [sflag:s28], $0x4000  }
0x79: {  	[sflag:s28] =	ssyncset.done $0x0  }
0x7a: {  	[sflag:s28] =	ssyncadd.s32 $0xFFFFC000  }
0x7b: {  	_ =	swait.ge [sflag:s31], $0x4000  }
0x7c: {  	[sflag:s31] =	ssyncset.done $0x0  }
0x7d: {  	s9 =	simm.s32 @!p0 $0x3;
	[sflag:s31] =	ssyncadd.s32 $0xFFFFC000  }
0x7e: {  	_ =	swait.ge @!p0 [sflag:s9], $0x80  }
0x7f: {  	[sflag:s9] =	ssyncset.done @!p0 $0x0  }
0x80: {  	[sflag:s9] =	ssyncadd.s32 @!p0 $0xFFFFFF80  }
0x81: {  	_ =	swait.ge @!p0 [sflag:s9], $0x80  }
0x82: {  	[sflag:s9] =	ssyncset.done @!p0 $0x0  }
0x83: {  	s11 =	simm.s32 @!p0 $0x200;
	[sflag:s9] =	ssyncadd.s32 @!p0 $0xFFFFFF80;
	s9 =	simm.s32 @!p0 $0x80  }
0x84: {  	[tilespmem:s11], [sflag:$0x1] =	stream.indirect.gather @!p0 [hbm4b:s4+s9], $0x80, s12, s9, $0xb8;
	[tilespmem:$0x1FE00] =	vst v63  }
0x85: {  	s9 =	simm.s32 $0x0  }
0x86: {  	v7 =	vld [tilespmem:s9+$0x4200]  }
0x87: {  	v11 =	vld [tilespmem:s9+$0x4210]  }
0x88: {  	v5 =	vld [tilespmem:s9+$0x4220]  }
0x89: {  	v4 =	vld [tilespmem:s9+$0x4230]  }
0x8a: {  	v3 =	vld [tilespmem:s9+$0x4240]  }
0x8b: {  	v2 =	vld [tilespmem:s9+$0x4250]  }
0x8c: {  	v1 =	vld [tilespmem:s9+$0x4260]  }
0x8d: {  	v0 =	vld [tilespmem:s9+$0x4270]  }
0x8e: {  	v12 =	vld [tilespmem:s9+$0x8200]  }
0x8f: {  	v13 =	vld [tilespmem:s9+$0x8210]  }
0x90: {  	v10 =	vld [tilespmem:s9+$0x8220]  }
0x91: {  	v9 =	vld [tilespmem:s9+$0x8230]  }
0x92: {  	v8 =	vld [tilespmem:s9+$0x8240]  }
0x93: {  	v6 =	vld [tilespmem:s9+$0x8250];
	v12 =	vadd.f32 v12, v7  }
0x94: {  	s11 =	simm.s32 $0x200;
	v11 =	vadd.f32 v13, v11;
	v7 =	vld [tilespmem:s9+$0x8260]  }
.LBB2_5:
0x95: {  	s12 =	sshra.s32 s11, $0x2;
	p1 =	sne.s32 s11, $0xFE00;
	[tilespmem:s9+$0x8200] =	vst v12;
	v5 =	vadd.f32 v10, v5;
	v10 =	vld [tilespmem:s9+$0x8270]  }
0x96: {  	v12 =	vld [tilespmem:s12+$0x4200];
	[tilespmem:s9+$0x8210] =	vst v11;
	v4 =	vadd.f32 v9, v4  }
0x97: {  	v11 =	vld [tilespmem:s12+$0x4210];
	[tilespmem:s9+$0x8220] =	vst v5;
	v3 =	vadd.f32 v8, v3  }
0x98: {  	v5 =	vld [tilespmem:s12+$0x4220];
	[tilespmem:s9+$0x8230] =	vst v4;
	v2 =	vadd.f32 v6, v2  }
0x99: {  	v4 =	vld [tilespmem:s12+$0x4230];
	[tilespmem:s9+$0x8240] =	vst v3;
	v1 =	vadd.f32 v7, v1  }
0x9a: {  	v3 =	vld [tilespmem:s12+$0x4240];
	[tilespmem:s9+$0x8250] =	vst v2;
	v0 =	vadd.f32 v10, v0  }
0x9b: {  	v2 =	vld [tilespmem:s12+$0x4250];
	[tilespmem:s9+$0x8260] =	vst v1  }
0x9c: {  	v1 =	vld [tilespmem:s12+$0x4260];
	[tilespmem:s9+$0x8270] =	vst v0;
	s9 =	smov.u32 s12  }
0x9d: {  	v0 =	vld [tilespmem:s9+$0x4270]  }
0x9e: {  	v6 =	vld [tilespmem:s9+$0x8200]  }
0x9f: {  	v7 =	vld [tilespmem:s9+$0x8210]  }
.Ltmp3:
0xa0: {  	v10 =	vld [tilespmem:s9+$0x8220];
	(pc) =	sbr.rel @p1 .LBB2_5-.Ltmp3, $4  }
0xa1: {  	v9 =	vld [tilespmem:s9+$0x8230]  }
0xa2: {  	v8 =	vld [tilespmem:s9+$0x8240]  }
0xa3: {  	v12 =	vadd.f32 v6, v12;
	v6 =	vld [tilespmem:s9+$0x8250]  }
0xa4: {  	s11 =	sadd.s32 $0x200, s11;
	v11 =	vadd.f32 v7, v11;
	v7 =	vld [tilespmem:s9+$0x8260]  }
0xa5: {  	[tilespmem:s9+$0x8200] =	vst v12;
	v5 =	vadd.f32 v10, v5;
	v63 =	vld [tilespmem:s9+$0x8270]  }
0xa6: {  	[tilespmem:s9+$0x8210] =	vst v11;
	v4 =	vadd.f32 v9, v4  }
0xa7: {  	[tilespmem:s9+$0x8220] =	vst v5;
	v3 =	vadd.f32 v8, v3  }
0xa8: {  	[tilespmem:s9+$0x8230] =	vst v4;
	v2 =	vadd.f32 v6, v2  }
0xa9: {  	[tilespmem:s9+$0x8240] =	vst v3;
	v1 =	vadd.f32 v7, v1  }
0xaa: {  	[tilespmem:s9+$0x8250] =	vst v2;
	v0 =	vadd.f32 v63, v0  }
0xab: {  	[tilespmem:s9+$0x8260] =	vst v1  }
.Ltmp4:
0xac: {  	[tilespmem:s9+$0x8270] =	vst v0;
	(pc) =	sbr.rel @p0 .LBB2_8-.Ltmp4, $4  }
0xad: {  	[spmem:s2] =	stream.indirect.scatter.add.f32 [tilespmem:s26], [sflag:$0x5], $0x80, s24, s23, $0xb8;
	[tilespmem:$0x1FE00] =	vst v63  }
0xae: {  	_ =	swait.ge [sflag:s21], $0x4000  }
0xaf: {  	[sflag:s21] =	ssyncset.done $0x0  }
0xb0: {  	[sflag:s21] =	ssyncadd.s32 $0xFFFFC000  }
0xb1: {  	s9 =	sshll.u32 s1, $0x8  }
0xb2: {  	s9 =	sadd.s32 $0x180, s9  }
0xb3: {  	s11 =	sand.u32 $0x7C00, s9  }
0xb4: {  	s9 =	sand.u32 $0x380, s9;
	s11 =	sadd.s32 s8, s11  }
0xb5: {  	s9 =	sor.u32 s9, s11  }
0xb6: {  	s9 =	sshrl.u32 s9, $0x3  }
0xb7: {  	s12 =	sadd.s32 s6, s9  }
0xb8: {  	[tilespmem:s23], [sflag:$0x3] =	stream.linear.gather [hbm4b:s12+s3], $0x80, $0x38;
	[tilespmem:$0x1FE00] =	vst v63  }
0xb9: {  	s9 =	sadd.s32 s7, s9  }
0xba: {  	[tilespmem:s24], [sflag:$0x3] =	stream.linear.gather [hbm4b:s9+s3], $0x80, $0x38;
	[tilespmem:$0x1FE00] =	vst v63  }
.Ltmp5:
0xbb: {  	s25 =	sshll.u32 s25, $0xE;
	(pc) =	sbr.rel .LBB2_2-.Ltmp5, $4  }
0xbc: {  	s9 =	sadd.s32 s13, s25  }
0xbd: {  	s9 =	sshrl.u32 s9, $0x3  }
0xbe: {  	s1 =	sadd.s32 $0x1, s1;
	s9 =	sadd.s32 s5, s9  }
0xbf: {  	[tilespmem:s26], [sflag:$0x4] =	stream.linear.gather [hbm4b:s9+s3], $0x4000, $0x38;
	[tilespmem:$0x1FE00] =	vst v63  }
.LBB2_9:
0xc0: {  	_ =	sfence.sel $0x180000  }
0xc1: {  	[bflag:$0x0] =	sbarrier.arrive $0xFFFF  }
0xc2: {  	_ =	strace $0x9000004D  }
0xc3: {  	s0 =	stileid.u32;
	[bflag:$0x2] =	sbarrier.arrive $0xFFFF  }
0xc4: {  	p0 =	sne.s32 s0, $0x0;
	s0 =	rddreg [dreg:$0x2]  }
0xc5: {  	s0 =	sadd.s32 @!p0 $0x100000, s0  }
0xc6: {  	[sflag:s0] =	ssyncadd.tile.s32 @!p0 $0x1;
	_ =	shalt  }
.Lfunc_end2:
_tile_overlayer_lowered:
.L_overlay_start_2:
0xc7: {  	(tag) =	ssettag $0x2  }
0xc8: {  	s0 =	rddreg [dreg:$0x0];
	s2 =	stileid.u32  }
0xc9: {  	s1 =	rddreg [dreg:$0x1];
	p0 =	sne.s32 s2, $0x0  }
0xca: {  	s3 =	rddreg [dreg:$0x2];
	[bflag:$0x3] =	sbarrier.arrive $0xFFFF;
	s2 =	simm.s32 @!p0 $0x1C05  }
0xcb: {  	[timem:s3], [sflag:s2] =	dma.local @!p0 [hbm:s0], s1  }
0xcc: {  	s0 =	simm.s32 @!p0 $0x5  }
0xcd: {  	_ =	swait.ge @!p0 [sflag:s0], s1  }
0xce: {  	s1 =	ssub.s32 @!p0 $0x0, s1;
	[sflag:s0] =	ssyncset.done @!p0 $0x0  }
0xcf: {  	[sflag:s0] =	ssyncadd.s32 @!p0 s1  }
0xd0: {  	[bflag:$0x3] =	sbarrier.arrive $0xFFFF  }
0xd1: {  	_ =	shalt  }

</sc_bundles>
